<compile_context>
chip_gen: v7x
topology: tpu7x:2x2x1
jax: 0.10.2.dev20260603
libtpu: 0.0.44.dev20260713+nightly
codegen_flags: <defaults>
</compile_context>

<pallas_src>
import functools

import jax
import jax.numpy as jnp
from jax import lax
from jax.experimental import pallas as pl
from jax.experimental.pallas import tpu as pltpu
from jax.experimental.pallas import tpu_sc as plsc

_B, _N, _DIM, _H, _K = 2, 4096, 256, 8, 16
_HD = _DIM // _H
_BN = _B * _N

_ROWS_PROJ = 512
_TR_KNN = 256
_TR_ATT = 128
_GW = 128


def _proj_body(x_ref, xyz_ref, wq_ref, bq_ref, wk_ref, bk_ref, wv_ref, bv_ref,
               w1_ref, q_ref, k_ref, v_ref, p_ref):
    xb = x_ref[...]
    f32 = jnp.float32
    q_ref[...] = jnp.dot(xb, wq_ref[...], preferred_element_type=f32) + bq_ref[...]
    k_ref[...] = jnp.dot(xb, wk_ref[...], preferred_element_type=f32) + bk_ref[...]
    v_ref[...] = jnp.dot(xb, wv_ref[...], preferred_element_type=f32) + bv_ref[...]
    xyzb = xyz_ref[...]
    p = (xyzb[:, 0:1] * w1_ref[0:1, :]
         + xyzb[:, 1:2] * w1_ref[1:2, :]
         + xyzb[:, 2:3] * w1_ref[2:3, :])
    p_ref[...] = jnp.concatenate([p, jnp.zeros((p.shape[0], 96), f32)], axis=1)


def _proj(x2, xyz2, Wq, bq, Wk, bk, Wv, bv, W1):
    grid = (_BN // _ROWS_PROJ,)
    row_spec = pl.BlockSpec((_ROWS_PROJ, _DIM), lambda i: (i, 0))
    full = lambda a: pl.BlockSpec(a.shape, lambda i: (0,) * a.ndim)
    return pl.pallas_call(
        _proj_body,
        grid=grid,
        compiler_params=pltpu.CompilerParams(dimension_semantics=("parallel",)),
        in_specs=[
            row_spec,
            pl.BlockSpec((_ROWS_PROJ, 3), lambda i: (i, 0)),
            full(Wq), full(bq), full(Wk), full(bk), full(Wv), full(bv), full(W1),
        ],
        out_specs=[
            row_spec,
            row_spec,
            row_spec,
            pl.BlockSpec((_ROWS_PROJ, 128), lambda i: (i, 0)),
        ],
        out_shape=[
            jax.ShapeDtypeStruct((_BN, _DIM), jnp.float32),
            jax.ShapeDtypeStruct((_BN, _DIM), jnp.float32),
            jax.ShapeDtypeStruct((_BN, _DIM), jnp.float32),
            jax.ShapeDtypeStruct((_BN, 128), jnp.float32),
        ],
    )(x2, xyz2, Wq, bq, Wk, bk, Wv, bv, W1)


def _knn_body(b, xyzr_ref, xyzc_ref, idx_ref):
    xr = xyzr_ref[0]
    xc = xyzc_ref[0]
    x0, x1, x2 = xr[:, 0:1], xr[:, 1:2], xr[:, 2:3]
    c0, c1, c2 = xc[0:1, :], xc[1:2, :], xc[2:3, :]
    g = jnp.dot(xr.astype(jnp.bfloat16), xc.astype(jnp.bfloat16),
                preferred_element_type=jnp.float32)
    sqr = x0 * x0 + x1 * x1 + x2 * x2
    sqc = c0 * c0 + c1 * c1 + c2 * c2
    work = sqr + sqc - 2.0 * g
    iota_f = lax.broadcasted_iota(jnp.int32, (_TR_KNN, _N), 1).astype(jnp.float32)
    big_f = jnp.float32(1e9)
    inf = jnp.float32(jnp.inf)
    cols = []
    for _ in range(_K):
        m = jnp.min(work, axis=1, keepdims=True)
        cand = jnp.where(work <= m, iota_f, big_f)
        j = jnp.min(cand, axis=1, keepdims=True)
        cols.append(j)
        work = jnp.where(cand == j, inf, work)
    idxb = jnp.concatenate(cols, axis=1).astype(jnp.int32)
    idx_ref[...] = idxb + b * _N


def _knn(xyz, xyzT, b):
    grid = (_N // _TR_KNN,)
    return pl.pallas_call(
        functools.partial(_knn_body, b),
        grid=grid,
        compiler_params=pltpu.CompilerParams(dimension_semantics=("parallel",)),
        in_specs=[
            pl.BlockSpec((1, _TR_KNN, 3), lambda i: (b, i, 0)),
            pl.BlockSpec((1, 3, _N), lambda i: (b, 0, 0)),
        ],
        out_specs=pl.BlockSpec((_TR_KNN, _K), lambda i: (i, 0)),
        out_shape=jax.ShapeDtypeStruct((_N, _K), jnp.int32),
    )(xyz, xyzT)


def _sc_gather(k, v, p, idxf):
    n_idx = idxf.shape[1]
    mesh = plsc.VectorSubcoreMesh(core_axis_name="core", subcore_axis_name="subcore")

    @functools.partial(
        pl.kernel,
        out_type=[
            jax.ShapeDtypeStruct((n_idx, _DIM), jnp.float32),
            jax.ShapeDtypeStruct((n_idx, _DIM), jnp.float32),
            jax.ShapeDtypeStruct((n_idx, 128), jnp.float32),
        ],
        mesh=mesh,
    )
    def gather_kernel(k_hbm, v_hbm, p_hbm, i_hbm, ok_hbm, ov_hbm, op_hbm):
        def pass_for(table_hbm):
            def body(i_vmem, o_vmem):
                pltpu.sync_copy(table_hbm.at[i_vmem.at[0]], o_vmem)
            return body

        for table, out_hbm, width in ((k_hbm, ok_hbm, _DIM),
                                      (v_hbm, ov_hbm, _DIM),
                                      (p_hbm, op_hbm, 128)):
            pltpu.emit_pipeline(
                pass_for(table),
                grid=(n_idx // _GW,),
                in_specs=[pl.BlockSpec((1, _GW), lambda i: (0, i))],
                out_specs=[pl.BlockSpec((_GW, width), lambda i: (i, 0))],
                core_axis_name=("core", "subcore"),
                dimension_semantics=(pltpu.PARALLEL,),
            )(i_hbm, out_hbm)

    return gather_kernel(k, v, p, idxf)


def _attn_body(q_ref, kn_ref, vn_ref, pn_ref, p_ref, b1_ref, w2_ref, b2_ref,
               wo_ref, bo_ref, y_ref):
    f32 = jnp.float32
    tr = _TR_ATT
    q = q_ref[...]
    kb = kn_ref[...]
    vb = vn_ref[...]
    pn = pn_ref[:, :32]
    pr = p_ref[:, :32] + b1_ref[...]

    pr_e = jnp.broadcast_to(pr[:, None, :], (tr, _K, 32)).reshape(tr * _K, 32)
    h = jnp.maximum(pr_e - pn, 0.0)
    bias = jnp.dot(h, w2_ref[...], preferred_element_type=f32) + b2_ref[...]

    q_e = jnp.broadcast_to(q[:, None, :], (tr, _K, _DIM)).reshape(tr * _K, _DIM)
    prod = q_e * kb
    iota_h = lax.broadcasted_iota(jnp.int32, (_DIM, _H), 0) // _HD
    iota_c = lax.broadcasted_iota(jnp.int32, (_DIM, _H), 1)
    seg = jnp.where(iota_h == iota_c, 1.0, 0.0).astype(f32)
    s = jnp.dot(prod, seg, preferred_element_type=f32)
    scores = s * (1.0 / (_HD ** 0.5)) + bias

    s3 = scores.reshape(tr, _K, _H)
    mx = jnp.max(s3, axis=1, keepdims=True)
    e = jnp.exp(s3 - mx)
    denom = jnp.sum(e, axis=1, keepdims=True)
    attn = (e / denom).reshape(tr * _K, _H)

    attn_e = jnp.dot(attn, seg.T, preferred_element_type=f32)
    o = (attn_e * vb).reshape(tr, _K, _DIM).sum(axis=1)
    y_ref[...] = jnp.dot(o, wo_ref[...], preferred_element_type=f32) + bo_ref[...]


def _attn(q, kn, vn, pn, p, b1, W2, b2, Wo, bo, row0, n_rows):
    grid = (n_rows // _TR_ATT,)
    r0 = row0 // _TR_ATT
    full = lambda a: pl.BlockSpec(a.shape, lambda i: (0,) * a.ndim)
    return pl.pallas_call(
        _attn_body,
        grid=grid,
        compiler_params=pltpu.CompilerParams(dimension_semantics=("parallel",)),
        in_specs=[
            pl.BlockSpec((_TR_ATT, _DIM), lambda i: (r0 + i, 0)),
            pl.BlockSpec((_TR_ATT * _K, _DIM), lambda i: (i, 0)),
            pl.BlockSpec((_TR_ATT * _K, _DIM), lambda i: (i, 0)),
            pl.BlockSpec((_TR_ATT * _K, 128), lambda i: (i, 0)),
            pl.BlockSpec((_TR_ATT, 128), lambda i: (r0 + i, 0)),
            full(b1), full(W2), full(b2), full(Wo), full(bo),
        ],
        out_specs=pl.BlockSpec((_TR_ATT, _DIM), lambda i: (i, 0)),
        out_shape=jax.ShapeDtypeStruct((n_rows, _DIM), jnp.float32),
    )(q, kn, vn, pn, p, b1, W2, b2, Wo, bo)


def kernel(x, xyz, Wq, bq, Wk, bk, Wv, bv, Wo, bo, W1, b1, W2, b2):
    x2 = x.reshape(_BN, _DIM)
    xyz2 = xyz.reshape(_BN, 3)
    q, k, v, p = _proj(x2, xyz2, Wq, bq.reshape(1, _DIM), Wk, bk.reshape(1, _DIM),
                       Wv, bv.reshape(1, _DIM), W1)
    xyzT = xyz.transpose(0, 2, 1)
    idxs = [_knn(xyz, xyzT, b).reshape(1, _N * _K) for b in range(_B)]
    gathered = [_sc_gather(k, v, p, idxs[b]) for b in range(_B)]
    ys = [_attn(q, *gathered[b], p, b1.reshape(1, 32), W2, b2.reshape(1, _H),
                Wo, bo.reshape(1, _DIM), b * _N, _N)
          for b in range(_B)]
    return jnp.concatenate(ys, axis=0).reshape(_B, _N, _DIM)

# --- scband reference (transcript-rebuilt; emitter-appended) ---
"""Pipeline reference for scband-local-sphere-attention-34428457845052 (READ-ONLY COPY).

The authoritative reference and input builder live on the scoring server;
editing this copy changes nothing except your own understanding.
"""

import jax, jax.numpy as jnp
import numpy as np

B, N, DIM, HEADS, K = 2, 4096, 256, 8, 16
HEAD_DIM = DIM // HEADS


def setup_inputs(seed: int = 0) -> dict:
    key = jax.random.key(seed)
    ks = jax.random.split(key, 14)
    x = jax.random.normal(ks[0], (B, N, DIM), dtype=jnp.float32)
    xyz = jax.random.normal(ks[1], (B, N, 3), dtype=jnp.float32)
    xyz = xyz / jnp.linalg.norm(xyz, axis=-1, keepdims=True)  # points on unit sphere
    s = 1.0 / np.sqrt(DIM)
    Wq = jax.random.normal(ks[2], (DIM, DIM), dtype=jnp.float32) * s
    bq = jnp.zeros((DIM,), dtype=jnp.float32)
    Wk = jax.random.normal(ks[3], (DIM, DIM), dtype=jnp.float32) * s
    bk = jnp.zeros((DIM,), dtype=jnp.float32)
    Wv = jax.random.normal(ks[4], (DIM, DIM), dtype=jnp.float32) * s
    bv = jnp.zeros((DIM,), dtype=jnp.float32)
    Wo = jax.random.normal(ks[5], (DIM, DIM), dtype=jnp.float32) * s
    bo = jnp.zeros((DIM,), dtype=jnp.float32)
    W1 = jax.random.normal(ks[6], (3, 32), dtype=jnp.float32) * (1.0 / np.sqrt(3.0))
    b1 = jnp.zeros((32,), dtype=jnp.float32)
    W2 = jax.random.normal(ks[7], (32, HEADS), dtype=jnp.float32) * (1.0 / np.sqrt(32.0))
    b2 = jnp.zeros((HEADS,), dtype=jnp.float32)
    return {"x": x, "xyz": xyz, "Wq": Wq, "bq": bq, "Wk": Wk, "bk": bk,
            "Wv": Wv, "bv": bv, "Wo": Wo, "bo": bo,
            "W1": W1, "b1": b1, "W2": W2, "b2": b2}


def reference(x, xyz, Wq, bq, Wk, bk, Wv, bv, Wo, bo, W1, b1, W2, b2):
    Bn, Nn, C = x.shape
    H, d, k = HEADS, HEAD_DIM, K
    # kNN via squared pairwise distance (same ordering as torch.cdist + topk(largest=False))
    sq = jnp.sum(xyz * xyz, axis=-1)
    d2 = sq[:, :, None] + sq[:, None, :] - 2.0 * jnp.einsum('bid,bjd->bij', xyz, xyz)
    _, idx = jax.lax.top_k(-d2, k)  # [B, N, k]
    q = (x @ Wq + bq).reshape(Bn, Nn, H, d)
    k_feat = (x @ Wk + bk).reshape(Bn, Nn, H, d)
    v_feat = (x @ Wv + bv).reshape(Bn, Nn, H, d)
    bidx = jnp.arange(Bn)[:, None, None]
    k_neighbors = k_feat[bidx, idx]  # [B, N, k, H, d]
    v_neighbors = v_feat[bidx, idx]  # [B, N, k, H, d]
    neighbor_xyz = xyz[bidx, idx]    # [B, N, k, 3]
    rel_pos = xyz[:, :, None, :] - neighbor_xyz  # [B, N, k, 3]
    h = jax.nn.relu(rel_pos @ W1 + b1)
    bias_out = (h @ W2 + b2)  # [B, N, k, H]
    bias_out = bias_out.transpose(0, 3, 1, 2)  # [B, H, N, k]
    q_p = q.transpose(0, 2, 1, 3)                    # [B, H, N, d]
    kn_p = k_neighbors.transpose(0, 3, 1, 2, 4)      # [B, H, N, k, d]
    vn_p = v_neighbors.transpose(0, 3, 1, 2, 4)      # [B, H, N, k, d]
    attn_scores = jnp.einsum('bhid,bhikd->bhik', q_p, kn_p) / jnp.sqrt(jnp.float32(d))
    attn_scores = attn_scores + bias_out
    attn = jax.nn.softmax(attn_scores, axis=-1)
    out = jnp.einsum('bhik,bhikd->bhid', attn, vn_p)
    out = out.transpose(0, 2, 1, 3).reshape(Bn, Nn, C)
    out = out @ Wo + bo
    return out

if __name__ == "__main__":
    import jax
    _d = setup_inputs()
    print(jax.jit(kernel)(*tuple(_d.values())))

</pallas_src>

<mosaic_0001>
#map = affine_map<(d0, d1) -> (0, 0)>
module attributes {stable_mosaic.version = 14 : i64} {
  func.func @gather_kernel(%arg0: i32, %arg1: i32, %arg2: memref<8192x256xf32, #tpu.memory_space<hbm>>, %arg3: memref<8192x256xf32, #tpu.memory_space<hbm>>, %arg4: memref<8192x128xf32, #tpu.memory_space<hbm>>, %arg5: memref<1x65536xi32, #tpu.memory_space<hbm>>, %arg6: memref<65536x256xf32, #tpu.memory_space<hbm>>, %arg7: memref<65536x256xf32, #tpu.memory_space<hbm>>, %arg8: memref<65536x128xf32, #tpu.memory_space<hbm>>) attributes {dimension_semantics = [#tpu.dimension_semantics<core_parallel>, #tpu.dimension_semantics<subcore_parallel>], iteration_bounds = array<i64: 2, 16>, scalar_prefetch = 0 : i64, scratch_operands = 0 : i64, tpu.core_type = #tpu.core_type<sc_vector_subcore>, window_params = [{transform_indices = #map}, {transform_indices = #map}, {transform_indices = #map}, {transform_indices = #map}, {transform_indices = #map}, {transform_indices = #map}, {transform_indices = #map}]} {
    %mul3A = arith.constant 1 : i32
    %mul3A_0 = arith.muli %arg1, %mul3A : i32
    %add3A = arith.constant 0 : i32
    %add3A_1 = arith.addi %add3A, %mul3A_0 : i32
    %mul3A_2 = arith.constant 16 : i32
    %mul3A_3 = arith.muli %arg0, %mul3A_2 : i32
    %add3A_4 = arith.addi %add3A_1, %mul3A_3 : i32
    %mul3A_5 = arith.constant 16 : i32
    %mul3A_6 = arith.muli %add3A_4, %mul3A_5 : i32
    "tpu.region"() ({
      %run_scoped3A = memref.alloca() : memref<2x1x128xi32, #tpu.memory_space<vmem>>
      %run_scoped3A_25 = tpu.sem_alloc : memref<2x!tpu.dma_semaphore, #tpu.memory_space<semaphore_mem>>
      %run_scoped3A_26 = memref.alloca() : memref<2x128x256xf32, #tpu.memory_space<vmem>>
      %run_scoped3A_27 = tpu.sem_alloc : memref<2x!tpu.dma_semaphore, #tpu.memory_space<semaphore_mem>>
      %add3A_28 = arith.constant 0 : i32
      %add3A_29 = arith.addi %add3A_28, %mul3A_6 : i32
      %select_n3A = arith.constant true
      %select_n3A_30 = arith.constant 0 : i32
      %select_n3A_31 = arith.constant -1 : i32
      %select_n3A_32 = arith.select %select_n3A, %select_n3A_31, %select_n3A_30 : i32
      %eq3A = arith.constant -1 : i32
      %eq3A_33 = arith.cmpi eq, %select_n3A_32, %eq3A : i32
      %select_n3A_34 = arith.constant 15 : i32
      %select_n3A_35 = arith.select %eq3A_33, %select_n3A_34, %select_n3A_32 : i32
      %add3A_36 = arith.addi %select_n3A_35, %mul3A_6 : i32
      %select_n3A_37 = arith.constant true
      %select_n3A_38 = arith.constant 0 : i32
      %select_n3A_39 = arith.constant 1 : i32
      %select_n3A_40 = arith.select %select_n3A_37, %select_n3A_39, %select_n3A_38 : i32
      %eq3A_41 = arith.constant 16 : i32
      %eq3A_42 = arith.cmpi eq, %select_n3A_40, %eq3A_41 : i32
      %select_n3A_43 = arith.constant 0 : i32
      %select_n3A_44 = arith.select %eq3A_42, %select_n3A_43, %select_n3A_40 : i32
      %add3A_45 = arith.addi %select_n3A_44, %mul3A_6 : i32
      %add3A_46 = arith.constant 1 : i32
      %add3A_47 = arith.addi %select_n3A_44, %add3A_46 : i32
      %select_n3A_48 = arith.constant true
      %select_n3A_49 = arith.select %select_n3A_48, %add3A_47, %select_n3A_44 : i32
      %eq3A_50 = arith.constant 16 : i32
      %eq3A_51 = arith.cmpi eq, %select_n3A_49, %eq3A_50 : i32
      %select_n3A_52 = arith.constant 0 : i32
      %select_n3A_53 = arith.select %eq3A_51, %select_n3A_52, %select_n3A_49 : i32
      %add3A_54 = arith.addi %select_n3A_53, %mul3A_6 : i32
      "tpu.trace_start"() <{level = 10 : i32, message = "ep_initialize_0"}> : () -> ()
      %rem3A = arith.constant 0 : i32
      %rem3A_55 = arith.constant 2 : i32
      %rem3A_56 = arith.remui %rem3A, %rem3A_55 : i32
      %mul3A_57 = arith.constant 128 : i32
      %mul3A_58 = arith.muli %mul3A_57, %add3A_29 : i32
      %dma_start3A = arith.constant 0 : i32
      %dma_start3A_59 = arith.constant 0 : i32
      %dma_start3A_60 = tpu.memref_slice %run_scoped3A[%rem3A_56, %dma_start3A, %dma_start3A_59] : memref<2x1x128xi32, #tpu.memory_space<vmem>> -> memref<1x1x128xi32, #tpu.memory_space<vmem>>
      %dma_start3A_61 = tpu.memref_squeeze %dma_start3A_60 : memref<1x1x128xi32, #tpu.memory_space<vmem>> -> memref<1x128xi32, #tpu.memory_space<vmem>>
      %dma_start3A_62 = arith.constant 0 : i32
      %dma_start3A_63 = tpu.memref_slice %arg5[%dma_start3A_62, %mul3A_58] : memref<1x65536xi32, #tpu.memory_space<hbm>> -> memref<1x128xi32, #tpu.memory_space<hbm>>
      %dma_start3A_64 = tpu.memref_slice %run_scoped3A_25[%rem3A_56] : memref<2x!tpu.dma_semaphore, #tpu.memory_space<semaphore_mem>> -> memref<1x!tpu.dma_semaphore, #tpu.memory_space<semaphore_mem>>
      %dma_start3A_65 = tpu.memref_squeeze %dma_start3A_64 : memref<1x!tpu.dma_semaphore, #tpu.memory_space<semaphore_mem>> -> memref<!tpu.dma_semaphore, #tpu.memory_space<semaphore_mem>>
      %dma_start3A_66 = arith.constant 0 : i32
      %dma_start3A_67 = arith.constant 0 : i32
      %dma_start3A_68 = tpu.memref_slice %run_scoped3A[%rem3A_56, %dma_start3A_66, %dma_start3A_67] : memref<2x1x128xi32, #tpu.memory_space<vmem>> -> memref<1x1x128xi32, #tpu.memory_space<vmem>>
      %dma_start3A_69 = tpu.memref_squeeze %dma_start3A_68 : memref<1x1x128xi32, #tpu.memory_space<vmem>> -> memref<1x128xi32, #tpu.memory_space<vmem>>
      %dma_start3A_70 = arith.constant 0 : i32
      %dma_start3A_71 = tpu.memref_slice %arg5[%dma_start3A_70, %mul3A_58] : memref<1x65536xi32, #tpu.memory_space<hbm>> -> memref<1x128xi32, #tpu.memory_space<hbm>>
      tpu.enqueue_dma source(%dma_start3A_71 : memref<1x128xi32, #tpu.memory_space<hbm>>) target(%dma_start3A_69 : memref<1x128xi32, #tpu.memory_space<vmem>>) target_semaphore(%dma_start3A_65 : memref<!tpu.dma_semaphore, #tpu.memory_space<semaphore_mem>>)
      %add3A_72 = arith.constant 0 : i32
      %add3A_73 = arith.constant 1 : i32
      %add3A_74 = arith.addi %add3A_72, %add3A_73 : i32
      %select_n3A_75 = arith.constant true
      %select_n3A_76 = arith.constant 0 : i32
      %select_n3A_77 = arith.select %select_n3A_75, %add3A_74, %select_n3A_76 : i32
      "tpu.trace_stop"() : () -> ()
      %scan3A = arith.constant 0 : i32
      %scan3A_78 = arith.constant 0 : i32
      %scan3A_79 = arith.constant 0 : i32
      %scan3A_80 = arith.constant 0 : i32
      %scan3A_81 = arith.constant 0 : i32
      %scan3A_82 = arith.constant 16 : i32
      %scan3A_83 = arith.addi %scan3A_81, %scan3A_82 : i32
      %scan3A_84 = arith.constant 1 : i32
      %scan3A_85:5 = scf.for %scan3A_139 = %scan3A_81 to %scan3A_83 step %scan3A_84 iter_args(%scan3A_140 = %select_n3A_77, %scan3A_141 = %scan3A, %scan3A_142 = %scan3A_78, %scan3A_143 = %scan3A_79, %scan3A_144 = %scan3A_80) -> (i32, i32, i32, i32, i32)  : i32 {
        %eq3A_145 = arith.constant 0 : i32
        %eq3A_146 = arith.cmpi eq, %scan3A_139, %eq3A_145 : i32
        %eq3A_147 = arith.constant 15 : i32
        %eq3A_148 = arith.cmpi eq, %scan3A_139, %eq3A_147 : i32
        %add3A_149 = arith.addi %scan3A_144, %mul3A_6 : i32
        %sub3A_150 = arith.constant 1 : i32
        %sub3A_151 = arith.subi %scan3A_144, %sub3A_150 : i32
        %select_n3A_152 = arith.constant true
        %select_n3A_153 = arith.select %select_n3A_152, %sub3A_151, %scan3A_144 : i32
        %eq3A_154 = arith.constant -1 : i32
        %eq3A_155 = arith.cmpi eq, %select_n3A_153, %eq3A_154 : i32
        %select_n3A_156 = arith.constant 15 : i32
        %select_n3A_157 = arith.select %eq3A_155, %select_n3A_156, %select_n3A_153 : i32
        %add3A_158 = arith.addi %select_n3A_157, %mul3A_6 : i32
        %add3A_159 = arith.constant 1 : i32
        %add3A_160 = arith.addi %scan3A_144, %add3A_159 : i32
        %select_n3A_161 = arith.constant true
        %select_n3A_162 = arith.select %select_n3A_161, %add3A_160, %scan3A_144 : i32
        %eq3A_163 = arith.constant 16 : i32
        %eq3A_164 = arith.cmpi eq, %select_n3A_162, %eq3A_163 : i32
        %select_n3A_165 = arith.constant 0 : i32
        %select_n3A_166 = arith.select %eq3A_164, %select_n3A_165, %select_n3A_162 : i32
        %add3A_167 = arith.addi %select_n3A_166, %mul3A_6 : i32
        %add3A_168 = arith.constant 1 : i32
        %add3A_169 = arith.addi %select_n3A_166, %add3A_168 : i32
        %select_n3A_170 = arith.constant true
        %select_n3A_171 = arith.select %select_n3A_170, %add3A_169, %select_n3A_166 : i32
        %eq3A_172 = arith.constant 16 : i32
        %eq3A_173 = arith.cmpi eq, %select_n3A_171, %eq3A_172 : i32
        %select_n3A_174 = arith.constant 0 : i32
        %select_n3A_175 = arith.select %eq3A_173, %select_n3A_174, %select_n3A_171 : i32
        %add3A_176 = arith.addi %select_n3A_175, %mul3A_6 : i32
        %ne3A = arith.cmpi ne, %add3A_149, %add3A_167 : i32
        %or3A = arith.constant false
        %or3A_177 = arith.ori %or3A, %ne3A : i1
        %ge3A = arith.constant 15 : i32
        %ge3A_178 = arith.cmpi sge, %scan3A_139, %ge3A : i32
        %not3A = arith.constant true
        %not3A_179 = arith.xori %ge3A_178, %not3A : i1
        %and3A = arith.andi %or3A_177, %not3A_179 : i1
        %convert_element_type3A = arith.extui %and3A : i1 to i32
        %cond3A = arith.constant 0 : i32
        %cond3A_180 = arith.cmpi ne, %convert_element_type3A, %cond3A : i32
        scf.if %cond3A_180 {
          "tpu.trace_start"() <{level = 10 : i32, message = "ep_copy_in"}> : () -> ()
          %rem3A_282 = arith.constant 2 : i32
          %rem3A_283 = arith.remui %scan3A_140, %rem3A_282 : i32
          %mul3A_284 = arith.constant 128 : i32
          %mul3A_285 = arith.muli %mul3A_284, %add3A_167 : i32
          %dma_start3A_286 = arith.constant 0 : i32
          %dma_start3A_287 = arith.constant 0 : i32
          %dma_start3A_288 = tpu.memref_slice %run_scoped3A[%rem3A_283, %dma_start3A_286, %dma_start3A_287] : memref<2x1x128xi32, #tpu.memory_space<vmem>> -> memref<1x1x128xi32, #tpu.memory_space<vmem>>
          %dma_start3A_289 = tpu.memref_squeeze %dma_start3A_288 : memref<1x1x128xi32, #tpu.memory_space<vmem>> -> memref<1x128xi32, #tpu.memory_space<vmem>>
          %dma_start3A_290 = arith.constant 0 : i32
          %dma_start3A_291 = tpu.memref_slice %arg5[%dma_start3A_290, %mul3A_285] : memref<1x65536xi32, #tpu.memory_space<hbm>> -> memref<1x128xi32, #tpu.memory_space<hbm>>
          %dma_start3A_292 = tpu.memref_slice %run_scoped3A_25[%rem3A_283] : memref<2x!tpu.dma_semaphore, #tpu.memory_space<semaphore_mem>> -> memref<1x!tpu.dma_semaphore, #tpu.memory_space<semaphore_mem>>
          %dma_start3A_293 = tpu.memref_squeeze %dma_start3A_292 : memref<1x!tpu.dma_semaphore, #tpu.memory_space<semaphore_mem>> -> memref<!tpu.dma_semaphore, #tpu.memory_space<semaphore_mem>>
          %dma_start3A_294 = arith.constant 0 : i32
          %dma_start3A_295 = arith.constant 0 : i32
          %dma_start3A_296 = tpu.memref_slice %run_scoped3A[%rem3A_283, %dma_start3A_294, %dma_start3A_295] : memref<2x1x128xi32, #tpu.memory_space<vmem>> -> memref<1x1x128xi32, #tpu.memory_space<vmem>>
          %dma_start3A_297 = tpu.memref_squeeze %dma_start3A_296 : memref<1x1x128xi32, #tpu.memory_space<vmem>> -> memref<1x128xi32, #tpu.memory_space<vmem>>
          %dma_start3A_298 = arith.constant 0 : i32
          %dma_start3A_299 = tpu.memref_slice %arg5[%dma_start3A_298, %mul3A_285] : memref<1x65536xi32, #tpu.memory_space<hbm>> -> memref<1x128xi32, #tpu.memory_space<hbm>>
          tpu.enqueue_dma source(%dma_start3A_299 : memref<1x128xi32, #tpu.memory_space<hbm>>) target(%dma_start3A_297 : memref<1x128xi32, #tpu.memory_space<vmem>>) target_semaphore(%dma_start3A_293 : memref<!tpu.dma_semaphore, #tpu.memory_space<semaphore_mem>>)
          "tpu.trace_stop"() : () -> ()
        } else {
        }
        %and3A_181 = arith.constant true
        %and3A_182 = arith.andi %and3A, %and3A_181 : i1
        %add3A_183 = arith.constant 1 : i32
        %add3A_184 = arith.addi %scan3A_140, %add3A_183 : i32
        %select_n3A_185 = arith.select %and3A_182, %add3A_184, %scan3A_140 : i32
        %ne3A_186 = arith.cmpi ne, %add3A_149, %add3A_167 : i32
        %or3A_187 = arith.constant false
        %or3A_188 = arith.ori %or3A_187, %ne3A_186 : i1
        %or3A_189 = arith.constant false
        %or3A_190 = arith.ori %or3A_188, %or3A_189 : i1
        %ge3A_191 = arith.constant 15 : i32
        %ge3A_192 = arith.cmpi sge, %scan3A_139, %ge3A_191 : i32
        %not3A_193 = arith.constant true
        %not3A_194 = arith.xori %ge3A_192, %not3A_193 : i1
        %and3A_195 = arith.andi %or3A_190, %not3A_194 : i1
        %ne3A_196 = arith.cmpi ne, %add3A_149, %add3A_158 : i32
        %or3A_197 = arith.constant false
        %or3A_198 = arith.ori %or3A_197, %ne3A_196 : i1
        %or3A_199 = arith.ori %or3A_198, %eq3A_146 : i1
        %convert_element_type3A_200 = arith.extui %or3A_199 : i1 to i32
        %cond3A_201 = arith.constant 0 : i32
        %cond3A_202 = arith.cmpi ne, %convert_element_type3A_200, %cond3A_201 : i32
        scf.if %cond3A_202 {
          "tpu.trace_start"() <{level = 10 : i32, message = "ep_wait_in"}> : () -> ()
          %mul3A_282 = arith.constant 128 : i32
          %mul3A_283 = arith.muli %mul3A_282, %add3A_149 : i32
          %rem3A_284 = arith.constant 2 : i32
          %rem3A_285 = arith.remui %scan3A_141, %rem3A_284 : i32
          %dma_wait3A_286 = arith.constant 0 : i32
          %dma_wait3A_287 = arith.constant 0 : i32
          %dma_wait3A_288 = tpu.memref_slice %run_scoped3A[%rem3A_285, %dma_wait3A_286, %dma_wait3A_287] : memref<2x1x128xi32, #tpu.memory_space<vmem>> -> memref<1x1x128xi32, #tpu.memory_space<vmem>>
          %dma_wait3A_289 = tpu.memref_squeeze %dma_wait3A_288 : memref<1x1x128xi32, #tpu.memory_space<vmem>> -> memref<1x128xi32, #tpu.memory_space<vmem>>
          %dma_wait3A_290 = arith.constant 0 : i32
          %dma_wait3A_291 = tpu.memref_slice %arg5[%dma_wait3A_290, %mul3A_283] : memref<1x65536xi32, #tpu.memory_space<hbm>> -> memref<1x128xi32, #tpu.memory_space<hbm>>
          %dma_wait3A_292 = tpu.memref_slice %run_scoped3A_25[%rem3A_285] : memref<2x!tpu.dma_semaphore, #tpu.memory_space<semaphore_mem>> -> memref<1x!tpu.dma_semaphore, #tpu.memory_space<semaphore_mem>>
          %dma_wait3A_293 = tpu.memref_squeeze %dma_wait3A_292 : memref<1x!tpu.dma_semaphore, #tpu.memory_space<semaphore_mem>> -> memref<!tpu.dma_semaphore, #tpu.memory_space<semaphore_mem>>
          %dma_wait3A_294 = arith.constant 0 : i32
          %dma_wait3A_295 = arith.constant 0 : i32
          %dma_wait3A_296 = tpu.memref_slice %run_scoped3A[%rem3A_285, %dma_wait3A_294, %dma_wait3A_295] : memref<2x1x128xi32, #tpu.memory_space<vmem>> -> memref<1x1x128xi32, #tpu.memory_space<vmem>>
          %dma_wait3A_297 = tpu.memref_squeeze %dma_wait3A_296 : memref<1x1x128xi32, #tpu.memory_space<vmem>> -> memref<1x128xi32, #tpu.memory_space<vmem>>
          %dma_wait3A_298 = arith.constant 0 : i32
          %dma_wait3A_299 = tpu.memref_slice %arg5[%dma_wait3A_298, %mul3A_283] : memref<1x65536xi32, #tpu.memory_space<hbm>> -> memref<1x128xi32, #tpu.memory_space<hbm>>
          tpu.wait_dma2 semaphore(%dma_wait3A_293 : memref<!tpu.dma_semaphore, #tpu.memory_space<semaphore_mem>>) src(%dma_wait3A_299 : memref<1x128xi32, #tpu.memory_space<hbm>>) dst(%dma_wait3A_297 : memref<1x128xi32, #tpu.memory_space<vmem>>)
          "tpu.trace_stop"() : () -> ()
        } else {
        }
        %ne3A_203 = arith.cmpi ne, %add3A_149, %add3A_158 : i32
        %or3A_204 = arith.constant false
        %or3A_205 = arith.ori %or3A_204, %ne3A_203 : i1
        %or3A_206 = arith.constant false
        %or3A_207 = arith.ori %or3A_205, %or3A_206 : i1
        %or3A_208 = arith.ori %or3A_207, %eq3A_146 : i1
        %convert_element_type3A_209 = arith.extui %or3A_208 : i1 to i32
        %cond3A_210 = arith.constant 0 : i32
        %cond3A_211 = arith.cmpi ne, %convert_element_type3A_209, %cond3A_210 : i32
        scf.if %cond3A_211 {
        } else {
        }
        %rem3A_212 = arith.constant 2 : i32
        %rem3A_213 = arith.remui %scan3A_141, %rem3A_212 : i32
        %rem3A_214 = arith.constant 2 : i32
        %rem3A_215 = arith.remui %scan3A_142, %rem3A_214 : i32
        %run_scoped3A_216 = arith.constant 0 : i32
        "tpu.trace_start"() <{level = 10 : i32, message = "ep_run_kernel"}> : () -> ()
        "tpu.region"() ({
          %run_scoped3A_282 = tpu.sem_alloc : memref<!tpu.dma_semaphore, #tpu.memory_space<semaphore_mem>>
          %dma_start3A_283 = arith.constant 0 : i32
          %dma_start3A_284 = arith.constant 0 : i32
          %dma_start3A_285 = tpu.memref_slice %run_scoped3A_26[%rem3A_215, %dma_start3A_283, %dma_start3A_284] : memref<2x128x256xf32, #tpu.memory_space<vmem>> -> memref<1x128x256xf32, #tpu.memory_space<vmem>>
          %dma_start3A_286 = tpu.memref_squeeze %dma_start3A_285 : memref<1x128x256xf32, #tpu.memory_space<vmem>> -> memref<128x256xf32, #tpu.memory_space<vmem>>
          %dma_start3A_287 = arith.constant 0 : i32
          %dma_start3A_288 = arith.constant 0 : i32
          %dma_start3A_289 = tpu.memref_slice %run_scoped3A[%rem3A_213, %dma_start3A_287, %dma_start3A_288] : memref<2x1x128xi32, #tpu.memory_space<vmem>> -> memref<1x1x128xi32, #tpu.memory_space<vmem>>
          %dma_start3A_290 = tpu.memref_squeeze %dma_start3A_289 : memref<1x1x128xi32, #tpu.memory_space<vmem>> -> memref<1x128xi32, #tpu.memory_space<vmem>>
          %dma_start3A_291 = arith.constant 0 : i32
          %dma_start3A_292 = tpu.memref_slice %dma_start3A_290[%run_scoped3A_216, %dma_start3A_291] : memref<1x128xi32, #tpu.memory_space<vmem>> -> memref<1x128xi32, #tpu.memory_space<vmem>>
          %dma_start3A_293 = tpu.memref_squeeze %dma_start3A_292 : memref<1x128xi32, #tpu.memory_space<vmem>> -> memref<128xi32, #tpu.memory_space<vmem>>
          %dma_start3A_294 = arith.constant 0 : i32
          %dma_start3A_295 = arith.constant 0 : i32
          %dma_start3A_296 = tpu.memref_slice %arg2[%dma_start3A_294, %dma_start3A_295] : memref<8192x256xf32, #tpu.memory_space<hbm>> -> memref<8192x256xf32, #tpu.memory_space<hbm>>
          tpu.enqueue_indirect_dma source(%dma_start3A_296 : memref<8192x256xf32, #tpu.memory_space<hbm>>) target(%dma_start3A_286 : memref<128x256xf32, #tpu.memory_space<vmem>>) offsets(%dma_start3A_293 : memref<128xi32, #tpu.memory_space<vmem>>) semaphore(%run_scoped3A_282 : memref<!tpu.dma_semaphore, #tpu.memory_space<semaphore_mem>>)
          %dma_wait3A_297 = arith.constant 0 : i32
          %dma_wait3A_298 = arith.constant 0 : i32
          %dma_wait3A_299 = tpu.memref_slice %run_scoped3A_26[%rem3A_215, %dma_wait3A_297, %dma_wait3A_298] : memref<2x128x256xf32, #tpu.memory_space<vmem>> -> memref<1x128x256xf32, #tpu.memory_space<vmem>>
          %dma_wait3A_300 = tpu.memref_squeeze %dma_wait3A_299 : memref<1x128x256xf32, #tpu.memory_space<vmem>> -> memref<128x256xf32, #tpu.memory_space<vmem>>
          %dma_wait3A_301 = arith.constant 0 : i32
          %dma_wait3A_302 = arith.constant 0 : i32
          %dma_wait3A_303 = tpu.memref_slice %run_scoped3A[%rem3A_213, %dma_wait3A_301, %dma_wait3A_302] : memref<2x1x128xi32, #tpu.memory_space<vmem>> -> memref<1x1x128xi32, #tpu.memory_space<vmem>>
          %dma_wait3A_304 = tpu.memref_squeeze %dma_wait3A_303 : memref<1x1x128xi32, #tpu.memory_space<vmem>> -> memref<1x128xi32, #tpu.memory_space<vmem>>
          %dma_wait3A_305 = arith.constant 0 : i32
          %dma_wait3A_306 = tpu.memref_slice %dma_wait3A_304[%run_scoped3A_216, %dma_wait3A_305] : memref<1x128xi32, #tpu.memory_space<vmem>> -> memref<1x128xi32, #tpu.memory_space<vmem>>
          %dma_wait3A_307 = tpu.memref_squeeze %dma_wait3A_306 : memref<1x128xi32, #tpu.memory_space<vmem>> -> memref<128xi32, #tpu.memory_space<vmem>>
          %dma_wait3A_308 = arith.constant 0 : i32
          %dma_wait3A_309 = arith.constant 0 : i32
          %dma_wait3A_310 = tpu.memref_slice %arg2[%dma_wait3A_308, %dma_wait3A_309] : memref<8192x256xf32, #tpu.memory_space<hbm>> -> memref<8192x256xf32, #tpu.memory_space<hbm>>
          tpu.wait_indirect_dma semaphore(%run_scoped3A_282 : memref<!tpu.dma_semaphore, #tpu.memory_space<semaphore_mem>>) src(%dma_wait3A_310 : memref<8192x256xf32, #tpu.memory_space<hbm>>) dst(%dma_wait3A_300 : memref<128x256xf32, #tpu.memory_space<vmem>>)
          tpu.yield
        }) : () -> ()
        "tpu.trace_stop"() : () -> ()
        %ne3A_217 = arith.cmpi ne, %add3A_149, %add3A_167 : i32
        %or3A_218 = arith.constant false
        %or3A_219 = arith.ori %or3A_218, %ne3A_217 : i1
        %or3A_220 = arith.ori %or3A_219, %eq3A_148 : i1
        %convert_element_type3A_221 = arith.extui %or3A_220 : i1 to i32
        %cond3A_222 = arith.constant 0 : i32
        %cond3A_223 = arith.cmpi ne, %convert_element_type3A_221, %cond3A_222 : i32
        scf.if %cond3A_223 {
        } else {
        }
        %and3A_224 = arith.constant false
        %and3A_225 = arith.andi %or3A_220, %and3A_224 : i1
        %ne3A_226 = arith.cmpi ne, %add3A_149, %add3A_167 : i32
        %or3A_227 = arith.constant false
        %or3A_228 = arith.ori %or3A_227, %ne3A_226 : i1
        %or3A_229 = arith.constant false
        %or3A_230 = arith.ori %or3A_228, %or3A_229 : i1
        %or3A_231 = arith.ori %or3A_230, %eq3A_148 : i1
        %convert_element_type3A_232 = arith.extui %or3A_231 : i1 to i32
        %cond3A_233 = arith.constant 0 : i32
        %cond3A_234 = arith.cmpi ne, %convert_element_type3A_232, %cond3A_233 : i32
        scf.if %cond3A_234 {
          "tpu.trace_start"() <{level = 10 : i32, message = "ep_copy_out"}> : () -> ()
          %rem3A_282 = arith.constant 2 : i32
          %rem3A_283 = arith.remui %scan3A_142, %rem3A_282 : i32
          %mul3A_284 = arith.constant 128 : i32
          %mul3A_285 = arith.muli %mul3A_284, %add3A_149 : i32
          %dma_start3A_286 = arith.constant 0 : i32
          %dma_start3A_287 = arith.constant 0 : i32
          %dma_start3A_288 = tpu.memref_slice %run_scoped3A_26[%rem3A_283, %dma_start3A_286, %dma_start3A_287] : memref<2x128x256xf32, #tpu.memory_space<vmem>> -> memref<1x128x256xf32, #tpu.memory_space<vmem>>
          %dma_start3A_289 = tpu.memref_squeeze %dma_start3A_288 : memref<1x128x256xf32, #tpu.memory_space<vmem>> -> memref<128x256xf32, #tpu.memory_space<vmem>>
          %dma_start3A_290 = arith.constant 0 : i32
          %dma_start3A_291 = tpu.memref_slice %arg6[%mul3A_285, %dma_start3A_290] : memref<65536x256xf32, #tpu.memory_space<hbm>> -> memref<128x256xf32, #tpu.memory_space<hbm>>
          %dma_start3A_292 = tpu.memref_slice %run_scoped3A_27[%rem3A_283] : memref<2x!tpu.dma_semaphore, #tpu.memory_space<semaphore_mem>> -> memref<1x!tpu.dma_semaphore, #tpu.memory_space<semaphore_mem>>
          %dma_start3A_293 = tpu.memref_squeeze %dma_start3A_292 : memref<1x!tpu.dma_semaphore, #tpu.memory_space<semaphore_mem>> -> memref<!tpu.dma_semaphore, #tpu.memory_space<semaphore_mem>>
          %dma_start3A_294 = arith.constant 0 : i32
          %dma_start3A_295 = tpu.memref_slice %arg6[%mul3A_285, %dma_start3A_294] : memref<65536x256xf32, #tpu.memory_space<hbm>> -> memref<128x256xf32, #tpu.memory_space<hbm>>
          %dma_start3A_296 = arith.constant 0 : i32
          %dma_start3A_297 = arith.constant 0 : i32
          %dma_start3A_298 = tpu.memref_slice %run_scoped3A_26[%rem3A_283, %dma_start3A_296, %dma_start3A_297] : memref<2x128x256xf32, #tpu.memory_space<vmem>> -> memref<1x128x256xf32, #tpu.memory_space<vmem>>
          %dma_start3A_299 = tpu.memref_squeeze %dma_start3A_298 : memref<1x128x256xf32, #tpu.memory_space<vmem>> -> memref<128x256xf32, #tpu.memory_space<vmem>>
          tpu.enqueue_dma source(%dma_start3A_299 : memref<128x256xf32, #tpu.memory_space<vmem>>) target(%dma_start3A_295 : memref<128x256xf32, #tpu.memory_space<hbm>>) target_semaphore(%dma_start3A_293 : memref<!tpu.dma_semaphore, #tpu.memory_space<semaphore_mem>>)
          "tpu.trace_stop"() : () -> ()
        } else {
        }
        %and3A_235 = arith.constant true
        %and3A_236 = arith.andi %or3A_231, %and3A_235 : i1
        %add3A_237 = arith.constant 1 : i32
        %add3A_238 = arith.addi %scan3A_142, %add3A_237 : i32
        %select_n3A_239 = arith.select %and3A_236, %add3A_238, %scan3A_142 : i32
        %ne3A_240 = arith.cmpi ne, %add3A_149, %add3A_158 : i32
        %or3A_241 = arith.constant false
        %or3A_242 = arith.ori %or3A_241, %ne3A_240 : i1
        %not3A_243 = arith.constant true
        %not3A_244 = arith.xori %eq3A_146, %not3A_243 : i1
        %and3A_245 = arith.andi %or3A_242, %not3A_244 : i1
        %convert_element_type3A_246 = arith.extui %and3A_245 : i1 to i32
        %cond3A_247 = arith.constant 0 : i32
        %cond3A_248 = arith.cmpi ne, %convert_element_type3A_246, %cond3A_247 : i32
        scf.if %cond3A_248 {
        } else {
        }
        %and3A_249 = arith.constant false
        %and3A_250 = arith.andi %and3A_245, %and3A_249 : i1
        %ne3A_251 = arith.cmpi ne, %add3A_149, %add3A_158 : i32
        %or3A_252 = arith.constant false
        %or3A_253 = arith.ori %or3A_252, %ne3A_251 : i1
        %or3A_254 = arith.constant false
        %or3A_255 = arith.ori %or3A_253, %or3A_254 : i1
        %not3A_256 = arith.constant true
        %not3A_257 = arith.xori %eq3A_146, %not3A_256 : i1
        %and3A_258 = arith.andi %or3A_255, %not3A_257 : i1
        %convert_element_type3A_259 = arith.extui %and3A_258 : i1 to i32
        %cond3A_260 = arith.constant 0 : i32
        %cond3A_261 = arith.cmpi ne, %convert_element_type3A_259, %cond3A_260 : i32
        scf.if %cond3A_261 {
          "tpu.trace_start"() <{level = 10 : i32, message = "ep_wait_out"}> : () -> ()
          %rem3A_282 = arith.constant 2 : i32
          %rem3A_283 = arith.remui %scan3A_143, %rem3A_282 : i32
          %mul3A_284 = arith.constant 128 : i32
          %mul3A_285 = arith.muli %mul3A_284, %add3A_158 : i32
          %dma_wait3A_286 = arith.constant 0 : i32
          %dma_wait3A_287 = arith.constant 0 : i32
          %dma_wait3A_288 = tpu.memref_slice %run_scoped3A_26[%rem3A_283, %dma_wait3A_286, %dma_wait3A_287] : memref<2x128x256xf32, #tpu.memory_space<vmem>> -> memref<1x128x256xf32, #tpu.memory_space<vmem>>
          %dma_wait3A_289 = tpu.memref_squeeze %dma_wait3A_288 : memref<1x128x256xf32, #tpu.memory_space<vmem>> -> memref<128x256xf32, #tpu.memory_space<vmem>>
          %dma_wait3A_290 = arith.constant 0 : i32
          %dma_wait3A_291 = tpu.memref_slice %arg6[%mul3A_285, %dma_wait3A_290] : memref<65536x256xf32, #tpu.memory_space<hbm>> -> memref<128x256xf32, #tpu.memory_space<hbm>>
          %dma_wait3A_292 = tpu.memref_slice %run_scoped3A_27[%rem3A_283] : memref<2x!tpu.dma_semaphore, #tpu.memory_space<semaphore_mem>> -> memref<1x!tpu.dma_semaphore, #tpu.memory_space<semaphore_mem>>
          %dma_wait3A_293 = tpu.memref_squeeze %dma_wait3A_292 : memref<1x!tpu.dma_semaphore, #tpu.memory_space<semaphore_mem>> -> memref<!tpu.dma_semaphore, #tpu.memory_space<semaphore_mem>>
          %dma_wait3A_294 = arith.constant 0 : i32
          %dma_wait3A_295 = tpu.memref_slice %arg6[%mul3A_285, %dma_wait3A_294] : memref<65536x256xf32, #tpu.memory_space<hbm>> -> memref<128x256xf32, #tpu.memory_space<hbm>>
          %dma_wait3A_296 = arith.constant 0 : i32
          %dma_wait3A_297 = arith.constant 0 : i32
          %dma_wait3A_298 = tpu.memref_slice %run_scoped3A_26[%rem3A_283, %dma_wait3A_296, %dma_wait3A_297] : memref<2x128x256xf32, #tpu.memory_space<vmem>> -> memref<1x128x256xf32, #tpu.memory_space<vmem>>
          %dma_wait3A_299 = tpu.memref_squeeze %dma_wait3A_298 : memref<1x128x256xf32, #tpu.memory_space<vmem>> -> memref<128x256xf32, #tpu.memory_space<vmem>>
          tpu.wait_dma2 semaphore(%dma_wait3A_293 : memref<!tpu.dma_semaphore, #tpu.memory_space<semaphore_mem>>) src(%dma_wait3A_299 : memref<128x256xf32, #tpu.memory_space<vmem>>) dst(%dma_wait3A_295 : memref<128x256xf32, #tpu.memory_space<hbm>>)
          "tpu.trace_stop"() : () -> ()
        } else {
        }
        %and3A_262 = arith.constant true
        %and3A_263 = arith.andi %and3A_258, %and3A_262 : i1
        %add3A_264 = arith.constant 1 : i32
        %add3A_265 = arith.addi %scan3A_143, %add3A_264 : i32
        %select_n3A_266 = arith.select %and3A_263, %add3A_265, %scan3A_143 : i32
        %ne3A_267 = arith.cmpi ne, %add3A_149, %add3A_167 : i32
        %or3A_268 = arith.constant false
        %or3A_269 = arith.ori %or3A_268, %ne3A_267 : i1
        %or3A_270 = arith.ori %or3A_269, %eq3A_148 : i1
        %add3A_271 = arith.constant 1 : i32
        %add3A_272 = arith.addi %scan3A_141, %add3A_271 : i32
        %select_n3A_273 = arith.select %or3A_270, %add3A_272, %scan3A_141 : i32
        %add3A_274 = arith.constant 1 : i32
        %add3A_275 = arith.addi %scan3A_144, %add3A_274 : i32
        %select_n3A_276 = arith.constant true
        %select_n3A_277 = arith.select %select_n3A_276, %add3A_275, %scan3A_144 : i32
        %eq3A_278 = arith.constant 16 : i32
        %eq3A_279 = arith.cmpi eq, %select_n3A_277, %eq3A_278 : i32
        %select_n3A_280 = arith.constant 0 : i32
        %select_n3A_281 = arith.select %eq3A_279, %select_n3A_280, %select_n3A_277 : i32
        scf.yield %select_n3A_185, %select_n3A_273, %select_n3A_239, %select_n3A_266, %select_n3A_281 : i32, i32, i32, i32, i32
      }
      %scan3A_86 = arith.constant 16 : i32
      %sub3A = arith.constant 1 : i32
      %sub3A_87 = arith.subi %scan3A_85#4, %sub3A : i32
      %select_n3A_88 = arith.constant true
      %select_n3A_89 = arith.select %select_n3A_88, %sub3A_87, %scan3A_85#4 : i32
      %eq3A_90 = arith.constant -1 : i32
      %eq3A_91 = arith.cmpi eq, %select_n3A_89, %eq3A_90 : i32
      %select_n3A_92 = arith.constant 15 : i32
      %select_n3A_93 = arith.select %eq3A_91, %select_n3A_92, %select_n3A_89 : i32
      %add3A_94 = arith.addi %select_n3A_93, %mul3A_6 : i32
      %sub3A_95 = arith.constant 1 : i32
      %sub3A_96 = arith.subi %select_n3A_93, %sub3A_95 : i32
      %select_n3A_97 = arith.constant true
      %select_n3A_98 = arith.select %select_n3A_97, %sub3A_96, %select_n3A_93 : i32
      %eq3A_99 = arith.constant -1 : i32
      %eq3A_100 = arith.cmpi eq, %select_n3A_98, %eq3A_99 : i32
      %select_n3A_101 = arith.constant 15 : i32
      %select_n3A_102 = arith.select %eq3A_100, %select_n3A_101, %select_n3A_98 : i32
      %add3A_103 = arith.addi %select_n3A_102, %mul3A_6 : i32
      %add3A_104 = arith.constant 1 : i32
      %add3A_105 = arith.addi %select_n3A_93, %add3A_104 : i32
      %select_n3A_106 = arith.constant true
      %select_n3A_107 = arith.select %select_n3A_106, %add3A_105, %select_n3A_93 : i32
      %eq3A_108 = arith.constant 16 : i32
      %eq3A_109 = arith.cmpi eq, %select_n3A_107, %eq3A_108 : i32
      %select_n3A_110 = arith.constant 0 : i32
      %select_n3A_111 = arith.select %eq3A_109, %select_n3A_110, %select_n3A_107 : i32
      %add3A_112 = arith.addi %select_n3A_111, %mul3A_6 : i32
      %add3A_113 = arith.constant 1 : i32
      %add3A_114 = arith.addi %select_n3A_111, %add3A_113 : i32
      %select_n3A_115 = arith.constant true
      %select_n3A_116 = arith.select %select_n3A_115, %add3A_114, %select_n3A_111 : i32
      %eq3A_117 = arith.constant 16 : i32
      %eq3A_118 = arith.cmpi eq, %select_n3A_116, %eq3A_117 : i32
      %select_n3A_119 = arith.constant 0 : i32
      %select_n3A_120 = arith.select %eq3A_118, %select_n3A_119, %select_n3A_116 : i32
      %add3A_121 = arith.addi %select_n3A_120, %mul3A_6 : i32
      "tpu.trace_start"() <{level = 10 : i32, message = "ep_finalize"}> : () -> ()
      %rem3A_122 = arith.constant 2 : i32
      %rem3A_123 = arith.remui %scan3A_85#3, %rem3A_122 : i32
      %mul3A_124 = arith.constant 128 : i32
      %mul3A_125 = arith.muli %mul3A_124, %add3A_94 : i32
      %dma_wait3A = arith.constant 0 : i32
      %dma_wait3A_126 = arith.constant 0 : i32
      %dma_wait3A_127 = tpu.memref_slice %run_scoped3A_26[%rem3A_123, %dma_wait3A, %dma_wait3A_126] : memref<2x128x256xf32, #tpu.memory_space<vmem>> -> memref<1x128x256xf32, #tpu.memory_space<vmem>>
      %dma_wait3A_128 = tpu.memref_squeeze %dma_wait3A_127 : memref<1x128x256xf32, #tpu.memory_space<vmem>> -> memref<128x256xf32, #tpu.memory_space<vmem>>
      %dma_wait3A_129 = arith.constant 0 : i32
      %dma_wait3A_130 = tpu.memref_slice %arg6[%mul3A_125, %dma_wait3A_129] : memref<65536x256xf32, #tpu.memory_space<hbm>> -> memref<128x256xf32, #tpu.memory_space<hbm>>
      %dma_wait3A_131 = tpu.memref_slice %run_scoped3A_27[%rem3A_123] : memref<2x!tpu.dma_semaphore, #tpu.memory_space<semaphore_mem>> -> memref<1x!tpu.dma_semaphore, #tpu.memory_space<semaphore_mem>>
      %dma_wait3A_132 = tpu.memref_squeeze %dma_wait3A_131 : memref<1x!tpu.dma_semaphore, #tpu.memory_space<semaphore_mem>> -> memref<!tpu.dma_semaphore, #tpu.memory_space<semaphore_mem>>
      %dma_wait3A_133 = arith.constant 0 : i32
      %dma_wait3A_134 = tpu.memref_slice %arg6[%mul3A_125, %dma_wait3A_133] : memref<65536x256xf32, #tpu.memory_space<hbm>> -> memref<128x256xf32, #tpu.memory_space<hbm>>
      %dma_wait3A_135 = arith.constant 0 : i32
      %dma_wait3A_136 = arith.constant 0 : i32
      %dma_wait3A_137 = tpu.memref_slice %run_scoped3A_26[%rem3A_123, %dma_wait3A_135, %dma_wait3A_136] : memref<2x128x256xf32, #tpu.memory_space<vmem>> -> memref<1x128x256xf32, #tpu.memory_space<vmem>>
      %dma_wait3A_138 = tpu.memref_squeeze %dma_wait3A_137 : memref<1x128x256xf32, #tpu.memory_space<vmem>> -> memref<128x256xf32, #tpu.memory_space<vmem>>
      tpu.wait_dma2 semaphore(%dma_wait3A_132 : memref<!tpu.dma_semaphore, #tpu.memory_space<semaphore_mem>>) src(%dma_wait3A_138 : memref<128x256xf32, #tpu.memory_space<vmem>>) dst(%dma_wait3A_134 : memref<128x256xf32, #tpu.memory_space<hbm>>)
      "tpu.trace_stop"() : () -> ()
      tpu.yield
    }) : () -> ()
    %mul3A_7 = arith.constant 1 : i32
    %mul3A_8 = arith.muli %arg1, %mul3A_7 : i32
    %add3A_9 = arith.constant 0 : i32
    %add3A_10 = arith.addi %add3A_9, %mul3A_8 : i32
    %mul3A_11 = arith.constant 16 : i32
    %mul3A_12 = arith.muli %arg0, %mul3A_11 : i32
    %add3A_13 = arith.addi %add3A_10, %mul3A_12 : i32
    %mul3A_14 = arith.constant 16 : i32
    %mul3A_15 = arith.muli %add3A_13, %mul3A_14 : i32
    "tpu.region"() ({
      %run_scoped3A = memref.alloca() : memref<2x1x128xi32, #tpu.memory_space<vmem>>
      %run_scoped3A_25 = tpu.sem_alloc : memref<2x!tpu.dma_semaphore, #tpu.memory_space<semaphore_mem>>
      %run_scoped3A_26 = memref.alloca() : memref<2x128x256xf32, #tpu.memory_space<vmem>>
      %run_scoped3A_27 = tpu.sem_alloc : memref<2x!tpu.dma_semaphore, #tpu.memory_space<semaphore_mem>>
      %add3A_28 = arith.constant 0 : i32
      %add3A_29 = arith.addi %add3A_28, %mul3A_15 : i32
      %select_n3A = arith.constant true
      %select_n3A_30 = arith.constant 0 : i32
      %select_n3A_31 = arith.constant -1 : i32
      %select_n3A_32 = arith.select %select_n3A, %select_n3A_31, %select_n3A_30 : i32
      %eq3A = arith.constant -1 : i32
      %eq3A_33 = arith.cmpi eq, %select_n3A_32, %eq3A : i32
      %select_n3A_34 = arith.constant 15 : i32
      %select_n3A_35 = arith.select %eq3A_33, %select_n3A_34, %select_n3A_32 : i32
      %add3A_36 = arith.addi %select_n3A_35, %mul3A_15 : i32
      %select_n3A_37 = arith.constant true
      %select_n3A_38 = arith.constant 0 : i32
      %select_n3A_39 = arith.constant 1 : i32
      %select_n3A_40 = arith.select %select_n3A_37, %select_n3A_39, %select_n3A_38 : i32
      %eq3A_41 = arith.constant 16 : i32
      %eq3A_42 = arith.cmpi eq, %select_n3A_40, %eq3A_41 : i32
      %select_n3A_43 = arith.constant 0 : i32
      %select_n3A_44 = arith.select %eq3A_42, %select_n3A_43, %select_n3A_40 : i32
      %add3A_45 = arith.addi %select_n3A_44, %mul3A_15 : i32
      %add3A_46 = arith.constant 1 : i32
      %add3A_47 = arith.addi %select_n3A_44, %add3A_46 : i32
      %select_n3A_48 = arith.constant true
      %select_n3A_49 = arith.select %select_n3A_48, %add3A_47, %select_n3A_44 : i32
      %eq3A_50 = arith.constant 16 : i32
      %eq3A_51 = arith.cmpi eq, %select_n3A_49, %eq3A_50 : i32
      %select_n3A_52 = arith.constant 0 : i32
      %select_n3A_53 = arith.select %eq3A_51, %select_n3A_52, %select_n3A_49 : i32
      %add3A_54 = arith.addi %select_n3A_53, %mul3A_15 : i32
      "tpu.trace_start"() <{level = 10 : i32, message = "ep_initialize_0"}> : () -> ()
      %rem3A = arith.constant 0 : i32
      %rem3A_55 = arith.constant 2 : i32
      %rem3A_56 = arith.remui %rem3A, %rem3A_55 : i32
      %mul3A_57 = arith.constant 128 : i32
      %mul3A_58 = arith.muli %mul3A_57, %add3A_29 : i32
      %dma_start3A = arith.constant 0 : i32
      %dma_start3A_59 = arith.constant 0 : i32
      %dma_start3A_60 = tpu.memref_slice %run_scoped3A[%rem3A_56, %dma_start3A, %dma_start3A_59] : memref<2x1x128xi32, #tpu.memory_space<vmem>> -> memref<1x1x128xi32, #tpu.memory_space<vmem>>
      %dma_start3A_61 = tpu.memref_squeeze %dma_start3A_60 : memref<1x1x128xi32, #tpu.memory_space<vmem>> -> memref<1x128xi32, #tpu.memory_space<vmem>>
      %dma_start3A_62 = arith.constant 0 : i32
      %dma_start3A_63 = tpu.memref_slice %arg5[%dma_start3A_62, %mul3A_58] : memref<1x65536xi32, #tpu.memory_space<hbm>> -> memref<1x128xi32, #tpu.memory_space<hbm>>
      %dma_start3A_64 = tpu.memref_slice %run_scoped3A_25[%rem3A_56] : memref<2x!tpu.dma_semaphore, #tpu.memory_space<semaphore_mem>> -> memref<1x!tpu.dma_semaphore, #tpu.memory_space<semaphore_mem>>
      %dma_start3A_65 = tpu.memref_squeeze %dma_start3A_64 : memref<1x!tpu.dma_semaphore, #tpu.memory_space<semaphore_mem>> -> memref<!tpu.dma_semaphore, #tpu.memory_space<semaphore_mem>>
      %dma_start3A_66 = arith.constant 0 : i32
      %dma_start3A_67 = arith.constant 0 : i32
      %dma_start3A_68 = tpu.memref_slice %run_scoped3A[%rem3A_56, %dma_start3A_66, %dma_start3A_67] : memref<2x1x128xi32, #tpu.memory_space<vmem>> -> memref<1x1x128xi32, #tpu.memory_space<vmem>>
      %dma_start3A_69 = tpu.memref_squeeze %dma_start3A_68 : memref<1x1x128xi32, #tpu.memory_space<vmem>> -> memref<1x128xi32, #tpu.memory_space<vmem>>
      %dma_start3A_70 = arith.constant 0 : i32
      %dma_start3A_71 = tpu.memref_slice %arg5[%dma_start3A_70, %mul3A_58] : memref<1x65536xi32, #tpu.memory_space<hbm>> -> memref<1x128xi32, #tpu.memory_space<hbm>>
      tpu.enqueue_dma source(%dma_start3A_71 : memref<1x128xi32, #tpu.memory_space<hbm>>) target(%dma_start3A_69 : memref<1x128xi32, #tpu.memory_space<vmem>>) target_semaphore(%dma_start3A_65 : memref<!tpu.dma_semaphore, #tpu.memory_space<semaphore_mem>>)
      %add3A_72 = arith.constant 0 : i32
      %add3A_73 = arith.constant 1 : i32
      %add3A_74 = arith.addi %add3A_72, %add3A_73 : i32
      %select_n3A_75 = arith.constant true
      %select_n3A_76 = arith.constant 0 : i32
      %select_n3A_77 = arith.select %select_n3A_75, %add3A_74, %select_n3A_76 : i32
      "tpu.trace_stop"() : () -> ()
      %scan3A = arith.constant 0 : i32
      %scan3A_78 = arith.constant 0 : i32
      %scan3A_79 = arith.constant 0 : i32
      %scan3A_80 = arith.constant 0 : i32
      %scan3A_81 = arith.constant 0 : i32
      %scan3A_82 = arith.constant 16 : i32
      %scan3A_83 = arith.addi %scan3A_81, %scan3A_82 : i32
      %scan3A_84 = arith.constant 1 : i32
      %scan3A_85:5 = scf.for %scan3A_139 = %scan3A_81 to %scan3A_83 step %scan3A_84 iter_args(%scan3A_140 = %select_n3A_77, %scan3A_141 = %scan3A, %scan3A_142 = %scan3A_78, %scan3A_143 = %scan3A_79, %scan3A_144 = %scan3A_80) -> (i32, i32, i32, i32, i32)  : i32 {
        %eq3A_145 = arith.constant 0 : i32
        %eq3A_146 = arith.cmpi eq, %scan3A_139, %eq3A_145 : i32
        %eq3A_147 = arith.constant 15 : i32
        %eq3A_148 = arith.cmpi eq, %scan3A_139, %eq3A_147 : i32
        %add3A_149 = arith.addi %scan3A_144, %mul3A_15 : i32
        %sub3A_150 = arith.constant 1 : i32
        %sub3A_151 = arith.subi %scan3A_144, %sub3A_150 : i32
        %select_n3A_152 = arith.constant true
        %select_n3A_153 = arith.select %select_n3A_152, %sub3A_151, %scan3A_144 : i32
        %eq3A_154 = arith.constant -1 : i32
        %eq3A_155 = arith.cmpi eq, %select_n3A_153, %eq3A_154 : i32
        %select_n3A_156 = arith.constant 15 : i32
        %select_n3A_157 = arith.select %eq3A_155, %select_n3A_156, %select_n3A_153 : i32
        %add3A_158 = arith.addi %select_n3A_157, %mul3A_15 : i32
        %add3A_159 = arith.constant 1 : i32
        %add3A_160 = arith.addi %scan3A_144, %add3A_159 : i32
        %select_n3A_161 = arith.constant true
        %select_n3A_162 = arith.select %select_n3A_161, %add3A_160, %scan3A_144 : i32
        %eq3A_163 = arith.constant 16 : i32
        %eq3A_164 = arith.cmpi eq, %select_n3A_162, %eq3A_163 : i32
        %select_n3A_165 = arith.constant 0 : i32
        %select_n3A_166 = arith.select %eq3A_164, %select_n3A_165, %select_n3A_162 : i32
        %add3A_167 = arith.addi %select_n3A_166, %mul3A_15 : i32
        %add3A_168 = arith.constant 1 : i32
        %add3A_169 = arith.addi %select_n3A_166, %add3A_168 : i32
        %select_n3A_170 = arith.constant true
        %select_n3A_171 = arith.select %select_n3A_170, %add3A_169, %select_n3A_166 : i32
        %eq3A_172 = arith.constant 16 : i32
        %eq3A_173 = arith.cmpi eq, %select_n3A_171, %eq3A_172 : i32
        %select_n3A_174 = arith.constant 0 : i32
        %select_n3A_175 = arith.select %eq3A_173, %select_n3A_174, %select_n3A_171 : i32
        %add3A_176 = arith.addi %select_n3A_175, %mul3A_15 : i32
        %ne3A = arith.cmpi ne, %add3A_149, %add3A_167 : i32
        %or3A = arith.constant false
        %or3A_177 = arith.ori %or3A, %ne3A : i1
        %ge3A = arith.constant 15 : i32
        %ge3A_178 = arith.cmpi sge, %scan3A_139, %ge3A : i32
        %not3A = arith.constant true
        %not3A_179 = arith.xori %ge3A_178, %not3A : i1
        %and3A = arith.andi %or3A_177, %not3A_179 : i1
        %convert_element_type3A = arith.extui %and3A : i1 to i32
        %cond3A = arith.constant 0 : i32
        %cond3A_180 = arith.cmpi ne, %convert_element_type3A, %cond3A : i32
        scf.if %cond3A_180 {
          "tpu.trace_start"() <{level = 10 : i32, message = "ep_copy_in"}> : () -> ()
          %rem3A_282 = arith.constant 2 : i32
          %rem3A_283 = arith.remui %scan3A_140, %rem3A_282 : i32
          %mul3A_284 = arith.constant 128 : i32
          %mul3A_285 = arith.muli %mul3A_284, %add3A_167 : i32
          %dma_start3A_286 = arith.constant 0 : i32
          %dma_start3A_287 = arith.constant 0 : i32
          %dma_start3A_288 = tpu.memref_slice %run_scoped3A[%rem3A_283, %dma_start3A_286, %dma_start3A_287] : memref<2x1x128xi32, #tpu.memory_space<vmem>> -> memref<1x1x128xi32, #tpu.memory_space<vmem>>
          %dma_start3A_289 = tpu.memref_squeeze %dma_start3A_288 : memref<1x1x128xi32, #tpu.memory_space<vmem>> -> memref<1x128xi32, #tpu.memory_space<vmem>>
          %dma_start3A_290 = arith.constant 0 : i32
          %dma_start3A_291 = tpu.memref_slice %arg5[%dma_start3A_290, %mul3A_285] : memref<1x65536xi32, #tpu.memory_space<hbm>> -> memref<1x128xi32, #tpu.memory_space<hbm>>
          %dma_start3A_292 = tpu.memref_slice %run_scoped3A_25[%rem3A_283] : memref<2x!tpu.dma_semaphore, #tpu.memory_space<semaphore_mem>> -> memref<1x!tpu.dma_semaphore, #tpu.memory_space<semaphore_mem>>
          %dma_start3A_293 = tpu.memref_squeeze %dma_start3A_292 : memref<1x!tpu.dma_semaphore, #tpu.memory_space<semaphore_mem>> -> memref<!tpu.dma_semaphore, #tpu.memory_space<semaphore_mem>>
          %dma_start3A_294 = arith.constant 0 : i32
          %dma_start3A_295 = arith.constant 0 : i32
          %dma_start3A_296 = tpu.memref_slice %run_scoped3A[%rem3A_283, %dma_start3A_294, %dma_start3A_295] : memref<2x1x128xi32, #tpu.memory_space<vmem>> -> memref<1x1x128xi32, #tpu.memory_space<vmem>>
          %dma_start3A_297 = tpu.memref_squeeze %dma_start3A_296 : memref<1x1x128xi32, #tpu.memory_space<vmem>> -> memref<1x128xi32, #tpu.memory_space<vmem>>
          %dma_start3A_298 = arith.constant 0 : i32
          %dma_start3A_299 = tpu.memref_slice %arg5[%dma_start3A_298, %mul3A_285] : memref<1x65536xi32, #tpu.memory_space<hbm>> -> memref<1x128xi32, #tpu.memory_space<hbm>>
          tpu.enqueue_dma source(%dma_start3A_299 : memref<1x128xi32, #tpu.memory_space<hbm>>) target(%dma_start3A_297 : memref<1x128xi32, #tpu.memory_space<vmem>>) target_semaphore(%dma_start3A_293 : memref<!tpu.dma_semaphore, #tpu.memory_space<semaphore_mem>>)
          "tpu.trace_stop"() : () -> ()
        } else {
        }
        %and3A_181 = arith.constant true
        %and3A_182 = arith.andi %and3A, %and3A_181 : i1
        %add3A_183 = arith.constant 1 : i32
        %add3A_184 = arith.addi %scan3A_140, %add3A_183 : i32
        %select_n3A_185 = arith.select %and3A_182, %add3A_184, %scan3A_140 : i32
        %ne3A_186 = arith.cmpi ne, %add3A_149, %add3A_167 : i32
        %or3A_187 = arith.constant false
        %or3A_188 = arith.ori %or3A_187, %ne3A_186 : i1
        %or3A_189 = arith.constant false
        %or3A_190 = arith.ori %or3A_188, %or3A_189 : i1
        %ge3A_191 = arith.constant 15 : i32
        %ge3A_192 = arith.cmpi sge, %scan3A_139, %ge3A_191 : i32
        %not3A_193 = arith.constant true
        %not3A_194 = arith.xori %ge3A_192, %not3A_193 : i1
        %and3A_195 = arith.andi %or3A_190, %not3A_194 : i1
        %ne3A_196 = arith.cmpi ne, %add3A_149, %add3A_158 : i32
        %or3A_197 = arith.constant false
        %or3A_198 = arith.ori %or3A_197, %ne3A_196 : i1
        %or3A_199 = arith.ori %or3A_198, %eq3A_146 : i1
        %convert_element_type3A_200 = arith.extui %or3A_199 : i1 to i32
        %cond3A_201 = arith.constant 0 : i32
        %cond3A_202 = arith.cmpi ne, %convert_element_type3A_200, %cond3A_201 : i32
        scf.if %cond3A_202 {
          "tpu.trace_start"() <{level = 10 : i32, message = "ep_wait_in"}> : () -> ()
          %mul3A_282 = arith.constant 128 : i32
          %mul3A_283 = arith.muli %mul3A_282, %add3A_149 : i32
          %rem3A_284 = arith.constant 2 : i32
          %rem3A_285 = arith.remui %scan3A_141, %rem3A_284 : i32
          %dma_wait3A_286 = arith.constant 0 : i32
          %dma_wait3A_287 = arith.constant 0 : i32
          %dma_wait3A_288 = tpu.memref_slice %run_scoped3A[%rem3A_285, %dma_wait3A_286, %dma_wait3A_287] : memref<2x1x128xi32, #tpu.memory_space<vmem>> -> memref<1x1x128xi32, #tpu.memory_space<vmem>>
          %dma_wait3A_289 = tpu.memref_squeeze %dma_wait3A_288 : memref<1x1x128xi32, #tpu.memory_space<vmem>> -> memref<1x128xi32, #tpu.memory_space<vmem>>
          %dma_wait3A_290 = arith.constant 0 : i32
          %dma_wait3A_291 = tpu.memref_slice %arg5[%dma_wait3A_290, %mul3A_283] : memref<1x65536xi32, #tpu.memory_space<hbm>> -> memref<1x128xi32, #tpu.memory_space<hbm>>
          %dma_wait3A_292 = tpu.memref_slice %run_scoped3A_25[%rem3A_285] : memref<2x!tpu.dma_semaphore, #tpu.memory_space<semaphore_mem>> -> memref<1x!tpu.dma_semaphore, #tpu.memory_space<semaphore_mem>>
          %dma_wait3A_293 = tpu.memref_squeeze %dma_wait3A_292 : memref<1x!tpu.dma_semaphore, #tpu.memory_space<semaphore_mem>> -> memref<!tpu.dma_semaphore, #tpu.memory_space<semaphore_mem>>
          %dma_wait3A_294 = arith.constant 0 : i32
          %dma_wait3A_295 = arith.constant 0 : i32
          %dma_wait3A_296 = tpu.memref_slice %run_scoped3A[%rem3A_285, %dma_wait3A_294, %dma_wait3A_295] : memref<2x1x128xi32, #tpu.memory_space<vmem>> -> memref<1x1x128xi32, #tpu.memory_space<vmem>>
          %dma_wait3A_297 = tpu.memref_squeeze %dma_wait3A_296 : memref<1x1x128xi32, #tpu.memory_space<vmem>> -> memref<1x128xi32, #tpu.memory_space<vmem>>
          %dma_wait3A_298 = arith.constant 0 : i32
          %dma_wait3A_299 = tpu.memref_slice %arg5[%dma_wait3A_298, %mul3A_283] : memref<1x65536xi32, #tpu.memory_space<hbm>> -> memref<1x128xi32, #tpu.memory_space<hbm>>
          tpu.wait_dma2 semaphore(%dma_wait3A_293 : memref<!tpu.dma_semaphore, #tpu.memory_space<semaphore_mem>>) src(%dma_wait3A_299 : memref<1x128xi32, #tpu.memory_space<hbm>>) dst(%dma_wait3A_297 : memref<1x128xi32, #tpu.memory_space<vmem>>)
          "tpu.trace_stop"() : () -> ()
        } else {
        }
        %ne3A_203 = arith.cmpi ne, %add3A_149, %add3A_158 : i32
        %or3A_204 = arith.constant false
        %or3A_205 = arith.ori %or3A_204, %ne3A_203 : i1
        %or3A_206 = arith.constant false
        %or3A_207 = arith.ori %or3A_205, %or3A_206 : i1
        %or3A_208 = arith.ori %or3A_207, %eq3A_146 : i1
        %convert_element_type3A_209 = arith.extui %or3A_208 : i1 to i32
        %cond3A_210 = arith.constant 0 : i32
        %cond3A_211 = arith.cmpi ne, %convert_element_type3A_209, %cond3A_210 : i32
        scf.if %cond3A_211 {
        } else {
        }
        %rem3A_212 = arith.constant 2 : i32
        %rem3A_213 = arith.remui %scan3A_141, %rem3A_212 : i32
        %rem3A_214 = arith.constant 2 : i32
        %rem3A_215 = arith.remui %scan3A_142, %rem3A_214 : i32
        %run_scoped3A_216 = arith.constant 0 : i32
        "tpu.trace_start"() <{level = 10 : i32, message = "ep_run_kernel"}> : () -> ()
        "tpu.region"() ({
          %run_scoped3A_282 = tpu.sem_alloc : memref<!tpu.dma_semaphore, #tpu.memory_space<semaphore_mem>>
          %dma_start3A_283 = arith.constant 0 : i32
          %dma_start3A_284 = arith.constant 0 : i32
          %dma_start3A_285 = tpu.memref_slice %run_scoped3A_26[%rem3A_215, %dma_start3A_283, %dma_start3A_284] : memref<2x128x256xf32, #tpu.memory_space<vmem>> -> memref<1x128x256xf32, #tpu.memory_space<vmem>>
          %dma_start3A_286 = tpu.memref_squeeze %dma_start3A_285 : memref<1x128x256xf32, #tpu.memory_space<vmem>> -> memref<128x256xf32, #tpu.memory_space<vmem>>
          %dma_start3A_287 = arith.constant 0 : i32
          %dma_start3A_288 = arith.constant 0 : i32
          %dma_start3A_289 = tpu.memref_slice %run_scoped3A[%rem3A_213, %dma_start3A_287, %dma_start3A_288] : memref<2x1x128xi32, #tpu.memory_space<vmem>> -> memref<1x1x128xi32, #tpu.memory_space<vmem>>
          %dma_start3A_290 = tpu.memref_squeeze %dma_start3A_289 : memref<1x1x128xi32, #tpu.memory_space<vmem>> -> memref<1x128xi32, #tpu.memory_space<vmem>>
          %dma_start3A_291 = arith.constant 0 : i32
          %dma_start3A_292 = tpu.memref_slice %dma_start3A_290[%run_scoped3A_216, %dma_start3A_291] : memref<1x128xi32, #tpu.memory_space<vmem>> -> memref<1x128xi32, #tpu.memory_space<vmem>>
          %dma_start3A_293 = tpu.memref_squeeze %dma_start3A_292 : memref<1x128xi32, #tpu.memory_space<vmem>> -> memref<128xi32, #tpu.memory_space<vmem>>
          %dma_start3A_294 = arith.constant 0 : i32
          %dma_start3A_295 = arith.constant 0 : i32
          %dma_start3A_296 = tpu.memref_slice %arg3[%dma_start3A_294, %dma_start3A_295] : memref<8192x256xf32, #tpu.memory_space<hbm>> -> memref<8192x256xf32, #tpu.memory_space<hbm>>
          tpu.enqueue_indirect_dma source(%dma_start3A_296 : memref<8192x256xf32, #tpu.memory_space<hbm>>) target(%dma_start3A_286 : memref<128x256xf32, #tpu.memory_space<vmem>>) offsets(%dma_start3A_293 : memref<128xi32, #tpu.memory_space<vmem>>) semaphore(%run_scoped3A_282 : memref<!tpu.dma_semaphore, #tpu.memory_space<semaphore_mem>>)
          %dma_wait3A_297 = arith.constant 0 : i32
          %dma_wait3A_298 = arith.constant 0 : i32
          %dma_wait3A_299 = tpu.memref_slice %run_scoped3A_26[%rem3A_215, %dma_wait3A_297, %dma_wait3A_298] : memref<2x128x256xf32, #tpu.memory_space<vmem>> -> memref<1x128x256xf32, #tpu.memory_space<vmem>>
          %dma_wait3A_300 = tpu.memref_squeeze %dma_wait3A_299 : memref<1x128x256xf32, #tpu.memory_space<vmem>> -> memref<128x256xf32, #tpu.memory_space<vmem>>
          %dma_wait3A_301 = arith.constant 0 : i32
          %dma_wait3A_302 = arith.constant 0 : i32
          %dma_wait3A_303 = tpu.memref_slice %run_scoped3A[%rem3A_213, %dma_wait3A_301, %dma_wait3A_302] : memref<2x1x128xi32, #tpu.memory_space<vmem>> -> memref<1x1x128xi32, #tpu.memory_space<vmem>>
          %dma_wait3A_304 = tpu.memref_squeeze %dma_wait3A_303 : memref<1x1x128xi32, #tpu.memory_space<vmem>> -> memref<1x128xi32, #tpu.memory_space<vmem>>
          %dma_wait3A_305 = arith.constant 0 : i32
          %dma_wait3A_306 = tpu.memref_slice %dma_wait3A_304[%run_scoped3A_216, %dma_wait3A_305] : memref<1x128xi32, #tpu.memory_space<vmem>> -> memref<1x128xi32, #tpu.memory_space<vmem>>
          %dma_wait3A_307 = tpu.memref_squeeze %dma_wait3A_306 : memref<1x128xi32, #tpu.memory_space<vmem>> -> memref<128xi32, #tpu.memory_space<vmem>>
          %dma_wait3A_308 = arith.constant 0 : i32
          %dma_wait3A_309 = arith.constant 0 : i32
          %dma_wait3A_310 = tpu.memref_slice %arg3[%dma_wait3A_308, %dma_wait3A_309] : memref<8192x256xf32, #tpu.memory_space<hbm>> -> memref<8192x256xf32, #tpu.memory_space<hbm>>
          tpu.wait_indirect_dma semaphore(%run_scoped3A_282 : memref<!tpu.dma_semaphore, #tpu.memory_space<semaphore_mem>>) src(%dma_wait3A_310 : memref<8192x256xf32, #tpu.memory_space<hbm>>) dst(%dma_wait3A_300 : memref<128x256xf32, #tpu.memory_space<vmem>>)
          tpu.yield
        }) : () -> ()
        "tpu.trace_stop"() : () -> ()
        %ne3A_217 = arith.cmpi ne, %add3A_149, %add3A_167 : i32
        %or3A_218 = arith.constant false
        %or3A_219 = arith.ori %or3A_218, %ne3A_217 : i1
        %or3A_220 = arith.ori %or3A_219, %eq3A_148 : i1
        %convert_element_type3A_221 = arith.extui %or3A_220 : i1 to i32
        %cond3A_222 = arith.constant 0 : i32
        %cond3A_223 = arith.cmpi ne, %convert_element_type3A_221, %cond3A_222 : i32
        scf.if %cond3A_223 {
        } else {
        }
        %and3A_224 = arith.constant false
        %and3A_225 = arith.andi %or3A_220, %and3A_224 : i1
        %ne3A_226 = arith.cmpi ne, %add3A_149, %add3A_167 : i32
        %or3A_227 = arith.constant false
        %or3A_228 = arith.ori %or3A_227, %ne3A_226 : i1
        %or3A_229 = arith.constant false
        %or3A_230 = arith.ori %or3A_228, %or3A_229 : i1
        %or3A_231 = arith.ori %or3A_230, %eq3A_148 : i1
        %convert_element_type3A_232 = arith.extui %or3A_231 : i1 to i32
        %cond3A_233 = arith.constant 0 : i32
        %cond3A_234 = arith.cmpi ne, %convert_element_type3A_232, %cond3A_233 : i32
        scf.if %cond3A_234 {
          "tpu.trace_start"() <{level = 10 : i32, message = "ep_copy_out"}> : () -> ()
          %rem3A_282 = arith.constant 2 : i32
          %rem3A_283 = arith.remui %scan3A_142, %rem3A_282 : i32
          %mul3A_284 = arith.constant 128 : i32
          %mul3A_285 = arith.muli %mul3A_284, %add3A_149 : i32
          %dma_start3A_286 = arith.constant 0 : i32
          %dma_start3A_287 = arith.constant 0 : i32
          %dma_start3A_288 = tpu.memref_slice %run_scoped3A_26[%rem3A_283, %dma_start3A_286, %dma_start3A_287] : memref<2x128x256xf32, #tpu.memory_space<vmem>> -> memref<1x128x256xf32, #tpu.memory_space<vmem>>
          %dma_start3A_289 = tpu.memref_squeeze %dma_start3A_288 : memref<1x128x256xf32, #tpu.memory_space<vmem>> -> memref<128x256xf32, #tpu.memory_space<vmem>>
          %dma_start3A_290 = arith.constant 0 : i32
          %dma_start3A_291 = tpu.memref_slice %arg7[%mul3A_285, %dma_start3A_290] : memref<65536x256xf32, #tpu.memory_space<hbm>> -> memref<128x256xf32, #tpu.memory_space<hbm>>
          %dma_start3A_292 = tpu.memref_slice %run_scoped3A_27[%rem3A_283] : memref<2x!tpu.dma_semaphore, #tpu.memory_space<semaphore_mem>> -> memref<1x!tpu.dma_semaphore, #tpu.memory_space<semaphore_mem>>
          %dma_start3A_293 = tpu.memref_squeeze %dma_start3A_292 : memref<1x!tpu.dma_semaphore, #tpu.memory_space<semaphore_mem>> -> memref<!tpu.dma_semaphore, #tpu.memory_space<semaphore_mem>>
          %dma_start3A_294 = arith.constant 0 : i32
          %dma_start3A_295 = tpu.memref_slice %arg7[%mul3A_285, %dma_start3A_294] : memref<65536x256xf32, #tpu.memory_space<hbm>> -> memref<128x256xf32, #tpu.memory_space<hbm>>
          %dma_start3A_296 = arith.constant 0 : i32
          %dma_start3A_297 = arith.constant 0 : i32
          %dma_start3A_298 = tpu.memref_slice %run_scoped3A_26[%rem3A_283, %dma_start3A_296, %dma_start3A_297] : memref<2x128x256xf32, #tpu.memory_space<vmem>> -> memref<1x128x256xf32, #tpu.memory_space<vmem>>
          %dma_start3A_299 = tpu.memref_squeeze %dma_start3A_298 : memref<1x128x256xf32, #tpu.memory_space<vmem>> -> memref<128x256xf32, #tpu.memory_space<vmem>>
          tpu.enqueue_dma source(%dma_start3A_299 : memref<128x256xf32, #tpu.memory_space<vmem>>) target(%dma_start3A_295 : memref<128x256xf32, #tpu.memory_space<hbm>>) target_semaphore(%dma_start3A_293 : memref<!tpu.dma_semaphore, #tpu.memory_space<semaphore_mem>>)
          "tpu.trace_stop"() : () -> ()
        } else {
        }
        %and3A_235 = arith.constant true
        %and3A_236 = arith.andi %or3A_231, %and3A_235 : i1
        %add3A_237 = arith.constant 1 : i32
        %add3A_238 = arith.addi %scan3A_142, %add3A_237 : i32
        %select_n3A_239 = arith.select %and3A_236, %add3A_238, %scan3A_142 : i32
        %ne3A_240 = arith.cmpi ne, %add3A_149, %add3A_158 : i32
        %or3A_241 = arith.constant false
        %or3A_242 = arith.ori %or3A_241, %ne3A_240 : i1
        %not3A_243 = arith.constant true
        %not3A_244 = arith.xori %eq3A_146, %not3A_243 : i1
        %and3A_245 = arith.andi %or3A_242, %not3A_244 : i1
        %convert_element_type3A_246 = arith.extui %and3A_245 : i1 to i32
        %cond3A_247 = arith.constant 0 : i32
        %cond3A_248 = arith.cmpi ne, %convert_element_type3A_246, %cond3A_247 : i32
        scf.if %cond3A_248 {
        } else {
        }
        %and3A_249 = arith.constant false
        %and3A_250 = arith.andi %and3A_245, %and3A_249 : i1
        %ne3A_251 = arith.cmpi ne, %add3A_149, %add3A_158 : i32
        %or3A_252 = arith.constant false
        %or3A_253 = arith.ori %or3A_252, %ne3A_251 : i1
        %or3A_254 = arith.constant false
        %or3A_255 = arith.ori %or3A_253, %or3A_254 : i1
        %not3A_256 = arith.constant true
        %not3A_257 = arith.xori %eq3A_146, %not3A_256 : i1
        %and3A_258 = arith.andi %or3A_255, %not3A_257 : i1
        %convert_element_type3A_259 = arith.extui %and3A_258 : i1 to i32
        %cond3A_260 = arith.constant 0 : i32
        %cond3A_261 = arith.cmpi ne, %convert_element_type3A_259, %cond3A_260 : i32
        scf.if %cond3A_261 {
          "tpu.trace_start"() <{level = 10 : i32, message = "ep_wait_out"}> : () -> ()
          %rem3A_282 = arith.constant 2 : i32
          %rem3A_283 = arith.remui %scan3A_143, %rem3A_282 : i32
          %mul3A_284 = arith.constant 128 : i32
          %mul3A_285 = arith.muli %mul3A_284, %add3A_158 : i32
          %dma_wait3A_286 = arith.constant 0 : i32
          %dma_wait3A_287 = arith.constant 0 : i32
          %dma_wait3A_288 = tpu.memref_slice %run_scoped3A_26[%rem3A_283, %dma_wait3A_286, %dma_wait3A_287] : memref<2x128x256xf32, #tpu.memory_space<vmem>> -> memref<1x128x256xf32, #tpu.memory_space<vmem>>
          %dma_wait3A_289 = tpu.memref_squeeze %dma_wait3A_288 : memref<1x128x256xf32, #tpu.memory_space<vmem>> -> memref<128x256xf32, #tpu.memory_space<vmem>>
          %dma_wait3A_290 = arith.constant 0 : i32
          %dma_wait3A_291 = tpu.memref_slice %arg7[%mul3A_285, %dma_wait3A_290] : memref<65536x256xf32, #tpu.memory_space<hbm>> -> memref<128x256xf32, #tpu.memory_space<hbm>>
          %dma_wait3A_292 = tpu.memref_slice %run_scoped3A_27[%rem3A_283] : memref<2x!tpu.dma_semaphore, #tpu.memory_space<semaphore_mem>> -> memref<1x!tpu.dma_semaphore, #tpu.memory_space<semaphore_mem>>
          %dma_wait3A_293 = tpu.memref_squeeze %dma_wait3A_292 : memref<1x!tpu.dma_semaphore, #tpu.memory_space<semaphore_mem>> -> memref<!tpu.dma_semaphore, #tpu.memory_space<semaphore_mem>>
          %dma_wait3A_294 = arith.constant 0 : i32
          %dma_wait3A_295 = tpu.memref_slice %arg7[%mul3A_285, %dma_wait3A_294] : memref<65536x256xf32, #tpu.memory_space<hbm>> -> memref<128x256xf32, #tpu.memory_space<hbm>>
          %dma_wait3A_296 = arith.constant 0 : i32
          %dma_wait3A_297 = arith.constant 0 : i32
          %dma_wait3A_298 = tpu.memref_slice %run_scoped3A_26[%rem3A_283, %dma_wait3A_296, %dma_wait3A_297] : memref<2x128x256xf32, #tpu.memory_space<vmem>> -> memref<1x128x256xf32, #tpu.memory_space<vmem>>
          %dma_wait3A_299 = tpu.memref_squeeze %dma_wait3A_298 : memref<1x128x256xf32, #tpu.memory_space<vmem>> -> memref<128x256xf32, #tpu.memory_space<vmem>>
          tpu.wait_dma2 semaphore(%dma_wait3A_293 : memref<!tpu.dma_semaphore, #tpu.memory_space<semaphore_mem>>) src(%dma_wait3A_299 : memref<128x256xf32, #tpu.memory_space<vmem>>) dst(%dma_wait3A_295 : memref<128x256xf32, #tpu.memory_space<hbm>>)
          "tpu.trace_stop"() : () -> ()
        } else {
        }
        %and3A_262 = arith.constant true
        %and3A_263 = arith.andi %and3A_258, %and3A_262 : i1
        %add3A_264 = arith.constant 1 : i32
        %add3A_265 = arith.addi %scan3A_143, %add3A_264 : i32
        %select_n3A_266 = arith.select %and3A_263, %add3A_265, %scan3A_143 : i32
        %ne3A_267 = arith.cmpi ne, %add3A_149, %add3A_167 : i32
        %or3A_268 = arith.constant false
        %or3A_269 = arith.ori %or3A_268, %ne3A_267 : i1
        %or3A_270 = arith.ori %or3A_269, %eq3A_148 : i1
        %add3A_271 = arith.constant 1 : i32
        %add3A_272 = arith.addi %scan3A_141, %add3A_271 : i32
        %select_n3A_273 = arith.select %or3A_270, %add3A_272, %scan3A_141 : i32
        %add3A_274 = arith.constant 1 : i32
        %add3A_275 = arith.addi %scan3A_144, %add3A_274 : i32
        %select_n3A_276 = arith.constant true
        %select_n3A_277 = arith.select %select_n3A_276, %add3A_275, %scan3A_144 : i32
        %eq3A_278 = arith.constant 16 : i32
        %eq3A_279 = arith.cmpi eq, %select_n3A_277, %eq3A_278 : i32
        %select_n3A_280 = arith.constant 0 : i32
        %select_n3A_281 = arith.select %eq3A_279, %select_n3A_280, %select_n3A_277 : i32
        scf.yield %select_n3A_185, %select_n3A_273, %select_n3A_239, %select_n3A_266, %select_n3A_281 : i32, i32, i32, i32, i32
      }
      %scan3A_86 = arith.constant 16 : i32
      %sub3A = arith.constant 1 : i32
      %sub3A_87 = arith.subi %scan3A_85#4, %sub3A : i32
      %select_n3A_88 = arith.constant true
      %select_n3A_89 = arith.select %select_n3A_88, %sub3A_87, %scan3A_85#4 : i32
      %eq3A_90 = arith.constant -1 : i32
      %eq3A_91 = arith.cmpi eq, %select_n3A_89, %eq3A_90 : i32
      %select_n3A_92 = arith.constant 15 : i32
      %select_n3A_93 = arith.select %eq3A_91, %select_n3A_92, %select_n3A_89 : i32
      %add3A_94 = arith.addi %select_n3A_93, %mul3A_15 : i32
      %sub3A_95 = arith.constant 1 : i32
      %sub3A_96 = arith.subi %select_n3A_93, %sub3A_95 : i32
      %select_n3A_97 = arith.constant true
      %select_n3A_98 = arith.select %select_n3A_97, %sub3A_96, %select_n3A_93 : i32
      %eq3A_99 = arith.constant -1 : i32
      %eq3A_100 = arith.cmpi eq, %select_n3A_98, %eq3A_99 : i32
      %select_n3A_101 = arith.constant 15 : i32
      %select_n3A_102 = arith.select %eq3A_100, %select_n3A_101, %select_n3A_98 : i32
      %add3A_103 = arith.addi %select_n3A_102, %mul3A_15 : i32
      %add3A_104 = arith.constant 1 : i32
      %add3A_105 = arith.addi %select_n3A_93, %add3A_104 : i32
      %select_n3A_106 = arith.constant true
      %select_n3A_107 = arith.select %select_n3A_106, %add3A_105, %select_n3A_93 : i32
      %eq3A_108 = arith.constant 16 : i32
      %eq3A_109 = arith.cmpi eq, %select_n3A_107, %eq3A_108 : i32
      %select_n3A_110 = arith.constant 0 : i32
      %select_n3A_111 = arith.select %eq3A_109, %select_n3A_110, %select_n3A_107 : i32
      %add3A_112 = arith.addi %select_n3A_111, %mul3A_15 : i32
      %add3A_113 = arith.constant 1 : i32
      %add3A_114 = arith.addi %select_n3A_111, %add3A_113 : i32
      %select_n3A_115 = arith.constant true
      %select_n3A_116 = arith.select %select_n3A_115, %add3A_114, %select_n3A_111 : i32
      %eq3A_117 = arith.constant 16 : i32
      %eq3A_118 = arith.cmpi eq, %select_n3A_116, %eq3A_117 : i32
      %select_n3A_119 = arith.constant 0 : i32
      %select_n3A_120 = arith.select %eq3A_118, %select_n3A_119, %select_n3A_116 : i32
      %add3A_121 = arith.addi %select_n3A_120, %mul3A_15 : i32
      "tpu.trace_start"() <{level = 10 : i32, message = "ep_finalize"}> : () -> ()
      %rem3A_122 = arith.constant 2 : i32
      %rem3A_123 = arith.remui %scan3A_85#3, %rem3A_122 : i32
      %mul3A_124 = arith.constant 128 : i32
      %mul3A_125 = arith.muli %mul3A_124, %add3A_94 : i32
      %dma_wait3A = arith.constant 0 : i32
      %dma_wait3A_126 = arith.constant 0 : i32
      %dma_wait3A_127 = tpu.memref_slice %run_scoped3A_26[%rem3A_123, %dma_wait3A, %dma_wait3A_126] : memref<2x128x256xf32, #tpu.memory_space<vmem>> -> memref<1x128x256xf32, #tpu.memory_space<vmem>>
      %dma_wait3A_128 = tpu.memref_squeeze %dma_wait3A_127 : memref<1x128x256xf32, #tpu.memory_space<vmem>> -> memref<128x256xf32, #tpu.memory_space<vmem>>
      %dma_wait3A_129 = arith.constant 0 : i32
      %dma_wait3A_130 = tpu.memref_slice %arg7[%mul3A_125, %dma_wait3A_129] : memref<65536x256xf32, #tpu.memory_space<hbm>> -> memref<128x256xf32, #tpu.memory_space<hbm>>
      %dma_wait3A_131 = tpu.memref_slice %run_scoped3A_27[%rem3A_123] : memref<2x!tpu.dma_semaphore, #tpu.memory_space<semaphore_mem>> -> memref<1x!tpu.dma_semaphore, #tpu.memory_space<semaphore_mem>>
      %dma_wait3A_132 = tpu.memref_squeeze %dma_wait3A_131 : memref<1x!tpu.dma_semaphore, #tpu.memory_space<semaphore_mem>> -> memref<!tpu.dma_semaphore, #tpu.memory_space<semaphore_mem>>
      %dma_wait3A_133 = arith.constant 0 : i32
      %dma_wait3A_134 = tpu.memref_slice %arg7[%mul3A_125, %dma_wait3A_133] : memref<65536x256xf32, #tpu.memory_space<hbm>> -> memref<128x256xf32, #tpu.memory_space<hbm>>
      %dma_wait3A_135 = arith.constant 0 : i32
      %dma_wait3A_136 = arith.constant 0 : i32
      %dma_wait3A_137 = tpu.memref_slice %run_scoped3A_26[%rem3A_123, %dma_wait3A_135, %dma_wait3A_136] : memref<2x128x256xf32, #tpu.memory_space<vmem>> -> memref<1x128x256xf32, #tpu.memory_space<vmem>>
      %dma_wait3A_138 = tpu.memref_squeeze %dma_wait3A_137 : memref<1x128x256xf32, #tpu.memory_space<vmem>> -> memref<128x256xf32, #tpu.memory_space<vmem>>
      tpu.wait_dma2 semaphore(%dma_wait3A_132 : memref<!tpu.dma_semaphore, #tpu.memory_space<semaphore_mem>>) src(%dma_wait3A_138 : memref<128x256xf32, #tpu.memory_space<vmem>>) dst(%dma_wait3A_134 : memref<128x256xf32, #tpu.memory_space<hbm>>)
      "tpu.trace_stop"() : () -> ()
      tpu.yield
    }) : () -> ()
    %mul3A_16 = arith.constant 1 : i32
    %mul3A_17 = arith.muli %arg1, %mul3A_16 : i32
    %add3A_18 = arith.constant 0 : i32
    %add3A_19 = arith.addi %add3A_18, %mul3A_17 : i32
    %mul3A_20 = arith.constant 16 : i32
    %mul3A_21 = arith.muli %arg0, %mul3A_20 : i32
    %add3A_22 = arith.addi %add3A_19, %mul3A_21 : i32
    %mul3A_23 = arith.constant 16 : i32
    %mul3A_24 = arith.muli %add3A_22, %mul3A_23 : i32
    "tpu.region"() ({
      %run_scoped3A = memref.alloca() : memref<2x1x128xi32, #tpu.memory_space<vmem>>
      %run_scoped3A_25 = tpu.sem_alloc : memref<2x!tpu.dma_semaphore, #tpu.memory_space<semaphore_mem>>
      %run_scoped3A_26 = memref.alloca() : memref<2x128x128xf32, #tpu.memory_space<vmem>>
      %run_scoped3A_27 = tpu.sem_alloc : memref<2x!tpu.dma_semaphore, #tpu.memory_space<semaphore_mem>>
      %add3A_28 = arith.constant 0 : i32
      %add3A_29 = arith.addi %add3A_28, %mul3A_24 : i32
      %select_n3A = arith.constant true
      %select_n3A_30 = arith.constant 0 : i32
      %select_n3A_31 = arith.constant -1 : i32
      %select_n3A_32 = arith.select %select_n3A, %select_n3A_31, %select_n3A_30 : i32
      %eq3A = arith.constant -1 : i32
      %eq3A_33 = arith.cmpi eq, %select_n3A_32, %eq3A : i32
      %select_n3A_34 = arith.constant 15 : i32
      %select_n3A_35 = arith.select %eq3A_33, %select_n3A_34, %select_n3A_32 : i32
      %add3A_36 = arith.addi %select_n3A_35, %mul3A_24 : i32
      %select_n3A_37 = arith.constant true
      %select_n3A_38 = arith.constant 0 : i32
      %select_n3A_39 = arith.constant 1 : i32
      %select_n3A_40 = arith.select %select_n3A_37, %select_n3A_39, %select_n3A_38 : i32
      %eq3A_41 = arith.constant 16 : i32
      %eq3A_42 = arith.cmpi eq, %select_n3A_40, %eq3A_41 : i32
      %select_n3A_43 = arith.constant 0 : i32
      %select_n3A_44 = arith.select %eq3A_42, %select_n3A_43, %select_n3A_40 : i32
      %add3A_45 = arith.addi %select_n3A_44, %mul3A_24 : i32
      %add3A_46 = arith.constant 1 : i32
      %add3A_47 = arith.addi %select_n3A_44, %add3A_46 : i32
      %select_n3A_48 = arith.constant true
      %select_n3A_49 = arith.select %select_n3A_48, %add3A_47, %select_n3A_44 : i32
      %eq3A_50 = arith.constant 16 : i32
      %eq3A_51 = arith.cmpi eq, %select_n3A_49, %eq3A_50 : i32
      %select_n3A_52 = arith.constant 0 : i32
      %select_n3A_53 = arith.select %eq3A_51, %select_n3A_52, %select_n3A_49 : i32
      %add3A_54 = arith.addi %select_n3A_53, %mul3A_24 : i32
      "tpu.trace_start"() <{level = 10 : i32, message = "ep_initialize_0"}> : () -> ()
      %rem3A = arith.constant 0 : i32
      %rem3A_55 = arith.constant 2 : i32
      %rem3A_56 = arith.remui %rem3A, %rem3A_55 : i32
      %mul3A_57 = arith.constant 128 : i32
      %mul3A_58 = arith.muli %mul3A_57, %add3A_29 : i32
      %dma_start3A = arith.constant 0 : i32
      %dma_start3A_59 = arith.constant 0 : i32
      %dma_start3A_60 = tpu.memref_slice %run_scoped3A[%rem3A_56, %dma_start3A, %dma_start3A_59] : memref<2x1x128xi32, #tpu.memory_space<vmem>> -> memref<1x1x128xi32, #tpu.memory_space<vmem>>
      %dma_start3A_61 = tpu.memref_squeeze %dma_start3A_60 : memref<1x1x128xi32, #tpu.memory_space<vmem>> -> memref<1x128xi32, #tpu.memory_space<vmem>>
      %dma_start3A_62 = arith.constant 0 : i32
      %dma_start3A_63 = tpu.memref_slice %arg5[%dma_start3A_62, %mul3A_58] : memref<1x65536xi32, #tpu.memory_space<hbm>> -> memref<1x128xi32, #tpu.memory_space<hbm>>
      %dma_start3A_64 = tpu.memref_slice %run_scoped3A_25[%rem3A_56] : memref<2x!tpu.dma_semaphore, #tpu.memory_space<semaphore_mem>> -> memref<1x!tpu.dma_semaphore, #tpu.memory_space<semaphore_mem>>
      %dma_start3A_65 = tpu.memref_squeeze %dma_start3A_64 : memref<1x!tpu.dma_semaphore, #tpu.memory_space<semaphore_mem>> -> memref<!tpu.dma_semaphore, #tpu.memory_space<semaphore_mem>>
      %dma_start3A_66 = arith.constant 0 : i32
      %dma_start3A_67 = arith.constant 0 : i32
      %dma_start3A_68 = tpu.memref_slice %run_scoped3A[%rem3A_56, %dma_start3A_66, %dma_start3A_67] : memref<2x1x128xi32, #tpu.memory_space<vmem>> -> memref<1x1x128xi32, #tpu.memory_space<vmem>>
      %dma_start3A_69 = tpu.memref_squeeze %dma_start3A_68 : memref<1x1x128xi32, #tpu.memory_space<vmem>> -> memref<1x128xi32, #tpu.memory_space<vmem>>
      %dma_start3A_70 = arith.constant 0 : i32
      %dma_start3A_71 = tpu.memref_slice %arg5[%dma_start3A_70, %mul3A_58] : memref<1x65536xi32, #tpu.memory_space<hbm>> -> memref<1x128xi32, #tpu.memory_space<hbm>>
      tpu.enqueue_dma source(%dma_start3A_71 : memref<1x128xi32, #tpu.memory_space<hbm>>) target(%dma_start3A_69 : memref<1x128xi32, #tpu.memory_space<vmem>>) target_semaphore(%dma_start3A_65 : memref<!tpu.dma_semaphore, #tpu.memory_space<semaphore_mem>>)
      %add3A_72 = arith.constant 0 : i32
      %add3A_73 = arith.constant 1 : i32
      %add3A_74 = arith.addi %add3A_72, %add3A_73 : i32
      %select_n3A_75 = arith.constant true
      %select_n3A_76 = arith.constant 0 : i32
      %select_n3A_77 = arith.select %select_n3A_75, %add3A_74, %select_n3A_76 : i32
      "tpu.trace_stop"() : () -> ()
      %scan3A = arith.constant 0 : i32
      %scan3A_78 = arith.constant 0 : i32
      %scan3A_79 = arith.constant 0 : i32
      %scan3A_80 = arith.constant 0 : i32
      %scan3A_81 = arith.constant 0 : i32
      %scan3A_82 = arith.constant 16 : i32
      %scan3A_83 = arith.addi %scan3A_81, %scan3A_82 : i32
      %scan3A_84 = arith.constant 1 : i32
      %scan3A_85:5 = scf.for %scan3A_139 = %scan3A_81 to %scan3A_83 step %scan3A_84 iter_args(%scan3A_140 = %select_n3A_77, %scan3A_141 = %scan3A, %scan3A_142 = %scan3A_78, %scan3A_143 = %scan3A_79, %scan3A_144 = %scan3A_80) -> (i32, i32, i32, i32, i32)  : i32 {
        %eq3A_145 = arith.constant 0 : i32
        %eq3A_146 = arith.cmpi eq, %scan3A_139, %eq3A_145 : i32
        %eq3A_147 = arith.constant 15 : i32
        %eq3A_148 = arith.cmpi eq, %scan3A_139, %eq3A_147 : i32
        %add3A_149 = arith.addi %scan3A_144, %mul3A_24 : i32
        %sub3A_150 = arith.constant 1 : i32
        %sub3A_151 = arith.subi %scan3A_144, %sub3A_150 : i32
        %select_n3A_152 = arith.constant true
        %select_n3A_153 = arith.select %select_n3A_152, %sub3A_151, %scan3A_144 : i32
        %eq3A_154 = arith.constant -1 : i32
        %eq3A_155 = arith.cmpi eq, %select_n3A_153, %eq3A_154 : i32
        %select_n3A_156 = arith.constant 15 : i32
        %select_n3A_157 = arith.select %eq3A_155, %select_n3A_156, %select_n3A_153 : i32
        %add3A_158 = arith.addi %select_n3A_157, %mul3A_24 : i32
        %add3A_159 = arith.constant 1 : i32
        %add3A_160 = arith.addi %scan3A_144, %add3A_159 : i32
        %select_n3A_161 = arith.constant true
        %select_n3A_162 = arith.select %select_n3A_161, %add3A_160, %scan3A_144 : i32
        %eq3A_163 = arith.constant 16 : i32
        %eq3A_164 = arith.cmpi eq, %select_n3A_162, %eq3A_163 : i32
        %select_n3A_165 = arith.constant 0 : i32
        %select_n3A_166 = arith.select %eq3A_164, %select_n3A_165, %select_n3A_162 : i32
        %add3A_167 = arith.addi %select_n3A_166, %mul3A_24 : i32
        %add3A_168 = arith.constant 1 : i32
        %add3A_169 = arith.addi %select_n3A_166, %add3A_168 : i32
        %select_n3A_170 = arith.constant true
        %select_n3A_171 = arith.select %select_n3A_170, %add3A_169, %select_n3A_166 : i32
        %eq3A_172 = arith.constant 16 : i32
        %eq3A_173 = arith.cmpi eq, %select_n3A_171, %eq3A_172 : i32
        %select_n3A_174 = arith.constant 0 : i32
        %select_n3A_175 = arith.select %eq3A_173, %select_n3A_174, %select_n3A_171 : i32
        %add3A_176 = arith.addi %select_n3A_175, %mul3A_24 : i32
        %ne3A = arith.cmpi ne, %add3A_149, %add3A_167 : i32
        %or3A = arith.constant false
        %or3A_177 = arith.ori %or3A, %ne3A : i1
        %ge3A = arith.constant 15 : i32
        %ge3A_178 = arith.cmpi sge, %scan3A_139, %ge3A : i32
        %not3A = arith.constant true
        %not3A_179 = arith.xori %ge3A_178, %not3A : i1
        %and3A = arith.andi %or3A_177, %not3A_179 : i1
        %convert_element_type3A = arith.extui %and3A : i1 to i32
        %cond3A = arith.constant 0 : i32
        %cond3A_180 = arith.cmpi ne, %convert_element_type3A, %cond3A : i32
        scf.if %cond3A_180 {
          "tpu.trace_start"() <{level = 10 : i32, message = "ep_copy_in"}> : () -> ()
          %rem3A_282 = arith.constant 2 : i32
          %rem3A_283 = arith.remui %scan3A_140, %rem3A_282 : i32
          %mul3A_284 = arith.constant 128 : i32
          %mul3A_285 = arith.muli %mul3A_284, %add3A_167 : i32
          %dma_start3A_286 = arith.constant 0 : i32
          %dma_start3A_287 = arith.constant 0 : i32
          %dma_start3A_288 = tpu.memref_slice %run_scoped3A[%rem3A_283, %dma_start3A_286, %dma_start3A_287] : memref<2x1x128xi32, #tpu.memory_space<vmem>> -> memref<1x1x128xi32, #tpu.memory_space<vmem>>
          %dma_start3A_289 = tpu.memref_squeeze %dma_start3A_288 : memref<1x1x128xi32, #tpu.memory_space<vmem>> -> memref<1x128xi32, #tpu.memory_space<vmem>>
          %dma_start3A_290 = arith.constant 0 : i32
          %dma_start3A_291 = tpu.memref_slice %arg5[%dma_start3A_290, %mul3A_285] : memref<1x65536xi32, #tpu.memory_space<hbm>> -> memref<1x128xi32, #tpu.memory_space<hbm>>
          %dma_start3A_292 = tpu.memref_slice %run_scoped3A_25[%rem3A_283] : memref<2x!tpu.dma_semaphore, #tpu.memory_space<semaphore_mem>> -> memref<1x!tpu.dma_semaphore, #tpu.memory_space<semaphore_mem>>
          %dma_start3A_293 = tpu.memref_squeeze %dma_start3A_292 : memref<1x!tpu.dma_semaphore, #tpu.memory_space<semaphore_mem>> -> memref<!tpu.dma_semaphore, #tpu.memory_space<semaphore_mem>>
          %dma_start3A_294 = arith.constant 0 : i32
          %dma_start3A_295 = arith.constant 0 : i32
          %dma_start3A_296 = tpu.memref_slice %run_scoped3A[%rem3A_283, %dma_start3A_294, %dma_start3A_295] : memref<2x1x128xi32, #tpu.memory_space<vmem>> -> memref<1x1x128xi32, #tpu.memory_space<vmem>>
          %dma_start3A_297 = tpu.memref_squeeze %dma_start3A_296 : memref<1x1x128xi32, #tpu.memory_space<vmem>> -> memref<1x128xi32, #tpu.memory_space<vmem>>
          %dma_start3A_298 = arith.constant 0 : i32
          %dma_start3A_299 = tpu.memref_slice %arg5[%dma_start3A_298, %mul3A_285] : memref<1x65536xi32, #tpu.memory_space<hbm>> -> memref<1x128xi32, #tpu.memory_space<hbm>>
          tpu.enqueue_dma source(%dma_start3A_299 : memref<1x128xi32, #tpu.memory_space<hbm>>) target(%dma_start3A_297 : memref<1x128xi32, #tpu.memory_space<vmem>>) target_semaphore(%dma_start3A_293 : memref<!tpu.dma_semaphore, #tpu.memory_space<semaphore_mem>>)
          "tpu.trace_stop"() : () -> ()
        } else {
        }
        %and3A_181 = arith.constant true
        %and3A_182 = arith.andi %and3A, %and3A_181 : i1
        %add3A_183 = arith.constant 1 : i32
        %add3A_184 = arith.addi %scan3A_140, %add3A_183 : i32
        %select_n3A_185 = arith.select %and3A_182, %add3A_184, %scan3A_140 : i32
        %ne3A_186 = arith.cmpi ne, %add3A_149, %add3A_167 : i32
        %or3A_187 = arith.constant false
        %or3A_188 = arith.ori %or3A_187, %ne3A_186 : i1
        %or3A_189 = arith.constant false
        %or3A_190 = arith.ori %or3A_188, %or3A_189 : i1
        %ge3A_191 = arith.constant 15 : i32
        %ge3A_192 = arith.cmpi sge, %scan3A_139, %ge3A_191 : i32
        %not3A_193 = arith.constant true
        %not3A_194 = arith.xori %ge3A_192, %not3A_193 : i1
        %and3A_195 = arith.andi %or3A_190, %not3A_194 : i1
        %ne3A_196 = arith.cmpi ne, %add3A_149, %add3A_158 : i32
        %or3A_197 = arith.constant false
        %or3A_198 = arith.ori %or3A_197, %ne3A_196 : i1
        %or3A_199 = arith.ori %or3A_198, %eq3A_146 : i1
        %convert_element_type3A_200 = arith.extui %or3A_199 : i1 to i32
        %cond3A_201 = arith.constant 0 : i32
        %cond3A_202 = arith.cmpi ne, %convert_element_type3A_200, %cond3A_201 : i32
        scf.if %cond3A_202 {
          "tpu.trace_start"() <{level = 10 : i32, message = "ep_wait_in"}> : () -> ()
          %mul3A_282 = arith.constant 128 : i32
          %mul3A_283 = arith.muli %mul3A_282, %add3A_149 : i32
          %rem3A_284 = arith.constant 2 : i32
          %rem3A_285 = arith.remui %scan3A_141, %rem3A_284 : i32
          %dma_wait3A_286 = arith.constant 0 : i32
          %dma_wait3A_287 = arith.constant 0 : i32
          %dma_wait3A_288 = tpu.memref_slice %run_scoped3A[%rem3A_285, %dma_wait3A_286, %dma_wait3A_287] : memref<2x1x128xi32, #tpu.memory_space<vmem>> -> memref<1x1x128xi32, #tpu.memory_space<vmem>>
          %dma_wait3A_289 = tpu.memref_squeeze %dma_wait3A_288 : memref<1x1x128xi32, #tpu.memory_space<vmem>> -> memref<1x128xi32, #tpu.memory_space<vmem>>
          %dma_wait3A_290 = arith.constant 0 : i32
          %dma_wait3A_291 = tpu.memref_slice %arg5[%dma_wait3A_290, %mul3A_283] : memref<1x65536xi32, #tpu.memory_space<hbm>> -> memref<1x128xi32, #tpu.memory_space<hbm>>
          %dma_wait3A_292 = tpu.memref_slice %run_scoped3A_25[%rem3A_285] : memref<2x!tpu.dma_semaphore, #tpu.memory_space<semaphore_mem>> -> memref<1x!tpu.dma_semaphore, #tpu.memory_space<semaphore_mem>>
          %dma_wait3A_293 = tpu.memref_squeeze %dma_wait3A_292 : memref<1x!tpu.dma_semaphore, #tpu.memory_space<semaphore_mem>> -> memref<!tpu.dma_semaphore, #tpu.memory_space<semaphore_mem>>
          %dma_wait3A_294 = arith.constant 0 : i32
          %dma_wait3A_295 = arith.constant 0 : i32
          %dma_wait3A_296 = tpu.memref_slice %run_scoped3A[%rem3A_285, %dma_wait3A_294, %dma_wait3A_295] : memref<2x1x128xi32, #tpu.memory_space<vmem>> -> memref<1x1x128xi32, #tpu.memory_space<vmem>>
          %dma_wait3A_297 = tpu.memref_squeeze %dma_wait3A_296 : memref<1x1x128xi32, #tpu.memory_space<vmem>> -> memref<1x128xi32, #tpu.memory_space<vmem>>
          %dma_wait3A_298 = arith.constant 0 : i32
          %dma_wait3A_299 = tpu.memref_slice %arg5[%dma_wait3A_298, %mul3A_283] : memref<1x65536xi32, #tpu.memory_space<hbm>> -> memref<1x128xi32, #tpu.memory_space<hbm>>
          tpu.wait_dma2 semaphore(%dma_wait3A_293 : memref<!tpu.dma_semaphore, #tpu.memory_space<semaphore_mem>>) src(%dma_wait3A_299 : memref<1x128xi32, #tpu.memory_space<hbm>>) dst(%dma_wait3A_297 : memref<1x128xi32, #tpu.memory_space<vmem>>)
          "tpu.trace_stop"() : () -> ()
        } else {
        }
        %ne3A_203 = arith.cmpi ne, %add3A_149, %add3A_158 : i32
        %or3A_204 = arith.constant false
        %or3A_205 = arith.ori %or3A_204, %ne3A_203 : i1
        %or3A_206 = arith.constant false
        %or3A_207 = arith.ori %or3A_205, %or3A_206 : i1
        %or3A_208 = arith.ori %or3A_207, %eq3A_146 : i1
        %convert_element_type3A_209 = arith.extui %or3A_208 : i1 to i32
        %cond3A_210 = arith.constant 0 : i32
        %cond3A_211 = arith.cmpi ne, %convert_element_type3A_209, %cond3A_210 : i32
        scf.if %cond3A_211 {
        } else {
        }
        %rem3A_212 = arith.constant 2 : i32
        %rem3A_213 = arith.remui %scan3A_141, %rem3A_212 : i32
        %rem3A_214 = arith.constant 2 : i32
        %rem3A_215 = arith.remui %scan3A_142, %rem3A_214 : i32
        %run_scoped3A_216 = arith.constant 0 : i32
        "tpu.trace_start"() <{level = 10 : i32, message = "ep_run_kernel"}> : () -> ()
        "tpu.region"() ({
          %run_scoped3A_282 = tpu.sem_alloc : memref<!tpu.dma_semaphore, #tpu.memory_space<semaphore_mem>>
          %dma_start3A_283 = arith.constant 0 : i32
          %dma_start3A_284 = arith.constant 0 : i32
          %dma_start3A_285 = tpu.memref_slice %run_scoped3A_26[%rem3A_215, %dma_start3A_283, %dma_start3A_284] : memref<2x128x128xf32, #tpu.memory_space<vmem>> -> memref<1x128x128xf32, #tpu.memory_space<vmem>>
          %dma_start3A_286 = tpu.memref_squeeze %dma_start3A_285 : memref<1x128x128xf32, #tpu.memory_space<vmem>> -> memref<128x128xf32, #tpu.memory_space<vmem>>
          %dma_start3A_287 = arith.constant 0 : i32
          %dma_start3A_288 = arith.constant 0 : i32
          %dma_start3A_289 = tpu.memref_slice %run_scoped3A[%rem3A_213, %dma_start3A_287, %dma_start3A_288] : memref<2x1x128xi32, #tpu.memory_space<vmem>> -> memref<1x1x128xi32, #tpu.memory_space<vmem>>
          %dma_start3A_290 = tpu.memref_squeeze %dma_start3A_289 : memref<1x1x128xi32, #tpu.memory_space<vmem>> -> memref<1x128xi32, #tpu.memory_space<vmem>>
          %dma_start3A_291 = arith.constant 0 : i32
          %dma_start3A_292 = tpu.memref_slice %dma_start3A_290[%run_scoped3A_216, %dma_start3A_291] : memref<1x128xi32, #tpu.memory_space<vmem>> -> memref<1x128xi32, #tpu.memory_space<vmem>>
          %dma_start3A_293 = tpu.memref_squeeze %dma_start3A_292 : memref<1x128xi32, #tpu.memory_space<vmem>> -> memref<128xi32, #tpu.memory_space<vmem>>
          %dma_start3A_294 = arith.constant 0 : i32
          %dma_start3A_295 = arith.constant 0 : i32
          %dma_start3A_296 = tpu.memref_slice %arg4[%dma_start3A_294, %dma_start3A_295] : memref<8192x128xf32, #tpu.memory_space<hbm>> -> memref<8192x128xf32, #tpu.memory_space<hbm>>
          tpu.enqueue_indirect_dma source(%dma_start3A_296 : memref<8192x128xf32, #tpu.memory_space<hbm>>) target(%dma_start3A_286 : memref<128x128xf32, #tpu.memory_space<vmem>>) offsets(%dma_start3A_293 : memref<128xi32, #tpu.memory_space<vmem>>) semaphore(%run_scoped3A_282 : memref<!tpu.dma_semaphore, #tpu.memory_space<semaphore_mem>>)
          %dma_wait3A_297 = arith.constant 0 : i32
          %dma_wait3A_298 = arith.constant 0 : i32
          %dma_wait3A_299 = tpu.memref_slice %run_scoped3A_26[%rem3A_215, %dma_wait3A_297, %dma_wait3A_298] : memref<2x128x128xf32, #tpu.memory_space<vmem>> -> memref<1x128x128xf32, #tpu.memory_space<vmem>>
          %dma_wait3A_300 = tpu.memref_squeeze %dma_wait3A_299 : memref<1x128x128xf32, #tpu.memory_space<vmem>> -> memref<128x128xf32, #tpu.memory_space<vmem>>
          %dma_wait3A_301 = arith.constant 0 : i32
          %dma_wait3A_302 = arith.constant 0 : i32
          %dma_wait3A_303 = tpu.memref_slice %run_scoped3A[%rem3A_213, %dma_wait3A_301, %dma_wait3A_302] : memref<2x1x128xi32, #tpu.memory_space<vmem>> -> memref<1x1x128xi32, #tpu.memory_space<vmem>>
          %dma_wait3A_304 = tpu.memref_squeeze %dma_wait3A_303 : memref<1x1x128xi32, #tpu.memory_space<vmem>> -> memref<1x128xi32, #tpu.memory_space<vmem>>
          %dma_wait3A_305 = arith.constant 0 : i32
          %dma_wait3A_306 = tpu.memref_slice %dma_wait3A_304[%run_scoped3A_216, %dma_wait3A_305] : memref<1x128xi32, #tpu.memory_space<vmem>> -> memref<1x128xi32, #tpu.memory_space<vmem>>
          %dma_wait3A_307 = tpu.memref_squeeze %dma_wait3A_306 : memref<1x128xi32, #tpu.memory_space<vmem>> -> memref<128xi32, #tpu.memory_space<vmem>>
          %dma_wait3A_308 = arith.constant 0 : i32
          %dma_wait3A_309 = arith.constant 0 : i32
          %dma_wait3A_310 = tpu.memref_slice %arg4[%dma_wait3A_308, %dma_wait3A_309] : memref<8192x128xf32, #tpu.memory_space<hbm>> -> memref<8192x128xf32, #tpu.memory_space<hbm>>
          tpu.wait_indirect_dma semaphore(%run_scoped3A_282 : memref<!tpu.dma_semaphore, #tpu.memory_space<semaphore_mem>>) src(%dma_wait3A_310 : memref<8192x128xf32, #tpu.memory_space<hbm>>) dst(%dma_wait3A_300 : memref<128x128xf32, #tpu.memory_space<vmem>>)
          tpu.yield
        }) : () -> ()
        "tpu.trace_stop"() : () -> ()
        %ne3A_217 = arith.cmpi ne, %add3A_149, %add3A_167 : i32
        %or3A_218 = arith.constant false
        %or3A_219 = arith.ori %or3A_218, %ne3A_217 : i1
        %or3A_220 = arith.ori %or3A_219, %eq3A_148 : i1
        %convert_element_type3A_221 = arith.extui %or3A_220 : i1 to i32
        %cond3A_222 = arith.constant 0 : i32
        %cond3A_223 = arith.cmpi ne, %convert_element_type3A_221, %cond3A_222 : i32
        scf.if %cond3A_223 {
        } else {
        }
        %and3A_224 = arith.constant false
        %and3A_225 = arith.andi %or3A_220, %and3A_224 : i1
        %ne3A_226 = arith.cmpi ne, %add3A_149, %add3A_167 : i32
        %or3A_227 = arith.constant false
        %or3A_228 = arith.ori %or3A_227, %ne3A_226 : i1
        %or3A_229 = arith.constant false
        %or3A_230 = arith.ori %or3A_228, %or3A_229 : i1
        %or3A_231 = arith.ori %or3A_230, %eq3A_148 : i1
        %convert_element_type3A_232 = arith.extui %or3A_231 : i1 to i32
        %cond3A_233 = arith.constant 0 : i32
        %cond3A_234 = arith.cmpi ne, %convert_element_type3A_232, %cond3A_233 : i32
        scf.if %cond3A_234 {
          "tpu.trace_start"() <{level = 10 : i32, message = "ep_copy_out"}> : () -> ()
          %rem3A_282 = arith.constant 2 : i32
          %rem3A_283 = arith.remui %scan3A_142, %rem3A_282 : i32
          %mul3A_284 = arith.constant 128 : i32
          %mul3A_285 = arith.muli %mul3A_284, %add3A_149 : i32
          %dma_start3A_286 = arith.constant 0 : i32
          %dma_start3A_287 = arith.constant 0 : i32
          %dma_start3A_288 = tpu.memref_slice %run_scoped3A_26[%rem3A_283, %dma_start3A_286, %dma_start3A_287] : memref<2x128x128xf32, #tpu.memory_space<vmem>> -> memref<1x128x128xf32, #tpu.memory_space<vmem>>
          %dma_start3A_289 = tpu.memref_squeeze %dma_start3A_288 : memref<1x128x128xf32, #tpu.memory_space<vmem>> -> memref<128x128xf32, #tpu.memory_space<vmem>>
          %dma_start3A_290 = arith.constant 0 : i32
          %dma_start3A_291 = tpu.memref_slice %arg8[%mul3A_285, %dma_start3A_290] : memref<65536x128xf32, #tpu.memory_space<hbm>> -> memref<128x128xf32, #tpu.memory_space<hbm>>
          %dma_start3A_292 = tpu.memref_slice %run_scoped3A_27[%rem3A_283] : memref<2x!tpu.dma_semaphore, #tpu.memory_space<semaphore_mem>> -> memref<1x!tpu.dma_semaphore, #tpu.memory_space<semaphore_mem>>
          %dma_start3A_293 = tpu.memref_squeeze %dma_start3A_292 : memref<1x!tpu.dma_semaphore, #tpu.memory_space<semaphore_mem>> -> memref<!tpu.dma_semaphore, #tpu.memory_space<semaphore_mem>>
          %dma_start3A_294 = arith.constant 0 : i32
          %dma_start3A_295 = tpu.memref_slice %arg8[%mul3A_285, %dma_start3A_294] : memref<65536x128xf32, #tpu.memory_space<hbm>> -> memref<128x128xf32, #tpu.memory_space<hbm>>
          %dma_start3A_296 = arith.constant 0 : i32
          %dma_start3A_297 = arith.constant 0 : i32
          %dma_start3A_298 = tpu.memref_slice %run_scoped3A_26[%rem3A_283, %dma_start3A_296, %dma_start3A_297] : memref<2x128x128xf32, #tpu.memory_space<vmem>> -> memref<1x128x128xf32, #tpu.memory_space<vmem>>
          %dma_start3A_299 = tpu.memref_squeeze %dma_start3A_298 : memref<1x128x128xf32, #tpu.memory_space<vmem>> -> memref<128x128xf32, #tpu.memory_space<vmem>>
          tpu.enqueue_dma source(%dma_start3A_299 : memref<128x128xf32, #tpu.memory_space<vmem>>) target(%dma_start3A_295 : memref<128x128xf32, #tpu.memory_space<hbm>>) target_semaphore(%dma_start3A_293 : memref<!tpu.dma_semaphore, #tpu.memory_space<semaphore_mem>>)
          "tpu.trace_stop"() : () -> ()
        } else {
        }
        %and3A_235 = arith.constant true
        %and3A_236 = arith.andi %or3A_231, %and3A_235 : i1
        %add3A_237 = arith.constant 1 : i32
        %add3A_238 = arith.addi %scan3A_142, %add3A_237 : i32
        %select_n3A_239 = arith.select %and3A_236, %add3A_238, %scan3A_142 : i32
        %ne3A_240 = arith.cmpi ne, %add3A_149, %add3A_158 : i32
        %or3A_241 = arith.constant false
        %or3A_242 = arith.ori %or3A_241, %ne3A_240 : i1
        %not3A_243 = arith.constant true
        %not3A_244 = arith.xori %eq3A_146, %not3A_243 : i1
        %and3A_245 = arith.andi %or3A_242, %not3A_244 : i1
        %convert_element_type3A_246 = arith.extui %and3A_245 : i1 to i32
        %cond3A_247 = arith.constant 0 : i32
        %cond3A_248 = arith.cmpi ne, %convert_element_type3A_246, %cond3A_247 : i32
        scf.if %cond3A_248 {
        } else {
        }
        %and3A_249 = arith.constant false
        %and3A_250 = arith.andi %and3A_245, %and3A_249 : i1
        %ne3A_251 = arith.cmpi ne, %add3A_149, %add3A_158 : i32
        %or3A_252 = arith.constant false
        %or3A_253 = arith.ori %or3A_252, %ne3A_251 : i1
        %or3A_254 = arith.constant false
        %or3A_255 = arith.ori %or3A_253, %or3A_254 : i1
        %not3A_256 = arith.constant true
        %not3A_257 = arith.xori %eq3A_146, %not3A_256 : i1
        %and3A_258 = arith.andi %or3A_255, %not3A_257 : i1
        %convert_element_type3A_259 = arith.extui %and3A_258 : i1 to i32
        %cond3A_260 = arith.constant 0 : i32
        %cond3A_261 = arith.cmpi ne, %convert_element_type3A_259, %cond3A_260 : i32
        scf.if %cond3A_261 {
          "tpu.trace_start"() <{level = 10 : i32, message = "ep_wait_out"}> : () -> ()
          %rem3A_282 = arith.constant 2 : i32
          %rem3A_283 = arith.remui %scan3A_143, %rem3A_282 : i32
          %mul3A_284 = arith.constant 128 : i32
          %mul3A_285 = arith.muli %mul3A_284, %add3A_158 : i32
          %dma_wait3A_286 = arith.constant 0 : i32
          %dma_wait3A_287 = arith.constant 0 : i32
          %dma_wait3A_288 = tpu.memref_slice %run_scoped3A_26[%rem3A_283, %dma_wait3A_286, %dma_wait3A_287] : memref<2x128x128xf32, #tpu.memory_space<vmem>> -> memref<1x128x128xf32, #tpu.memory_space<vmem>>
          %dma_wait3A_289 = tpu.memref_squeeze %dma_wait3A_288 : memref<1x128x128xf32, #tpu.memory_space<vmem>> -> memref<128x128xf32, #tpu.memory_space<vmem>>
          %dma_wait3A_290 = arith.constant 0 : i32
          %dma_wait3A_291 = tpu.memref_slice %arg8[%mul3A_285, %dma_wait3A_290] : memref<65536x128xf32, #tpu.memory_space<hbm>> -> memref<128x128xf32, #tpu.memory_space<hbm>>
          %dma_wait3A_292 = tpu.memref_slice %run_scoped3A_27[%rem3A_283] : memref<2x!tpu.dma_semaphore, #tpu.memory_space<semaphore_mem>> -> memref<1x!tpu.dma_semaphore, #tpu.memory_space<semaphore_mem>>
          %dma_wait3A_293 = tpu.memref_squeeze %dma_wait3A_292 : memref<1x!tpu.dma_semaphore, #tpu.memory_space<semaphore_mem>> -> memref<!tpu.dma_semaphore, #tpu.memory_space<semaphore_mem>>
          %dma_wait3A_294 = arith.constant 0 : i32
          %dma_wait3A_295 = tpu.memref_slice %arg8[%mul3A_285, %dma_wait3A_294] : memref<65536x128xf32, #tpu.memory_space<hbm>> -> memref<128x128xf32, #tpu.memory_space<hbm>>
          %dma_wait3A_296 = arith.constant 0 : i32
          %dma_wait3A_297 = arith.constant 0 : i32
          %dma_wait3A_298 = tpu.memref_slice %run_scoped3A_26[%rem3A_283, %dma_wait3A_296, %dma_wait3A_297] : memref<2x128x128xf32, #tpu.memory_space<vmem>> -> memref<1x128x128xf32, #tpu.memory_space<vmem>>
          %dma_wait3A_299 = tpu.memref_squeeze %dma_wait3A_298 : memref<1x128x128xf32, #tpu.memory_space<vmem>> -> memref<128x128xf32, #tpu.memory_space<vmem>>
          tpu.wait_dma2 semaphore(%dma_wait3A_293 : memref<!tpu.dma_semaphore, #tpu.memory_space<semaphore_mem>>) src(%dma_wait3A_299 : memref<128x128xf32, #tpu.memory_space<vmem>>) dst(%dma_wait3A_295 : memref<128x128xf32, #tpu.memory_space<hbm>>)
          "tpu.trace_stop"() : () -> ()
        } else {
        }
        %and3A_262 = arith.constant true
        %and3A_263 = arith.andi %and3A_258, %and3A_262 : i1
        %add3A_264 = arith.constant 1 : i32
        %add3A_265 = arith.addi %scan3A_143, %add3A_264 : i32
        %select_n3A_266 = arith.select %and3A_263, %add3A_265, %scan3A_143 : i32
        %ne3A_267 = arith.cmpi ne, %add3A_149, %add3A_167 : i32
        %or3A_268 = arith.constant false
        %or3A_269 = arith.ori %or3A_268, %ne3A_267 : i1
        %or3A_270 = arith.ori %or3A_269, %eq3A_148 : i1
        %add3A_271 = arith.constant 1 : i32
        %add3A_272 = arith.addi %scan3A_141, %add3A_271 : i32
        %select_n3A_273 = arith.select %or3A_270, %add3A_272, %scan3A_141 : i32
        %add3A_274 = arith.constant 1 : i32
        %add3A_275 = arith.addi %scan3A_144, %add3A_274 : i32
        %select_n3A_276 = arith.constant true
        %select_n3A_277 = arith.select %select_n3A_276, %add3A_275, %scan3A_144 : i32
        %eq3A_278 = arith.constant 16 : i32
        %eq3A_279 = arith.cmpi eq, %select_n3A_277, %eq3A_278 : i32
        %select_n3A_280 = arith.constant 0 : i32
        %select_n3A_281 = arith.select %eq3A_279, %select_n3A_280, %select_n3A_277 : i32
        scf.yield %select_n3A_185, %select_n3A_273, %select_n3A_239, %select_n3A_266, %select_n3A_281 : i32, i32, i32, i32, i32
      }
      %scan3A_86 = arith.constant 16 : i32
      %sub3A = arith.constant 1 : i32
      %sub3A_87 = arith.subi %scan3A_85#4, %sub3A : i32
      %select_n3A_88 = arith.constant true
      %select_n3A_89 = arith.select %select_n3A_88, %sub3A_87, %scan3A_85#4 : i32
      %eq3A_90 = arith.constant -1 : i32
      %eq3A_91 = arith.cmpi eq, %select_n3A_89, %eq3A_90 : i32
      %select_n3A_92 = arith.constant 15 : i32
      %select_n3A_93 = arith.select %eq3A_91, %select_n3A_92, %select_n3A_89 : i32
      %add3A_94 = arith.addi %select_n3A_93, %mul3A_24 : i32
      %sub3A_95 = arith.constant 1 : i32
      %sub3A_96 = arith.subi %select_n3A_93, %sub3A_95 : i32
      %select_n3A_97 = arith.constant true
      %select_n3A_98 = arith.select %select_n3A_97, %sub3A_96, %select_n3A_93 : i32
      %eq3A_99 = arith.constant -1 : i32
      %eq3A_100 = arith.cmpi eq, %select_n3A_98, %eq3A_99 : i32
      %select_n3A_101 = arith.constant 15 : i32
      %select_n3A_102 = arith.select %eq3A_100, %select_n3A_101, %select_n3A_98 : i32
      %add3A_103 = arith.addi %select_n3A_102, %mul3A_24 : i32
      %add3A_104 = arith.constant 1 : i32
      %add3A_105 = arith.addi %select_n3A_93, %add3A_104 : i32
      %select_n3A_106 = arith.constant true
      %select_n3A_107 = arith.select %select_n3A_106, %add3A_105, %select_n3A_93 : i32
      %eq3A_108 = arith.constant 16 : i32
      %eq3A_109 = arith.cmpi eq, %select_n3A_107, %eq3A_108 : i32
      %select_n3A_110 = arith.constant 0 : i32
      %select_n3A_111 = arith.select %eq3A_109, %select_n3A_110, %select_n3A_107 : i32
      %add3A_112 = arith.addi %select_n3A_111, %mul3A_24 : i32
      %add3A_113 = arith.constant 1 : i32
      %add3A_114 = arith.addi %select_n3A_111, %add3A_113 : i32
      %select_n3A_115 = arith.constant true
      %select_n3A_116 = arith.select %select_n3A_115, %add3A_114, %select_n3A_111 : i32
      %eq3A_117 = arith.constant 16 : i32
      %eq3A_118 = arith.cmpi eq, %select_n3A_116, %eq3A_117 : i32
      %select_n3A_119 = arith.constant 0 : i32
      %select_n3A_120 = arith.select %eq3A_118, %select_n3A_119, %select_n3A_116 : i32
      %add3A_121 = arith.addi %select_n3A_120, %mul3A_24 : i32
      "tpu.trace_start"() <{level = 10 : i32, message = "ep_finalize"}> : () -> ()
      %rem3A_122 = arith.constant 2 : i32
      %rem3A_123 = arith.remui %scan3A_85#3, %rem3A_122 : i32
      %mul3A_124 = arith.constant 128 : i32
      %mul3A_125 = arith.muli %mul3A_124, %add3A_94 : i32
      %dma_wait3A = arith.constant 0 : i32
      %dma_wait3A_126 = arith.constant 0 : i32
      %dma_wait3A_127 = tpu.memref_slice %run_scoped3A_26[%rem3A_123, %dma_wait3A, %dma_wait3A_126] : memref<2x128x128xf32, #tpu.memory_space<vmem>> -> memref<1x128x128xf32, #tpu.memory_space<vmem>>
      %dma_wait3A_128 = tpu.memref_squeeze %dma_wait3A_127 : memref<1x128x128xf32, #tpu.memory_space<vmem>> -> memref<128x128xf32, #tpu.memory_space<vmem>>
      %dma_wait3A_129 = arith.constant 0 : i32
      %dma_wait3A_130 = tpu.memref_slice %arg8[%mul3A_125, %dma_wait3A_129] : memref<65536x128xf32, #tpu.memory_space<hbm>> -> memref<128x128xf32, #tpu.memory_space<hbm>>
      %dma_wait3A_131 = tpu.memref_slice %run_scoped3A_27[%rem3A_123] : memref<2x!tpu.dma_semaphore, #tpu.memory_space<semaphore_mem>> -> memref<1x!tpu.dma_semaphore, #tpu.memory_space<semaphore_mem>>
      %dma_wait3A_132 = tpu.memref_squeeze %dma_wait3A_131 : memref<1x!tpu.dma_semaphore, #tpu.memory_space<semaphore_mem>> -> memref<!tpu.dma_semaphore, #tpu.memory_space<semaphore_mem>>
      %dma_wait3A_133 = arith.constant 0 : i32
      %dma_wait3A_134 = tpu.memref_slice %arg8[%mul3A_125, %dma_wait3A_133] : memref<65536x128xf32, #tpu.memory_space<hbm>> -> memref<128x128xf32, #tpu.memory_space<hbm>>
      %dma_wait3A_135 = arith.constant 0 : i32
      %dma_wait3A_136 = arith.constant 0 : i32
      %dma_wait3A_137 = tpu.memref_slice %run_scoped3A_26[%rem3A_123, %dma_wait3A_135, %dma_wait3A_136] : memref<2x128x128xf32, #tpu.memory_space<vmem>> -> memref<1x128x128xf32, #tpu.memory_space<vmem>>
      %dma_wait3A_138 = tpu.memref_squeeze %dma_wait3A_137 : memref<1x128x128xf32, #tpu.memory_space<vmem>> -> memref<128x128xf32, #tpu.memory_space<vmem>>
      tpu.wait_dma2 semaphore(%dma_wait3A_132 : memref<!tpu.dma_semaphore, #tpu.memory_space<semaphore_mem>>) src(%dma_wait3A_138 : memref<128x128xf32, #tpu.memory_space<vmem>>) dst(%dma_wait3A_134 : memref<128x128xf32, #tpu.memory_space<hbm>>)
      "tpu.trace_stop"() : () -> ()
      tpu.yield
    }) : () -> ()
    return
  }
}

#map = affine_map<(d0, d1) -> (0, 0)>
module attributes {stable_mosaic.version = 14 : i64} {
  func.func @gather_kernel(%arg0: i32, %arg1: i32, %arg2: memref<8192x256xf32, #tpu.memory_space<hbm>>, %arg3: memref<8192x256xf32, #tpu.memory_space<hbm>>, %arg4: memref<8192x128xf32, #tpu.memory_space<hbm>>, %arg5: memref<1x65536xi32, #tpu.memory_space<hbm>>, %arg6: memref<65536x256xf32, #tpu.memory_space<hbm>>, %arg7: memref<65536x256xf32, #tpu.memory_space<hbm>>, %arg8: memref<65536x128xf32, #tpu.memory_space<hbm>>) attributes {dimension_semantics = [#tpu.dimension_semantics<core_parallel>, #tpu.dimension_semantics<subcore_parallel>], iteration_bounds = array<i64: 2, 16>, scalar_prefetch = 0 : i64, scratch_operands = 0 : i64, tpu.core_type = #tpu.core_type<sc_vector_subcore>, window_params = [{transform_indices = #map}, {transform_indices = #map}, {transform_indices = #map}, {transform_indices = #map}, {transform_indices = #map}, {transform_indices = #map}, {transform_indices = #map}]} {
    %mul3A = arith.constant 1 : i32
    %mul3A_0 = arith.muli %arg1, %mul3A : i32
    %add3A = arith.constant 0 : i32
    %add3A_1 = arith.addi %add3A, %mul3A_0 : i32
    %mul3A_2 = arith.constant 16 : i32
    %mul3A_3 = arith.muli %arg0, %mul3A_2 : i32
    %add3A_4 = arith.addi %add3A_1, %mul3A_3 : i32
    %mul3A_5 = arith.constant 16 : i32
    %mul3A_6 = arith.muli %add3A_4, %mul3A_5 : i32
    "tpu.region"() ({
      %run_scoped3A = memref.alloca() : memref<2x1x128xi32, #tpu.memory_space<vmem>>
      %run_scoped3A_25 = tpu.sem_alloc : memref<2x!tpu.dma_semaphore, #tpu.memory_space<semaphore_mem>>
      %run_scoped3A_26 = memref.alloca() : memref<2x128x256xf32, #tpu.memory_space<vmem>>
      %run_scoped3A_27 = tpu.sem_alloc : memref<2x!tpu.dma_semaphore, #tpu.memory_space<semaphore_mem>>
      %add3A_28 = arith.constant 0 : i32
      %add3A_29 = arith.addi %add3A_28, %mul3A_6 : i32
      %select_n3A = arith.constant true
      %select_n3A_30 = arith.constant 0 : i32
      %select_n3A_31 = arith.constant -1 : i32
      %select_n3A_32 = arith.select %select_n3A, %select_n3A_31, %select_n3A_30 : i32
      %eq3A = arith.constant -1 : i32
      %eq3A_33 = arith.cmpi eq, %select_n3A_32, %eq3A : i32
      %select_n3A_34 = arith.constant 15 : i32
      %select_n3A_35 = arith.select %eq3A_33, %select_n3A_34, %select_n3A_32 : i32
      %add3A_36 = arith.addi %select_n3A_35, %mul3A_6 : i32
      %select_n3A_37 = arith.constant true
      %select_n3A_38 = arith.constant 0 : i32
      %select_n3A_39 = arith.constant 1 : i32
      %select_n3A_40 = arith.select %select_n3A_37, %select_n3A_39, %select_n3A_38 : i32
      %eq3A_41 = arith.constant 16 : i32
      %eq3A_42 = arith.cmpi eq, %select_n3A_40, %eq3A_41 : i32
      %select_n3A_43 = arith.constant 0 : i32
      %select_n3A_44 = arith.select %eq3A_42, %select_n3A_43, %select_n3A_40 : i32
      %add3A_45 = arith.addi %select_n3A_44, %mul3A_6 : i32
      %add3A_46 = arith.constant 1 : i32
      %add3A_47 = arith.addi %select_n3A_44, %add3A_46 : i32
      %select_n3A_48 = arith.constant true
      %select_n3A_49 = arith.select %select_n3A_48, %add3A_47, %select_n3A_44 : i32
      %eq3A_50 = arith.constant 16 : i32
      %eq3A_51 = arith.cmpi eq, %select_n3A_49, %eq3A_50 : i32
      %select_n3A_52 = arith.constant 0 : i32
      %select_n3A_53 = arith.select %eq3A_51, %select_n3A_52, %select_n3A_49 : i32
      %add3A_54 = arith.addi %select_n3A_53, %mul3A_6 : i32
      "tpu.trace_start"() <{level = 10 : i32, message = "ep_initialize_0"}> : () -> ()
      %rem3A = arith.constant 0 : i32
      %rem3A_55 = arith.constant 2 : i32
      %rem3A_56 = arith.remui %rem3A, %rem3A_55 : i32
      %mul3A_57 = arith.constant 128 : i32
      %mul3A_58 = arith.muli %mul3A_57, %add3A_29 : i32
      %dma_start3A = arith.constant 0 : i32
      %dma_start3A_59 = arith.constant 0 : i32
      %dma_start3A_60 = tpu.memref_slice %run_scoped3A[%rem3A_56, %dma_start3A, %dma_start3A_59] : memref<2x1x128xi32, #tpu.memory_space<vmem>> -> memref<1x1x128xi32, #tpu.memory_space<vmem>>
      %dma_start3A_61 = tpu.memref_squeeze %dma_start3A_60 : memref<1x1x128xi32, #tpu.memory_space<vmem>> -> memref<1x128xi32, #tpu.memory_space<vmem>>
      %dma_start3A_62 = arith.constant 0 : i32
      %dma_start3A_63 = tpu.memref_slice %arg5[%dma_start3A_62, %mul3A_58] : memref<1x65536xi32, #tpu.memory_space<hbm>> -> memref<1x128xi32, #tpu.memory_space<hbm>>
      %dma_start3A_64 = tpu.memref_slice %run_scoped3A_25[%rem3A_56] : memref<2x!tpu.dma_semaphore, #tpu.memory_space<semaphore_mem>> -> memref<1x!tpu.dma_semaphore, #tpu.memory_space<semaphore_mem>>
      %dma_start3A_65 = tpu.memref_squeeze %dma_start3A_64 : memref<1x!tpu.dma_semaphore, #tpu.memory_space<semaphore_mem>> -> memref<!tpu.dma_semaphore, #tpu.memory_space<semaphore_mem>>
      %dma_start3A_66 = arith.constant 0 : i32
      %dma_start3A_67 = arith.constant 0 : i32
      %dma_start3A_68 = tpu.memref_slice %run_scoped3A[%rem3A_56, %dma_start3A_66, %dma_start3A_67] : memref<2x1x128xi32, #tpu.memory_space<vmem>> -> memref<1x1x128xi32, #tpu.memory_space<vmem>>
      %dma_start3A_69 = tpu.memref_squeeze %dma_start3A_68 : memref<1x1x128xi32, #tpu.memory_space<vmem>> -> memref<1x128xi32, #tpu.memory_space<vmem>>
      %dma_start3A_70 = arith.constant 0 : i32
      %dma_start3A_71 = tpu.memref_slice %arg5[%dma_start3A_70, %mul3A_58] : memref<1x65536xi32, #tpu.memory_space<hbm>> -> memref<1x128xi32, #tpu.memory_space<hbm>>
      tpu.enqueue_dma source(%dma_start3A_71 : memref<1x128xi32, #tpu.memory_space<hbm>>) target(%dma_start3A_69 : memref<1x128xi32, #tpu.memory_space<vmem>>) target_semaphore(%dma_start3A_65 : memref<!tpu.dma_semaphore, #tpu.memory_space<semaphore_mem>>)
      %add3A_72 = arith.constant 0 : i32
      %add3A_73 = arith.constant 1 : i32
      %add3A_74 = arith.addi %add3A_72, %add3A_73 : i32
      %select_n3A_75 = arith.constant true
      %select_n3A_76 = arith.constant 0 : i32
      %select_n3A_77 = arith.select %select_n3A_75, %add3A_74, %select_n3A_76 : i32
      "tpu.trace_stop"() : () -> ()
      %scan3A = arith.constant 0 : i32
      %scan3A_78 = arith.constant 0 : i32
      %scan3A_79 = arith.constant 0 : i32
      %scan3A_80 = arith.constant 0 : i32
      %scan3A_81 = arith.constant 0 : i32
      %scan3A_82 = arith.constant 16 : i32
      %scan3A_83 = arith.addi %scan3A_81, %scan3A_82 : i32
      %scan3A_84 = arith.constant 1 : i32
      %scan3A_85:5 = scf.for %scan3A_139 = %scan3A_81 to %scan3A_83 step %scan3A_84 iter_args(%scan3A_140 = %select_n3A_77, %scan3A_141 = %scan3A, %scan3A_142 = %scan3A_78, %scan3A_143 = %scan3A_79, %scan3A_144 = %scan3A_80) -> (i32, i32, i32, i32, i32)  : i32 {
        %eq3A_145 = arith.constant 0 : i32
        %eq3A_146 = arith.cmpi eq, %scan3A_139, %eq3A_145 : i32
        %eq3A_147 = arith.constant 15 : i32
        %eq3A_148 = arith.cmpi eq, %scan3A_139, %eq3A_147 : i32
        %add3A_149 = arith.addi %scan3A_144, %mul3A_6 : i32
        %sub3A_150 = arith.constant 1 : i32
        %sub3A_151 = arith.subi %scan3A_144, %sub3A_150 : i32
        %select_n3A_152 = arith.constant true
        %select_n3A_153 = arith.select %select_n3A_152, %sub3A_151, %scan3A_144 : i32
        %eq3A_154 = arith.constant -1 : i32
        %eq3A_155 = arith.cmpi eq, %select_n3A_153, %eq3A_154 : i32
        %select_n3A_156 = arith.constant 15 : i32
        %select_n3A_157 = arith.select %eq3A_155, %select_n3A_156, %select_n3A_153 : i32
        %add3A_158 = arith.addi %select_n3A_157, %mul3A_6 : i32
        %add3A_159 = arith.constant 1 : i32
        %add3A_160 = arith.addi %scan3A_144, %add3A_159 : i32
        %select_n3A_161 = arith.constant true
        %select_n3A_162 = arith.select %select_n3A_161, %add3A_160, %scan3A_144 : i32
        %eq3A_163 = arith.constant 16 : i32
        %eq3A_164 = arith.cmpi eq, %select_n3A_162, %eq3A_163 : i32
        %select_n3A_165 = arith.constant 0 : i32
        %select_n3A_166 = arith.select %eq3A_164, %select_n3A_165, %select_n3A_162 : i32
        %add3A_167 = arith.addi %select_n3A_166, %mul3A_6 : i32
        %add3A_168 = arith.constant 1 : i32
        %add3A_169 = arith.addi %select_n3A_166, %add3A_168 : i32
        %select_n3A_170 = arith.constant true
        %select_n3A_171 = arith.select %select_n3A_170, %add3A_169, %select_n3A_166 : i32
        %eq3A_172 = arith.constant 16 : i32
        %eq3A_173 = arith.cmpi eq, %select_n3A_171, %eq3A_172 : i32
        %select_n3A_174 = arith.constant 0 : i32
        %select_n3A_175 = arith.select %eq3A_173, %select_n3A_174, %select_n3A_171 : i32
        %add3A_176 = arith.addi %select_n3A_175, %mul3A_6 : i32
        %ne3A = arith.cmpi ne, %add3A_149, %add3A_167 : i32
        %or3A = arith.constant false
        %or3A_177 = arith.ori %or3A, %ne3A : i1
        %ge3A = arith.constant 15 : i32
        %ge3A_178 = arith.cmpi sge, %scan3A_139, %ge3A : i32
        %not3A = arith.constant true
        %not3A_179 = arith.xori %ge3A_178, %not3A : i1
        %and3A = arith.andi %or3A_177, %not3A_179 : i1
        %convert_element_type3A = arith.extui %and3A : i1 to i32
        %cond3A = arith.constant 0 : i32
        %cond3A_180 = arith.cmpi ne, %convert_element_type3A, %cond3A : i32
        scf.if %cond3A_180 {
          "tpu.trace_start"() <{level = 10 : i32, message = "ep_copy_in"}> : () -> ()
          %rem3A_282 = arith.constant 2 : i32
          %rem3A_283 = arith.remui %scan3A_140, %rem3A_282 : i32
          %mul3A_284 = arith.constant 128 : i32
          %mul3A_285 = arith.muli %mul3A_284, %add3A_167 : i32
          %dma_start3A_286 = arith.constant 0 : i32
          %dma_start3A_287 = arith.constant 0 : i32
          %dma_start3A_288 = tpu.memref_slice %run_scoped3A[%rem3A_283, %dma_start3A_286, %dma_start3A_287] : memref<2x1x128xi32, #tpu.memory_space<vmem>> -> memref<1x1x128xi32, #tpu.memory_space<vmem>>
          %dma_start3A_289 = tpu.memref_squeeze %dma_start3A_288 : memref<1x1x128xi32, #tpu.memory_space<vmem>> -> memref<1x128xi32, #tpu.memory_space<vmem>>
          %dma_start3A_290 = arith.constant 0 : i32
          %dma_start3A_291 = tpu.memref_slice %arg5[%dma_start3A_290, %mul3A_285] : memref<1x65536xi32, #tpu.memory_space<hbm>> -> memref<1x128xi32, #tpu.memory_space<hbm>>
          %dma_start3A_292 = tpu.memref_slice %run_scoped3A_25[%rem3A_283] : memref<2x!tpu.dma_semaphore, #tpu.memory_space<semaphore_mem>> -> memref<1x!tpu.dma_semaphore, #tpu.memory_space<semaphore_mem>>
          %dma_start3A_293 = tpu.memref_squeeze %dma_start3A_292 : memref<1x!tpu.dma_semaphore, #tpu.memory_space<semaphore_mem>> -> memref<!tpu.dma_semaphore, #tpu.memory_space<semaphore_mem>>
          %dma_start3A_294 = arith.constant 0 : i32
          %dma_start3A_295 = arith.constant 0 : i32
          %dma_start3A_296 = tpu.memref_slice %run_scoped3A[%rem3A_283, %dma_start3A_294, %dma_start3A_295] : memref<2x1x128xi32, #tpu.memory_space<vmem>> -> memref<1x1x128xi32, #tpu.memory_space<vmem>>
          %dma_start3A_297 = tpu.memref_squeeze %dma_start3A_296 : memref<1x1x128xi32, #tpu.memory_space<vmem>> -> memref<1x128xi32, #tpu.memory_space<vmem>>
          %dma_start3A_298 = arith.constant 0 : i32
          %dma_start3A_299 = tpu.memref_slice %arg5[%dma_start3A_298, %mul3A_285] : memref<1x65536xi32, #tpu.memory_space<hbm>> -> memref<1x128xi32, #tpu.memory_space<hbm>>
          tpu.enqueue_dma source(%dma_start3A_299 : memref<1x128xi32, #tpu.memory_space<hbm>>) target(%dma_start3A_297 : memref<1x128xi32, #tpu.memory_space<vmem>>) target_semaphore(%dma_start3A_293 : memref<!tpu.dma_semaphore, #tpu.memory_space<semaphore_mem>>)
          "tpu.trace_stop"() : () -> ()
        } else {
        }
        %and3A_181 = arith.constant true
        %and3A_182 = arith.andi %and3A, %and3A_181 : i1
        %add3A_183 = arith.constant 1 : i32
        %add3A_184 = arith.addi %scan3A_140, %add3A_183 : i32
        %select_n3A_185 = arith.select %and3A_182, %add3A_184, %scan3A_140 : i32
        %ne3A_186 = arith.cmpi ne, %add3A_149, %add3A_167 : i32
        %or3A_187 = arith.constant false
        %or3A_188 = arith.ori %or3A_187, %ne3A_186 : i1
        %or3A_189 = arith.constant false
        %or3A_190 = arith.ori %or3A_188, %or3A_189 : i1
        %ge3A_191 = arith.constant 15 : i32
        %ge3A_192 = arith.cmpi sge, %scan3A_139, %ge3A_191 : i32
        %not3A_193 = arith.constant true
        %not3A_194 = arith.xori %ge3A_192, %not3A_193 : i1
        %and3A_195 = arith.andi %or3A_190, %not3A_194 : i1
        %ne3A_196 = arith.cmpi ne, %add3A_149, %add3A_158 : i32
        %or3A_197 = arith.constant false
        %or3A_198 = arith.ori %or3A_197, %ne3A_196 : i1
        %or3A_199 = arith.ori %or3A_198, %eq3A_146 : i1
        %convert_element_type3A_200 = arith.extui %or3A_199 : i1 to i32
        %cond3A_201 = arith.constant 0 : i32
        %cond3A_202 = arith.cmpi ne, %convert_element_type3A_200, %cond3A_201 : i32
        scf.if %cond3A_202 {
          "tpu.trace_start"() <{level = 10 : i32, message = "ep_wait_in"}> : () -> ()
          %mul3A_282 = arith.constant 128 : i32
          %mul3A_283 = arith.muli %mul3A_282, %add3A_149 : i32
          %rem3A_284 = arith.constant 2 : i32
          %rem3A_285 = arith.remui %scan3A_141, %rem3A_284 : i32
          %dma_wait3A_286 = arith.constant 0 : i32
          %dma_wait3A_287 = arith.constant 0 : i32
          %dma_wait3A_288 = tpu.memref_slice %run_scoped3A[%rem3A_285, %dma_wait3A_286, %dma_wait3A_287] : memref<2x1x128xi32, #tpu.memory_space<vmem>> -> memref<1x1x128xi32, #tpu.memory_space<vmem>>
          %dma_wait3A_289 = tpu.memref_squeeze %dma_wait3A_288 : memref<1x1x128xi32, #tpu.memory_space<vmem>> -> memref<1x128xi32, #tpu.memory_space<vmem>>
          %dma_wait3A_290 = arith.constant 0 : i32
          %dma_wait3A_291 = tpu.memref_slice %arg5[%dma_wait3A_290, %mul3A_283] : memref<1x65536xi32, #tpu.memory_space<hbm>> -> memref<1x128xi32, #tpu.memory_space<hbm>>
          %dma_wait3A_292 = tpu.memref_slice %run_scoped3A_25[%rem3A_285] : memref<2x!tpu.dma_semaphore, #tpu.memory_space<semaphore_mem>> -> memref<1x!tpu.dma_semaphore, #tpu.memory_space<semaphore_mem>>
          %dma_wait3A_293 = tpu.memref_squeeze %dma_wait3A_292 : memref<1x!tpu.dma_semaphore, #tpu.memory_space<semaphore_mem>> -> memref<!tpu.dma_semaphore, #tpu.memory_space<semaphore_mem>>
          %dma_wait3A_294 = arith.constant 0 : i32
          %dma_wait3A_295 = arith.constant 0 : i32
          %dma_wait3A_296 = tpu.memref_slice %run_scoped3A[%rem3A_285, %dma_wait3A_294, %dma_wait3A_295] : memref<2x1x128xi32, #tpu.memory_space<vmem>> -> memref<1x1x128xi32, #tpu.memory_space<vmem>>
          %dma_wait3A_297 = tpu.memref_squeeze %dma_wait3A_296 : memref<1x1x128xi32, #tpu.memory_space<vmem>> -> memref<1x128xi32, #tpu.memory_space<vmem>>
          %dma_wait3A_298 = arith.constant 0 : i32
          %dma_wait3A_299 = tpu.memref_slice %arg5[%dma_wait3A_298, %mul3A_283] : memref<1x65536xi32, #tpu.memory_space<hbm>> -> memref<1x128xi32, #tpu.memory_space<hbm>>
          tpu.wait_dma2 semaphore(%dma_wait3A_293 : memref<!tpu.dma_semaphore, #tpu.memory_space<semaphore_mem>>) src(%dma_wait3A_299 : memref<1x128xi32, #tpu.memory_space<hbm>>) dst(%dma_wait3A_297 : memref<1x128xi32, #tpu.memory_space<vmem>>)
          "tpu.trace_stop"() : () -> ()
        } else {
        }
        %ne3A_203 = arith.cmpi ne, %add3A_149, %add3A_158 : i32
        %or3A_204 = arith.constant false
        %or3A_205 = arith.ori %or3A_204, %ne3A_203 : i1
        %or3A_206 = arith.constant false
        %or3A_207 = arith.ori %or3A_205, %or3A_206 : i1
        %or3A_208 = arith.ori %or3A_207, %eq3A_146 : i1
        %convert_element_type3A_209 = arith.extui %or3A_208 : i1 to i32
        %cond3A_210 = arith.constant 0 : i32
        %cond3A_211 = arith.cmpi ne, %convert_element_type3A_209, %cond3A_210 : i32
        scf.if %cond3A_211 {
        } else {
        }
        %rem3A_212 = arith.constant 2 : i32
        %rem3A_213 = arith.remui %scan3A_141, %rem3A_212 : i32
        %rem3A_214 = arith.constant 2 : i32
        %rem3A_215 = arith.remui %scan3A_142, %rem3A_214 : i32
        %run_scoped3A_216 = arith.constant 0 : i32
        "tpu.trace_start"() <{level = 10 : i32, message = "ep_run_kernel"}> : () -> ()
        "tpu.region"() ({
          %run_scoped3A_282 = tpu.sem_alloc : memref<!tpu.dma_semaphore, #tpu.memory_space<semaphore_mem>>
          %dma_start3A_283 = arith.constant 0 : i32
          %dma_start3A_284 = arith.constant 0 : i32
          %dma_start3A_285 = tpu.memref_slice %run_scoped3A_26[%rem3A_215, %dma_start3A_283, %dma_start3A_284] : memref<2x128x256xf32, #tpu.memory_space<vmem>> -> memref<1x128x256xf32, #tpu.memory_space<vmem>>
          %dma_start3A_286 = tpu.memref_squeeze %dma_start3A_285 : memref<1x128x256xf32, #tpu.memory_space<vmem>> -> memref<128x256xf32, #tpu.memory_space<vmem>>
          %dma_start3A_287 = arith.constant 0 : i32
          %dma_start3A_288 = arith.constant 0 : i32
          %dma_start3A_289 = tpu.memref_slice %run_scoped3A[%rem3A_213, %dma_start3A_287, %dma_start3A_288] : memref<2x1x128xi32, #tpu.memory_space<vmem>> -> memref<1x1x128xi32, #tpu.memory_space<vmem>>
          %dma_start3A_290 = tpu.memref_squeeze %dma_start3A_289 : memref<1x1x128xi32, #tpu.memory_space<vmem>> -> memref<1x128xi32, #tpu.memory_space<vmem>>
          %dma_start3A_291 = arith.constant 0 : i32
          %dma_start3A_292 = tpu.memref_slice %dma_start3A_290[%run_scoped3A_216, %dma_start3A_291] : memref<1x128xi32, #tpu.memory_space<vmem>> -> memref<1x128xi32, #tpu.memory_space<vmem>>
          %dma_start3A_293 = tpu.memref_squeeze %dma_start3A_292 : memref<1x128xi32, #tpu.memory_space<vmem>> -> memref<128xi32, #tpu.memory_space<vmem>>
          %dma_start3A_294 = arith.constant 0 : i32
          %dma_start3A_295 = arith.constant 0 : i32
          %dma_start3A_296 = tpu.memref_slice %arg2[%dma_start3A_294, %dma_start3A_295] : memref<8192x256xf32, #tpu.memory_space<hbm>> -> memref<8192x256xf32, #tpu.memory_space<hbm>>
          tpu.enqueue_indirect_dma source(%dma_start3A_296 : memref<8192x256xf32, #tpu.memory_space<hbm>>) target(%dma_start3A_286 : memref<128x256xf32, #tpu.memory_space<vmem>>) offsets(%dma_start3A_293 : memref<128xi32, #tpu.memory_space<vmem>>) semaphore(%run_scoped3A_282 : memref<!tpu.dma_semaphore, #tpu.memory_space<semaphore_mem>>)
          %dma_wait3A_297 = arith.constant 0 : i32
          %dma_wait3A_298 = arith.constant 0 : i32
          %dma_wait3A_299 = tpu.memref_slice %run_scoped3A_26[%rem3A_215, %dma_wait3A_297, %dma_wait3A_298] : memref<2x128x256xf32, #tpu.memory_space<vmem>> -> memref<1x128x256xf32, #tpu.memory_space<vmem>>
          %dma_wait3A_300 = tpu.memref_squeeze %dma_wait3A_299 : memref<1x128x256xf32, #tpu.memory_space<vmem>> -> memref<128x256xf32, #tpu.memory_space<vmem>>
          %dma_wait3A_301 = arith.constant 0 : i32
          %dma_wait3A_302 = arith.constant 0 : i32
          %dma_wait3A_303 = tpu.memref_slice %run_scoped3A[%rem3A_213, %dma_wait3A_301, %dma_wait3A_302] : memref<2x1x128xi32, #tpu.memory_space<vmem>> -> memref<1x1x128xi32, #tpu.memory_space<vmem>>
          %dma_wait3A_304 = tpu.memref_squeeze %dma_wait3A_303 : memref<1x1x128xi32, #tpu.memory_space<vmem>> -> memref<1x128xi32, #tpu.memory_space<vmem>>
          %dma_wait3A_305 = arith.constant 0 : i32
          %dma_wait3A_306 = tpu.memref_slice %dma_wait3A_304[%run_scoped3A_216, %dma_wait3A_305] : memref<1x128xi32, #tpu.memory_space<vmem>> -> memref<1x128xi32, #tpu.memory_space<vmem>>
          %dma_wait3A_307 = tpu.memref_squeeze %dma_wait3A_306 : memref<1x128xi32, #tpu.memory_space<vmem>> -> memref<128xi32, #tpu.memory_space<vmem>>
          %dma_wait3A_308 = arith.constant 0 : i32
          %dma_wait3A_309 = arith.constant 0 : i32
          %dma_wait3A_310 = tpu.memref_slice %arg2[%dma_wait3A_308, %dma_wait3A_309] : memref<8192x256xf32, #tpu.memory_space<hbm>> -> memref<8192x256xf32, #tpu.memory_space<hbm>>
          tpu.wait_indirect_dma semaphore(%run_scoped3A_282 : memref<!tpu.dma_semaphore, #tpu.memory_space<semaphore_mem>>) src(%dma_wait3A_310 : memref<8192x256xf32, #tpu.memory_space<hbm>>) dst(%dma_wait3A_300 : memref<128x256xf32, #tpu.memory_space<vmem>>)
          tpu.yield
        }) : () -> ()
        "tpu.trace_stop"() : () -> ()
        %ne3A_217 = arith.cmpi ne, %add3A_149, %add3A_167 : i32
        %or3A_218 = arith.constant false
        %or3A_219 = arith.ori %or3A_218, %ne3A_217 : i1
        %or3A_220 = arith.ori %or3A_219, %eq3A_148 : i1
        %convert_element_type3A_221 = arith.extui %or3A_220 : i1 to i32
        %cond3A_222 = arith.constant 0 : i32
        %cond3A_223 = arith.cmpi ne, %convert_element_type3A_221, %cond3A_222 : i32
        scf.if %cond3A_223 {
        } else {
        }
        %and3A_224 = arith.constant false
        %and3A_225 = arith.andi %or3A_220, %and3A_224 : i1
        %ne3A_226 = arith.cmpi ne, %add3A_149, %add3A_167 : i32
        %or3A_227 = arith.constant false
        %or3A_228 = arith.ori %or3A_227, %ne3A_226 : i1
        %or3A_229 = arith.constant false
        %or3A_230 = arith.ori %or3A_228, %or3A_229 : i1
        %or3A_231 = arith.ori %or3A_230, %eq3A_148 : i1
        %convert_element_type3A_232 = arith.extui %or3A_231 : i1 to i32
        %cond3A_233 = arith.constant 0 : i32
        %cond3A_234 = arith.cmpi ne, %convert_element_type3A_232, %cond3A_233 : i32
        scf.if %cond3A_234 {
          "tpu.trace_start"() <{level = 10 : i32, message = "ep_copy_out"}> : () -> ()
          %rem3A_282 = arith.constant 2 : i32
          %rem3A_283 = arith.remui %scan3A_142, %rem3A_282 : i32
          %mul3A_284 = arith.constant 128 : i32
          %mul3A_285 = arith.muli %mul3A_284, %add3A_149 : i32
          %dma_start3A_286 = arith.constant 0 : i32
          %dma_start3A_287 = arith.constant 0 : i32
          %dma_start3A_288 = tpu.memref_slice %run_scoped3A_26[%rem3A_283, %dma_start3A_286, %dma_start3A_287] : memref<2x128x256xf32, #tpu.memory_space<vmem>> -> memref<1x128x256xf32, #tpu.memory_space<vmem>>
          %dma_start3A_289 = tpu.memref_squeeze %dma_start3A_288 : memref<1x128x256xf32, #tpu.memory_space<vmem>> -> memref<128x256xf32, #tpu.memory_space<vmem>>
          %dma_start3A_290 = arith.constant 0 : i32
          %dma_start3A_291 = tpu.memref_slice %arg6[%mul3A_285, %dma_start3A_290] : memref<65536x256xf32, #tpu.memory_space<hbm>> -> memref<128x256xf32, #tpu.memory_space<hbm>>
          %dma_start3A_292 = tpu.memref_slice %run_scoped3A_27[%rem3A_283] : memref<2x!tpu.dma_semaphore, #tpu.memory_space<semaphore_mem>> -> memref<1x!tpu.dma_semaphore, #tpu.memory_space<semaphore_mem>>
          %dma_start3A_293 = tpu.memref_squeeze %dma_start3A_292 : memref<1x!tpu.dma_semaphore, #tpu.memory_space<semaphore_mem>> -> memref<!tpu.dma_semaphore, #tpu.memory_space<semaphore_mem>>
          %dma_start3A_294 = arith.constant 0 : i32
          %dma_start3A_295 = tpu.memref_slice %arg6[%mul3A_285, %dma_start3A_294] : memref<65536x256xf32, #tpu.memory_space<hbm>> -> memref<128x256xf32, #tpu.memory_space<hbm>>
          %dma_start3A_296 = arith.constant 0 : i32
          %dma_start3A_297 = arith.constant 0 : i32
          %dma_start3A_298 = tpu.memref_slice %run_scoped3A_26[%rem3A_283, %dma_start3A_296, %dma_start3A_297] : memref<2x128x256xf32, #tpu.memory_space<vmem>> -> memref<1x128x256xf32, #tpu.memory_space<vmem>>
          %dma_start3A_299 = tpu.memref_squeeze %dma_start3A_298 : memref<1x128x256xf32, #tpu.memory_space<vmem>> -> memref<128x256xf32, #tpu.memory_space<vmem>>
          tpu.enqueue_dma source(%dma_start3A_299 : memref<128x256xf32, #tpu.memory_space<vmem>>) target(%dma_start3A_295 : memref<128x256xf32, #tpu.memory_space<hbm>>) target_semaphore(%dma_start3A_293 : memref<!tpu.dma_semaphore, #tpu.memory_space<semaphore_mem>>)
          "tpu.trace_stop"() : () -> ()
        } else {
        }
        %and3A_235 = arith.constant true
        %and3A_236 = arith.andi %or3A_231, %and3A_235 : i1
        %add3A_237 = arith.constant 1 : i32
        %add3A_238 = arith.addi %scan3A_142, %add3A_237 : i32
        %select_n3A_239 = arith.select %and3A_236, %add3A_238, %scan3A_142 : i32
        %ne3A_240 = arith.cmpi ne, %add3A_149, %add3A_158 : i32
        %or3A_241 = arith.constant false
        %or3A_242 = arith.ori %or3A_241, %ne3A_240 : i1
        %not3A_243 = arith.constant true
        %not3A_244 = arith.xori %eq3A_146, %not3A_243 : i1
        %and3A_245 = arith.andi %or3A_242, %not3A_244 : i1
        %convert_element_type3A_246 = arith.extui %and3A_245 : i1 to i32
        %cond3A_247 = arith.constant 0 : i32
        %cond3A_248 = arith.cmpi ne, %convert_element_type3A_246, %cond3A_247 : i32
        scf.if %cond3A_248 {
        } else {
        }
        %and3A_249 = arith.constant false
        %and3A_250 = arith.andi %and3A_245, %and3A_249 : i1
        %ne3A_251 = arith.cmpi ne, %add3A_149, %add3A_158 : i32
        %or3A_252 = arith.constant false
        %or3A_253 = arith.ori %or3A_252, %ne3A_251 : i1
        %or3A_254 = arith.constant false
        %or3A_255 = arith.ori %or3A_253, %or3A_254 : i1
        %not3A_256 = arith.constant true
        %not3A_257 = arith.xori %eq3A_146, %not3A_256 : i1
        %and3A_258 = arith.andi %or3A_255, %not3A_257 : i1
        %convert_element_type3A_259 = arith.extui %and3A_258 : i1 to i32
        %cond3A_260 = arith.constant 0 : i32
        %cond3A_261 = arith.cmpi ne, %convert_element_type3A_259, %cond3A_260 : i32
        scf.if %cond3A_261 {
          "tpu.trace_start"() <{level = 10 : i32, message = "ep_wait_out"}> : () -> ()
          %rem3A_282 = arith.constant 2 : i32
          %rem3A_283 = arith.remui %scan3A_143, %rem3A_282 : i32
          %mul3A_284 = arith.constant 128 : i32
          %mul3A_285 = arith.muli %mul3A_284, %add3A_158 : i32
          %dma_wait3A_286 = arith.constant 0 : i32
          %dma_wait3A_287 = arith.constant 0 : i32
          %dma_wait3A_288 = tpu.memref_slice %run_scoped3A_26[%rem3A_283, %dma_wait3A_286, %dma_wait3A_287] : memref<2x128x256xf32, #tpu.memory_space<vmem>> -> memref<1x128x256xf32, #tpu.memory_space<vmem>>
          %dma_wait3A_289 = tpu.memref_squeeze %dma_wait3A_288 : memref<1x128x256xf32, #tpu.memory_space<vmem>> -> memref<128x256xf32, #tpu.memory_space<vmem>>
          %dma_wait3A_290 = arith.constant 0 : i32
          %dma_wait3A_291 = tpu.memref_slice %arg6[%mul3A_285, %dma_wait3A_290] : memref<65536x256xf32, #tpu.memory_space<hbm>> -> memref<128x256xf32, #tpu.memory_space<hbm>>
          %dma_wait3A_292 = tpu.memref_slice %run_scoped3A_27[%rem3A_283] : memref<2x!tpu.dma_semaphore, #tpu.memory_space<semaphore_mem>> -> memref<1x!tpu.dma_semaphore, #tpu.memory_space<semaphore_mem>>
          %dma_wait3A_293 = tpu.memref_squeeze %dma_wait3A_292 : memref<1x!tpu.dma_semaphore, #tpu.memory_space<semaphore_mem>> -> memref<!tpu.dma_semaphore, #tpu.memory_space<semaphore_mem>>
          %dma_wait3A_294 = arith.constant 0 : i32
          %dma_wait3A_295 = tpu.memref_slice %arg6[%mul3A_285, %dma_wait3A_294] : memref<65536x256xf32, #tpu.memory_space<hbm>> -> memref<128x256xf32, #tpu.memory_space<hbm>>
          %dma_wait3A_296 = arith.constant 0 : i32
          %dma_wait3A_297 = arith.constant 0 : i32
          %dma_wait3A_298 = tpu.memref_slice %run_scoped3A_26[%rem3A_283, %dma_wait3A_296, %dma_wait3A_297] : memref<2x128x256xf32, #tpu.memory_space<vmem>> -> memref<1x128x256xf32, #tpu.memory_space<vmem>>
          %dma_wait3A_299 = tpu.memref_squeeze %dma_wait3A_298 : memref<1x128x256xf32, #tpu.memory_space<vmem>> -> memref<128x256xf32, #tpu.memory_space<vmem>>
          tpu.wait_dma2 semaphore(%dma_wait3A_293 : memref<!tpu.dma_semaphore, #tpu.memory_space<semaphore_mem>>) src(%dma_wait3A_299 : memref<128x256xf32, #tpu.memory_space<vmem>>) dst(%dma_wait3A_295 : memref<128x256xf32, #tpu.memory_space<hbm>>)
          "tpu.trace_stop"() : () -> ()
        } else {
        }
        %and3A_262 = arith.constant true
        %and3A_263 = arith.andi %and3A_258, %and3A_262 : i1
        %add3A_264 = arith.constant 1 : i32
        %add3A_265 = arith.addi %scan3A_143, %add3A_264 : i32
        %select_n3A_266 = arith.select %and3A_263, %add3A_265, %scan3A_143 : i32
        %ne3A_267 = arith.cmpi ne, %add3A_149, %add3A_167 : i32
        %or3A_268 = arith.constant false
        %or3A_269 = arith.ori %or3A_268, %ne3A_267 : i1
        %or3A_270 = arith.ori %or3A_269, %eq3A_148 : i1
        %add3A_271 = arith.constant 1 : i32
        %add3A_272 = arith.addi %scan3A_141, %add3A_271 : i32
        %select_n3A_273 = arith.select %or3A_270, %add3A_272, %scan3A_141 : i32
        %add3A_274 = arith.constant 1 : i32
        %add3A_275 = arith.addi %scan3A_144, %add3A_274 : i32
        %select_n3A_276 = arith.constant true
        %select_n3A_277 = arith.select %select_n3A_276, %add3A_275, %scan3A_144 : i32
        %eq3A_278 = arith.constant 16 : i32
        %eq3A_279 = arith.cmpi eq, %select_n3A_277, %eq3A_278 : i32
        %select_n3A_280 = arith.constant 0 : i32
        %select_n3A_281 = arith.select %eq3A_279, %select_n3A_280, %select_n3A_277 : i32
        scf.yield %select_n3A_185, %select_n3A_273, %select_n3A_239, %select_n3A_266, %select_n3A_281 : i32, i32, i32, i32, i32
      }
      %scan3A_86 = arith.constant 16 : i32
      %sub3A = arith.constant 1 : i32
      %sub3A_87 = arith.subi %scan3A_85#4, %sub3A : i32
      %select_n3A_88 = arith.constant true
      %select_n3A_89 = arith.select %select_n3A_88, %sub3A_87, %scan3A_85#4 : i32
      %eq3A_90 = arith.constant -1 : i32
      %eq3A_91 = arith.cmpi eq, %select_n3A_89, %eq3A_90 : i32
      %select_n3A_92 = arith.constant 15 : i32
      %select_n3A_93 = arith.select %eq3A_91, %select_n3A_92, %select_n3A_89 : i32
      %add3A_94 = arith.addi %select_n3A_93, %mul3A_6 : i32
      %sub3A_95 = arith.constant 1 : i32
      %sub3A_96 = arith.subi %select_n3A_93, %sub3A_95 : i32
      %select_n3A_97 = arith.constant true
      %select_n3A_98 = arith.select %select_n3A_97, %sub3A_96, %select_n3A_93 : i32
      %eq3A_99 = arith.constant -1 : i32
      %eq3A_100 = arith.cmpi eq, %select_n3A_98, %eq3A_99 : i32
      %select_n3A_101 = arith.constant 15 : i32
      %select_n3A_102 = arith.select %eq3A_100, %select_n3A_101, %select_n3A_98 : i32
      %add3A_103 = arith.addi %select_n3A_102, %mul3A_6 : i32
      %add3A_104 = arith.constant 1 : i32
      %add3A_105 = arith.addi %select_n3A_93, %add3A_104 : i32
      %select_n3A_106 = arith.constant true
      %select_n3A_107 = arith.select %select_n3A_106, %add3A_105, %select_n3A_93 : i32
      %eq3A_108 = arith.constant 16 : i32
      %eq3A_109 = arith.cmpi eq, %select_n3A_107, %eq3A_108 : i32
      %select_n3A_110 = arith.constant 0 : i32
      %select_n3A_111 = arith.select %eq3A_109, %select_n3A_110, %select_n3A_107 : i32
      %add3A_112 = arith.addi %select_n3A_111, %mul3A_6 : i32
      %add3A_113 = arith.constant 1 : i32
      %add3A_114 = arith.addi %select_n3A_111, %add3A_113 : i32
      %select_n3A_115 = arith.constant true
      %select_n3A_116 = arith.select %select_n3A_115, %add3A_114, %select_n3A_111 : i32
      %eq3A_117 = arith.constant 16 : i32
      %eq3A_118 = arith.cmpi eq, %select_n3A_116, %eq3A_117 : i32
      %select_n3A_119 = arith.constant 0 : i32
      %select_n3A_120 = arith.select %eq3A_118, %select_n3A_119, %select_n3A_116 : i32
      %add3A_121 = arith.addi %select_n3A_120, %mul3A_6 : i32
      "tpu.trace_start"() <{level = 10 : i32, message = "ep_finalize"}> : () -> ()
      %rem3A_122 = arith.constant 2 : i32
      %rem3A_123 = arith.remui %scan3A_85#3, %rem3A_122 : i32
      %mul3A_124 = arith.constant 128 : i32
      %mul3A_125 = arith.muli %mul3A_124, %add3A_94 : i32
      %dma_wait3A = arith.constant 0 : i32
      %dma_wait3A_126 = arith.constant 0 : i32
      %dma_wait3A_127 = tpu.memref_slice %run_scoped3A_26[%rem3A_123, %dma_wait3A, %dma_wait3A_126] : memref<2x128x256xf32, #tpu.memory_space<vmem>> -> memref<1x128x256xf32, #tpu.memory_space<vmem>>
      %dma_wait3A_128 = tpu.memref_squeeze %dma_wait3A_127 : memref<1x128x256xf32, #tpu.memory_space<vmem>> -> memref<128x256xf32, #tpu.memory_space<vmem>>
      %dma_wait3A_129 = arith.constant 0 : i32
      %dma_wait3A_130 = tpu.memref_slice %arg6[%mul3A_125, %dma_wait3A_129] : memref<65536x256xf32, #tpu.memory_space<hbm>> -> memref<128x256xf32, #tpu.memory_space<hbm>>
      %dma_wait3A_131 = tpu.memref_slice %run_scoped3A_27[%rem3A_123] : memref<2x!tpu.dma_semaphore, #tpu.memory_space<semaphore_mem>> -> memref<1x!tpu.dma_semaphore, #tpu.memory_space<semaphore_mem>>
      %dma_wait3A_132 = tpu.memref_squeeze %dma_wait3A_131 : memref<1x!tpu.dma_semaphore, #tpu.memory_space<semaphore_mem>> -> memref<!tpu.dma_semaphore, #tpu.memory_space<semaphore_mem>>
      %dma_wait3A_133 = arith.constant 0 : i32
      %dma_wait3A_134 = tpu.memref_slice %arg6[%mul3A_125, %dma_wait3A_133] : memref<65536x256xf32, #tpu.memory_space<hbm>> -> memref<128x256xf32, #tpu.memory_space<hbm>>
      %dma_wait3A_135 = arith.constant 0 : i32
      %dma_wait3A_136 = arith.constant 0 : i32
      %dma_wait3A_137 = tpu.memref_slice %run_scoped3A_26[%rem3A_123, %dma_wait3A_135, %dma_wait3A_136] : memref<2x128x256xf32, #tpu.memory_space<vmem>> -> memref<1x128x256xf32, #tpu.memory_space<vmem>>
      %dma_wait3A_138 = tpu.memref_squeeze %dma_wait3A_137 : memref<1x128x256xf32, #tpu.memory_space<vmem>> -> memref<128x256xf32, #tpu.memory_space<vmem>>
      tpu.wait_dma2 semaphore(%dma_wait3A_132 : memref<!tpu.dma_semaphore, #tpu.memory_space<semaphore_mem>>) src(%dma_wait3A_138 : memref<128x256xf32, #tpu.memory_space<vmem>>) dst(%dma_wait3A_134 : memref<128x256xf32, #tpu.memory_space<hbm>>)
      "tpu.trace_stop"() : () -> ()
      tpu.yield
    }) : () -> ()
    %mul3A_7 = arith.constant 1 : i32
    %mul3A_8 = arith.muli %arg1, %mul3A_7 : i32
    %add3A_9 = arith.constant 0 : i32
    %add3A_10 = arith.addi %add3A_9, %mul3A_8 : i32
    %mul3A_11 = arith.constant 16 : i32
    %mul3A_12 = arith.muli %arg0, %mul3A_11 : i32
    %add3A_13 = arith.addi %add3A_10, %mul3A_12 : i32
    %mul3A_14 = arith.constant 16 : i32
    %mul3A_15 = arith.muli %add3A_13, %mul3A_14 : i32
    "tpu.region"() ({
      %run_scoped3A = memref.alloca() : memref<2x1x128xi32, #tpu.memory_space<vmem>>
      %run_scoped3A_25 = tpu.sem_alloc : memref<2x!tpu.dma_semaphore, #tpu.memory_space<semaphore_mem>>
      %run_scoped3A_26 = memref.alloca() : memref<2x128x256xf32, #tpu.memory_space<vmem>>
      %run_scoped3A_27 = tpu.sem_alloc : memref<2x!tpu.dma_semaphore, #tpu.memory_space<semaphore_mem>>
      %add3A_28 = arith.constant 0 : i32
      %add3A_29 = arith.addi %add3A_28, %mul3A_15 : i32
      %select_n3A = arith.constant true
      %select_n3A_30 = arith.constant 0 : i32
      %select_n3A_31 = arith.constant -1 : i32
      %select_n3A_32 = arith.select %select_n3A, %select_n3A_31, %select_n3A_30 : i32
      %eq3A = arith.constant -1 : i32
      %eq3A_33 = arith.cmpi eq, %select_n3A_32, %eq3A : i32
      %select_n3A_34 = arith.constant 15 : i32
      %select_n3A_35 = arith.select %eq3A_33, %select_n3A_34, %select_n3A_32 : i32
      %add3A_36 = arith.addi %select_n3A_35, %mul3A_15 : i32
      %select_n3A_37 = arith.constant true
      %select_n3A_38 = arith.constant 0 : i32
      %select_n3A_39 = arith.constant 1 : i32
      %select_n3A_40 = arith.select %select_n3A_37, %select_n3A_39, %select_n3A_38 : i32
      %eq3A_41 = arith.constant 16 : i32
      %eq3A_42 = arith.cmpi eq, %select_n3A_40, %eq3A_41 : i32
      %select_n3A_43 = arith.constant 0 : i32
      %select_n3A_44 = arith.select %eq3A_42, %select_n3A_43, %select_n3A_40 : i32
      %add3A_45 = arith.addi %select_n3A_44, %mul3A_15 : i32
      %add3A_46 = arith.constant 1 : i32
      %add3A_47 = arith.addi %select_n3A_44, %add3A_46 : i32
      %select_n3A_48 = arith.constant true
      %select_n3A_49 = arith.select %select_n3A_48, %add3A_47, %select_n3A_44 : i32
      %eq3A_50 = arith.constant 16 : i32
      %eq3A_51 = arith.cmpi eq, %select_n3A_49, %eq3A_50 : i32
      %select_n3A_52 = arith.constant 0 : i32
      %select_n3A_53 = arith.select %eq3A_51, %select_n3A_52, %select_n3A_49 : i32
      %add3A_54 = arith.addi %select_n3A_53, %mul3A_15 : i32
      "tpu.trace_start"() <{level = 10 : i32, message = "ep_initialize_0"}> : () -> ()
      %rem3A = arith.constant 0 : i32
      %rem3A_55 = arith.constant 2 : i32
      %rem3A_56 = arith.remui %rem3A, %rem3A_55 : i32
      %mul3A_57 = arith.constant 128 : i32
      %mul3A_58 = arith.muli %mul3A_57, %add3A_29 : i32
      %dma_start3A = arith.constant 0 : i32
      %dma_start3A_59 = arith.constant 0 : i32
      %dma_start3A_60 = tpu.memref_slice %run_scoped3A[%rem3A_56, %dma_start3A, %dma_start3A_59] : memref<2x1x128xi32, #tpu.memory_space<vmem>> -> memref<1x1x128xi32, #tpu.memory_space<vmem>>
      %dma_start3A_61 = tpu.memref_squeeze %dma_start3A_60 : memref<1x1x128xi32, #tpu.memory_space<vmem>> -> memref<1x128xi32, #tpu.memory_space<vmem>>
      %dma_start3A_62 = arith.constant 0 : i32
      %dma_start3A_63 = tpu.memref_slice %arg5[%dma_start3A_62, %mul3A_58] : memref<1x65536xi32, #tpu.memory_space<hbm>> -> memref<1x128xi32, #tpu.memory_space<hbm>>
      %dma_start3A_64 = tpu.memref_slice %run_scoped3A_25[%rem3A_56] : memref<2x!tpu.dma_semaphore, #tpu.memory_space<semaphore_mem>> -> memref<1x!tpu.dma_semaphore, #tpu.memory_space<semaphore_mem>>
      %dma_start3A_65 = tpu.memref_squeeze %dma_start3A_64 : memref<1x!tpu.dma_semaphore, #tpu.memory_space<semaphore_mem>> -> memref<!tpu.dma_semaphore, #tpu.memory_space<semaphore_mem>>
      %dma_start3A_66 = arith.constant 0 : i32
      %dma_start3A_67 = arith.constant 0 : i32
      %dma_start3A_68 = tpu.memref_slice %run_scoped3A[%rem3A_56, %dma_start3A_66, %dma_start3A_67] : memref<2x1x128xi32, #tpu.memory_space<vmem>> -> memref<1x1x128xi32, #tpu.memory_space<vmem>>
      %dma_start3A_69 = tpu.memref_squeeze %dma_start3A_68 : memref<1x1x128xi32, #tpu.memory_space<vmem>> -> memref<1x128xi32, #tpu.memory_space<vmem>>
      %dma_start3A_70 = arith.constant 0 : i32
      %dma_start3A_71 = tpu.memref_slice %arg5[%dma_start3A_70, %mul3A_58] : memref<1x65536xi32, #tpu.memory_space<hbm>> -> memref<1x128xi32, #tpu.memory_space<hbm>>
      tpu.enqueue_dma source(%dma_start3A_71 : memref<1x128xi32, #tpu.memory_space<hbm>>) target(%dma_start3A_69 : memref<1x128xi32, #tpu.memory_space<vmem>>) target_semaphore(%dma_start3A_65 : memref<!tpu.dma_semaphore, #tpu.memory_space<semaphore_mem>>)
      %add3A_72 = arith.constant 0 : i32
      %add3A_73 = arith.constant 1 : i32
      %add3A_74 = arith.addi %add3A_72, %add3A_73 : i32
      %select_n3A_75 = arith.constant true
      %select_n3A_76 = arith.constant 0 : i32
      %select_n3A_77 = arith.select %select_n3A_75, %add3A_74, %select_n3A_76 : i32
      "tpu.trace_stop"() : () -> ()
      %scan3A = arith.constant 0 : i32
      %scan3A_78 = arith.constant 0 : i32
      %scan3A_79 = arith.constant 0 : i32
      %scan3A_80 = arith.constant 0 : i32
      %scan3A_81 = arith.constant 0 : i32
      %scan3A_82 = arith.constant 16 : i32
      %scan3A_83 = arith.addi %scan3A_81, %scan3A_82 : i32
      %scan3A_84 = arith.constant 1 : i32
      %scan3A_85:5 = scf.for %scan3A_139 = %scan3A_81 to %scan3A_83 step %scan3A_84 iter_args(%scan3A_140 = %select_n3A_77, %scan3A_141 = %scan3A, %scan3A_142 = %scan3A_78, %scan3A_143 = %scan3A_79, %scan3A_144 = %scan3A_80) -> (i32, i32, i32, i32, i32)  : i32 {
        %eq3A_145 = arith.constant 0 : i32
        %eq3A_146 = arith.cmpi eq, %scan3A_139, %eq3A_145 : i32
        %eq3A_147 = arith.constant 15 : i32
        %eq3A_148 = arith.cmpi eq, %scan3A_139, %eq3A_147 : i32
        %add3A_149 = arith.addi %scan3A_144, %mul3A_15 : i32
        %sub3A_150 = arith.constant 1 : i32
        %sub3A_151 = arith.subi %scan3A_144, %sub3A_150 : i32
        %select_n3A_152 = arith.constant true
        %select_n3A_153 = arith.select %select_n3A_152, %sub3A_151, %scan3A_144 : i32
        %eq3A_154 = arith.constant -1 : i32
        %eq3A_155 = arith.cmpi eq, %select_n3A_153, %eq3A_154 : i32
        %select_n3A_156 = arith.constant 15 : i32
        %select_n3A_157 = arith.select %eq3A_155, %select_n3A_156, %select_n3A_153 : i32
        %add3A_158 = arith.addi %select_n3A_157, %mul3A_15 : i32
        %add3A_159 = arith.constant 1 : i32
        %add3A_160 = arith.addi %scan3A_144, %add3A_159 : i32
        %select_n3A_161 = arith.constant true
        %select_n3A_162 = arith.select %select_n3A_161, %add3A_160, %scan3A_144 : i32
        %eq3A_163 = arith.constant 16 : i32
        %eq3A_164 = arith.cmpi eq, %select_n3A_162, %eq3A_163 : i32
        %select_n3A_165 = arith.constant 0 : i32
        %select_n3A_166 = arith.select %eq3A_164, %select_n3A_165, %select_n3A_162 : i32
        %add3A_167 = arith.addi %select_n3A_166, %mul3A_15 : i32
        %add3A_168 = arith.constant 1 : i32
        %add3A_169 = arith.addi %select_n3A_166, %add3A_168 : i32
        %select_n3A_170 = arith.constant true
        %select_n3A_171 = arith.select %select_n3A_170, %add3A_169, %select_n3A_166 : i32
        %eq3A_172 = arith.constant 16 : i32
        %eq3A_173 = arith.cmpi eq, %select_n3A_171, %eq3A_172 : i32
        %select_n3A_174 = arith.constant 0 : i32
        %select_n3A_175 = arith.select %eq3A_173, %select_n3A_174, %select_n3A_171 : i32
        %add3A_176 = arith.addi %select_n3A_175, %mul3A_15 : i32
        %ne3A = arith.cmpi ne, %add3A_149, %add3A_167 : i32
        %or3A = arith.constant false
        %or3A_177 = arith.ori %or3A, %ne3A : i1
        %ge3A = arith.constant 15 : i32
        %ge3A_178 = arith.cmpi sge, %scan3A_139, %ge3A : i32
        %not3A = arith.constant true
        %not3A_179 = arith.xori %ge3A_178, %not3A : i1
        %and3A = arith.andi %or3A_177, %not3A_179 : i1
        %convert_element_type3A = arith.extui %and3A : i1 to i32
        %cond3A = arith.constant 0 : i32
        %cond3A_180 = arith.cmpi ne, %convert_element_type3A, %cond3A : i32
        scf.if %cond3A_180 {
          "tpu.trace_start"() <{level = 10 : i32, message = "ep_copy_in"}> : () -> ()
          %rem3A_282 = arith.constant 2 : i32
          %rem3A_283 = arith.remui %scan3A_140, %rem3A_282 : i32
          %mul3A_284 = arith.constant 128 : i32
          %mul3A_285 = arith.muli %mul3A_284, %add3A_167 : i32
          %dma_start3A_286 = arith.constant 0 : i32
          %dma_start3A_287 = arith.constant 0 : i32
          %dma_start3A_288 = tpu.memref_slice %run_scoped3A[%rem3A_283, %dma_start3A_286, %dma_start3A_287] : memref<2x1x128xi32, #tpu.memory_space<vmem>> -> memref<1x1x128xi32, #tpu.memory_space<vmem>>
          %dma_start3A_289 = tpu.memref_squeeze %dma_start3A_288 : memref<1x1x128xi32, #tpu.memory_space<vmem>> -> memref<1x128xi32, #tpu.memory_space<vmem>>
          %dma_start3A_290 = arith.constant 0 : i32
          %dma_start3A_291 = tpu.memref_slice %arg5[%dma_start3A_290, %mul3A_285] : memref<1x65536xi32, #tpu.memory_space<hbm>> -> memref<1x128xi32, #tpu.memory_space<hbm>>
          %dma_start3A_292 = tpu.memref_slice %run_scoped3A_25[%rem3A_283] : memref<2x!tpu.dma_semaphore, #tpu.memory_space<semaphore_mem>> -> memref<1x!tpu.dma_semaphore, #tpu.memory_space<semaphore_mem>>
          %dma_start3A_293 = tpu.memref_squeeze %dma_start3A_292 : memref<1x!tpu.dma_semaphore, #tpu.memory_space<semaphore_mem>> -> memref<!tpu.dma_semaphore, #tpu.memory_space<semaphore_mem>>
          %dma_start3A_294 = arith.constant 0 : i32
          %dma_start3A_295 = arith.constant 0 : i32
          %dma_start3A_296 = tpu.memref_slice %run_scoped3A[%rem3A_283, %dma_start3A_294, %dma_start3A_295] : memref<2x1x128xi32, #tpu.memory_space<vmem>> -> memref<1x1x128xi32, #tpu.memory_space<vmem>>
          %dma_start3A_297 = tpu.memref_squeeze %dma_start3A_296 : memref<1x1x128xi32, #tpu.memory_space<vmem>> -> memref<1x128xi32, #tpu.memory_space<vmem>>
          %dma_start3A_298 = arith.constant 0 : i32
          %dma_start3A_299 = tpu.memref_slice %arg5[%dma_start3A_298, %mul3A_285] : memref<1x65536xi32, #tpu.memory_space<hbm>> -> memref<1x128xi32, #tpu.memory_space<hbm>>
          tpu.enqueue_dma source(%dma_start3A_299 : memref<1x128xi32, #tpu.memory_space<hbm>>) target(%dma_start3A_297 : memref<1x128xi32, #tpu.memory_space<vmem>>) target_semaphore(%dma_start3A_293 : memref<!tpu.dma_semaphore, #tpu.memory_space<semaphore_mem>>)
          "tpu.trace_stop"() : () -> ()
        } else {
        }
        %and3A_181 = arith.constant true
        %and3A_182 = arith.andi %and3A, %and3A_181 : i1
        %add3A_183 = arith.constant 1 : i32
        %add3A_184 = arith.addi %scan3A_140, %add3A_183 : i32
        %select_n3A_185 = arith.select %and3A_182, %add3A_184, %scan3A_140 : i32
        %ne3A_186 = arith.cmpi ne, %add3A_149, %add3A_167 : i32
        %or3A_187 = arith.constant false
        %or3A_188 = arith.ori %or3A_187, %ne3A_186 : i1
        %or3A_189 = arith.constant false
        %or3A_190 = arith.ori %or3A_188, %or3A_189 : i1
        %ge3A_191 = arith.constant 15 : i32
        %ge3A_192 = arith.cmpi sge, %scan3A_139, %ge3A_191 : i32
        %not3A_193 = arith.constant true
        %not3A_194 = arith.xori %ge3A_192, %not3A_193 : i1
        %and3A_195 = arith.andi %or3A_190, %not3A_194 : i1
        %ne3A_196 = arith.cmpi ne, %add3A_149, %add3A_158 : i32
        %or3A_197 = arith.constant false
        %or3A_198 = arith.ori %or3A_197, %ne3A_196 : i1
        %or3A_199 = arith.ori %or3A_198, %eq3A_146 : i1
        %convert_element_type3A_200 = arith.extui %or3A_199 : i1 to i32
        %cond3A_201 = arith.constant 0 : i32
        %cond3A_202 = arith.cmpi ne, %convert_element_type3A_200, %cond3A_201 : i32
        scf.if %cond3A_202 {
          "tpu.trace_start"() <{level = 10 : i32, message = "ep_wait_in"}> : () -> ()
          %mul3A_282 = arith.constant 128 : i32
          %mul3A_283 = arith.muli %mul3A_282, %add3A_149 : i32
          %rem3A_284 = arith.constant 2 : i32
          %rem3A_285 = arith.remui %scan3A_141, %rem3A_284 : i32
          %dma_wait3A_286 = arith.constant 0 : i32
          %dma_wait3A_287 = arith.constant 0 : i32
          %dma_wait3A_288 = tpu.memref_slice %run_scoped3A[%rem3A_285, %dma_wait3A_286, %dma_wait3A_287] : memref<2x1x128xi32, #tpu.memory_space<vmem>> -> memref<1x1x128xi32, #tpu.memory_space<vmem>>
          %dma_wait3A_289 = tpu.memref_squeeze %dma_wait3A_288 : memref<1x1x128xi32, #tpu.memory_space<vmem>> -> memref<1x128xi32, #tpu.memory_space<vmem>>
          %dma_wait3A_290 = arith.constant 0 : i32
          %dma_wait3A_291 = tpu.memref_slice %arg5[%dma_wait3A_290, %mul3A_283] : memref<1x65536xi32, #tpu.memory_space<hbm>> -> memref<1x128xi32, #tpu.memory_space<hbm>>
          %dma_wait3A_292 = tpu.memref_slice %run_scoped3A_25[%rem3A_285] : memref<2x!tpu.dma_semaphore, #tpu.memory_space<semaphore_mem>> -> memref<1x!tpu.dma_semaphore, #tpu.memory_space<semaphore_mem>>
          %dma_wait3A_293 = tpu.memref_squeeze %dma_wait3A_292 : memref<1x!tpu.dma_semaphore, #tpu.memory_space<semaphore_mem>> -> memref<!tpu.dma_semaphore, #tpu.memory_space<semaphore_mem>>
          %dma_wait3A_294 = arith.constant 0 : i32
          %dma_wait3A_295 = arith.constant 0 : i32
          %dma_wait3A_296 = tpu.memref_slice %run_scoped3A[%rem3A_285, %dma_wait3A_294, %dma_wait3A_295] : memref<2x1x128xi32, #tpu.memory_space<vmem>> -> memref<1x1x128xi32, #tpu.memory_space<vmem>>
          %dma_wait3A_297 = tpu.memref_squeeze %dma_wait3A_296 : memref<1x1x128xi32, #tpu.memory_space<vmem>> -> memref<1x128xi32, #tpu.memory_space<vmem>>
          %dma_wait3A_298 = arith.constant 0 : i32
          %dma_wait3A_299 = tpu.memref_slice %arg5[%dma_wait3A_298, %mul3A_283] : memref<1x65536xi32, #tpu.memory_space<hbm>> -> memref<1x128xi32, #tpu.memory_space<hbm>>
          tpu.wait_dma2 semaphore(%dma_wait3A_293 : memref<!tpu.dma_semaphore, #tpu.memory_space<semaphore_mem>>) src(%dma_wait3A_299 : memref<1x128xi32, #tpu.memory_space<hbm>>) dst(%dma_wait3A_297 : memref<1x128xi32, #tpu.memory_space<vmem>>)
          "tpu.trace_stop"() : () -> ()
        } else {
        }
        %ne3A_203 = arith.cmpi ne, %add3A_149, %add3A_158 : i32
        %or3A_204 = arith.constant false
        %or3A_205 = arith.ori %or3A_204, %ne3A_203 : i1
        %or3A_206 = arith.constant false
        %or3A_207 = arith.ori %or3A_205, %or3A_206 : i1
        %or3A_208 = arith.ori %or3A_207, %eq3A_146 : i1
        %convert_element_type3A_209 = arith.extui %or3A_208 : i1 to i32
        %cond3A_210 = arith.constant 0 : i32
        %cond3A_211 = arith.cmpi ne, %convert_element_type3A_209, %cond3A_210 : i32
        scf.if %cond3A_211 {
        } else {
        }
        %rem3A_212 = arith.constant 2 : i32
        %rem3A_213 = arith.remui %scan3A_141, %rem3A_212 : i32
        %rem3A_214 = arith.constant 2 : i32
        %rem3A_215 = arith.remui %scan3A_142, %rem3A_214 : i32
        %run_scoped3A_216 = arith.constant 0 : i32
        "tpu.trace_start"() <{level = 10 : i32, message = "ep_run_kernel"}> : () -> ()
        "tpu.region"() ({
          %run_scoped3A_282 = tpu.sem_alloc : memref<!tpu.dma_semaphore, #tpu.memory_space<semaphore_mem>>
          %dma_start3A_283 = arith.constant 0 : i32
          %dma_start3A_284 = arith.constant 0 : i32
          %dma_start3A_285 = tpu.memref_slice %run_scoped3A_26[%rem3A_215, %dma_start3A_283, %dma_start3A_284] : memref<2x128x256xf32, #tpu.memory_space<vmem>> -> memref<1x128x256xf32, #tpu.memory_space<vmem>>
          %dma_start3A_286 = tpu.memref_squeeze %dma_start3A_285 : memref<1x128x256xf32, #tpu.memory_space<vmem>> -> memref<128x256xf32, #tpu.memory_space<vmem>>
          %dma_start3A_287 = arith.constant 0 : i32
          %dma_start3A_288 = arith.constant 0 : i32
          %dma_start3A_289 = tpu.memref_slice %run_scoped3A[%rem3A_213, %dma_start3A_287, %dma_start3A_288] : memref<2x1x128xi32, #tpu.memory_space<vmem>> -> memref<1x1x128xi32, #tpu.memory_space<vmem>>
          %dma_start3A_290 = tpu.memref_squeeze %dma_start3A_289 : memref<1x1x128xi32, #tpu.memory_space<vmem>> -> memref<1x128xi32, #tpu.memory_space<vmem>>
          %dma_start3A_291 = arith.constant 0 : i32
          %dma_start3A_292 = tpu.memref_slice %dma_start3A_290[%run_scoped3A_216, %dma_start3A_291] : memref<1x128xi32, #tpu.memory_space<vmem>> -> memref<1x128xi32, #tpu.memory_space<vmem>>
          %dma_start3A_293 = tpu.memref_squeeze %dma_start3A_292 : memref<1x128xi32, #tpu.memory_space<vmem>> -> memref<128xi32, #tpu.memory_space<vmem>>
          %dma_start3A_294 = arith.constant 0 : i32
          %dma_start3A_295 = arith.constant 0 : i32
          %dma_start3A_296 = tpu.memref_slice %arg3[%dma_start3A_294, %dma_start3A_295] : memref<8192x256xf32, #tpu.memory_space<hbm>> -> memref<8192x256xf32, #tpu.memory_space<hbm>>
          tpu.enqueue_indirect_dma source(%dma_start3A_296 : memref<8192x256xf32, #tpu.memory_space<hbm>>) target(%dma_start3A_286 : memref<128x256xf32, #tpu.memory_space<vmem>>) offsets(%dma_start3A_293 : memref<128xi32, #tpu.memory_space<vmem>>) semaphore(%run_scoped3A_282 : memref<!tpu.dma_semaphore, #tpu.memory_space<semaphore_mem>>)
          %dma_wait3A_297 = arith.constant 0 : i32
          %dma_wait3A_298 = arith.constant 0 : i32
          %dma_wait3A_299 = tpu.memref_slice %run_scoped3A_26[%rem3A_215, %dma_wait3A_297, %dma_wait3A_298] : memref<2x128x256xf32, #tpu.memory_space<vmem>> -> memref<1x128x256xf32, #tpu.memory_space<vmem>>
          %dma_wait3A_300 = tpu.memref_squeeze %dma_wait3A_299 : memref<1x128x256xf32, #tpu.memory_space<vmem>> -> memref<128x256xf32, #tpu.memory_space<vmem>>
          %dma_wait3A_301 = arith.constant 0 : i32
          %dma_wait3A_302 = arith.constant 0 : i32
          %dma_wait3A_303 = tpu.memref_slice %run_scoped3A[%rem3A_213, %dma_wait3A_301, %dma_wait3A_302] : memref<2x1x128xi32, #tpu.memory_space<vmem>> -> memref<1x1x128xi32, #tpu.memory_space<vmem>>
          %dma_wait3A_304 = tpu.memref_squeeze %dma_wait3A_303 : memref<1x1x128xi32, #tpu.memory_space<vmem>> -> memref<1x128xi32, #tpu.memory_space<vmem>>
          %dma_wait3A_305 = arith.constant 0 : i32
          %dma_wait3A_306 = tpu.memref_slice %dma_wait3A_304[%run_scoped3A_216, %dma_wait3A_305] : memref<1x128xi32, #tpu.memory_space<vmem>> -> memref<1x128xi32, #tpu.memory_space<vmem>>
          %dma_wait3A_307 = tpu.memref_squeeze %dma_wait3A_306 : memref<1x128xi32, #tpu.memory_space<vmem>> -> memref<128xi32, #tpu.memory_space<vmem>>
          %dma_wait3A_308 = arith.constant 0 : i32
          %dma_wait3A_309 = arith.constant 0 : i32
          %dma_wait3A_310 = tpu.memref_slice %arg3[%dma_wait3A_308, %dma_wait3A_309] : memref<8192x256xf32, #tpu.memory_space<hbm>> -> memref<8192x256xf32, #tpu.memory_space<hbm>>
          tpu.wait_indirect_dma semaphore(%run_scoped3A_282 : memref<!tpu.dma_semaphore, #tpu.memory_space<semaphore_mem>>) src(%dma_wait3A_310 : memref<8192x256xf32, #tpu.memory_space<hbm>>) dst(%dma_wait3A_300 : memref<128x256xf32, #tpu.memory_space<vmem>>)
          tpu.yield
        }) : () -> ()
        "tpu.trace_stop"() : () -> ()
        %ne3A_217 = arith.cmpi ne, %add3A_149, %add3A_167 : i32
        %or3A_218 = arith.constant false
        %or3A_219 = arith.ori %or3A_218, %ne3A_217 : i1
        %or3A_220 = arith.ori %or3A_219, %eq3A_148 : i1
        %convert_element_type3A_221 = arith.extui %or3A_220 : i1 to i32
        %cond3A_222 = arith.constant 0 : i32
        %cond3A_223 = arith.cmpi ne, %convert_element_type3A_221, %cond3A_222 : i32
        scf.if %cond3A_223 {
        } else {
        }
        %and3A_224 = arith.constant false
        %and3A_225 = arith.andi %or3A_220, %and3A_224 : i1
        %ne3A_226 = arith.cmpi ne, %add3A_149, %add3A_167 : i32
        %or3A_227 = arith.constant false
        %or3A_228 = arith.ori %or3A_227, %ne3A_226 : i1
        %or3A_229 = arith.constant false
        %or3A_230 = arith.ori %or3A_228, %or3A_229 : i1
        %or3A_231 = arith.ori %or3A_230, %eq3A_148 : i1
        %convert_element_type3A_232 = arith.extui %or3A_231 : i1 to i32
        %cond3A_233 = arith.constant 0 : i32
        %cond3A_234 = arith.cmpi ne, %convert_element_type3A_232, %cond3A_233 : i32
        scf.if %cond3A_234 {
          "tpu.trace_start"() <{level = 10 : i32, message = "ep_copy_out"}> : () -> ()
          %rem3A_282 = arith.constant 2 : i32
          %rem3A_283 = arith.remui %scan3A_142, %rem3A_282 : i32
          %mul3A_284 = arith.constant 128 : i32
          %mul3A_285 = arith.muli %mul3A_284, %add3A_149 : i32
          %dma_start3A_286 = arith.constant 0 : i32
          %dma_start3A_287 = arith.constant 0 : i32
          %dma_start3A_288 = tpu.memref_slice %run_scoped3A_26[%rem3A_283, %dma_start3A_286, %dma_start3A_287] : memref<2x128x256xf32, #tpu.memory_space<vmem>> -> memref<1x128x256xf32, #tpu.memory_space<vmem>>
          %dma_start3A_289 = tpu.memref_squeeze %dma_start3A_288 : memref<1x128x256xf32, #tpu.memory_space<vmem>> -> memref<128x256xf32, #tpu.memory_space<vmem>>
          %dma_start3A_290 = arith.constant 0 : i32
          %dma_start3A_291 = tpu.memref_slice %arg7[%mul3A_285, %dma_start3A_290] : memref<65536x256xf32, #tpu.memory_space<hbm>> -> memref<128x256xf32, #tpu.memory_space<hbm>>
          %dma_start3A_292 = tpu.memref_slice %run_scoped3A_27[%rem3A_283] : memref<2x!tpu.dma_semaphore, #tpu.memory_space<semaphore_mem>> -> memref<1x!tpu.dma_semaphore, #tpu.memory_space<semaphore_mem>>
          %dma_start3A_293 = tpu.memref_squeeze %dma_start3A_292 : memref<1x!tpu.dma_semaphore, #tpu.memory_space<semaphore_mem>> -> memref<!tpu.dma_semaphore, #tpu.memory_space<semaphore_mem>>
          %dma_start3A_294 = arith.constant 0 : i32
          %dma_start3A_295 = tpu.memref_slice %arg7[%mul3A_285, %dma_start3A_294] : memref<65536x256xf32, #tpu.memory_space<hbm>> -> memref<128x256xf32, #tpu.memory_space<hbm>>
          %dma_start3A_296 = arith.constant 0 : i32
          %dma_start3A_297 = arith.constant 0 : i32
          %dma_start3A_298 = tpu.memref_slice %run_scoped3A_26[%rem3A_283, %dma_start3A_296, %dma_start3A_297] : memref<2x128x256xf32, #tpu.memory_space<vmem>> -> memref<1x128x256xf32, #tpu.memory_space<vmem>>
          %dma_start3A_299 = tpu.memref_squeeze %dma_start3A_298 : memref<1x128x256xf32, #tpu.memory_space<vmem>> -> memref<128x256xf32, #tpu.memory_space<vmem>>
          tpu.enqueue_dma source(%dma_start3A_299 : memref<128x256xf32, #tpu.memory_space<vmem>>) target(%dma_start3A_295 : memref<128x256xf32, #tpu.memory_space<hbm>>) target_semaphore(%dma_start3A_293 : memref<!tpu.dma_semaphore, #tpu.memory_space<semaphore_mem>>)
          "tpu.trace_stop"() : () -> ()
        } else {
        }
        %and3A_235 = arith.constant true
        %and3A_236 = arith.andi %or3A_231, %and3A_235 : i1
        %add3A_237 = arith.constant 1 : i32
        %add3A_238 = arith.addi %scan3A_142, %add3A_237 : i32
        %select_n3A_239 = arith.select %and3A_236, %add3A_238, %scan3A_142 : i32
        %ne3A_240 = arith.cmpi ne, %add3A_149, %add3A_158 : i32
        %or3A_241 = arith.constant false
        %or3A_242 = arith.ori %or3A_241, %ne3A_240 : i1
        %not3A_243 = arith.constant true
        %not3A_244 = arith.xori %eq3A_146, %not3A_243 : i1
        %and3A_245 = arith.andi %or3A_242, %not3A_244 : i1
        %convert_element_type3A_246 = arith.extui %and3A_245 : i1 to i32
        %cond3A_247 = arith.constant 0 : i32
        %cond3A_248 = arith.cmpi ne, %convert_element_type3A_246, %cond3A_247 : i32
        scf.if %cond3A_248 {
        } else {
        }
        %and3A_249 = arith.constant false
        %and3A_250 = arith.andi %and3A_245, %and3A_249 : i1
        %ne3A_251 = arith.cmpi ne, %add3A_149, %add3A_158 : i32
        %or3A_252 = arith.constant false
        %or3A_253 = arith.ori %or3A_252, %ne3A_251 : i1
        %or3A_254 = arith.constant false
        %or3A_255 = arith.ori %or3A_253, %or3A_254 : i1
        %not3A_256 = arith.constant true
        %not3A_257 = arith.xori %eq3A_146, %not3A_256 : i1
        %and3A_258 = arith.andi %or3A_255, %not3A_257 : i1
        %convert_element_type3A_259 = arith.extui %and3A_258 : i1 to i32
        %cond3A_260 = arith.constant 0 : i32
        %cond3A_261 = arith.cmpi ne, %convert_element_type3A_259, %cond3A_260 : i32
        scf.if %cond3A_261 {
          "tpu.trace_start"() <{level = 10 : i32, message = "ep_wait_out"}> : () -> ()
          %rem3A_282 = arith.constant 2 : i32
          %rem3A_283 = arith.remui %scan3A_143, %rem3A_282 : i32
          %mul3A_284 = arith.constant 128 : i32
          %mul3A_285 = arith.muli %mul3A_284, %add3A_158 : i32
          %dma_wait3A_286 = arith.constant 0 : i32
          %dma_wait3A_287 = arith.constant 0 : i32
          %dma_wait3A_288 = tpu.memref_slice %run_scoped3A_26[%rem3A_283, %dma_wait3A_286, %dma_wait3A_287] : memref<2x128x256xf32, #tpu.memory_space<vmem>> -> memref<1x128x256xf32, #tpu.memory_space<vmem>>
          %dma_wait3A_289 = tpu.memref_squeeze %dma_wait3A_288 : memref<1x128x256xf32, #tpu.memory_space<vmem>> -> memref<128x256xf32, #tpu.memory_space<vmem>>
          %dma_wait3A_290 = arith.constant 0 : i32
          %dma_wait3A_291 = tpu.memref_slice %arg7[%mul3A_285, %dma_wait3A_290] : memref<65536x256xf32, #tpu.memory_space<hbm>> -> memref<128x256xf32, #tpu.memory_space<hbm>>
          %dma_wait3A_292 = tpu.memref_slice %run_scoped3A_27[%rem3A_283] : memref<2x!tpu.dma_semaphore, #tpu.memory_space<semaphore_mem>> -> memref<1x!tpu.dma_semaphore, #tpu.memory_space<semaphore_mem>>
          %dma_wait3A_293 = tpu.memref_squeeze %dma_wait3A_292 : memref<1x!tpu.dma_semaphore, #tpu.memory_space<semaphore_mem>> -> memref<!tpu.dma_semaphore, #tpu.memory_space<semaphore_mem>>
          %dma_wait3A_294 = arith.constant 0 : i32
          %dma_wait3A_295 = tpu.memref_slice %arg7[%mul3A_285, %dma_wait3A_294] : memref<65536x256xf32, #tpu.memory_space<hbm>> -> memref<128x256xf32, #tpu.memory_space<hbm>>
          %dma_wait3A_296 = arith.constant 0 : i32
          %dma_wait3A_297 = arith.constant 0 : i32
          %dma_wait3A_298 = tpu.memref_slice %run_scoped3A_26[%rem3A_283, %dma_wait3A_296, %dma_wait3A_297] : memref<2x128x256xf32, #tpu.memory_space<vmem>> -> memref<1x128x256xf32, #tpu.memory_space<vmem>>
          %dma_wait3A_299 = tpu.memref_squeeze %dma_wait3A_298 : memref<1x128x256xf32, #tpu.memory_space<vmem>> -> memref<128x256xf32, #tpu.memory_space<vmem>>
          tpu.wait_dma2 semaphore(%dma_wait3A_293 : memref<!tpu.dma_semaphore, #tpu.memory_space<semaphore_mem>>) src(%dma_wait3A_299 : memref<128x256xf32, #tpu.memory_space<vmem>>) dst(%dma_wait3A_295 : memref<128x256xf32, #tpu.memory_space<hbm>>)
          "tpu.trace_stop"() : () -> ()
        } else {
        }
        %and3A_262 = arith.constant true
        %and3A_263 = arith.andi %and3A_258, %and3A_262 : i1
        %add3A_264 = arith.constant 1 : i32
        %add3A_265 = arith.addi %scan3A_143, %add3A_264 : i32
        %select_n3A_266 = arith.select %and3A_263, %add3A_265, %scan3A_143 : i32
        %ne3A_267 = arith.cmpi ne, %add3A_149, %add3A_167 : i32
        %or3A_268 = arith.constant false
        %or3A_269 = arith.ori %or3A_268, %ne3A_267 : i1
        %or3A_270 = arith.ori %or3A_269, %eq3A_148 : i1
        %add3A_271 = arith.constant 1 : i32
        %add3A_272 = arith.addi %scan3A_141, %add3A_271 : i32
        %select_n3A_273 = arith.select %or3A_270, %add3A_272, %scan3A_141 : i32
        %add3A_274 = arith.constant 1 : i32
        %add3A_275 = arith.addi %scan3A_144, %add3A_274 : i32
        %select_n3A_276 = arith.constant true
        %select_n3A_277 = arith.select %select_n3A_276, %add3A_275, %scan3A_144 : i32
        %eq3A_278 = arith.constant 16 : i32
        %eq3A_279 = arith.cmpi eq, %select_n3A_277, %eq3A_278 : i32
        %select_n3A_280 = arith.constant 0 : i32
        %select_n3A_281 = arith.select %eq3A_279, %select_n3A_280, %select_n3A_277 : i32
        scf.yield %select_n3A_185, %select_n3A_273, %select_n3A_239, %select_n3A_266, %select_n3A_281 : i32, i32, i32, i32, i32
      }
      %scan3A_86 = arith.constant 16 : i32
      %sub3A = arith.constant 1 : i32
      %sub3A_87 = arith.subi %scan3A_85#4, %sub3A : i32
      %select_n3A_88 = arith.constant true
      %select_n3A_89 = arith.select %select_n3A_88, %sub3A_87, %scan3A_85#4 : i32
      %eq3A_90 = arith.constant -1 : i32
      %eq3A_91 = arith.cmpi eq, %select_n3A_89, %eq3A_90 : i32
      %select_n3A_92 = arith.constant 15 : i32
      %select_n3A_93 = arith.select %eq3A_91, %select_n3A_92, %select_n3A_89 : i32
      %add3A_94 = arith.addi %select_n3A_93, %mul3A_15 : i32
      %sub3A_95 = arith.constant 1 : i32
      %sub3A_96 = arith.subi %select_n3A_93, %sub3A_95 : i32
      %select_n3A_97 = arith.constant true
      %select_n3A_98 = arith.select %select_n3A_97, %sub3A_96, %select_n3A_93 : i32
      %eq3A_99 = arith.constant -1 : i32
      %eq3A_100 = arith.cmpi eq, %select_n3A_98, %eq3A_99 : i32
      %select_n3A_101 = arith.constant 15 : i32
      %select_n3A_102 = arith.select %eq3A_100, %select_n3A_101, %select_n3A_98 : i32
      %add3A_103 = arith.addi %select_n3A_102, %mul3A_15 : i32
      %add3A_104 = arith.constant 1 : i32
      %add3A_105 = arith.addi %select_n3A_93, %add3A_104 : i32
      %select_n3A_106 = arith.constant true
      %select_n3A_107 = arith.select %select_n3A_106, %add3A_105, %select_n3A_93 : i32
      %eq3A_108 = arith.constant 16 : i32
      %eq3A_109 = arith.cmpi eq, %select_n3A_107, %eq3A_108 : i32
      %select_n3A_110 = arith.constant 0 : i32
      %select_n3A_111 = arith.select %eq3A_109, %select_n3A_110, %select_n3A_107 : i32
      %add3A_112 = arith.addi %select_n3A_111, %mul3A_15 : i32
      %add3A_113 = arith.constant 1 : i32
      %add3A_114 = arith.addi %select_n3A_111, %add3A_113 : i32
      %select_n3A_115 = arith.constant true
      %select_n3A_116 = arith.select %select_n3A_115, %add3A_114, %select_n3A_111 : i32
      %eq3A_117 = arith.constant 16 : i32
      %eq3A_118 = arith.cmpi eq, %select_n3A_116, %eq3A_117 : i32
      %select_n3A_119 = arith.constant 0 : i32
      %select_n3A_120 = arith.select %eq3A_118, %select_n3A_119, %select_n3A_116 : i32
      %add3A_121 = arith.addi %select_n3A_120, %mul3A_15 : i32
      "tpu.trace_start"() <{level = 10 : i32, message = "ep_finalize"}> : () -> ()
      %rem3A_122 = arith.constant 2 : i32
      %rem3A_123 = arith.remui %scan3A_85#3, %rem3A_122 : i32
      %mul3A_124 = arith.constant 128 : i32
      %mul3A_125 = arith.muli %mul3A_124, %add3A_94 : i32
      %dma_wait3A = arith.constant 0 : i32
      %dma_wait3A_126 = arith.constant 0 : i32
      %dma_wait3A_127 = tpu.memref_slice %run_scoped3A_26[%rem3A_123, %dma_wait3A, %dma_wait3A_126] : memref<2x128x256xf32, #tpu.memory_space<vmem>> -> memref<1x128x256xf32, #tpu.memory_space<vmem>>
      %dma_wait3A_128 = tpu.memref_squeeze %dma_wait3A_127 : memref<1x128x256xf32, #tpu.memory_space<vmem>> -> memref<128x256xf32, #tpu.memory_space<vmem>>
      %dma_wait3A_129 = arith.constant 0 : i32
      %dma_wait3A_130 = tpu.memref_slice %arg7[%mul3A_125, %dma_wait3A_129] : memref<65536x256xf32, #tpu.memory_space<hbm>> -> memref<128x256xf32, #tpu.memory_space<hbm>>
      %dma_wait3A_131 = tpu.memref_slice %run_scoped3A_27[%rem3A_123] : memref<2x!tpu.dma_semaphore, #tpu.memory_space<semaphore_mem>> -> memref<1x!tpu.dma_semaphore, #tpu.memory_space<semaphore_mem>>
      %dma_wait3A_132 = tpu.memref_squeeze %dma_wait3A_131 : memref<1x!tpu.dma_semaphore, #tpu.memory_space<semaphore_mem>> -> memref<!tpu.dma_semaphore, #tpu.memory_space<semaphore_mem>>
      %dma_wait3A_133 = arith.constant 0 : i32
      %dma_wait3A_134 = tpu.memref_slice %arg7[%mul3A_125, %dma_wait3A_133] : memref<65536x256xf32, #tpu.memory_space<hbm>> -> memref<128x256xf32, #tpu.memory_space<hbm>>
      %dma_wait3A_135 = arith.constant 0 : i32
      %dma_wait3A_136 = arith.constant 0 : i32
      %dma_wait3A_137 = tpu.memref_slice %run_scoped3A_26[%rem3A_123, %dma_wait3A_135, %dma_wait3A_136] : memref<2x128x256xf32, #tpu.memory_space<vmem>> -> memref<1x128x256xf32, #tpu.memory_space<vmem>>
      %dma_wait3A_138 = tpu.memref_squeeze %dma_wait3A_137 : memref<1x128x256xf32, #tpu.memory_space<vmem>> -> memref<128x256xf32, #tpu.memory_space<vmem>>
      tpu.wait_dma2 semaphore(%dma_wait3A_132 : memref<!tpu.dma_semaphore, #tpu.memory_space<semaphore_mem>>) src(%dma_wait3A_138 : memref<128x256xf32, #tpu.memory_space<vmem>>) dst(%dma_wait3A_134 : memref<128x256xf32, #tpu.memory_space<hbm>>)
      "tpu.trace_stop"() : () -> ()
      tpu.yield
    }) : () -> ()
    %mul3A_16 = arith.constant 1 : i32
    %mul3A_17 = arith.muli %arg1, %mul3A_16 : i32
    %add3A_18 = arith.constant 0 : i32
    %add3A_19 = arith.addi %add3A_18, %mul3A_17 : i32
    %mul3A_20 = arith.constant 16 : i32
    %mul3A_21 = arith.muli %arg0, %mul3A_20 : i32
    %add3A_22 = arith.addi %add3A_19, %mul3A_21 : i32
    %mul3A_23 = arith.constant 16 : i32
    %mul3A_24 = arith.muli %add3A_22, %mul3A_23 : i32
    "tpu.region"() ({
      %run_scoped3A = memref.alloca() : memref<2x1x128xi32, #tpu.memory_space<vmem>>
      %run_scoped3A_25 = tpu.sem_alloc : memref<2x!tpu.dma_semaphore, #tpu.memory_space<semaphore_mem>>
      %run_scoped3A_26 = memref.alloca() : memref<2x128x128xf32, #tpu.memory_space<vmem>>
      %run_scoped3A_27 = tpu.sem_alloc : memref<2x!tpu.dma_semaphore, #tpu.memory_space<semaphore_mem>>
      %add3A_28 = arith.constant 0 : i32
      %add3A_29 = arith.addi %add3A_28, %mul3A_24 : i32
      %select_n3A = arith.constant true
      %select_n3A_30 = arith.constant 0 : i32
      %select_n3A_31 = arith.constant -1 : i32
      %select_n3A_32 = arith.select %select_n3A, %select_n3A_31, %select_n3A_30 : i32
      %eq3A = arith.constant -1 : i32
      %eq3A_33 = arith.cmpi eq, %select_n3A_32, %eq3A : i32
      %select_n3A_34 = arith.constant 15 : i32
      %select_n3A_35 = arith.select %eq3A_33, %select_n3A_34, %select_n3A_32 : i32
      %add3A_36 = arith.addi %select_n3A_35, %mul3A_24 : i32
      %select_n3A_37 = arith.constant true
      %select_n3A_38 = arith.constant 0 : i32
      %select_n3A_39 = arith.constant 1 : i32
      %select_n3A_40 = arith.select %select_n3A_37, %select_n3A_39, %select_n3A_38 : i32
      %eq3A_41 = arith.constant 16 : i32
      %eq3A_42 = arith.cmpi eq, %select_n3A_40, %eq3A_41 : i32
      %select_n3A_43 = arith.constant 0 : i32
      %select_n3A_44 = arith.select %eq3A_42, %select_n3A_43, %select_n3A_40 : i32
      %add3A_45 = arith.addi %select_n3A_44, %mul3A_24 : i32
      %add3A_46 = arith.constant 1 : i32
      %add3A_47 = arith.addi %select_n3A_44, %add3A_46 : i32
      %select_n3A_48 = arith.constant true
      %select_n3A_49 = arith.select %select_n3A_48, %add3A_47, %select_n3A_44 : i32
      %eq3A_50 = arith.constant 16 : i32
      %eq3A_51 = arith.cmpi eq, %select_n3A_49, %eq3A_50 : i32
      %select_n3A_52 = arith.constant 0 : i32
      %select_n3A_53 = arith.select %eq3A_51, %select_n3A_52, %select_n3A_49 : i32
      %add3A_54 = arith.addi %select_n3A_53, %mul3A_24 : i32
      "tpu.trace_start"() <{level = 10 : i32, message = "ep_initialize_0"}> : () -> ()
      %rem3A = arith.constant 0 : i32
      %rem3A_55 = arith.constant 2 : i32
      %rem3A_56 = arith.remui %rem3A, %rem3A_55 : i32
      %mul3A_57 = arith.constant 128 : i32
      %mul3A_58 = arith.muli %mul3A_57, %add3A_29 : i32
      %dma_start3A = arith.constant 0 : i32
      %dma_start3A_59 = arith.constant 0 : i32
      %dma_start3A_60 = tpu.memref_slice %run_scoped3A[%rem3A_56, %dma_start3A, %dma_start3A_59] : memref<2x1x128xi32, #tpu.memory_space<vmem>> -> memref<1x1x128xi32, #tpu.memory_space<vmem>>
      %dma_start3A_61 = tpu.memref_squeeze %dma_start3A_60 : memref<1x1x128xi32, #tpu.memory_space<vmem>> -> memref<1x128xi32, #tpu.memory_space<vmem>>
      %dma_start3A_62 = arith.constant 0 : i32
      %dma_start3A_63 = tpu.memref_slice %arg5[%dma_start3A_62, %mul3A_58] : memref<1x65536xi32, #tpu.memory_space<hbm>> -> memref<1x128xi32, #tpu.memory_space<hbm>>
      %dma_start3A_64 = tpu.memref_slice %run_scoped3A_25[%rem3A_56] : memref<2x!tpu.dma_semaphore, #tpu.memory_space<semaphore_mem>> -> memref<1x!tpu.dma_semaphore, #tpu.memory_space<semaphore_mem>>
      %dma_start3A_65 = tpu.memref_squeeze %dma_start3A_64 : memref<1x!tpu.dma_semaphore, #tpu.memory_space<semaphore_mem>> -> memref<!tpu.dma_semaphore, #tpu.memory_space<semaphore_mem>>
      %dma_start3A_66 = arith.constant 0 : i32
      %dma_start3A_67 = arith.constant 0 : i32
      %dma_start3A_68 = tpu.memref_slice %run_scoped3A[%rem3A_56, %dma_start3A_66, %dma_start3A_67] : memref<2x1x128xi32, #tpu.memory_space<vmem>> -> memref<1x1x128xi32, #tpu.memory_space<vmem>>
      %dma_start3A_69 = tpu.memref_squeeze %dma_start3A_68 : memref<1x1x128xi32, #tpu.memory_space<vmem>> -> memref<1x128xi32, #tpu.memory_space<vmem>>
      %dma_start3A_70 = arith.constant 0 : i32
      %dma_start3A_71 = tpu.memref_slice %arg5[%dma_start3A_70, %mul3A_58] : memref<1x65536xi32, #tpu.memory_space<hbm>> -> memref<1x128xi32, #tpu.memory_space<hbm>>
      tpu.enqueue_dma source(%dma_start3A_71 : memref<1x128xi32, #tpu.memory_space<hbm>>) target(%dma_start3A_69 : memref<1x128xi32, #tpu.memory_space<vmem>>) target_semaphore(%dma_start3A_65 : memref<!tpu.dma_semaphore, #tpu.memory_space<semaphore_mem>>)
      %add3A_72 = arith.constant 0 : i32
      %add3A_73 = arith.constant 1 : i32
      %add3A_74 = arith.addi %add3A_72, %add3A_73 : i32
      %select_n3A_75 = arith.constant true
      %select_n3A_76 = arith.constant 0 : i32
      %select_n3A_77 = arith.select %select_n3A_75, %add3A_74, %select_n3A_76 : i32
      "tpu.trace_stop"() : () -> ()
      %scan3A = arith.constant 0 : i32
      %scan3A_78 = arith.constant 0 : i32
      %scan3A_79 = arith.constant 0 : i32
      %scan3A_80 = arith.constant 0 : i32
      %scan3A_81 = arith.constant 0 : i32
      %scan3A_82 = arith.constant 16 : i32
      %scan3A_83 = arith.addi %scan3A_81, %scan3A_82 : i32
      %scan3A_84 = arith.constant 1 : i32
      %scan3A_85:5 = scf.for %scan3A_139 = %scan3A_81 to %scan3A_83 step %scan3A_84 iter_args(%scan3A_140 = %select_n3A_77, %scan3A_141 = %scan3A, %scan3A_142 = %scan3A_78, %scan3A_143 = %scan3A_79, %scan3A_144 = %scan3A_80) -> (i32, i32, i32, i32, i32)  : i32 {
        %eq3A_145 = arith.constant 0 : i32
        %eq3A_146 = arith.cmpi eq, %scan3A_139, %eq3A_145 : i32
        %eq3A_147 = arith.constant 15 : i32
        %eq3A_148 = arith.cmpi eq, %scan3A_139, %eq3A_147 : i32
        %add3A_149 = arith.addi %scan3A_144, %mul3A_24 : i32
        %sub3A_150 = arith.constant 1 : i32
        %sub3A_151 = arith.subi %scan3A_144, %sub3A_150 : i32
        %select_n3A_152 = arith.constant true
        %select_n3A_153 = arith.select %select_n3A_152, %sub3A_151, %scan3A_144 : i32
        %eq3A_154 = arith.constant -1 : i32
        %eq3A_155 = arith.cmpi eq, %select_n3A_153, %eq3A_154 : i32
        %select_n3A_156 = arith.constant 15 : i32
        %select_n3A_157 = arith.select %eq3A_155, %select_n3A_156, %select_n3A_153 : i32
        %add3A_158 = arith.addi %select_n3A_157, %mul3A_24 : i32
        %add3A_159 = arith.constant 1 : i32
        %add3A_160 = arith.addi %scan3A_144, %add3A_159 : i32
        %select_n3A_161 = arith.constant true
        %select_n3A_162 = arith.select %select_n3A_161, %add3A_160, %scan3A_144 : i32
        %eq3A_163 = arith.constant 16 : i32
        %eq3A_164 = arith.cmpi eq, %select_n3A_162, %eq3A_163 : i32
        %select_n3A_165 = arith.constant 0 : i32
        %select_n3A_166 = arith.select %eq3A_164, %select_n3A_165, %select_n3A_162 : i32
        %add3A_167 = arith.addi %select_n3A_166, %mul3A_24 : i32
        %add3A_168 = arith.constant 1 : i32
        %add3A_169 = arith.addi %select_n3A_166, %add3A_168 : i32
        %select_n3A_170 = arith.constant true
        %select_n3A_171 = arith.select %select_n3A_170, %add3A_169, %select_n3A_166 : i32
        %eq3A_172 = arith.constant 16 : i32
        %eq3A_173 = arith.cmpi eq, %select_n3A_171, %eq3A_172 : i32
        %select_n3A_174 = arith.constant 0 : i32
        %select_n3A_175 = arith.select %eq3A_173, %select_n3A_174, %select_n3A_171 : i32
        %add3A_176 = arith.addi %select_n3A_175, %mul3A_24 : i32
        %ne3A = arith.cmpi ne, %add3A_149, %add3A_167 : i32
        %or3A = arith.constant false
        %or3A_177 = arith.ori %or3A, %ne3A : i1
        %ge3A = arith.constant 15 : i32
        %ge3A_178 = arith.cmpi sge, %scan3A_139, %ge3A : i32
        %not3A = arith.constant true
        %not3A_179 = arith.xori %ge3A_178, %not3A : i1
        %and3A = arith.andi %or3A_177, %not3A_179 : i1
        %convert_element_type3A = arith.extui %and3A : i1 to i32
        %cond3A = arith.constant 0 : i32
        %cond3A_180 = arith.cmpi ne, %convert_element_type3A, %cond3A : i32
        scf.if %cond3A_180 {
          "tpu.trace_start"() <{level = 10 : i32, message = "ep_copy_in"}> : () -> ()
          %rem3A_282 = arith.constant 2 : i32
          %rem3A_283 = arith.remui %scan3A_140, %rem3A_282 : i32
          %mul3A_284 = arith.constant 128 : i32
          %mul3A_285 = arith.muli %mul3A_284, %add3A_167 : i32
          %dma_start3A_286 = arith.constant 0 : i32
          %dma_start3A_287 = arith.constant 0 : i32
          %dma_start3A_288 = tpu.memref_slice %run_scoped3A[%rem3A_283, %dma_start3A_286, %dma_start3A_287] : memref<2x1x128xi32, #tpu.memory_space<vmem>> -> memref<1x1x128xi32, #tpu.memory_space<vmem>>
          %dma_start3A_289 = tpu.memref_squeeze %dma_start3A_288 : memref<1x1x128xi32, #tpu.memory_space<vmem>> -> memref<1x128xi32, #tpu.memory_space<vmem>>
          %dma_start3A_290 = arith.constant 0 : i32
          %dma_start3A_291 = tpu.memref_slice %arg5[%dma_start3A_290, %mul3A_285] : memref<1x65536xi32, #tpu.memory_space<hbm>> -> memref<1x128xi32, #tpu.memory_space<hbm>>
          %dma_start3A_292 = tpu.memref_slice %run_scoped3A_25[%rem3A_283] : memref<2x!tpu.dma_semaphore, #tpu.memory_space<semaphore_mem>> -> memref<1x!tpu.dma_semaphore, #tpu.memory_space<semaphore_mem>>
          %dma_start3A_293 = tpu.memref_squeeze %dma_start3A_292 : memref<1x!tpu.dma_semaphore, #tpu.memory_space<semaphore_mem>> -> memref<!tpu.dma_semaphore, #tpu.memory_space<semaphore_mem>>
          %dma_start3A_294 = arith.constant 0 : i32
          %dma_start3A_295 = arith.constant 0 : i32
          %dma_start3A_296 = tpu.memref_slice %run_scoped3A[%rem3A_283, %dma_start3A_294, %dma_start3A_295] : memref<2x1x128xi32, #tpu.memory_space<vmem>> -> memref<1x1x128xi32, #tpu.memory_space<vmem>>
          %dma_start3A_297 = tpu.memref_squeeze %dma_start3A_296 : memref<1x1x128xi32, #tpu.memory_space<vmem>> -> memref<1x128xi32, #tpu.memory_space<vmem>>
          %dma_start3A_298 = arith.constant 0 : i32
          %dma_start3A_299 = tpu.memref_slice %arg5[%dma_start3A_298, %mul3A_285] : memref<1x65536xi32, #tpu.memory_space<hbm>> -> memref<1x128xi32, #tpu.memory_space<hbm>>
          tpu.enqueue_dma source(%dma_start3A_299 : memref<1x128xi32, #tpu.memory_space<hbm>>) target(%dma_start3A_297 : memref<1x128xi32, #tpu.memory_space<vmem>>) target_semaphore(%dma_start3A_293 : memref<!tpu.dma_semaphore, #tpu.memory_space<semaphore_mem>>)
          "tpu.trace_stop"() : () -> ()
        } else {
        }
        %and3A_181 = arith.constant true
        %and3A_182 = arith.andi %and3A, %and3A_181 : i1
        %add3A_183 = arith.constant 1 : i32
        %add3A_184 = arith.addi %scan3A_140, %add3A_183 : i32
        %select_n3A_185 = arith.select %and3A_182, %add3A_184, %scan3A_140 : i32
        %ne3A_186 = arith.cmpi ne, %add3A_149, %add3A_167 : i32
        %or3A_187 = arith.constant false
        %or3A_188 = arith.ori %or3A_187, %ne3A_186 : i1
        %or3A_189 = arith.constant false
        %or3A_190 = arith.ori %or3A_188, %or3A_189 : i1
        %ge3A_191 = arith.constant 15 : i32
        %ge3A_192 = arith.cmpi sge, %scan3A_139, %ge3A_191 : i32
        %not3A_193 = arith.constant true
        %not3A_194 = arith.xori %ge3A_192, %not3A_193 : i1
        %and3A_195 = arith.andi %or3A_190, %not3A_194 : i1
        %ne3A_196 = arith.cmpi ne, %add3A_149, %add3A_158 : i32
        %or3A_197 = arith.constant false
        %or3A_198 = arith.ori %or3A_197, %ne3A_196 : i1
        %or3A_199 = arith.ori %or3A_198, %eq3A_146 : i1
        %convert_element_type3A_200 = arith.extui %or3A_199 : i1 to i32
        %cond3A_201 = arith.constant 0 : i32
        %cond3A_202 = arith.cmpi ne, %convert_element_type3A_200, %cond3A_201 : i32
        scf.if %cond3A_202 {
          "tpu.trace_start"() <{level = 10 : i32, message = "ep_wait_in"}> : () -> ()
          %mul3A_282 = arith.constant 128 : i32
          %mul3A_283 = arith.muli %mul3A_282, %add3A_149 : i32
          %rem3A_284 = arith.constant 2 : i32
          %rem3A_285 = arith.remui %scan3A_141, %rem3A_284 : i32
          %dma_wait3A_286 = arith.constant 0 : i32
          %dma_wait3A_287 = arith.constant 0 : i32
          %dma_wait3A_288 = tpu.memref_slice %run_scoped3A[%rem3A_285, %dma_wait3A_286, %dma_wait3A_287] : memref<2x1x128xi32, #tpu.memory_space<vmem>> -> memref<1x1x128xi32, #tpu.memory_space<vmem>>
          %dma_wait3A_289 = tpu.memref_squeeze %dma_wait3A_288 : memref<1x1x128xi32, #tpu.memory_space<vmem>> -> memref<1x128xi32, #tpu.memory_space<vmem>>
          %dma_wait3A_290 = arith.constant 0 : i32
          %dma_wait3A_291 = tpu.memref_slice %arg5[%dma_wait3A_290, %mul3A_283] : memref<1x65536xi32, #tpu.memory_space<hbm>> -> memref<1x128xi32, #tpu.memory_space<hbm>>
          %dma_wait3A_292 = tpu.memref_slice %run_scoped3A_25[%rem3A_285] : memref<2x!tpu.dma_semaphore, #tpu.memory_space<semaphore_mem>> -> memref<1x!tpu.dma_semaphore, #tpu.memory_space<semaphore_mem>>
          %dma_wait3A_293 = tpu.memref_squeeze %dma_wait3A_292 : memref<1x!tpu.dma_semaphore, #tpu.memory_space<semaphore_mem>> -> memref<!tpu.dma_semaphore, #tpu.memory_space<semaphore_mem>>
          %dma_wait3A_294 = arith.constant 0 : i32
          %dma_wait3A_295 = arith.constant 0 : i32
          %dma_wait3A_296 = tpu.memref_slice %run_scoped3A[%rem3A_285, %dma_wait3A_294, %dma_wait3A_295] : memref<2x1x128xi32, #tpu.memory_space<vmem>> -> memref<1x1x128xi32, #tpu.memory_space<vmem>>
          %dma_wait3A_297 = tpu.memref_squeeze %dma_wait3A_296 : memref<1x1x128xi32, #tpu.memory_space<vmem>> -> memref<1x128xi32, #tpu.memory_space<vmem>>
          %dma_wait3A_298 = arith.constant 0 : i32
          %dma_wait3A_299 = tpu.memref_slice %arg5[%dma_wait3A_298, %mul3A_283] : memref<1x65536xi32, #tpu.memory_space<hbm>> -> memref<1x128xi32, #tpu.memory_space<hbm>>
          tpu.wait_dma2 semaphore(%dma_wait3A_293 : memref<!tpu.dma_semaphore, #tpu.memory_space<semaphore_mem>>) src(%dma_wait3A_299 : memref<1x128xi32, #tpu.memory_space<hbm>>) dst(%dma_wait3A_297 : memref<1x128xi32, #tpu.memory_space<vmem>>)
          "tpu.trace_stop"() : () -> ()
        } else {
        }
        %ne3A_203 = arith.cmpi ne, %add3A_149, %add3A_158 : i32
        %or3A_204 = arith.constant false
        %or3A_205 = arith.ori %or3A_204, %ne3A_203 : i1
        %or3A_206 = arith.constant false
        %or3A_207 = arith.ori %or3A_205, %or3A_206 : i1
        %or3A_208 = arith.ori %or3A_207, %eq3A_146 : i1
        %convert_element_type3A_209 = arith.extui %or3A_208 : i1 to i32
        %cond3A_210 = arith.constant 0 : i32
        %cond3A_211 = arith.cmpi ne, %convert_element_type3A_209, %cond3A_210 : i32
        scf.if %cond3A_211 {
        } else {
        }
        %rem3A_212 = arith.constant 2 : i32
        %rem3A_213 = arith.remui %scan3A_141, %rem3A_212 : i32
        %rem3A_214 = arith.constant 2 : i32
        %rem3A_215 = arith.remui %scan3A_142, %rem3A_214 : i32
        %run_scoped3A_216 = arith.constant 0 : i32
        "tpu.trace_start"() <{level = 10 : i32, message = "ep_run_kernel"}> : () -> ()
        "tpu.region"() ({
          %run_scoped3A_282 = tpu.sem_alloc : memref<!tpu.dma_semaphore, #tpu.memory_space<semaphore_mem>>
          %dma_start3A_283 = arith.constant 0 : i32
          %dma_start3A_284 = arith.constant 0 : i32
          %dma_start3A_285 = tpu.memref_slice %run_scoped3A_26[%rem3A_215, %dma_start3A_283, %dma_start3A_284] : memref<2x128x128xf32, #tpu.memory_space<vmem>> -> memref<1x128x128xf32, #tpu.memory_space<vmem>>
          %dma_start3A_286 = tpu.memref_squeeze %dma_start3A_285 : memref<1x128x128xf32, #tpu.memory_space<vmem>> -> memref<128x128xf32, #tpu.memory_space<vmem>>
          %dma_start3A_287 = arith.constant 0 : i32
          %dma_start3A_288 = arith.constant 0 : i32
          %dma_start3A_289 = tpu.memref_slice %run_scoped3A[%rem3A_213, %dma_start3A_287, %dma_start3A_288] : memref<2x1x128xi32, #tpu.memory_space<vmem>> -> memref<1x1x128xi32, #tpu.memory_space<vmem>>
          %dma_start3A_290 = tpu.memref_squeeze %dma_start3A_289 : memref<1x1x128xi32, #tpu.memory_space<vmem>> -> memref<1x128xi32, #tpu.memory_space<vmem>>
          %dma_start3A_291 = arith.constant 0 : i32
          %dma_start3A_292 = tpu.memref_slice %dma_start3A_290[%run_scoped3A_216, %dma_start3A_291] : memref<1x128xi32, #tpu.memory_space<vmem>> -> memref<1x128xi32, #tpu.memory_space<vmem>>
          %dma_start3A_293 = tpu.memref_squeeze %dma_start3A_292 : memref<1x128xi32, #tpu.memory_space<vmem>> -> memref<128xi32, #tpu.memory_space<vmem>>
          %dma_start3A_294 = arith.constant 0 : i32
          %dma_start3A_295 = arith.constant 0 : i32
          %dma_start3A_296 = tpu.memref_slice %arg4[%dma_start3A_294, %dma_start3A_295] : memref<8192x128xf32, #tpu.memory_space<hbm>> -> memref<8192x128xf32, #tpu.memory_space<hbm>>
          tpu.enqueue_indirect_dma source(%dma_start3A_296 : memref<8192x128xf32, #tpu.memory_space<hbm>>) target(%dma_start3A_286 : memref<128x128xf32, #tpu.memory_space<vmem>>) offsets(%dma_start3A_293 : memref<128xi32, #tpu.memory_space<vmem>>) semaphore(%run_scoped3A_282 : memref<!tpu.dma_semaphore, #tpu.memory_space<semaphore_mem>>)
          %dma_wait3A_297 = arith.constant 0 : i32
          %dma_wait3A_298 = arith.constant 0 : i32
          %dma_wait3A_299 = tpu.memref_slice %run_scoped3A_26[%rem3A_215, %dma_wait3A_297, %dma_wait3A_298] : memref<2x128x128xf32, #tpu.memory_space<vmem>> -> memref<1x128x128xf32, #tpu.memory_space<vmem>>
          %dma_wait3A_300 = tpu.memref_squeeze %dma_wait3A_299 : memref<1x128x128xf32, #tpu.memory_space<vmem>> -> memref<128x128xf32, #tpu.memory_space<vmem>>
          %dma_wait3A_301 = arith.constant 0 : i32
          %dma_wait3A_302 = arith.constant 0 : i32
          %dma_wait3A_303 = tpu.memref_slice %run_scoped3A[%rem3A_213, %dma_wait3A_301, %dma_wait3A_302] : memref<2x1x128xi32, #tpu.memory_space<vmem>> -> memref<1x1x128xi32, #tpu.memory_space<vmem>>
          %dma_wait3A_304 = tpu.memref_squeeze %dma_wait3A_303 : memref<1x1x128xi32, #tpu.memory_space<vmem>> -> memref<1x128xi32, #tpu.memory_space<vmem>>
          %dma_wait3A_305 = arith.constant 0 : i32
          %dma_wait3A_306 = tpu.memref_slice %dma_wait3A_304[%run_scoped3A_216, %dma_wait3A_305] : memref<1x128xi32, #tpu.memory_space<vmem>> -> memref<1x128xi32, #tpu.memory_space<vmem>>
          %dma_wait3A_307 = tpu.memref_squeeze %dma_wait3A_306 : memref<1x128xi32, #tpu.memory_space<vmem>> -> memref<128xi32, #tpu.memory_space<vmem>>
          %dma_wait3A_308 = arith.constant 0 : i32
          %dma_wait3A_309 = arith.constant 0 : i32
          %dma_wait3A_310 = tpu.memref_slice %arg4[%dma_wait3A_308, %dma_wait3A_309] : memref<8192x128xf32, #tpu.memory_space<hbm>> -> memref<8192x128xf32, #tpu.memory_space<hbm>>
          tpu.wait_indirect_dma semaphore(%run_scoped3A_282 : memref<!tpu.dma_semaphore, #tpu.memory_space<semaphore_mem>>) src(%dma_wait3A_310 : memref<8192x128xf32, #tpu.memory_space<hbm>>) dst(%dma_wait3A_300 : memref<128x128xf32, #tpu.memory_space<vmem>>)
          tpu.yield
        }) : () -> ()
        "tpu.trace_stop"() : () -> ()
        %ne3A_217 = arith.cmpi ne, %add3A_149, %add3A_167 : i32
        %or3A_218 = arith.constant false
        %or3A_219 = arith.ori %or3A_218, %ne3A_217 : i1
        %or3A_220 = arith.ori %or3A_219, %eq3A_148 : i1
        %convert_element_type3A_221 = arith.extui %or3A_220 : i1 to i32
        %cond3A_222 = arith.constant 0 : i32
        %cond3A_223 = arith.cmpi ne, %convert_element_type3A_221, %cond3A_222 : i32
        scf.if %cond3A_223 {
        } else {
        }
        %and3A_224 = arith.constant false
        %and3A_225 = arith.andi %or3A_220, %and3A_224 : i1
        %ne3A_226 = arith.cmpi ne, %add3A_149, %add3A_167 : i32
        %or3A_227 = arith.constant false
        %or3A_228 = arith.ori %or3A_227, %ne3A_226 : i1
        %or3A_229 = arith.constant false
        %or3A_230 = arith.ori %or3A_228, %or3A_229 : i1
        %or3A_231 = arith.ori %or3A_230, %eq3A_148 : i1
        %convert_element_type3A_232 = arith.extui %or3A_231 : i1 to i32
        %cond3A_233 = arith.constant 0 : i32
        %cond3A_234 = arith.cmpi ne, %convert_element_type3A_232, %cond3A_233 : i32
        scf.if %cond3A_234 {
          "tpu.trace_start"() <{level = 10 : i32, message = "ep_copy_out"}> : () -> ()
          %rem3A_282 = arith.constant 2 : i32
          %rem3A_283 = arith.remui %scan3A_142, %rem3A_282 : i32
          %mul3A_284 = arith.constant 128 : i32
          %mul3A_285 = arith.muli %mul3A_284, %add3A_149 : i32
          %dma_start3A_286 = arith.constant 0 : i32
          %dma_start3A_287 = arith.constant 0 : i32
          %dma_start3A_288 = tpu.memref_slice %run_scoped3A_26[%rem3A_283, %dma_start3A_286, %dma_start3A_287] : memref<2x128x128xf32, #tpu.memory_space<vmem>> -> memref<1x128x128xf32, #tpu.memory_space<vmem>>
          %dma_start3A_289 = tpu.memref_squeeze %dma_start3A_288 : memref<1x128x128xf32, #tpu.memory_space<vmem>> -> memref<128x128xf32, #tpu.memory_space<vmem>>
          %dma_start3A_290 = arith.constant 0 : i32
          %dma_start3A_291 = tpu.memref_slice %arg8[%mul3A_285, %dma_start3A_290] : memref<65536x128xf32, #tpu.memory_space<hbm>> -> memref<128x128xf32, #tpu.memory_space<hbm>>
          %dma_start3A_292 = tpu.memref_slice %run_scoped3A_27[%rem3A_283] : memref<2x!tpu.dma_semaphore, #tpu.memory_space<semaphore_mem>> -> memref<1x!tpu.dma_semaphore, #tpu.memory_space<semaphore_mem>>
          %dma_start3A_293 = tpu.memref_squeeze %dma_start3A_292 : memref<1x!tpu.dma_semaphore, #tpu.memory_space<semaphore_mem>> -> memref<!tpu.dma_semaphore, #tpu.memory_space<semaphore_mem>>
          %dma_start3A_294 = arith.constant 0 : i32
          %dma_start3A_295 = tpu.memref_slice %arg8[%mul3A_285, %dma_start3A_294] : memref<65536x128xf32, #tpu.memory_space<hbm>> -> memref<128x128xf32, #tpu.memory_space<hbm>>
          %dma_start3A_296 = arith.constant 0 : i32
          %dma_start3A_297 = arith.constant 0 : i32
          %dma_start3A_298 = tpu.memref_slice %run_scoped3A_26[%rem3A_283, %dma_start3A_296, %dma_start3A_297] : memref<2x128x128xf32, #tpu.memory_space<vmem>> -> memref<1x128x128xf32, #tpu.memory_space<vmem>>
          %dma_start3A_299 = tpu.memref_squeeze %dma_start3A_298 : memref<1x128x128xf32, #tpu.memory_space<vmem>> -> memref<128x128xf32, #tpu.memory_space<vmem>>
          tpu.enqueue_dma source(%dma_start3A_299 : memref<128x128xf32, #tpu.memory_space<vmem>>) target(%dma_start3A_295 : memref<128x128xf32, #tpu.memory_space<hbm>>) target_semaphore(%dma_start3A_293 : memref<!tpu.dma_semaphore, #tpu.memory_space<semaphore_mem>>)
          "tpu.trace_stop"() : () -> ()
        } else {
        }
        %and3A_235 = arith.constant true
        %and3A_236 = arith.andi %or3A_231, %and3A_235 : i1
        %add3A_237 = arith.constant 1 : i32
        %add3A_238 = arith.addi %scan3A_142, %add3A_237 : i32
        %select_n3A_239 = arith.select %and3A_236, %add3A_238, %scan3A_142 : i32
        %ne3A_240 = arith.cmpi ne, %add3A_149, %add3A_158 : i32
        %or3A_241 = arith.constant false
        %or3A_242 = arith.ori %or3A_241, %ne3A_240 : i1
        %not3A_243 = arith.constant true
        %not3A_244 = arith.xori %eq3A_146, %not3A_243 : i1
        %and3A_245 = arith.andi %or3A_242, %not3A_244 : i1
        %convert_element_type3A_246 = arith.extui %and3A_245 : i1 to i32
        %cond3A_247 = arith.constant 0 : i32
        %cond3A_248 = arith.cmpi ne, %convert_element_type3A_246, %cond3A_247 : i32
        scf.if %cond3A_248 {
        } else {
        }
        %and3A_249 = arith.constant false
        %and3A_250 = arith.andi %and3A_245, %and3A_249 : i1
        %ne3A_251 = arith.cmpi ne, %add3A_149, %add3A_158 : i32
        %or3A_252 = arith.constant false
        %or3A_253 = arith.ori %or3A_252, %ne3A_251 : i1
        %or3A_254 = arith.constant false
        %or3A_255 = arith.ori %or3A_253, %or3A_254 : i1
        %not3A_256 = arith.constant true
        %not3A_257 = arith.xori %eq3A_146, %not3A_256 : i1
        %and3A_258 = arith.andi %or3A_255, %not3A_257 : i1
        %convert_element_type3A_259 = arith.extui %and3A_258 : i1 to i32
        %cond3A_260 = arith.constant 0 : i32
        %cond3A_261 = arith.cmpi ne, %convert_element_type3A_259, %cond3A_260 : i32
        scf.if %cond3A_261 {
          "tpu.trace_start"() <{level = 10 : i32, message = "ep_wait_out"}> : () -> ()
          %rem3A_282 = arith.constant 2 : i32
          %rem3A_283 = arith.remui %scan3A_143, %rem3A_282 : i32
          %mul3A_284 = arith.constant 128 : i32
          %mul3A_285 = arith.muli %mul3A_284, %add3A_158 : i32
          %dma_wait3A_286 = arith.constant 0 : i32
          %dma_wait3A_287 = arith.constant 0 : i32
          %dma_wait3A_288 = tpu.memref_slice %run_scoped3A_26[%rem3A_283, %dma_wait3A_286, %dma_wait3A_287] : memref<2x128x128xf32, #tpu.memory_space<vmem>> -> memref<1x128x128xf32, #tpu.memory_space<vmem>>
          %dma_wait3A_289 = tpu.memref_squeeze %dma_wait3A_288 : memref<1x128x128xf32, #tpu.memory_space<vmem>> -> memref<128x128xf32, #tpu.memory_space<vmem>>
          %dma_wait3A_290 = arith.constant 0 : i32
          %dma_wait3A_291 = tpu.memref_slice %arg8[%mul3A_285, %dma_wait3A_290] : memref<65536x128xf32, #tpu.memory_space<hbm>> -> memref<128x128xf32, #tpu.memory_space<hbm>>
          %dma_wait3A_292 = tpu.memref_slice %run_scoped3A_27[%rem3A_283] : memref<2x!tpu.dma_semaphore, #tpu.memory_space<semaphore_mem>> -> memref<1x!tpu.dma_semaphore, #tpu.memory_space<semaphore_mem>>
          %dma_wait3A_293 = tpu.memref_squeeze %dma_wait3A_292 : memref<1x!tpu.dma_semaphore, #tpu.memory_space<semaphore_mem>> -> memref<!tpu.dma_semaphore, #tpu.memory_space<semaphore_mem>>
          %dma_wait3A_294 = arith.constant 0 : i32
          %dma_wait3A_295 = tpu.memref_slice %arg8[%mul3A_285, %dma_wait3A_294] : memref<65536x128xf32, #tpu.memory_space<hbm>> -> memref<128x128xf32, #tpu.memory_space<hbm>>
          %dma_wait3A_296 = arith.constant 0 : i32
          %dma_wait3A_297 = arith.constant 0 : i32
          %dma_wait3A_298 = tpu.memref_slice %run_scoped3A_26[%rem3A_283, %dma_wait3A_296, %dma_wait3A_297] : memref<2x128x128xf32, #tpu.memory_space<vmem>> -> memref<1x128x128xf32, #tpu.memory_space<vmem>>
          %dma_wait3A_299 = tpu.memref_squeeze %dma_wait3A_298 : memref<1x128x128xf32, #tpu.memory_space<vmem>> -> memref<128x128xf32, #tpu.memory_space<vmem>>
          tpu.wait_dma2 semaphore(%dma_wait3A_293 : memref<!tpu.dma_semaphore, #tpu.memory_space<semaphore_mem>>) src(%dma_wait3A_299 : memref<128x128xf32, #tpu.memory_space<vmem>>) dst(%dma_wait3A_295 : memref<128x128xf32, #tpu.memory_space<hbm>>)
          "tpu.trace_stop"() : () -> ()
        } else {
        }
        %and3A_262 = arith.constant true
        %and3A_263 = arith.andi %and3A_258, %and3A_262 : i1
        %add3A_264 = arith.constant 1 : i32
        %add3A_265 = arith.addi %scan3A_143, %add3A_264 : i32
        %select_n3A_266 = arith.select %and3A_263, %add3A_265, %scan3A_143 : i32
        %ne3A_267 = arith.cmpi ne, %add3A_149, %add3A_167 : i32
        %or3A_268 = arith.constant false
        %or3A_269 = arith.ori %or3A_268, %ne3A_267 : i1
        %or3A_270 = arith.ori %or3A_269, %eq3A_148 : i1
        %add3A_271 = arith.constant 1 : i32
        %add3A_272 = arith.addi %scan3A_141, %add3A_271 : i32
        %select_n3A_273 = arith.select %or3A_270, %add3A_272, %scan3A_141 : i32
        %add3A_274 = arith.constant 1 : i32
        %add3A_275 = arith.addi %scan3A_144, %add3A_274 : i32
        %select_n3A_276 = arith.constant true
        %select_n3A_277 = arith.select %select_n3A_276, %add3A_275, %scan3A_144 : i32
        %eq3A_278 = arith.constant 16 : i32
        %eq3A_279 = arith.cmpi eq, %select_n3A_277, %eq3A_278 : i32
        %select_n3A_280 = arith.constant 0 : i32
        %select_n3A_281 = arith.select %eq3A_279, %select_n3A_280, %select_n3A_277 : i32
        scf.yield %select_n3A_185, %select_n3A_273, %select_n3A_239, %select_n3A_266, %select_n3A_281 : i32, i32, i32, i32, i32
      }
      %scan3A_86 = arith.constant 16 : i32
      %sub3A = arith.constant 1 : i32
      %sub3A_87 = arith.subi %scan3A_85#4, %sub3A : i32
      %select_n3A_88 = arith.constant true
      %select_n3A_89 = arith.select %select_n3A_88, %sub3A_87, %scan3A_85#4 : i32
      %eq3A_90 = arith.constant -1 : i32
      %eq3A_91 = arith.cmpi eq, %select_n3A_89, %eq3A_90 : i32
      %select_n3A_92 = arith.constant 15 : i32
      %select_n3A_93 = arith.select %eq3A_91, %select_n3A_92, %select_n3A_89 : i32
      %add3A_94 = arith.addi %select_n3A_93, %mul3A_24 : i32
      %sub3A_95 = arith.constant 1 : i32
      %sub3A_96 = arith.subi %select_n3A_93, %sub3A_95 : i32
      %select_n3A_97 = arith.constant true
      %select_n3A_98 = arith.select %select_n3A_97, %sub3A_96, %select_n3A_93 : i32
      %eq3A_99 = arith.constant -1 : i32
      %eq3A_100 = arith.cmpi eq, %select_n3A_98, %eq3A_99 : i32
      %select_n3A_101 = arith.constant 15 : i32
      %select_n3A_102 = arith.select %eq3A_100, %select_n3A_101, %select_n3A_98 : i32
      %add3A_103 = arith.addi %select_n3A_102, %mul3A_24 : i32
      %add3A_104 = arith.constant 1 : i32
      %add3A_105 = arith.addi %select_n3A_93, %add3A_104 : i32
      %select_n3A_106 = arith.constant true
      %select_n3A_107 = arith.select %select_n3A_106, %add3A_105, %select_n3A_93 : i32
      %eq3A_108 = arith.constant 16 : i32
      %eq3A_109 = arith.cmpi eq, %select_n3A_107, %eq3A_108 : i32
      %select_n3A_110 = arith.constant 0 : i32
      %select_n3A_111 = arith.select %eq3A_109, %select_n3A_110, %select_n3A_107 : i32
      %add3A_112 = arith.addi %select_n3A_111, %mul3A_24 : i32
      %add3A_113 = arith.constant 1 : i32
      %add3A_114 = arith.addi %select_n3A_111, %add3A_113 : i32
      %select_n3A_115 = arith.constant true
      %select_n3A_116 = arith.select %select_n3A_115, %add3A_114, %select_n3A_111 : i32
      %eq3A_117 = arith.constant 16 : i32
      %eq3A_118 = arith.cmpi eq, %select_n3A_116, %eq3A_117 : i32
      %select_n3A_119 = arith.constant 0 : i32
      %select_n3A_120 = arith.select %eq3A_118, %select_n3A_119, %select_n3A_116 : i32
      %add3A_121 = arith.addi %select_n3A_120, %mul3A_24 : i32
      "tpu.trace_start"() <{level = 10 : i32, message = "ep_finalize"}> : () -> ()
      %rem3A_122 = arith.constant 2 : i32
      %rem3A_123 = arith.remui %scan3A_85#3, %rem3A_122 : i32
      %mul3A_124 = arith.constant 128 : i32
      %mul3A_125 = arith.muli %mul3A_124, %add3A_94 : i32
      %dma_wait3A = arith.constant 0 : i32
      %dma_wait3A_126 = arith.constant 0 : i32
      %dma_wait3A_127 = tpu.memref_slice %run_scoped3A_26[%rem3A_123, %dma_wait3A, %dma_wait3A_126] : memref<2x128x128xf32, #tpu.memory_space<vmem>> -> memref<1x128x128xf32, #tpu.memory_space<vmem>>
      %dma_wait3A_128 = tpu.memref_squeeze %dma_wait3A_127 : memref<1x128x128xf32, #tpu.memory_space<vmem>> -> memref<128x128xf32, #tpu.memory_space<vmem>>
      %dma_wait3A_129 = arith.constant 0 : i32
      %dma_wait3A_130 = tpu.memref_slice %arg8[%mul3A_125, %dma_wait3A_129] : memref<65536x128xf32, #tpu.memory_space<hbm>> -> memref<128x128xf32, #tpu.memory_space<hbm>>
      %dma_wait3A_131 = tpu.memref_slice %run_scoped3A_27[%rem3A_123] : memref<2x!tpu.dma_semaphore, #tpu.memory_space<semaphore_mem>> -> memref<1x!tpu.dma_semaphore, #tpu.memory_space<semaphore_mem>>
      %dma_wait3A_132 = tpu.memref_squeeze %dma_wait3A_131 : memref<1x!tpu.dma_semaphore, #tpu.memory_space<semaphore_mem>> -> memref<!tpu.dma_semaphore, #tpu.memory_space<semaphore_mem>>
      %dma_wait3A_133 = arith.constant 0 : i32
      %dma_wait3A_134 = tpu.memref_slice %arg8[%mul3A_125, %dma_wait3A_133] : memref<65536x128xf32, #tpu.memory_space<hbm>> -> memref<128x128xf32, #tpu.memory_space<hbm>>
      %dma_wait3A_135 = arith.constant 0 : i32
      %dma_wait3A_136 = arith.constant 0 : i32
      %dma_wait3A_137 = tpu.memref_slice %run_scoped3A_26[%rem3A_123, %dma_wait3A_135, %dma_wait3A_136] : memref<2x128x128xf32, #tpu.memory_space<vmem>> -> memref<1x128x128xf32, #tpu.memory_space<vmem>>
      %dma_wait3A_138 = tpu.memref_squeeze %dma_wait3A_137 : memref<1x128x128xf32, #tpu.memory_space<vmem>> -> memref<128x128xf32, #tpu.memory_space<vmem>>
      tpu.wait_dma2 semaphore(%dma_wait3A_132 : memref<!tpu.dma_semaphore, #tpu.memory_space<semaphore_mem>>) src(%dma_wait3A_138 : memref<128x128xf32, #tpu.memory_space<vmem>>) dst(%dma_wait3A_134 : memref<128x128xf32, #tpu.memory_space<hbm>>)
      "tpu.trace_stop"() : () -> ()
      tpu.yield
    }) : () -> ()
    return
  }
}

module attributes {stable_mosaic.version = 14 : i64} {
  func.func @_knn_body(%arg0: i32, %arg1: memref<1x256x3xf32, #tpu.memory_space<vmem>>, %arg2: memref<1x3x4096xf32, #tpu.memory_space<vmem>>, %arg3: memref<256x16xi32, #tpu.memory_space<vmem>>) attributes {dimension_semantics = [#tpu.dimension_semantics<parallel>], iteration_bounds = array<i64: 16>, scalar_prefetch = 0 : i64, scratch_operands = 0 : i64, tpu.core_type = #tpu.core_type<tc>, window_params = [{transform_indices = @transform_0, window_bounds = array<i64: 1, 256, 3>}, {transform_indices = @transform_1, window_bounds = array<i64: 1, 3, 4096>}, {transform_indices = @transform_2, window_bounds = array<i64: 256, 16>}]} {
    %get3A = arith.constant 0 : index
    %get3A_0 = arith.constant 0 : index
    %get3A_1 = arith.constant 0 : index
    %get3A_2 = vector.load %arg1[%get3A, %get3A_0, %get3A_1] : memref<1x256x3xf32, #tpu.memory_space<vmem>>, vector<1x256x3xf32>
    %get3A_3 = vector.shape_cast %get3A_2 : vector<1x256x3xf32> to vector<256x3xf32>
    %get3A_4 = arith.constant 0 : index
    %get3A_5 = arith.constant 0 : index
    %get3A_6 = arith.constant 0 : index
    %get3A_7 = vector.load %arg2[%get3A_4, %get3A_5, %get3A_6] : memref<1x3x4096xf32, #tpu.memory_space<vmem>>, vector<1x3x4096xf32>
    %get3A_8 = vector.shape_cast %get3A_7 : vector<1x3x4096xf32> to vector<3x4096xf32>
    %slice3A = vector.extract_strided_slice %get3A_3 {offsets = [0, 0], sizes = [256, 1], strides = [1, 1]} : vector<256x3xf32> to vector<256x1xf32>
    %slice3A_9 = vector.extract_strided_slice %get3A_3 {offsets = [0, 1], sizes = [256, 1], strides = [1, 1]} : vector<256x3xf32> to vector<256x1xf32>
    %slice3A_10 = vector.extract_strided_slice %get3A_3 {offsets = [0, 2], sizes = [256, 1], strides = [1, 1]} : vector<256x3xf32> to vector<256x1xf32>
    %slice3A_11 = vector.extract_strided_slice %get3A_8 {offsets = [0, 0], sizes = [1, 4096], strides = [1, 1]} : vector<3x4096xf32> to vector<1x4096xf32>
    %slice3A_12 = vector.extract_strided_slice %get3A_8 {offsets = [1, 0], sizes = [1, 4096], strides = [1, 1]} : vector<3x4096xf32> to vector<1x4096xf32>
    %slice3A_13 = vector.extract_strided_slice %get3A_8 {offsets = [2, 0], sizes = [1, 4096], strides = [1, 1]} : vector<3x4096xf32> to vector<1x4096xf32>
    %convert_element_type3A = arith.truncf %get3A_3 : vector<256x3xf32> to vector<256x3xbf16>
    %convert_element_type3A_14 = arith.truncf %get3A_8 : vector<3x4096xf32> to vector<3x4096xbf16>
    %dot_general3A = arith.constant dense<0.000000e+00> : vector<256x4096xf32>
    %dot_general3A_15 = tpu.matmul %convert_element_type3A, %convert_element_type3A_14, %dot_general3A {dimension_numbers = #tpu.dot_dimension_numbers<[1], [0], [0], [1], [0, 0, 1, 1], [], []>, transpose_lhs_hint = false} : vector<256x3xbf16>, vector<3x4096xbf16>, vector<256x4096xf32> -> vector<256x4096xf32>
    %mul3A = arith.mulf %slice3A, %slice3A : vector<256x1xf32>
    %mul3A_16 = arith.mulf %slice3A_9, %slice3A_9 : vector<256x1xf32>
    %add3A = arith.addf %mul3A, %mul3A_16 : vector<256x1xf32>
    %mul3A_17 = arith.mulf %slice3A_10, %slice3A_10 : vector<256x1xf32>
    %add3A_18 = arith.addf %add3A, %mul3A_17 : vector<256x1xf32>
    %mul3A_19 = arith.mulf %slice3A_11, %slice3A_11 : vector<1x4096xf32>
    %mul3A_20 = arith.mulf %slice3A_12, %slice3A_12 : vector<1x4096xf32>
    %add3A_21 = arith.addf %mul3A_19, %mul3A_20 : vector<1x4096xf32>
    %mul3A_22 = arith.mulf %slice3A_13, %slice3A_13 : vector<1x4096xf32>
    %add3A_23 = arith.addf %add3A_21, %mul3A_22 : vector<1x4096xf32>
    %add3A_24 = vector.broadcast %add3A_18 : vector<256x1xf32> to vector<256x4096xf32>
    %add3A_25 = vector.broadcast %add3A_23 : vector<1x4096xf32> to vector<256x4096xf32>
    %add3A_26 = arith.addf %add3A_24, %add3A_25 : vector<256x4096xf32>
    %mul3A_27 = arith.constant 2.000000e+00 : f32
    %mul3A_28 = vector.broadcast %mul3A_27 : f32 to vector<256x4096xf32>
    %mul3A_29 = arith.mulf %mul3A_28, %dot_general3A_15 : vector<256x4096xf32>
    %sub3A = arith.subf %add3A_26, %mul3A_29 : vector<256x4096xf32>
    %iota3A = tpu.iota {dimensions = array<i32: 1>} : vector<256x4096xi32>
    %convert_element_type3A_30 = arith.sitofp %iota3A : vector<256x4096xi32> to vector<256x4096xf32>
    %reduce_min3A = arith.constant dense<0x7F800000> : vector<256xf32>
    %reduce_min3A_31 = vector.multi_reduction <minimumf>, %sub3A, %reduce_min3A [1] : vector<256x4096xf32> to vector<256xf32>
    %broadcast_in_dim3A = vector.shape_cast %reduce_min3A_31 : vector<256xf32> to vector<256x1xf32>
    %le3A = vector.broadcast %broadcast_in_dim3A : vector<256x1xf32> to vector<256x4096xf32>
    %le3A_32 = arith.cmpf ole, %sub3A, %le3A : vector<256x4096xf32>
    %jit3A = arith.constant 1.000000e+09 : f32
    %broadcast_in_dim3A_33 = vector.broadcast %jit3A : f32 to vector<256x4096xf32>
    %select_n3A = arith.select %le3A_32, %convert_element_type3A_30, %broadcast_in_dim3A_33 : vector<256x4096xi1>, vector<256x4096xf32>
    %reduce_min3A_34 = arith.constant dense<0x7F800000> : vector<256xf32>
    %reduce_min3A_35 = vector.multi_reduction <minimumf>, %select_n3A, %reduce_min3A_34 [1] : vector<256x4096xf32> to vector<256xf32>
    %broadcast_in_dim3A_36 = vector.shape_cast %reduce_min3A_35 : vector<256xf32> to vector<256x1xf32>
    %eq3A = vector.broadcast %broadcast_in_dim3A_36 : vector<256x1xf32> to vector<256x4096xf32>
    %eq3A_37 = arith.cmpf oeq, %select_n3A, %eq3A : vector<256x4096xf32>
    %jit3A_38 = arith.constant 0x7F800000 : f32
    %broadcast_in_dim3A_39 = vector.broadcast %jit3A_38 : f32 to vector<256x4096xf32>
    %select_n3A_40 = arith.select %eq3A_37, %broadcast_in_dim3A_39, %sub3A : vector<256x4096xi1>, vector<256x4096xf32>
    %reduce_min3A_41 = arith.constant dense<0x7F800000> : vector<256xf32>
    %reduce_min3A_42 = vector.multi_reduction <minimumf>, %select_n3A_40, %reduce_min3A_41 [1] : vector<256x4096xf32> to vector<256xf32>
    %broadcast_in_dim3A_43 = vector.shape_cast %reduce_min3A_42 : vector<256xf32> to vector<256x1xf32>
    %le3A_44 = vector.broadcast %broadcast_in_dim3A_43 : vector<256x1xf32> to vector<256x4096xf32>
    %le3A_45 = arith.cmpf ole, %select_n3A_40, %le3A_44 : vector<256x4096xf32>
    %jit3A_46 = arith.constant 1.000000e+09 : f32
    %broadcast_in_dim3A_47 = vector.broadcast %jit3A_46 : f32 to vector<256x4096xf32>
    %select_n3A_48 = arith.select %le3A_45, %convert_element_type3A_30, %broadcast_in_dim3A_47 : vector<256x4096xi1>, vector<256x4096xf32>
    %reduce_min3A_49 = arith.constant dense<0x7F800000> : vector<256xf32>
    %reduce_min3A_50 = vector.multi_reduction <minimumf>, %select_n3A_48, %reduce_min3A_49 [1] : vector<256x4096xf32> to vector<256xf32>
    %broadcast_in_dim3A_51 = vector.shape_cast %reduce_min3A_50 : vector<256xf32> to vector<256x1xf32>
    %eq3A_52 = vector.broadcast %broadcast_in_dim3A_51 : vector<256x1xf32> to vector<256x4096xf32>
    %eq3A_53 = arith.cmpf oeq, %select_n3A_48, %eq3A_52 : vector<256x4096xf32>
    %jit3A_54 = arith.constant 0x7F800000 : f32
    %broadcast_in_dim3A_55 = vector.broadcast %jit3A_54 : f32 to vector<256x4096xf32>
    %select_n3A_56 = arith.select %eq3A_53, %broadcast_in_dim3A_55, %select_n3A_40 : vector<256x4096xi1>, vector<256x4096xf32>
    %reduce_min3A_57 = arith.constant dense<0x7F800000> : vector<256xf32>
    %reduce_min3A_58 = vector.multi_reduction <minimumf>, %select_n3A_56, %reduce_min3A_57 [1] : vector<256x4096xf32> to vector<256xf32>
    %broadcast_in_dim3A_59 = vector.shape_cast %reduce_min3A_58 : vector<256xf32> to vector<256x1xf32>
    %le3A_60 = vector.broadcast %broadcast_in_dim3A_59 : vector<256x1xf32> to vector<256x4096xf32>
    %le3A_61 = arith.cmpf ole, %select_n3A_56, %le3A_60 : vector<256x4096xf32>
    %jit3A_62 = arith.constant 1.000000e+09 : f32
    %broadcast_in_dim3A_63 = vector.broadcast %jit3A_62 : f32 to vector<256x4096xf32>
    %select_n3A_64 = arith.select %le3A_61, %convert_element_type3A_30, %broadcast_in_dim3A_63 : vector<256x4096xi1>, vector<256x4096xf32>
    %reduce_min3A_65 = arith.constant dense<0x7F800000> : vector<256xf32>
    %reduce_min3A_66 = vector.multi_reduction <minimumf>, %select_n3A_64, %reduce_min3A_65 [1] : vector<256x4096xf32> to vector<256xf32>
    %broadcast_in_dim3A_67 = vector.shape_cast %reduce_min3A_66 : vector<256xf32> to vector<256x1xf32>
    %eq3A_68 = vector.broadcast %broadcast_in_dim3A_67 : vector<256x1xf32> to vector<256x4096xf32>
    %eq3A_69 = arith.cmpf oeq, %select_n3A_64, %eq3A_68 : vector<256x4096xf32>
    %jit3A_70 = arith.constant 0x7F800000 : f32
    %broadcast_in_dim3A_71 = vector.broadcast %jit3A_70 : f32 to vector<256x4096xf32>
    %select_n3A_72 = arith.select %eq3A_69, %broadcast_in_dim3A_71, %select_n3A_56 : vector<256x4096xi1>, vector<256x4096xf32>
    %reduce_min3A_73 = arith.constant dense<0x7F800000> : vector<256xf32>
    %reduce_min3A_74 = vector.multi_reduction <minimumf>, %select_n3A_72, %reduce_min3A_73 [1] : vector<256x4096xf32> to vector<256xf32>
    %broadcast_in_dim3A_75 = vector.shape_cast %reduce_min3A_74 : vector<256xf32> to vector<256x1xf32>
    %le3A_76 = vector.broadcast %broadcast_in_dim3A_75 : vector<256x1xf32> to vector<256x4096xf32>
    %le3A_77 = arith.cmpf ole, %select_n3A_72, %le3A_76 : vector<256x4096xf32>
    %jit3A_78 = arith.constant 1.000000e+09 : f32
    %broadcast_in_dim3A_79 = vector.broadcast %jit3A_78 : f32 to vector<256x4096xf32>
    %select_n3A_80 = arith.select %le3A_77, %convert_element_type3A_30, %broadcast_in_dim3A_79 : vector<256x4096xi1>, vector<256x4096xf32>
    %reduce_min3A_81 = arith.constant dense<0x7F800000> : vector<256xf32>
    %reduce_min3A_82 = vector.multi_reduction <minimumf>, %select_n3A_80, %reduce_min3A_81 [1] : vector<256x4096xf32> to vector<256xf32>
    %broadcast_in_dim3A_83 = vector.shape_cast %reduce_min3A_82 : vector<256xf32> to vector<256x1xf32>
    %eq3A_84 = vector.broadcast %broadcast_in_dim3A_83 : vector<256x1xf32> to vector<256x4096xf32>
    %eq3A_85 = arith.cmpf oeq, %select_n3A_80, %eq3A_84 : vector<256x4096xf32>
    %jit3A_86 = arith.constant 0x7F800000 : f32
    %broadcast_in_dim3A_87 = vector.broadcast %jit3A_86 : f32 to vector<256x4096xf32>
    %select_n3A_88 = arith.select %eq3A_85, %broadcast_in_dim3A_87, %select_n3A_72 : vector<256x4096xi1>, vector<256x4096xf32>
    %reduce_min3A_89 = arith.constant dense<0x7F800000> : vector<256xf32>
    %reduce_min3A_90 = vector.multi_reduction <minimumf>, %select_n3A_88, %reduce_min3A_89 [1] : vector<256x4096xf32> to vector<256xf32>
    %broadcast_in_dim3A_91 = vector.shape_cast %reduce_min3A_90 : vector<256xf32> to vector<256x1xf32>
    %le3A_92 = vector.broadcast %broadcast_in_dim3A_91 : vector<256x1xf32> to vector<256x4096xf32>
    %le3A_93 = arith.cmpf ole, %select_n3A_88, %le3A_92 : vector<256x4096xf32>
    %jit3A_94 = arith.constant 1.000000e+09 : f32
    %broadcast_in_dim3A_95 = vector.broadcast %jit3A_94 : f32 to vector<256x4096xf32>
    %select_n3A_96 = arith.select %le3A_93, %convert_element_type3A_30, %broadcast_in_dim3A_95 : vector<256x4096xi1>, vector<256x4096xf32>
    %reduce_min3A_97 = arith.constant dense<0x7F800000> : vector<256xf32>
    %reduce_min3A_98 = vector.multi_reduction <minimumf>, %select_n3A_96, %reduce_min3A_97 [1] : vector<256x4096xf32> to vector<256xf32>
    %broadcast_in_dim3A_99 = vector.shape_cast %reduce_min3A_98 : vector<256xf32> to vector<256x1xf32>
    %eq3A_100 = vector.broadcast %broadcast_in_dim3A_99 : vector<256x1xf32> to vector<256x4096xf32>
    %eq3A_101 = arith.cmpf oeq, %select_n3A_96, %eq3A_100 : vector<256x4096xf32>
    %jit3A_102 = arith.constant 0x7F800000 : f32
    %broadcast_in_dim3A_103 = vector.broadcast %jit3A_102 : f32 to vector<256x4096xf32>
    %select_n3A_104 = arith.select %eq3A_101, %broadcast_in_dim3A_103, %select_n3A_88 : vector<256x4096xi1>, vector<256x4096xf32>
    %reduce_min3A_105 = arith.constant dense<0x7F800000> : vector<256xf32>
    %reduce_min3A_106 = vector.multi_reduction <minimumf>, %select_n3A_104, %reduce_min3A_105 [1] : vector<256x4096xf32> to vector<256xf32>
    %broadcast_in_dim3A_107 = vector.shape_cast %reduce_min3A_106 : vector<256xf32> to vector<256x1xf32>
    %le3A_108 = vector.broadcast %broadcast_in_dim3A_107 : vector<256x1xf32> to vector<256x4096xf32>
    %le3A_109 = arith.cmpf ole, %select_n3A_104, %le3A_108 : vector<256x4096xf32>
    %jit3A_110 = arith.constant 1.000000e+09 : f32
    %broadcast_in_dim3A_111 = vector.broadcast %jit3A_110 : f32 to vector<256x4096xf32>
    %select_n3A_112 = arith.select %le3A_109, %convert_element_type3A_30, %broadcast_in_dim3A_111 : vector<256x4096xi1>, vector<256x4096xf32>
    %reduce_min3A_113 = arith.constant dense<0x7F800000> : vector<256xf32>
    %reduce_min3A_114 = vector.multi_reduction <minimumf>, %select_n3A_112, %reduce_min3A_113 [1] : vector<256x4096xf32> to vector<256xf32>
    %broadcast_in_dim3A_115 = vector.shape_cast %reduce_min3A_114 : vector<256xf32> to vector<256x1xf32>
    %eq3A_116 = vector.broadcast %broadcast_in_dim3A_115 : vector<256x1xf32> to vector<256x4096xf32>
    %eq3A_117 = arith.cmpf oeq, %select_n3A_112, %eq3A_116 : vector<256x4096xf32>
    %jit3A_118 = arith.constant 0x7F800000 : f32
    %broadcast_in_dim3A_119 = vector.broadcast %jit3A_118 : f32 to vector<256x4096xf32>
    %select_n3A_120 = arith.select %eq3A_117, %broadcast_in_dim3A_119, %select_n3A_104 : vector<256x4096xi1>, vector<256x4096xf32>
    %reduce_min3A_121 = arith.constant dense<0x7F800000> : vector<256xf32>
    %reduce_min3A_122 = vector.multi_reduction <minimumf>, %select_n3A_120, %reduce_min3A_121 [1] : vector<256x4096xf32> to vector<256xf32>
    %broadcast_in_dim3A_123 = vector.shape_cast %reduce_min3A_122 : vector<256xf32> to vector<256x1xf32>
    %le3A_124 = vector.broadcast %broadcast_in_dim3A_123 : vector<256x1xf32> to vector<256x4096xf32>
    %le3A_125 = arith.cmpf ole, %select_n3A_120, %le3A_124 : vector<256x4096xf32>
    %jit3A_126 = arith.constant 1.000000e+09 : f32
    %broadcast_in_dim3A_127 = vector.broadcast %jit3A_126 : f32 to vector<256x4096xf32>
    %select_n3A_128 = arith.select %le3A_125, %convert_element_type3A_30, %broadcast_in_dim3A_127 : vector<256x4096xi1>, vector<256x4096xf32>
    %reduce_min3A_129 = arith.constant dense<0x7F800000> : vector<256xf32>
    %reduce_min3A_130 = vector.multi_reduction <minimumf>, %select_n3A_128, %reduce_min3A_129 [1] : vector<256x4096xf32> to vector<256xf32>
    %broadcast_in_dim3A_131 = vector.shape_cast %reduce_min3A_130 : vector<256xf32> to vector<256x1xf32>
    %eq3A_132 = vector.broadcast %broadcast_in_dim3A_131 : vector<256x1xf32> to vector<256x4096xf32>
    %eq3A_133 = arith.cmpf oeq, %select_n3A_128, %eq3A_132 : vector<256x4096xf32>
    %jit3A_134 = arith.constant 0x7F800000 : f32
    %broadcast_in_dim3A_135 = vector.broadcast %jit3A_134 : f32 to vector<256x4096xf32>
    %select_n3A_136 = arith.select %eq3A_133, %broadcast_in_dim3A_135, %select_n3A_120 : vector<256x4096xi1>, vector<256x4096xf32>
    %reduce_min3A_137 = arith.constant dense<0x7F800000> : vector<256xf32>
    %reduce_min3A_138 = vector.multi_reduction <minimumf>, %select_n3A_136, %reduce_min3A_137 [1] : vector<256x4096xf32> to vector<256xf32>
    %broadcast_in_dim3A_139 = vector.shape_cast %reduce_min3A_138 : vector<256xf32> to vector<256x1xf32>
    %le3A_140 = vector.broadcast %broadcast_in_dim3A_139 : vector<256x1xf32> to vector<256x4096xf32>
    %le3A_141 = arith.cmpf ole, %select_n3A_136, %le3A_140 : vector<256x4096xf32>
    %jit3A_142 = arith.constant 1.000000e+09 : f32
    %broadcast_in_dim3A_143 = vector.broadcast %jit3A_142 : f32 to vector<256x4096xf32>
    %select_n3A_144 = arith.select %le3A_141, %convert_element_type3A_30, %broadcast_in_dim3A_143 : vector<256x4096xi1>, vector<256x4096xf32>
    %reduce_min3A_145 = arith.constant dense<0x7F800000> : vector<256xf32>
    %reduce_min3A_146 = vector.multi_reduction <minimumf>, %select_n3A_144, %reduce_min3A_145 [1] : vector<256x4096xf32> to vector<256xf32>
    %broadcast_in_dim3A_147 = vector.shape_cast %reduce_min3A_146 : vector<256xf32> to vector<256x1xf32>
    %eq3A_148 = vector.broadcast %broadcast_in_dim3A_147 : vector<256x1xf32> to vector<256x4096xf32>
    %eq3A_149 = arith.cmpf oeq, %select_n3A_144, %eq3A_148 : vector<256x4096xf32>
    %jit3A_150 = arith.constant 0x7F800000 : f32
    %broadcast_in_dim3A_151 = vector.broadcast %jit3A_150 : f32 to vector<256x4096xf32>
    %select_n3A_152 = arith.select %eq3A_149, %broadcast_in_dim3A_151, %select_n3A_136 : vector<256x4096xi1>, vector<256x4096xf32>
    %reduce_min3A_153 = arith.constant dense<0x7F800000> : vector<256xf32>
    %reduce_min3A_154 = vector.multi_reduction <minimumf>, %select_n3A_152, %reduce_min3A_153 [1] : vector<256x4096xf32> to vector<256xf32>
    %broadcast_in_dim3A_155 = vector.shape_cast %reduce_min3A_154 : vector<256xf32> to vector<256x1xf32>
    %le3A_156 = vector.broadcast %broadcast_in_dim3A_155 : vector<256x1xf32> to vector<256x4096xf32>
    %le3A_157 = arith.cmpf ole, %select_n3A_152, %le3A_156 : vector<256x4096xf32>
    %jit3A_158 = arith.constant 1.000000e+09 : f32
    %broadcast_in_dim3A_159 = vector.broadcast %jit3A_158 : f32 to vector<256x4096xf32>
    %select_n3A_160 = arith.select %le3A_157, %convert_element_type3A_30, %broadcast_in_dim3A_159 : vector<256x4096xi1>, vector<256x4096xf32>
    %reduce_min3A_161 = arith.constant dense<0x7F800000> : vector<256xf32>
    %reduce_min3A_162 = vector.multi_reduction <minimumf>, %select_n3A_160, %reduce_min3A_161 [1] : vector<256x4096xf32> to vector<256xf32>
    %broadcast_in_dim3A_163 = vector.shape_cast %reduce_min3A_162 : vector<256xf32> to vector<256x1xf32>
    %eq3A_164 = vector.broadcast %broadcast_in_dim3A_163 : vector<256x1xf32> to vector<256x4096xf32>
    %eq3A_165 = arith.cmpf oeq, %select_n3A_160, %eq3A_164 : vector<256x4096xf32>
    %jit3A_166 = arith.constant 0x7F800000 : f32
    %broadcast_in_dim3A_167 = vector.broadcast %jit3A_166 : f32 to vector<256x4096xf32>
    %select_n3A_168 = arith.select %eq3A_165, %broadcast_in_dim3A_167, %select_n3A_152 : vector<256x4096xi1>, vector<256x4096xf32>
    %reduce_min3A_169 = arith.constant dense<0x7F800000> : vector<256xf32>
    %reduce_min3A_170 = vector.multi_reduction <minimumf>, %select_n3A_168, %reduce_min3A_169 [1] : vector<256x4096xf32> to vector<256xf32>
    %broadcast_in_dim3A_171 = vector.shape_cast %reduce_min3A_170 : vector<256xf32> to vector<256x1xf32>
    %le3A_172 = vector.broadcast %broadcast_in_dim3A_171 : vector<256x1xf32> to vector<256x4096xf32>
    %le3A_173 = arith.cmpf ole, %select_n3A_168, %le3A_172 : vector<256x4096xf32>
    %jit3A_174 = arith.constant 1.000000e+09 : f32
    %broadcast_in_dim3A_175 = vector.broadcast %jit3A_174 : f32 to vector<256x4096xf32>
    %select_n3A_176 = arith.select %le3A_173, %convert_element_type3A_30, %broadcast_in_dim3A_175 : vector<256x4096xi1>, vector<256x4096xf32>
    %reduce_min3A_177 = arith.constant dense<0x7F800000> : vector<256xf32>
    %reduce_min3A_178 = vector.multi_reduction <minimumf>, %select_n3A_176, %reduce_min3A_177 [1] : vector<256x4096xf32> to vector<256xf32>
    %broadcast_in_dim3A_179 = vector.shape_cast %reduce_min3A_178 : vector<256xf32> to vector<256x1xf32>
    %eq3A_180 = vector.broadcast %broadcast_in_dim3A_179 : vector<256x1xf32> to vector<256x4096xf32>
    %eq3A_181 = arith.cmpf oeq, %select_n3A_176, %eq3A_180 : vector<256x4096xf32>
    %jit3A_182 = arith.constant 0x7F800000 : f32
    %broadcast_in_dim3A_183 = vector.broadcast %jit3A_182 : f32 to vector<256x4096xf32>
    %select_n3A_184 = arith.select %eq3A_181, %broadcast_in_dim3A_183, %select_n3A_168 : vector<256x4096xi1>, vector<256x4096xf32>
    %reduce_min3A_185 = arith.constant dense<0x7F800000> : vector<256xf32>
    %reduce_min3A_186 = vector.multi_reduction <minimumf>, %select_n3A_184, %reduce_min3A_185 [1] : vector<256x4096xf32> to vector<256xf32>
    %broadcast_in_dim3A_187 = vector.shape_cast %reduce_min3A_186 : vector<256xf32> to vector<256x1xf32>
    %le3A_188 = vector.broadcast %broadcast_in_dim3A_187 : vector<256x1xf32> to vector<256x4096xf32>
    %le3A_189 = arith.cmpf ole, %select_n3A_184, %le3A_188 : vector<256x4096xf32>
    %jit3A_190 = arith.constant 1.000000e+09 : f32
    %broadcast_in_dim3A_191 = vector.broadcast %jit3A_190 : f32 to vector<256x4096xf32>
    %select_n3A_192 = arith.select %le3A_189, %convert_element_type3A_30, %broadcast_in_dim3A_191 : vector<256x4096xi1>, vector<256x4096xf32>
    %reduce_min3A_193 = arith.constant dense<0x7F800000> : vector<256xf32>
    %reduce_min3A_194 = vector.multi_reduction <minimumf>, %select_n3A_192, %reduce_min3A_193 [1] : vector<256x4096xf32> to vector<256xf32>
    %broadcast_in_dim3A_195 = vector.shape_cast %reduce_min3A_194 : vector<256xf32> to vector<256x1xf32>
    %eq3A_196 = vector.broadcast %broadcast_in_dim3A_195 : vector<256x1xf32> to vector<256x4096xf32>
    %eq3A_197 = arith.cmpf oeq, %select_n3A_192, %eq3A_196 : vector<256x4096xf32>
    %jit3A_198 = arith.constant 0x7F800000 : f32
    %broadcast_in_dim3A_199 = vector.broadcast %jit3A_198 : f32 to vector<256x4096xf32>
    %select_n3A_200 = arith.select %eq3A_197, %broadcast_in_dim3A_199, %select_n3A_184 : vector<256x4096xi1>, vector<256x4096xf32>
    %reduce_min3A_201 = arith.constant dense<0x7F800000> : vector<256xf32>
    %reduce_min3A_202 = vector.multi_reduction <minimumf>, %select_n3A_200, %reduce_min3A_201 [1] : vector<256x4096xf32> to vector<256xf32>
    %broadcast_in_dim3A_203 = vector.shape_cast %reduce_min3A_202 : vector<256xf32> to vector<256x1xf32>
    %le3A_204 = vector.broadcast %broadcast_in_dim3A_203 : vector<256x1xf32> to vector<256x4096xf32>
    %le3A_205 = arith.cmpf ole, %select_n3A_200, %le3A_204 : vector<256x4096xf32>
    %jit3A_206 = arith.constant 1.000000e+09 : f32
    %broadcast_in_dim3A_207 = vector.broadcast %jit3A_206 : f32 to vector<256x4096xf32>
    %select_n3A_208 = arith.select %le3A_205, %convert_element_type3A_30, %broadcast_in_dim3A_207 : vector<256x4096xi1>, vector<256x4096xf32>
    %reduce_min3A_209 = arith.constant dense<0x7F800000> : vector<256xf32>
    %reduce_min3A_210 = vector.multi_reduction <minimumf>, %select_n3A_208, %reduce_min3A_209 [1] : vector<256x4096xf32> to vector<256xf32>
    %broadcast_in_dim3A_211 = vector.shape_cast %reduce_min3A_210 : vector<256xf32> to vector<256x1xf32>
    %eq3A_212 = vector.broadcast %broadcast_in_dim3A_211 : vector<256x1xf32> to vector<256x4096xf32>
    %eq3A_213 = arith.cmpf oeq, %select_n3A_208, %eq3A_212 : vector<256x4096xf32>
    %jit3A_214 = arith.constant 0x7F800000 : f32
    %broadcast_in_dim3A_215 = vector.broadcast %jit3A_214 : f32 to vector<256x4096xf32>
    %select_n3A_216 = arith.select %eq3A_213, %broadcast_in_dim3A_215, %select_n3A_200 : vector<256x4096xi1>, vector<256x4096xf32>
    %reduce_min3A_217 = arith.constant dense<0x7F800000> : vector<256xf32>
    %reduce_min3A_218 = vector.multi_reduction <minimumf>, %select_n3A_216, %reduce_min3A_217 [1] : vector<256x4096xf32> to vector<256xf32>
    %broadcast_in_dim3A_219 = vector.shape_cast %reduce_min3A_218 : vector<256xf32> to vector<256x1xf32>
    %le3A_220 = vector.broadcast %broadcast_in_dim3A_219 : vector<256x1xf32> to vector<256x4096xf32>
    %le3A_221 = arith.cmpf ole, %select_n3A_216, %le3A_220 : vector<256x4096xf32>
    %jit3A_222 = arith.constant 1.000000e+09 : f32
    %broadcast_in_dim3A_223 = vector.broadcast %jit3A_222 : f32 to vector<256x4096xf32>
    %select_n3A_224 = arith.select %le3A_221, %convert_element_type3A_30, %broadcast_in_dim3A_223 : vector<256x4096xi1>, vector<256x4096xf32>
    %reduce_min3A_225 = arith.constant dense<0x7F800000> : vector<256xf32>
    %reduce_min3A_226 = vector.multi_reduction <minimumf>, %select_n3A_224, %reduce_min3A_225 [1] : vector<256x4096xf32> to vector<256xf32>
    %broadcast_in_dim3A_227 = vector.shape_cast %reduce_min3A_226 : vector<256xf32> to vector<256x1xf32>
    %eq3A_228 = vector.broadcast %broadcast_in_dim3A_227 : vector<256x1xf32> to vector<256x4096xf32>
    %eq3A_229 = arith.cmpf oeq, %select_n3A_224, %eq3A_228 : vector<256x4096xf32>
    %jit3A_230 = arith.constant 0x7F800000 : f32
    %broadcast_in_dim3A_231 = vector.broadcast %jit3A_230 : f32 to vector<256x4096xf32>
    %select_n3A_232 = arith.select %eq3A_229, %broadcast_in_dim3A_231, %select_n3A_216 : vector<256x4096xi1>, vector<256x4096xf32>
    %reduce_min3A_233 = arith.constant dense<0x7F800000> : vector<256xf32>
    %reduce_min3A_234 = vector.multi_reduction <minimumf>, %select_n3A_232, %reduce_min3A_233 [1] : vector<256x4096xf32> to vector<256xf32>
    %broadcast_in_dim3A_235 = vector.shape_cast %reduce_min3A_234 : vector<256xf32> to vector<256x1xf32>
    %le3A_236 = vector.broadcast %broadcast_in_dim3A_235 : vector<256x1xf32> to vector<256x4096xf32>
    %le3A_237 = arith.cmpf ole, %select_n3A_232, %le3A_236 : vector<256x4096xf32>
    %jit3A_238 = arith.constant 1.000000e+09 : f32
    %broadcast_in_dim3A_239 = vector.broadcast %jit3A_238 : f32 to vector<256x4096xf32>
    %select_n3A_240 = arith.select %le3A_237, %convert_element_type3A_30, %broadcast_in_dim3A_239 : vector<256x4096xi1>, vector<256x4096xf32>
    %reduce_min3A_241 = arith.constant dense<0x7F800000> : vector<256xf32>
    %reduce_min3A_242 = vector.multi_reduction <minimumf>, %select_n3A_240, %reduce_min3A_241 [1] : vector<256x4096xf32> to vector<256xf32>
    %broadcast_in_dim3A_243 = vector.shape_cast %reduce_min3A_242 : vector<256xf32> to vector<256x1xf32>
    %eq3A_244 = vector.broadcast %broadcast_in_dim3A_243 : vector<256x1xf32> to vector<256x4096xf32>
    %eq3A_245 = arith.cmpf oeq, %select_n3A_240, %eq3A_244 : vector<256x4096xf32>
    %jit3A_246 = arith.constant 0x7F800000 : f32
    %broadcast_in_dim3A_247 = vector.broadcast %jit3A_246 : f32 to vector<256x4096xf32>
    %select_n3A_248 = arith.select %eq3A_245, %broadcast_in_dim3A_247, %select_n3A_232 : vector<256x4096xi1>, vector<256x4096xf32>
    %reduce_min3A_249 = arith.constant dense<0x7F800000> : vector<256xf32>
    %reduce_min3A_250 = vector.multi_reduction <minimumf>, %select_n3A_248, %reduce_min3A_249 [1] : vector<256x4096xf32> to vector<256xf32>
    %broadcast_in_dim3A_251 = vector.shape_cast %reduce_min3A_250 : vector<256xf32> to vector<256x1xf32>
    %le3A_252 = vector.broadcast %broadcast_in_dim3A_251 : vector<256x1xf32> to vector<256x4096xf32>
    %le3A_253 = arith.cmpf ole, %select_n3A_248, %le3A_252 : vector<256x4096xf32>
    %jit3A_254 = arith.constant 1.000000e+09 : f32
    %broadcast_in_dim3A_255 = vector.broadcast %jit3A_254 : f32 to vector<256x4096xf32>
    %select_n3A_256 = arith.select %le3A_253, %convert_element_type3A_30, %broadcast_in_dim3A_255 : vector<256x4096xi1>, vector<256x4096xf32>
    %reduce_min3A_257 = arith.constant dense<0x7F800000> : vector<256xf32>
    %reduce_min3A_258 = vector.multi_reduction <minimumf>, %select_n3A_256, %reduce_min3A_257 [1] : vector<256x4096xf32> to vector<256xf32>
    %broadcast_in_dim3A_259 = vector.shape_cast %reduce_min3A_258 : vector<256xf32> to vector<256x1xf32>
    %eq3A_260 = vector.broadcast %broadcast_in_dim3A_259 : vector<256x1xf32> to vector<256x4096xf32>
    %eq3A_261 = arith.cmpf oeq, %select_n3A_256, %eq3A_260 : vector<256x4096xf32>
    %jit3A_262 = arith.constant 0x7F800000 : f32
    %broadcast_in_dim3A_263 = vector.broadcast %jit3A_262 : f32 to vector<256x4096xf32>
    %select_n3A_264 = arith.select %eq3A_261, %broadcast_in_dim3A_263, %select_n3A_248 : vector<256x4096xi1>, vector<256x4096xf32>
    %reduce_min3A_265 = arith.constant dense<0x7F800000> : vector<256xf32>
    %reduce_min3A_266 = vector.multi_reduction <minimumf>, %select_n3A_264, %reduce_min3A_265 [1] : vector<256x4096xf32> to vector<256xf32>
    %broadcast_in_dim3A_267 = vector.shape_cast %reduce_min3A_266 : vector<256xf32> to vector<256x1xf32>
    %le3A_268 = vector.broadcast %broadcast_in_dim3A_267 : vector<256x1xf32> to vector<256x4096xf32>
    %le3A_269 = arith.cmpf ole, %select_n3A_264, %le3A_268 : vector<256x4096xf32>
    %jit3A_270 = arith.constant 1.000000e+09 : f32
    %broadcast_in_dim3A_271 = vector.broadcast %jit3A_270 : f32 to vector<256x4096xf32>
    %select_n3A_272 = arith.select %le3A_269, %convert_element_type3A_30, %broadcast_in_dim3A_271 : vector<256x4096xi1>, vector<256x4096xf32>
    %reduce_min3A_273 = arith.constant dense<0x7F800000> : vector<256xf32>
    %reduce_min3A_274 = vector.multi_reduction <minimumf>, %select_n3A_272, %reduce_min3A_273 [1] : vector<256x4096xf32> to vector<256xf32>
    %broadcast_in_dim3A_275 = vector.shape_cast %reduce_min3A_274 : vector<256xf32> to vector<256x1xf32>
    %concatenate3A = tpu.concatenate %broadcast_in_dim3A_36, %broadcast_in_dim3A_51, %broadcast_in_dim3A_67, %broadcast_in_dim3A_83, %broadcast_in_dim3A_99, %broadcast_in_dim3A_115, %broadcast_in_dim3A_131, %broadcast_in_dim3A_147, %broadcast_in_dim3A_163, %broadcast_in_dim3A_179, %broadcast_in_dim3A_195, %broadcast_in_dim3A_211, %broadcast_in_dim3A_227, %broadcast_in_dim3A_243, %broadcast_in_dim3A_259, %broadcast_in_dim3A_275 in 1 : vector<256x1xf32>, vector<256x1xf32>, vector<256x1xf32>, vector<256x1xf32>, vector<256x1xf32>, vector<256x1xf32>, vector<256x1xf32>, vector<256x1xf32>, vector<256x1xf32>, vector<256x1xf32>, vector<256x1xf32>, vector<256x1xf32>, vector<256x1xf32>, vector<256x1xf32>, vector<256x1xf32>, vector<256x1xf32> -> vector<256x16xf32>
    %convert_element_type3A_276 = arith.fptosi %concatenate3A : vector<256x16xf32> to vector<256x16xi32>
    %add3A_277 = arith.constant 4096 : i32
    %add3A_278 = vector.broadcast %add3A_277 : i32 to vector<256x16xi32>
    %add3A_279 = arith.addi %convert_element_type3A_276, %add3A_278 : vector<256x16xi32>
    %swap3A = arith.constant 0 : index
    %swap3A_280 = arith.constant 0 : index
    %swap3A_281 = vector.load %arg3[%swap3A, %swap3A_280] : memref<256x16xi32, #tpu.memory_space<vmem>>, vector<256x16xi32>
    tpu.vector_store %arg3[%swap3A, %swap3A_280], %add3A_279 {strides = array<i32>} : memref<256x16xi32, #tpu.memory_space<vmem>>, vector<256x16xi32>,
    return
  }
  func.func @transform_0(%arg0: i32) -> (i32, i32, i32) {
    %c1_i32 = arith.constant 1 : i32
    %c0_i32 = arith.constant 0 : i32
    %c0_i32_0 = arith.constant 0 : i32
    return %c1_i32, %arg0, %c0_i32 : i32, i32, i32
  }
  func.func @transform_1(%arg0: i32) -> (i32, i32, i32) {
    %c1_i32 = arith.constant 1 : i32
    %c0_i32 = arith.constant 0 : i32
    %c0_i32_0 = arith.constant 0 : i32
    %c0_i32_1 = arith.constant 0 : i32
    return %c1_i32, %c0_i32, %c0_i32_0 : i32, i32, i32
  }
  func.func @transform_2(%arg0: i32) -> (i32, i32) {
    %c0_i32 = arith.constant 0 : i32
    %c0_i32_0 = arith.constant 0 : i32
    return %arg0, %c0_i32 : i32, i32
  }
}

module attributes {stable_mosaic.version = 14 : i64} {
  func.func @_proj_body(%arg0: i32, %arg1: memref<512x256xf32, #tpu.memory_space<vmem>>, %arg2: memref<512x3xf32, #tpu.memory_space<vmem>>, %arg3: memref<256x256xf32, #tpu.memory_space<vmem>>, %arg4: memref<1x256xf32, #tpu.memory_space<vmem>>, %arg5: memref<256x256xf32, #tpu.memory_space<vmem>>, %arg6: memref<1x256xf32, #tpu.memory_space<vmem>>, %arg7: memref<256x256xf32, #tpu.memory_space<vmem>>, %arg8: memref<1x256xf32, #tpu.memory_space<vmem>>, %arg9: memref<3x32xf32, #tpu.memory_space<vmem>>, %arg10: memref<512x256xf32, #tpu.memory_space<vmem>>, %arg11: memref<512x256xf32, #tpu.memory_space<vmem>>, %arg12: memref<512x256xf32, #tpu.memory_space<vmem>>, %arg13: memref<512x128xf32, #tpu.memory_space<vmem>>) attributes {dimension_semantics = [#tpu.dimension_semantics<parallel>], iteration_bounds = array<i64: 16>, scalar_prefetch = 0 : i64, scratch_operands = 0 : i64, tpu.core_type = #tpu.core_type<tc>, window_params = [{transform_indices = @transform_0, window_bounds = array<i64: 512, 256>}, {transform_indices = @transform_1, window_bounds = array<i64: 512, 3>}, {pipeline_mode = #tpu.pipeline_mode<synchronous>, transform_indices = @transform_2, window_bounds = array<i64: 256, 256>}, {pipeline_mode = #tpu.pipeline_mode<synchronous>, transform_indices = @transform_3, window_bounds = array<i64: 1, 256>}, {pipeline_mode = #tpu.pipeline_mode<synchronous>, transform_indices = @transform_4, window_bounds = array<i64: 256, 256>}, {pipeline_mode = #tpu.pipeline_mode<synchronous>, transform_indices = @transform_5, window_bounds = array<i64: 1, 256>}, {pipeline_mode = #tpu.pipeline_mode<synchronous>, transform_indices = @transform_6, window_bounds = array<i64: 256, 256>}, {pipeline_mode = #tpu.pipeline_mode<synchronous>, transform_indices = @transform_7, window_bounds = array<i64: 1, 256>}, {pipeline_mode = #tpu.pipeline_mode<synchronous>, transform_indices = @transform_8, window_bounds = array<i64: 3, 32>}, {transform_indices = @transform_9, window_bounds = array<i64: 512, 256>}, {transform_indices = @transform_10, window_bounds = array<i64: 512, 256>}, {transform_indices = @transform_11, window_bounds = array<i64: 512, 256>}, {transform_indices = @transform_12, window_bounds = array<i64: 512, 128>}]} {
    %get3A = arith.constant 0 : index
    %get3A_0 = arith.constant 0 : index
    %get3A_1 = vector.load %arg1[%get3A, %get3A_0] : memref<512x256xf32, #tpu.memory_space<vmem>>, vector<512x256xf32>
    %get3A_2 = arith.constant 0 : index
    %get3A_3 = arith.constant 0 : index
    %get3A_4 = vector.load %arg3[%get3A_2, %get3A_3] : memref<256x256xf32, #tpu.memory_space<vmem>>, vector<256x256xf32>
    %dot_general3A = arith.constant dense<0.000000e+00> : vector<512x256xf32>
    %dot_general3A_5 = tpu.matmul %get3A_1, %get3A_4, %dot_general3A {dimension_numbers = #tpu.dot_dimension_numbers<[1], [0], [0], [1], [0, 0, 1, 1], [], []>, transpose_lhs_hint = false} : vector<512x256xf32>, vector<256x256xf32>, vector<512x256xf32> -> vector<512x256xf32>
    %get3A_6 = arith.constant 0 : index
    %get3A_7 = arith.constant 0 : index
    %get3A_8 = vector.load %arg4[%get3A_6, %get3A_7] : memref<1x256xf32, #tpu.memory_space<vmem>>, vector<1x256xf32>
    %add3A = vector.broadcast %get3A_8 : vector<1x256xf32> to vector<512x256xf32>
    %add3A_9 = arith.addf %dot_general3A_5, %add3A : vector<512x256xf32>
    %swap3A = arith.constant 0 : index
    %swap3A_10 = arith.constant 0 : index
    %swap3A_11 = vector.load %arg10[%swap3A, %swap3A_10] : memref<512x256xf32, #tpu.memory_space<vmem>>, vector<512x256xf32>
    tpu.vector_store %arg10[%swap3A, %swap3A_10], %add3A_9 {strides = array<i32>} : memref<512x256xf32, #tpu.memory_space<vmem>>, vector<512x256xf32>,
    %get3A_12 = arith.constant 0 : index
    %get3A_13 = arith.constant 0 : index
    %get3A_14 = vector.load %arg5[%get3A_12, %get3A_13] : memref<256x256xf32, #tpu.memory_space<vmem>>, vector<256x256xf32>
    %dot_general3A_15 = arith.constant dense<0.000000e+00> : vector<512x256xf32>
    %dot_general3A_16 = tpu.matmul %get3A_1, %get3A_14, %dot_general3A_15 {dimension_numbers = #tpu.dot_dimension_numbers<[1], [0], [0], [1], [0, 0, 1, 1], [], []>, transpose_lhs_hint = false} : vector<512x256xf32>, vector<256x256xf32>, vector<512x256xf32> -> vector<512x256xf32>
    %get3A_17 = arith.constant 0 : index
    %get3A_18 = arith.constant 0 : index
    %get3A_19 = vector.load %arg6[%get3A_17, %get3A_18] : memref<1x256xf32, #tpu.memory_space<vmem>>, vector<1x256xf32>
    %add3A_20 = vector.broadcast %get3A_19 : vector<1x256xf32> to vector<512x256xf32>
    %add3A_21 = arith.addf %dot_general3A_16, %add3A_20 : vector<512x256xf32>
    %swap3A_22 = arith.constant 0 : index
    %swap3A_23 = arith.constant 0 : index
    %swap3A_24 = vector.load %arg11[%swap3A_22, %swap3A_23] : memref<512x256xf32, #tpu.memory_space<vmem>>, vector<512x256xf32>
    tpu.vector_store %arg11[%swap3A_22, %swap3A_23], %add3A_21 {strides = array<i32>} : memref<512x256xf32, #tpu.memory_space<vmem>>, vector<512x256xf32>,
    %get3A_25 = arith.constant 0 : index
    %get3A_26 = arith.constant 0 : index
    %get3A_27 = vector.load %arg7[%get3A_25, %get3A_26] : memref<256x256xf32, #tpu.memory_space<vmem>>, vector<256x256xf32>
    %dot_general3A_28 = arith.constant dense<0.000000e+00> : vector<512x256xf32>
    %dot_general3A_29 = tpu.matmul %get3A_1, %get3A_27, %dot_general3A_28 {dimension_numbers = #tpu.dot_dimension_numbers<[1], [0], [0], [1], [0, 0, 1, 1], [], []>, transpose_lhs_hint = false} : vector<512x256xf32>, vector<256x256xf32>, vector<512x256xf32> -> vector<512x256xf32>
    %get3A_30 = arith.constant 0 : index
    %get3A_31 = arith.constant 0 : index
    %get3A_32 = vector.load %arg8[%get3A_30, %get3A_31] : memref<1x256xf32, #tpu.memory_space<vmem>>, vector<1x256xf32>
    %add3A_33 = vector.broadcast %get3A_32 : vector<1x256xf32> to vector<512x256xf32>
    %add3A_34 = arith.addf %dot_general3A_29, %add3A_33 : vector<512x256xf32>
    %swap3A_35 = arith.constant 0 : index
    %swap3A_36 = arith.constant 0 : index
    %swap3A_37 = vector.load %arg12[%swap3A_35, %swap3A_36] : memref<512x256xf32, #tpu.memory_space<vmem>>, vector<512x256xf32>
    tpu.vector_store %arg12[%swap3A_35, %swap3A_36], %add3A_34 {strides = array<i32>} : memref<512x256xf32, #tpu.memory_space<vmem>>, vector<512x256xf32>,
    %get3A_38 = arith.constant 0 : index
    %get3A_39 = arith.constant 0 : index
    %get3A_40 = vector.load %arg2[%get3A_38, %get3A_39] : memref<512x3xf32, #tpu.memory_space<vmem>>, vector<512x3xf32>
    %slice3A = vector.extract_strided_slice %get3A_40 {offsets = [0, 0], sizes = [512, 1], strides = [1, 1]} : vector<512x3xf32> to vector<512x1xf32>
    %get3A_41 = arith.constant 0 : index
    %get3A_42 = arith.constant 0 : index
    %get3A_43 = vector.load %arg9[%get3A_41, %get3A_42] : memref<3x32xf32, #tpu.memory_space<vmem>>, vector<1x32xf32>
    %mul3A = vector.broadcast %slice3A : vector<512x1xf32> to vector<512x32xf32>
    %mul3A_44 = vector.broadcast %get3A_43 : vector<1x32xf32> to vector<512x32xf32>
    %mul3A_45 = arith.mulf %mul3A, %mul3A_44 : vector<512x32xf32>
    %slice3A_46 = vector.extract_strided_slice %get3A_40 {offsets = [0, 1], sizes = [512, 1], strides = [1, 1]} : vector<512x3xf32> to vector<512x1xf32>
    %get3A_47 = arith.constant 1 : index
    %get3A_48 = arith.constant 0 : index
    %get3A_49 = vector.load %arg9[%get3A_47, %get3A_48] : memref<3x32xf32, #tpu.memory_space<vmem>>, vector<1x32xf32>
    %mul3A_50 = vector.broadcast %slice3A_46 : vector<512x1xf32> to vector<512x32xf32>
    %mul3A_51 = vector.broadcast %get3A_49 : vector<1x32xf32> to vector<512x32xf32>
    %mul3A_52 = arith.mulf %mul3A_50, %mul3A_51 : vector<512x32xf32>
    %add3A_53 = arith.addf %mul3A_45, %mul3A_52 : vector<512x32xf32>
    %slice3A_54 = vector.extract_strided_slice %get3A_40 {offsets = [0, 2], sizes = [512, 1], strides = [1, 1]} : vector<512x3xf32> to vector<512x1xf32>
    %get3A_55 = arith.constant 2 : index
    %get3A_56 = arith.constant 0 : index
    %get3A_57 = vector.load %arg9[%get3A_55, %get3A_56] : memref<3x32xf32, #tpu.memory_space<vmem>>, vector<1x32xf32>
    %mul3A_58 = vector.broadcast %slice3A_54 : vector<512x1xf32> to vector<512x32xf32>
    %mul3A_59 = vector.broadcast %get3A_57 : vector<1x32xf32> to vector<512x32xf32>
    %mul3A_60 = arith.mulf %mul3A_58, %mul3A_59 : vector<512x32xf32>
    %add3A_61 = arith.addf %add3A_53, %mul3A_60 : vector<512x32xf32>
    %broadcast_in_dim3A = arith.constant 0.000000e+00 : f32
    %broadcast_in_dim3A_62 = vector.broadcast %broadcast_in_dim3A : f32 to vector<512x96xf32>
    %concatenate3A = tpu.concatenate %add3A_61, %broadcast_in_dim3A_62 in 1 : vector<512x32xf32>, vector<512x96xf32> -> vector<512x128xf32>
    %swap3A_63 = arith.constant 0 : index
    %swap3A_64 = arith.constant 0 : index
    %swap3A_65 = vector.load %arg13[%swap3A_63, %swap3A_64] : memref<512x128xf32, #tpu.memory_space<vmem>>, vector<512x128xf32>
    tpu.vector_store %arg13[%swap3A_63, %swap3A_64], %concatenate3A {strides = array<i32>} : memref<512x128xf32, #tpu.memory_space<vmem>>, vector<512x128xf32>,
    return
  }
  func.func @transform_0(%arg0: i32) -> (i32, i32) {
    %c0_i32 = arith.constant 0 : i32
    %c0_i32_0 = arith.constant 0 : i32
    return %arg0, %c0_i32 : i32, i32
  }
  func.func @transform_1(%arg0: i32) -> (i32, i32) {
    %c0_i32 = arith.constant 0 : i32
    %c0_i32_0 = arith.constant 0 : i32
    return %arg0, %c0_i32 : i32, i32
  }
  func.func @transform_2(%arg0: i32) -> (i32, i32) {
    %c0_i32 = arith.constant 0 : i32
    %c0_i32_0 = arith.constant 0 : i32
    %c0_i32_1 = arith.constant 0 : i32
    return %c0_i32, %c0_i32_0 : i32, i32
  }
  func.func @transform_3(%arg0: i32) -> (i32, i32) {
    %c0_i32 = arith.constant 0 : i32
    %c0_i32_0 = arith.constant 0 : i32
    %c0_i32_1 = arith.constant 0 : i32
    return %c0_i32, %c0_i32_0 : i32, i32
  }
  func.func @transform_4(%arg0: i32) -> (i32, i32) {
    %c0_i32 = arith.constant 0 : i32
    %c0_i32_0 = arith.constant 0 : i32
    %c0_i32_1 = arith.constant 0 : i32
    return %c0_i32, %c0_i32_0 : i32, i32
  }
  func.func @transform_5(%arg0: i32) -> (i32, i32) {
    %c0_i32 = arith.constant 0 : i32
    %c0_i32_0 = arith.constant 0 : i32
    %c0_i32_1 = arith.constant 0 : i32
    return %c0_i32, %c0_i32_0 : i32, i32
  }
  func.func @transform_6(%arg0: i32) -> (i32, i32) {
    %c0_i32 = arith.constant 0 : i32
    %c0_i32_0 = arith.constant 0 : i32
    %c0_i32_1 = arith.constant 0 : i32
    return %c0_i32, %c0_i32_0 : i32, i32
  }
  func.func @transform_7(%arg0: i32) -> (i32, i32) {
    %c0_i32 = arith.constant 0 : i32
    %c0_i32_0 = arith.constant 0 : i32
    %c0_i32_1 = arith.constant 0 : i32
    return %c0_i32, %c0_i32_0 : i32, i32
  }
  func.func @transform_8(%arg0: i32) -> (i32, i32) {
    %c0_i32 = arith.constant 0 : i32
    %c0_i32_0 = arith.constant 0 : i32
    %c0_i32_1 = arith.constant 0 : i32
    return %c0_i32, %c0_i32_0 : i32, i32
  }
  func.func @transform_9(%arg0: i32) -> (i32, i32) {
    %c0_i32 = arith.constant 0 : i32
    %c0_i32_0 = arith.constant 0 : i32
    return %arg0, %c0_i32 : i32, i32
  }
  func.func @transform_10(%arg0: i32) -> (i32, i32) {
    %c0_i32 = arith.constant 0 : i32
    %c0_i32_0 = arith.constant 0 : i32
    return %arg0, %c0_i32 : i32, i32
  }
  func.func @transform_11(%arg0: i32) -> (i32, i32) {
    %c0_i32 = arith.constant 0 : i32
    %c0_i32_0 = arith.constant 0 : i32
    return %arg0, %c0_i32 : i32, i32
  }
  func.func @transform_12(%arg0: i32) -> (i32, i32) {
    %c0_i32 = arith.constant 0 : i32
    %c0_i32_0 = arith.constant 0 : i32
    return %arg0, %c0_i32 : i32, i32
  }
}

module attributes {stable_mosaic.version = 14 : i64} {
  func.func @_knn_body(%arg0: i32, %arg1: memref<1x256x3xf32, #tpu.memory_space<vmem>>, %arg2: memref<1x3x4096xf32, #tpu.memory_space<vmem>>, %arg3: memref<256x16xi32, #tpu.memory_space<vmem>>) attributes {dimension_semantics = [#tpu.dimension_semantics<parallel>], iteration_bounds = array<i64: 16>, scalar_prefetch = 0 : i64, scratch_operands = 0 : i64, tpu.core_type = #tpu.core_type<tc>, window_params = [{transform_indices = @transform_0, window_bounds = array<i64: 1, 256, 3>}, {transform_indices = @transform_1, window_bounds = array<i64: 1, 3, 4096>}, {transform_indices = @transform_2, window_bounds = array<i64: 256, 16>}]} {
    %get3A = arith.constant 0 : index
    %get3A_0 = arith.constant 0 : index
    %get3A_1 = arith.constant 0 : index
    %get3A_2 = vector.load %arg1[%get3A, %get3A_0, %get3A_1] : memref<1x256x3xf32, #tpu.memory_space<vmem>>, vector<1x256x3xf32>
    %get3A_3 = vector.shape_cast %get3A_2 : vector<1x256x3xf32> to vector<256x3xf32>
    %get3A_4 = arith.constant 0 : index
    %get3A_5 = arith.constant 0 : index
    %get3A_6 = arith.constant 0 : index
    %get3A_7 = vector.load %arg2[%get3A_4, %get3A_5, %get3A_6] : memref<1x3x4096xf32, #tpu.memory_space<vmem>>, vector<1x3x4096xf32>
    %get3A_8 = vector.shape_cast %get3A_7 : vector<1x3x4096xf32> to vector<3x4096xf32>
    %slice3A = vector.extract_strided_slice %get3A_3 {offsets = [0, 0], sizes = [256, 1], strides = [1, 1]} : vector<256x3xf32> to vector<256x1xf32>
    %slice3A_9 = vector.extract_strided_slice %get3A_3 {offsets = [0, 1], sizes = [256, 1], strides = [1, 1]} : vector<256x3xf32> to vector<256x1xf32>
    %slice3A_10 = vector.extract_strided_slice %get3A_3 {offsets = [0, 2], sizes = [256, 1], strides = [1, 1]} : vector<256x3xf32> to vector<256x1xf32>
    %slice3A_11 = vector.extract_strided_slice %get3A_8 {offsets = [0, 0], sizes = [1, 4096], strides = [1, 1]} : vector<3x4096xf32> to vector<1x4096xf32>
    %slice3A_12 = vector.extract_strided_slice %get3A_8 {offsets = [1, 0], sizes = [1, 4096], strides = [1, 1]} : vector<3x4096xf32> to vector<1x4096xf32>
    %slice3A_13 = vector.extract_strided_slice %get3A_8 {offsets = [2, 0], sizes = [1, 4096], strides = [1, 1]} : vector<3x4096xf32> to vector<1x4096xf32>
    %convert_element_type3A = arith.truncf %get3A_3 : vector<256x3xf32> to vector<256x3xbf16>
    %convert_element_type3A_14 = arith.truncf %get3A_8 : vector<3x4096xf32> to vector<3x4096xbf16>
    %dot_general3A = arith.constant dense<0.000000e+00> : vector<256x4096xf32>
    %dot_general3A_15 = tpu.matmul %convert_element_type3A, %convert_element_type3A_14, %dot_general3A {dimension_numbers = #tpu.dot_dimension_numbers<[1], [0], [0], [1], [0, 0, 1, 1], [], []>, transpose_lhs_hint = false} : vector<256x3xbf16>, vector<3x4096xbf16>, vector<256x4096xf32> -> vector<256x4096xf32>
    %mul3A = arith.mulf %slice3A, %slice3A : vector<256x1xf32>
    %mul3A_16 = arith.mulf %slice3A_9, %slice3A_9 : vector<256x1xf32>
    %add3A = arith.addf %mul3A, %mul3A_16 : vector<256x1xf32>
    %mul3A_17 = arith.mulf %slice3A_10, %slice3A_10 : vector<256x1xf32>
    %add3A_18 = arith.addf %add3A, %mul3A_17 : vector<256x1xf32>
    %mul3A_19 = arith.mulf %slice3A_11, %slice3A_11 : vector<1x4096xf32>
    %mul3A_20 = arith.mulf %slice3A_12, %slice3A_12 : vector<1x4096xf32>
    %add3A_21 = arith.addf %mul3A_19, %mul3A_20 : vector<1x4096xf32>
    %mul3A_22 = arith.mulf %slice3A_13, %slice3A_13 : vector<1x4096xf32>
    %add3A_23 = arith.addf %add3A_21, %mul3A_22 : vector<1x4096xf32>
    %add3A_24 = vector.broadcast %add3A_18 : vector<256x1xf32> to vector<256x4096xf32>
    %add3A_25 = vector.broadcast %add3A_23 : vector<1x4096xf32> to vector<256x4096xf32>
    %add3A_26 = arith.addf %add3A_24, %add3A_25 : vector<256x4096xf32>
    %mul3A_27 = arith.constant 2.000000e+00 : f32
    %mul3A_28 = vector.broadcast %mul3A_27 : f32 to vector<256x4096xf32>
    %mul3A_29 = arith.mulf %mul3A_28, %dot_general3A_15 : vector<256x4096xf32>
    %sub3A = arith.subf %add3A_26, %mul3A_29 : vector<256x4096xf32>
    %iota3A = tpu.iota {dimensions = array<i32: 1>} : vector<256x4096xi32>
    %convert_element_type3A_30 = arith.sitofp %iota3A : vector<256x4096xi32> to vector<256x4096xf32>
    %reduce_min3A = arith.constant dense<0x7F800000> : vector<256xf32>
    %reduce_min3A_31 = vector.multi_reduction <minimumf>, %sub3A, %reduce_min3A [1] : vector<256x4096xf32> to vector<256xf32>
    %broadcast_in_dim3A = vector.shape_cast %reduce_min3A_31 : vector<256xf32> to vector<256x1xf32>
    %le3A = vector.broadcast %broadcast_in_dim3A : vector<256x1xf32> to vector<256x4096xf32>
    %le3A_32 = arith.cmpf ole, %sub3A, %le3A : vector<256x4096xf32>
    %jit3A = arith.constant 1.000000e+09 : f32
    %broadcast_in_dim3A_33 = vector.broadcast %jit3A : f32 to vector<256x4096xf32>
    %select_n3A = arith.select %le3A_32, %convert_element_type3A_30, %broadcast_in_dim3A_33 : vector<256x4096xi1>, vector<256x4096xf32>
    %reduce_min3A_34 = arith.constant dense<0x7F800000> : vector<256xf32>
    %reduce_min3A_35 = vector.multi_reduction <minimumf>, %select_n3A, %reduce_min3A_34 [1] : vector<256x4096xf32> to vector<256xf32>
    %broadcast_in_dim3A_36 = vector.shape_cast %reduce_min3A_35 : vector<256xf32> to vector<256x1xf32>
    %eq3A = vector.broadcast %broadcast_in_dim3A_36 : vector<256x1xf32> to vector<256x4096xf32>
    %eq3A_37 = arith.cmpf oeq, %select_n3A, %eq3A : vector<256x4096xf32>
    %jit3A_38 = arith.constant 0x7F800000 : f32
    %broadcast_in_dim3A_39 = vector.broadcast %jit3A_38 : f32 to vector<256x4096xf32>
    %select_n3A_40 = arith.select %eq3A_37, %broadcast_in_dim3A_39, %sub3A : vector<256x4096xi1>, vector<256x4096xf32>
    %reduce_min3A_41 = arith.constant dense<0x7F800000> : vector<256xf32>
    %reduce_min3A_42 = vector.multi_reduction <minimumf>, %select_n3A_40, %reduce_min3A_41 [1] : vector<256x4096xf32> to vector<256xf32>
    %broadcast_in_dim3A_43 = vector.shape_cast %reduce_min3A_42 : vector<256xf32> to vector<256x1xf32>
    %le3A_44 = vector.broadcast %broadcast_in_dim3A_43 : vector<256x1xf32> to vector<256x4096xf32>
    %le3A_45 = arith.cmpf ole, %select_n3A_40, %le3A_44 : vector<256x4096xf32>
    %jit3A_46 = arith.constant 1.000000e+09 : f32
    %broadcast_in_dim3A_47 = vector.broadcast %jit3A_46 : f32 to vector<256x4096xf32>
    %select_n3A_48 = arith.select %le3A_45, %convert_element_type3A_30, %broadcast_in_dim3A_47 : vector<256x4096xi1>, vector<256x4096xf32>
    %reduce_min3A_49 = arith.constant dense<0x7F800000> : vector<256xf32>
    %reduce_min3A_50 = vector.multi_reduction <minimumf>, %select_n3A_48, %reduce_min3A_49 [1] : vector<256x4096xf32> to vector<256xf32>
    %broadcast_in_dim3A_51 = vector.shape_cast %reduce_min3A_50 : vector<256xf32> to vector<256x1xf32>
    %eq3A_52 = vector.broadcast %broadcast_in_dim3A_51 : vector<256x1xf32> to vector<256x4096xf32>
    %eq3A_53 = arith.cmpf oeq, %select_n3A_48, %eq3A_52 : vector<256x4096xf32>
    %jit3A_54 = arith.constant 0x7F800000 : f32
    %broadcast_in_dim3A_55 = vector.broadcast %jit3A_54 : f32 to vector<256x4096xf32>
    %select_n3A_56 = arith.select %eq3A_53, %broadcast_in_dim3A_55, %select_n3A_40 : vector<256x4096xi1>, vector<256x4096xf32>
    %reduce_min3A_57 = arith.constant dense<0x7F800000> : vector<256xf32>
    %reduce_min3A_58 = vector.multi_reduction <minimumf>, %select_n3A_56, %reduce_min3A_57 [1] : vector<256x4096xf32> to vector<256xf32>
    %broadcast_in_dim3A_59 = vector.shape_cast %reduce_min3A_58 : vector<256xf32> to vector<256x1xf32>
    %le3A_60 = vector.broadcast %broadcast_in_dim3A_59 : vector<256x1xf32> to vector<256x4096xf32>
    %le3A_61 = arith.cmpf ole, %select_n3A_56, %le3A_60 : vector<256x4096xf32>
    %jit3A_62 = arith.constant 1.000000e+09 : f32
    %broadcast_in_dim3A_63 = vector.broadcast %jit3A_62 : f32 to vector<256x4096xf32>
    %select_n3A_64 = arith.select %le3A_61, %convert_element_type3A_30, %broadcast_in_dim3A_63 : vector<256x4096xi1>, vector<256x4096xf32>
    %reduce_min3A_65 = arith.constant dense<0x7F800000> : vector<256xf32>
    %reduce_min3A_66 = vector.multi_reduction <minimumf>, %select_n3A_64, %reduce_min3A_65 [1] : vector<256x4096xf32> to vector<256xf32>
    %broadcast_in_dim3A_67 = vector.shape_cast %reduce_min3A_66 : vector<256xf32> to vector<256x1xf32>
    %eq3A_68 = vector.broadcast %broadcast_in_dim3A_67 : vector<256x1xf32> to vector<256x4096xf32>
    %eq3A_69 = arith.cmpf oeq, %select_n3A_64, %eq3A_68 : vector<256x4096xf32>
    %jit3A_70 = arith.constant 0x7F800000 : f32
    %broadcast_in_dim3A_71 = vector.broadcast %jit3A_70 : f32 to vector<256x4096xf32>
    %select_n3A_72 = arith.select %eq3A_69, %broadcast_in_dim3A_71, %select_n3A_56 : vector<256x4096xi1>, vector<256x4096xf32>
    %reduce_min3A_73 = arith.constant dense<0x7F800000> : vector<256xf32>
    %reduce_min3A_74 = vector.multi_reduction <minimumf>, %select_n3A_72, %reduce_min3A_73 [1] : vector<256x4096xf32> to vector<256xf32>
    %broadcast_in_dim3A_75 = vector.shape_cast %reduce_min3A_74 : vector<256xf32> to vector<256x1xf32>
    %le3A_76 = vector.broadcast %broadcast_in_dim3A_75 : vector<256x1xf32> to vector<256x4096xf32>
    %le3A_77 = arith.cmpf ole, %select_n3A_72, %le3A_76 : vector<256x4096xf32>
    %jit3A_78 = arith.constant 1.000000e+09 : f32
    %broadcast_in_dim3A_79 = vector.broadcast %jit3A_78 : f32 to vector<256x4096xf32>
    %select_n3A_80 = arith.select %le3A_77, %convert_element_type3A_30, %broadcast_in_dim3A_79 : vector<256x4096xi1>, vector<256x4096xf32>
    %reduce_min3A_81 = arith.constant dense<0x7F800000> : vector<256xf32>
    %reduce_min3A_82 = vector.multi_reduction <minimumf>, %select_n3A_80, %reduce_min3A_81 [1] : vector<256x4096xf32> to vector<256xf32>
    %broadcast_in_dim3A_83 = vector.shape_cast %reduce_min3A_82 : vector<256xf32> to vector<256x1xf32>
    %eq3A_84 = vector.broadcast %broadcast_in_dim3A_83 : vector<256x1xf32> to vector<256x4096xf32>
    %eq3A_85 = arith.cmpf oeq, %select_n3A_80, %eq3A_84 : vector<256x4096xf32>
    %jit3A_86 = arith.constant 0x7F800000 : f32
    %broadcast_in_dim3A_87 = vector.broadcast %jit3A_86 : f32 to vector<256x4096xf32>
    %select_n3A_88 = arith.select %eq3A_85, %broadcast_in_dim3A_87, %select_n3A_72 : vector<256x4096xi1>, vector<256x4096xf32>
    %reduce_min3A_89 = arith.constant dense<0x7F800000> : vector<256xf32>
    %reduce_min3A_90 = vector.multi_reduction <minimumf>, %select_n3A_88, %reduce_min3A_89 [1] : vector<256x4096xf32> to vector<256xf32>
    %broadcast_in_dim3A_91 = vector.shape_cast %reduce_min3A_90 : vector<256xf32> to vector<256x1xf32>
    %le3A_92 = vector.broadcast %broadcast_in_dim3A_91 : vector<256x1xf32> to vector<256x4096xf32>
    %le3A_93 = arith.cmpf ole, %select_n3A_88, %le3A_92 : vector<256x4096xf32>
    %jit3A_94 = arith.constant 1.000000e+09 : f32
    %broadcast_in_dim3A_95 = vector.broadcast %jit3A_94 : f32 to vector<256x4096xf32>
    %select_n3A_96 = arith.select %le3A_93, %convert_element_type3A_30, %broadcast_in_dim3A_95 : vector<256x4096xi1>, vector<256x4096xf32>
    %reduce_min3A_97 = arith.constant dense<0x7F800000> : vector<256xf32>
    %reduce_min3A_98 = vector.multi_reduction <minimumf>, %select_n3A_96, %reduce_min3A_97 [1] : vector<256x4096xf32> to vector<256xf32>
    %broadcast_in_dim3A_99 = vector.shape_cast %reduce_min3A_98 : vector<256xf32> to vector<256x1xf32>
    %eq3A_100 = vector.broadcast %broadcast_in_dim3A_99 : vector<256x1xf32> to vector<256x4096xf32>
    %eq3A_101 = arith.cmpf oeq, %select_n3A_96, %eq3A_100 : vector<256x4096xf32>
    %jit3A_102 = arith.constant 0x7F800000 : f32
    %broadcast_in_dim3A_103 = vector.broadcast %jit3A_102 : f32 to vector<256x4096xf32>
    %select_n3A_104 = arith.select %eq3A_101, %broadcast_in_dim3A_103, %select_n3A_88 : vector<256x4096xi1>, vector<256x4096xf32>
    %reduce_min3A_105 = arith.constant dense<0x7F800000> : vector<256xf32>
    %reduce_min3A_106 = vector.multi_reduction <minimumf>, %select_n3A_104, %reduce_min3A_105 [1] : vector<256x4096xf32> to vector<256xf32>
    %broadcast_in_dim3A_107 = vector.shape_cast %reduce_min3A_106 : vector<256xf32> to vector<256x1xf32>
    %le3A_108 = vector.broadcast %broadcast_in_dim3A_107 : vector<256x1xf32> to vector<256x4096xf32>
    %le3A_109 = arith.cmpf ole, %select_n3A_104, %le3A_108 : vector<256x4096xf32>
    %jit3A_110 = arith.constant 1.000000e+09 : f32
    %broadcast_in_dim3A_111 = vector.broadcast %jit3A_110 : f32 to vector<256x4096xf32>
    %select_n3A_112 = arith.select %le3A_109, %convert_element_type3A_30, %broadcast_in_dim3A_111 : vector<256x4096xi1>, vector<256x4096xf32>
    %reduce_min3A_113 = arith.constant dense<0x7F800000> : vector<256xf32>
    %reduce_min3A_114 = vector.multi_reduction <minimumf>, %select_n3A_112, %reduce_min3A_113 [1] : vector<256x4096xf32> to vector<256xf32>
    %broadcast_in_dim3A_115 = vector.shape_cast %reduce_min3A_114 : vector<256xf32> to vector<256x1xf32>
    %eq3A_116 = vector.broadcast %broadcast_in_dim3A_115 : vector<256x1xf32> to vector<256x4096xf32>
    %eq3A_117 = arith.cmpf oeq, %select_n3A_112, %eq3A_116 : vector<256x4096xf32>
    %jit3A_118 = arith.constant 0x7F800000 : f32
    %broadcast_in_dim3A_119 = vector.broadcast %jit3A_118 : f32 to vector<256x4096xf32>
    %select_n3A_120 = arith.select %eq3A_117, %broadcast_in_dim3A_119, %select_n3A_104 : vector<256x4096xi1>, vector<256x4096xf32>
    %reduce_min3A_121 = arith.constant dense<0x7F800000> : vector<256xf32>
    %reduce_min3A_122 = vector.multi_reduction <minimumf>, %select_n3A_120, %reduce_min3A_121 [1] : vector<256x4096xf32> to vector<256xf32>
    %broadcast_in_dim3A_123 = vector.shape_cast %reduce_min3A_122 : vector<256xf32> to vector<256x1xf32>
    %le3A_124 = vector.broadcast %broadcast_in_dim3A_123 : vector<256x1xf32> to vector<256x4096xf32>
    %le3A_125 = arith.cmpf ole, %select_n3A_120, %le3A_124 : vector<256x4096xf32>
    %jit3A_126 = arith.constant 1.000000e+09 : f32
    %broadcast_in_dim3A_127 = vector.broadcast %jit3A_126 : f32 to vector<256x4096xf32>
    %select_n3A_128 = arith.select %le3A_125, %convert_element_type3A_30, %broadcast_in_dim3A_127 : vector<256x4096xi1>, vector<256x4096xf32>
    %reduce_min3A_129 = arith.constant dense<0x7F800000> : vector<256xf32>
    %reduce_min3A_130 = vector.multi_reduction <minimumf>, %select_n3A_128, %reduce_min3A_129 [1] : vector<256x4096xf32> to vector<256xf32>
    %broadcast_in_dim3A_131 = vector.shape_cast %reduce_min3A_130 : vector<256xf32> to vector<256x1xf32>
    %eq3A_132 = vector.broadcast %broadcast_in_dim3A_131 : vector<256x1xf32> to vector<256x4096xf32>
    %eq3A_133 = arith.cmpf oeq, %select_n3A_128, %eq3A_132 : vector<256x4096xf32>
    %jit3A_134 = arith.constant 0x7F800000 : f32
    %broadcast_in_dim3A_135 = vector.broadcast %jit3A_134 : f32 to vector<256x4096xf32>
    %select_n3A_136 = arith.select %eq3A_133, %broadcast_in_dim3A_135, %select_n3A_120 : vector<256x4096xi1>, vector<256x4096xf32>
    %reduce_min3A_137 = arith.constant dense<0x7F800000> : vector<256xf32>
    %reduce_min3A_138 = vector.multi_reduction <minimumf>, %select_n3A_136, %reduce_min3A_137 [1] : vector<256x4096xf32> to vector<256xf32>
    %broadcast_in_dim3A_139 = vector.shape_cast %reduce_min3A_138 : vector<256xf32> to vector<256x1xf32>
    %le3A_140 = vector.broadcast %broadcast_in_dim3A_139 : vector<256x1xf32> to vector<256x4096xf32>
    %le3A_141 = arith.cmpf ole, %select_n3A_136, %le3A_140 : vector<256x4096xf32>
    %jit3A_142 = arith.constant 1.000000e+09 : f32
    %broadcast_in_dim3A_143 = vector.broadcast %jit3A_142 : f32 to vector<256x4096xf32>
    %select_n3A_144 = arith.select %le3A_141, %convert_element_type3A_30, %broadcast_in_dim3A_143 : vector<256x4096xi1>, vector<256x4096xf32>
    %reduce_min3A_145 = arith.constant dense<0x7F800000> : vector<256xf32>
    %reduce_min3A_146 = vector.multi_reduction <minimumf>, %select_n3A_144, %reduce_min3A_145 [1] : vector<256x4096xf32> to vector<256xf32>
    %broadcast_in_dim3A_147 = vector.shape_cast %reduce_min3A_146 : vector<256xf32> to vector<256x1xf32>
    %eq3A_148 = vector.broadcast %broadcast_in_dim3A_147 : vector<256x1xf32> to vector<256x4096xf32>
    %eq3A_149 = arith.cmpf oeq, %select_n3A_144, %eq3A_148 : vector<256x4096xf32>
    %jit3A_150 = arith.constant 0x7F800000 : f32
    %broadcast_in_dim3A_151 = vector.broadcast %jit3A_150 : f32 to vector<256x4096xf32>
    %select_n3A_152 = arith.select %eq3A_149, %broadcast_in_dim3A_151, %select_n3A_136 : vector<256x4096xi1>, vector<256x4096xf32>
    %reduce_min3A_153 = arith.constant dense<0x7F800000> : vector<256xf32>
    %reduce_min3A_154 = vector.multi_reduction <minimumf>, %select_n3A_152, %reduce_min3A_153 [1] : vector<256x4096xf32> to vector<256xf32>
    %broadcast_in_dim3A_155 = vector.shape_cast %reduce_min3A_154 : vector<256xf32> to vector<256x1xf32>
    %le3A_156 = vector.broadcast %broadcast_in_dim3A_155 : vector<256x1xf32> to vector<256x4096xf32>
    %le3A_157 = arith.cmpf ole, %select_n3A_152, %le3A_156 : vector<256x4096xf32>
    %jit3A_158 = arith.constant 1.000000e+09 : f32
    %broadcast_in_dim3A_159 = vector.broadcast %jit3A_158 : f32 to vector<256x4096xf32>
    %select_n3A_160 = arith.select %le3A_157, %convert_element_type3A_30, %broadcast_in_dim3A_159 : vector<256x4096xi1>, vector<256x4096xf32>
    %reduce_min3A_161 = arith.constant dense<0x7F800000> : vector<256xf32>
    %reduce_min3A_162 = vector.multi_reduction <minimumf>, %select_n3A_160, %reduce_min3A_161 [1] : vector<256x4096xf32> to vector<256xf32>
    %broadcast_in_dim3A_163 = vector.shape_cast %reduce_min3A_162 : vector<256xf32> to vector<256x1xf32>
    %eq3A_164 = vector.broadcast %broadcast_in_dim3A_163 : vector<256x1xf32> to vector<256x4096xf32>
    %eq3A_165 = arith.cmpf oeq, %select_n3A_160, %eq3A_164 : vector<256x4096xf32>
    %jit3A_166 = arith.constant 0x7F800000 : f32
    %broadcast_in_dim3A_167 = vector.broadcast %jit3A_166 : f32 to vector<256x4096xf32>
    %select_n3A_168 = arith.select %eq3A_165, %broadcast_in_dim3A_167, %select_n3A_152 : vector<256x4096xi1>, vector<256x4096xf32>
    %reduce_min3A_169 = arith.constant dense<0x7F800000> : vector<256xf32>
    %reduce_min3A_170 = vector.multi_reduction <minimumf>, %select_n3A_168, %reduce_min3A_169 [1] : vector<256x4096xf32> to vector<256xf32>
    %broadcast_in_dim3A_171 = vector.shape_cast %reduce_min3A_170 : vector<256xf32> to vector<256x1xf32>
    %le3A_172 = vector.broadcast %broadcast_in_dim3A_171 : vector<256x1xf32> to vector<256x4096xf32>
    %le3A_173 = arith.cmpf ole, %select_n3A_168, %le3A_172 : vector<256x4096xf32>
    %jit3A_174 = arith.constant 1.000000e+09 : f32
    %broadcast_in_dim3A_175 = vector.broadcast %jit3A_174 : f32 to vector<256x4096xf32>
    %select_n3A_176 = arith.select %le3A_173, %convert_element_type3A_30, %broadcast_in_dim3A_175 : vector<256x4096xi1>, vector<256x4096xf32>
    %reduce_min3A_177 = arith.constant dense<0x7F800000> : vector<256xf32>
    %reduce_min3A_178 = vector.multi_reduction <minimumf>, %select_n3A_176, %reduce_min3A_177 [1] : vector<256x4096xf32> to vector<256xf32>
    %broadcast_in_dim3A_179 = vector.shape_cast %reduce_min3A_178 : vector<256xf32> to vector<256x1xf32>
    %eq3A_180 = vector.broadcast %broadcast_in_dim3A_179 : vector<256x1xf32> to vector<256x4096xf32>
    %eq3A_181 = arith.cmpf oeq, %select_n3A_176, %eq3A_180 : vector<256x4096xf32>
    %jit3A_182 = arith.constant 0x7F800000 : f32
    %broadcast_in_dim3A_183 = vector.broadcast %jit3A_182 : f32 to vector<256x4096xf32>
    %select_n3A_184 = arith.select %eq3A_181, %broadcast_in_dim3A_183, %select_n3A_168 : vector<256x4096xi1>, vector<256x4096xf32>
    %reduce_min3A_185 = arith.constant dense<0x7F800000> : vector<256xf32>
    %reduce_min3A_186 = vector.multi_reduction <minimumf>, %select_n3A_184, %reduce_min3A_185 [1] : vector<256x4096xf32> to vector<256xf32>
    %broadcast_in_dim3A_187 = vector.shape_cast %reduce_min3A_186 : vector<256xf32> to vector<256x1xf32>
    %le3A_188 = vector.broadcast %broadcast_in_dim3A_187 : vector<256x1xf32> to vector<256x4096xf32>
    %le3A_189 = arith.cmpf ole, %select_n3A_184, %le3A_188 : vector<256x4096xf32>
    %jit3A_190 = arith.constant 1.000000e+09 : f32
    %broadcast_in_dim3A_191 = vector.broadcast %jit3A_190 : f32 to vector<256x4096xf32>
    %select_n3A_192 = arith.select %le3A_189, %convert_element_type3A_30, %broadcast_in_dim3A_191 : vector<256x4096xi1>, vector<256x4096xf32>
    %reduce_min3A_193 = arith.constant dense<0x7F800000> : vector<256xf32>
    %reduce_min3A_194 = vector.multi_reduction <minimumf>, %select_n3A_192, %reduce_min3A_193 [1] : vector<256x4096xf32> to vector<256xf32>
    %broadcast_in_dim3A_195 = vector.shape_cast %reduce_min3A_194 : vector<256xf32> to vector<256x1xf32>
    %eq3A_196 = vector.broadcast %broadcast_in_dim3A_195 : vector<256x1xf32> to vector<256x4096xf32>
    %eq3A_197 = arith.cmpf oeq, %select_n3A_192, %eq3A_196 : vector<256x4096xf32>
    %jit3A_198 = arith.constant 0x7F800000 : f32
    %broadcast_in_dim3A_199 = vector.broadcast %jit3A_198 : f32 to vector<256x4096xf32>
    %select_n3A_200 = arith.select %eq3A_197, %broadcast_in_dim3A_199, %select_n3A_184 : vector<256x4096xi1>, vector<256x4096xf32>
    %reduce_min3A_201 = arith.constant dense<0x7F800000> : vector<256xf32>
    %reduce_min3A_202 = vector.multi_reduction <minimumf>, %select_n3A_200, %reduce_min3A_201 [1] : vector<256x4096xf32> to vector<256xf32>
    %broadcast_in_dim3A_203 = vector.shape_cast %reduce_min3A_202 : vector<256xf32> to vector<256x1xf32>
    %le3A_204 = vector.broadcast %broadcast_in_dim3A_203 : vector<256x1xf32> to vector<256x4096xf32>
    %le3A_205 = arith.cmpf ole, %select_n3A_200, %le3A_204 : vector<256x4096xf32>
    %jit3A_206 = arith.constant 1.000000e+09 : f32
    %broadcast_in_dim3A_207 = vector.broadcast %jit3A_206 : f32 to vector<256x4096xf32>
    %select_n3A_208 = arith.select %le3A_205, %convert_element_type3A_30, %broadcast_in_dim3A_207 : vector<256x4096xi1>, vector<256x4096xf32>
    %reduce_min3A_209 = arith.constant dense<0x7F800000> : vector<256xf32>
    %reduce_min3A_210 = vector.multi_reduction <minimumf>, %select_n3A_208, %reduce_min3A_209 [1] : vector<256x4096xf32> to vector<256xf32>
    %broadcast_in_dim3A_211 = vector.shape_cast %reduce_min3A_210 : vector<256xf32> to vector<256x1xf32>
    %eq3A_212 = vector.broadcast %broadcast_in_dim3A_211 : vector<256x1xf32> to vector<256x4096xf32>
    %eq3A_213 = arith.cmpf oeq, %select_n3A_208, %eq3A_212 : vector<256x4096xf32>
    %jit3A_214 = arith.constant 0x7F800000 : f32
    %broadcast_in_dim3A_215 = vector.broadcast %jit3A_214 : f32 to vector<256x4096xf32>
    %select_n3A_216 = arith.select %eq3A_213, %broadcast_in_dim3A_215, %select_n3A_200 : vector<256x4096xi1>, vector<256x4096xf32>
    %reduce_min3A_217 = arith.constant dense<0x7F800000> : vector<256xf32>
    %reduce_min3A_218 = vector.multi_reduction <minimumf>, %select_n3A_216, %reduce_min3A_217 [1] : vector<256x4096xf32> to vector<256xf32>
    %broadcast_in_dim3A_219 = vector.shape_cast %reduce_min3A_218 : vector<256xf32> to vector<256x1xf32>
    %le3A_220 = vector.broadcast %broadcast_in_dim3A_219 : vector<256x1xf32> to vector<256x4096xf32>
    %le3A_221 = arith.cmpf ole, %select_n3A_216, %le3A_220 : vector<256x4096xf32>
    %jit3A_222 = arith.constant 1.000000e+09 : f32
    %broadcast_in_dim3A_223 = vector.broadcast %jit3A_222 : f32 to vector<256x4096xf32>
    %select_n3A_224 = arith.select %le3A_221, %convert_element_type3A_30, %broadcast_in_dim3A_223 : vector<256x4096xi1>, vector<256x4096xf32>
    %reduce_min3A_225 = arith.constant dense<0x7F800000> : vector<256xf32>
    %reduce_min3A_226 = vector.multi_reduction <minimumf>, %select_n3A_224, %reduce_min3A_225 [1] : vector<256x4096xf32> to vector<256xf32>
    %broadcast_in_dim3A_227 = vector.shape_cast %reduce_min3A_226 : vector<256xf32> to vector<256x1xf32>
    %eq3A_228 = vector.broadcast %broadcast_in_dim3A_227 : vector<256x1xf32> to vector<256x4096xf32>
    %eq3A_229 = arith.cmpf oeq, %select_n3A_224, %eq3A_228 : vector<256x4096xf32>
    %jit3A_230 = arith.constant 0x7F800000 : f32
    %broadcast_in_dim3A_231 = vector.broadcast %jit3A_230 : f32 to vector<256x4096xf32>
    %select_n3A_232 = arith.select %eq3A_229, %broadcast_in_dim3A_231, %select_n3A_216 : vector<256x4096xi1>, vector<256x4096xf32>
    %reduce_min3A_233 = arith.constant dense<0x7F800000> : vector<256xf32>
    %reduce_min3A_234 = vector.multi_reduction <minimumf>, %select_n3A_232, %reduce_min3A_233 [1] : vector<256x4096xf32> to vector<256xf32>
    %broadcast_in_dim3A_235 = vector.shape_cast %reduce_min3A_234 : vector<256xf32> to vector<256x1xf32>
    %le3A_236 = vector.broadcast %broadcast_in_dim3A_235 : vector<256x1xf32> to vector<256x4096xf32>
    %le3A_237 = arith.cmpf ole, %select_n3A_232, %le3A_236 : vector<256x4096xf32>
    %jit3A_238 = arith.constant 1.000000e+09 : f32
    %broadcast_in_dim3A_239 = vector.broadcast %jit3A_238 : f32 to vector<256x4096xf32>
    %select_n3A_240 = arith.select %le3A_237, %convert_element_type3A_30, %broadcast_in_dim3A_239 : vector<256x4096xi1>, vector<256x4096xf32>
    %reduce_min3A_241 = arith.constant dense<0x7F800000> : vector<256xf32>
    %reduce_min3A_242 = vector.multi_reduction <minimumf>, %select_n3A_240, %reduce_min3A_241 [1] : vector<256x4096xf32> to vector<256xf32>
    %broadcast_in_dim3A_243 = vector.shape_cast %reduce_min3A_242 : vector<256xf32> to vector<256x1xf32>
    %eq3A_244 = vector.broadcast %broadcast_in_dim3A_243 : vector<256x1xf32> to vector<256x4096xf32>
    %eq3A_245 = arith.cmpf oeq, %select_n3A_240, %eq3A_244 : vector<256x4096xf32>
    %jit3A_246 = arith.constant 0x7F800000 : f32
    %broadcast_in_dim3A_247 = vector.broadcast %jit3A_246 : f32 to vector<256x4096xf32>
    %select_n3A_248 = arith.select %eq3A_245, %broadcast_in_dim3A_247, %select_n3A_232 : vector<256x4096xi1>, vector<256x4096xf32>
    %reduce_min3A_249 = arith.constant dense<0x7F800000> : vector<256xf32>
    %reduce_min3A_250 = vector.multi_reduction <minimumf>, %select_n3A_248, %reduce_min3A_249 [1] : vector<256x4096xf32> to vector<256xf32>
    %broadcast_in_dim3A_251 = vector.shape_cast %reduce_min3A_250 : vector<256xf32> to vector<256x1xf32>
    %le3A_252 = vector.broadcast %broadcast_in_dim3A_251 : vector<256x1xf32> to vector<256x4096xf32>
    %le3A_253 = arith.cmpf ole, %select_n3A_248, %le3A_252 : vector<256x4096xf32>
    %jit3A_254 = arith.constant 1.000000e+09 : f32
    %broadcast_in_dim3A_255 = vector.broadcast %jit3A_254 : f32 to vector<256x4096xf32>
    %select_n3A_256 = arith.select %le3A_253, %convert_element_type3A_30, %broadcast_in_dim3A_255 : vector<256x4096xi1>, vector<256x4096xf32>
    %reduce_min3A_257 = arith.constant dense<0x7F800000> : vector<256xf32>
    %reduce_min3A_258 = vector.multi_reduction <minimumf>, %select_n3A_256, %reduce_min3A_257 [1] : vector<256x4096xf32> to vector<256xf32>
    %broadcast_in_dim3A_259 = vector.shape_cast %reduce_min3A_258 : vector<256xf32> to vector<256x1xf32>
    %eq3A_260 = vector.broadcast %broadcast_in_dim3A_259 : vector<256x1xf32> to vector<256x4096xf32>
    %eq3A_261 = arith.cmpf oeq, %select_n3A_256, %eq3A_260 : vector<256x4096xf32>
    %jit3A_262 = arith.constant 0x7F800000 : f32
    %broadcast_in_dim3A_263 = vector.broadcast %jit3A_262 : f32 to vector<256x4096xf32>
    %select_n3A_264 = arith.select %eq3A_261, %broadcast_in_dim3A_263, %select_n3A_248 : vector<256x4096xi1>, vector<256x4096xf32>
    %reduce_min3A_265 = arith.constant dense<0x7F800000> : vector<256xf32>
    %reduce_min3A_266 = vector.multi_reduction <minimumf>, %select_n3A_264, %reduce_min3A_265 [1] : vector<256x4096xf32> to vector<256xf32>
    %broadcast_in_dim3A_267 = vector.shape_cast %reduce_min3A_266 : vector<256xf32> to vector<256x1xf32>
    %le3A_268 = vector.broadcast %broadcast_in_dim3A_267 : vector<256x1xf32> to vector<256x4096xf32>
    %le3A_269 = arith.cmpf ole, %select_n3A_264, %le3A_268 : vector<256x4096xf32>
    %jit3A_270 = arith.constant 1.000000e+09 : f32
    %broadcast_in_dim3A_271 = vector.broadcast %jit3A_270 : f32 to vector<256x4096xf32>
    %select_n3A_272 = arith.select %le3A_269, %convert_element_type3A_30, %broadcast_in_dim3A_271 : vector<256x4096xi1>, vector<256x4096xf32>
    %reduce_min3A_273 = arith.constant dense<0x7F800000> : vector<256xf32>
    %reduce_min3A_274 = vector.multi_reduction <minimumf>, %select_n3A_272, %reduce_min3A_273 [1] : vector<256x4096xf32> to vector<256xf32>
    %broadcast_in_dim3A_275 = vector.shape_cast %reduce_min3A_274 : vector<256xf32> to vector<256x1xf32>
    %concatenate3A = tpu.concatenate %broadcast_in_dim3A_36, %broadcast_in_dim3A_51, %broadcast_in_dim3A_67, %broadcast_in_dim3A_83, %broadcast_in_dim3A_99, %broadcast_in_dim3A_115, %broadcast_in_dim3A_131, %broadcast_in_dim3A_147, %broadcast_in_dim3A_163, %broadcast_in_dim3A_179, %broadcast_in_dim3A_195, %broadcast_in_dim3A_211, %broadcast_in_dim3A_227, %broadcast_in_dim3A_243, %broadcast_in_dim3A_259, %broadcast_in_dim3A_275 in 1 : vector<256x1xf32>, vector<256x1xf32>, vector<256x1xf32>, vector<256x1xf32>, vector<256x1xf32>, vector<256x1xf32>, vector<256x1xf32>, vector<256x1xf32>, vector<256x1xf32>, vector<256x1xf32>, vector<256x1xf32>, vector<256x1xf32>, vector<256x1xf32>, vector<256x1xf32>, vector<256x1xf32>, vector<256x1xf32> -> vector<256x16xf32>
    %convert_element_type3A_276 = arith.fptosi %concatenate3A : vector<256x16xf32> to vector<256x16xi32>
    %add3A_277 = arith.constant 0 : i32
    %add3A_278 = vector.broadcast %add3A_277 : i32 to vector<256x16xi32>
    %add3A_279 = arith.addi %convert_element_type3A_276, %add3A_278 : vector<256x16xi32>
    %swap3A = arith.constant 0 : index
    %swap3A_280 = arith.constant 0 : index
    %swap3A_281 = vector.load %arg3[%swap3A, %swap3A_280] : memref<256x16xi32, #tpu.memory_space<vmem>>, vector<256x16xi32>
    tpu.vector_store %arg3[%swap3A, %swap3A_280], %add3A_279 {strides = array<i32>} : memref<256x16xi32, #tpu.memory_space<vmem>>, vector<256x16xi32>,
    return
  }
  func.func @transform_0(%arg0: i32) -> (i32, i32, i32) {
    %c0_i32 = arith.constant 0 : i32
    %c0_i32_0 = arith.constant 0 : i32
    %c0_i32_1 = arith.constant 0 : i32
    return %c0_i32, %arg0, %c0_i32_0 : i32, i32, i32
  }
  func.func @transform_1(%arg0: i32) -> (i32, i32, i32) {
    %c0_i32 = arith.constant 0 : i32
    %c0_i32_0 = arith.constant 0 : i32
    %c0_i32_1 = arith.constant 0 : i32
    %c0_i32_2 = arith.constant 0 : i32
    return %c0_i32, %c0_i32_0, %c0_i32_1 : i32, i32, i32
  }
  func.func @transform_2(%arg0: i32) -> (i32, i32) {
    %c0_i32 = arith.constant 0 : i32
    %c0_i32_0 = arith.constant 0 : i32
    return %arg0, %c0_i32 : i32, i32
  }
}

module attributes {stable_mosaic.version = 14 : i64} {
  func.func @_attn_body(%arg0: i32, %arg1: memref<128x256xf32, #tpu.memory_space<vmem>>, %arg2: memref<2048x256xf32, #tpu.memory_space<vmem>>, %arg3: memref<2048x256xf32, #tpu.memory_space<vmem>>, %arg4: memref<2048x128xf32, #tpu.memory_space<vmem>>, %arg5: memref<128x128xf32, #tpu.memory_space<vmem>>, %arg6: memref<1x32xf32, #tpu.memory_space<vmem>>, %arg7: memref<32x8xf32, #tpu.memory_space<vmem>>, %arg8: memref<1x8xf32, #tpu.memory_space<vmem>>, %arg9: memref<256x256xf32, #tpu.memory_space<vmem>>, %arg10: memref<1x256xf32, #tpu.memory_space<vmem>>, %arg11: memref<128x256xf32, #tpu.memory_space<vmem>>) attributes {dimension_semantics = [#tpu.dimension_semantics<parallel>], iteration_bounds = array<i64: 32>, scalar_prefetch = 0 : i64, scratch_operands = 0 : i64, tpu.core_type = #tpu.core_type<tc>, window_params = [{transform_indices = @transform_0, window_bounds = array<i64: 128, 256>}, {transform_indices = @transform_1, window_bounds = array<i64: 2048, 256>}, {transform_indices = @transform_2, window_bounds = array<i64: 2048, 256>}, {transform_indices = @transform_3, window_bounds = array<i64: 2048, 128>}, {transform_indices = @transform_4, window_bounds = array<i64: 128, 128>}, {pipeline_mode = #tpu.pipeline_mode<synchronous>, transform_indices = @transform_5, window_bounds = array<i64: 1, 32>}, {pipeline_mode = #tpu.pipeline_mode<synchronous>, transform_indices = @transform_6, window_bounds = array<i64: 32, 8>}, {pipeline_mode = #tpu.pipeline_mode<synchronous>, transform_indices = @transform_7, window_bounds = array<i64: 1, 8>}, {pipeline_mode = #tpu.pipeline_mode<synchronous>, transform_indices = @transform_8, window_bounds = array<i64: 256, 256>}, {pipeline_mode = #tpu.pipeline_mode<synchronous>, transform_indices = @transform_9, window_bounds = array<i64: 1, 256>}, {transform_indices = @transform_10, window_bounds = array<i64: 128, 256>}]} {
    %get3A = arith.constant 0 : index
    %get3A_0 = arith.constant 0 : index
    %get3A_1 = vector.load %arg1[%get3A, %get3A_0] : memref<128x256xf32, #tpu.memory_space<vmem>>, vector<128x256xf32>
    %get3A_2 = arith.constant 0 : index
    %get3A_3 = arith.constant 0 : index
    %get3A_4 = vector.load %arg2[%get3A_2, %get3A_3] : memref<2048x256xf32, #tpu.memory_space<vmem>>, vector<2048x256xf32>
    %get3A_5 = arith.constant 0 : index
    %get3A_6 = arith.constant 0 : index
    %get3A_7 = vector.load %arg3[%get3A_5, %get3A_6] : memref<2048x256xf32, #tpu.memory_space<vmem>>, vector<2048x256xf32>
    %get3A_8 = arith.constant 0 : index
    %get3A_9 = arith.constant 0 : index
    %get3A_10 = vector.load %arg4[%get3A_8, %get3A_9] : memref<2048x128xf32, #tpu.memory_space<vmem>>, vector<2048x32xf32>
    %get3A_11 = arith.constant 0 : index
    %get3A_12 = arith.constant 0 : index
    %get3A_13 = vector.load %arg5[%get3A_11, %get3A_12] : memref<128x128xf32, #tpu.memory_space<vmem>>, vector<128x32xf32>
    %get3A_14 = arith.constant 0 : index
    %get3A_15 = arith.constant 0 : index
    %get3A_16 = vector.load %arg6[%get3A_14, %get3A_15] : memref<1x32xf32, #tpu.memory_space<vmem>>, vector<1x32xf32>
    %add3A = vector.broadcast %get3A_16 : vector<1x32xf32> to vector<128x32xf32>
    %add3A_17 = arith.addf %get3A_13, %add3A : vector<128x32xf32>
    %broadcast_in_dim3A = vector.shape_cast %add3A_17 : vector<128x32xf32> to vector<128x1x32xf32>
    %broadcast_in_dim3A_18 = vector.shape_cast %broadcast_in_dim3A : vector<128x1x32xf32> to vector<128x1x32xf32>
    %broadcast_in_dim3A_19 = vector.broadcast %broadcast_in_dim3A_18 : vector<128x1x32xf32> to vector<128x16x32xf32>
    %reshape3A = vector.shape_cast %broadcast_in_dim3A_19 : vector<128x16x32xf32> to vector<2048x32xf32>
    %sub3A = arith.subf %reshape3A, %get3A_10 : vector<2048x32xf32>
    %max3A = arith.constant 0.000000e+00 : f32
    %max3A_20 = vector.broadcast %max3A : f32 to vector<2048x32xf32>
    %max3A_21 = arith.maximumf %sub3A, %max3A_20 : vector<2048x32xf32>
    %get3A_22 = arith.constant 0 : index
    %get3A_23 = arith.constant 0 : index
    %get3A_24 = vector.load %arg7[%get3A_22, %get3A_23] : memref<32x8xf32, #tpu.memory_space<vmem>>, vector<32x8xf32>
    %dot_general3A = arith.constant dense<0.000000e+00> : vector<2048x8xf32>
    %dot_general3A_25 = tpu.matmul %max3A_21, %get3A_24, %dot_general3A {dimension_numbers = #tpu.dot_dimension_numbers<[1], [0], [0], [1], [0, 0, 1, 1], [], []>, transpose_lhs_hint = false} : vector<2048x32xf32>, vector<32x8xf32>, vector<2048x8xf32> -> vector<2048x8xf32>
    %get3A_26 = arith.constant 0 : index
    %get3A_27 = arith.constant 0 : index
    %get3A_28 = vector.load %arg8[%get3A_26, %get3A_27] : memref<1x8xf32, #tpu.memory_space<vmem>>, vector<1x8xf32>
    %add3A_29 = vector.broadcast %get3A_28 : vector<1x8xf32> to vector<2048x8xf32>
    %add3A_30 = arith.addf %dot_general3A_25, %add3A_29 : vector<2048x8xf32>
    %broadcast_in_dim3A_31 = vector.shape_cast %get3A_1 : vector<128x256xf32> to vector<128x1x256xf32>
    %broadcast_in_dim3A_32 = vector.shape_cast %broadcast_in_dim3A_31 : vector<128x1x256xf32> to vector<128x1x256xf32>
    %broadcast_in_dim3A_33 = vector.broadcast %broadcast_in_dim3A_32 : vector<128x1x256xf32> to vector<128x16x256xf32>
    %reshape3A_34 = vector.shape_cast %broadcast_in_dim3A_33 : vector<128x16x256xf32> to vector<2048x256xf32>
    %mul3A = arith.mulf %reshape3A_34, %get3A_4 : vector<2048x256xf32>
    %iota3A = tpu.iota {dimensions = array<i32: 0>} : vector<256x8xi32>
    %jit3A = arith.constant 32 : i32
    %div3A = vector.broadcast %jit3A : i32 to vector<256x8xi32>
    %div3A_35 = arith.divsi %iota3A, %div3A : vector<256x8xi32>
    %sign3A = arith.constant 0 : i32
    %sign3A_36 = vector.broadcast %sign3A : i32 to vector<256x8xi32>
    %sign3A_37 = arith.cmpi sgt, %iota3A, %sign3A_36 : vector<256x8xi32>
    %sign3A_38 = arith.extui %sign3A_37 : vector<256x8xi1> to vector<256x8xi32>
    %sign3A_39 = arith.constant 0 : i32
    %sign3A_40 = vector.broadcast %sign3A_39 : i32 to vector<256x8xi32>
    %sign3A_41 = arith.cmpi slt, %iota3A, %sign3A_40 : vector<256x8xi32>
    %sign3A_42 = arith.extui %sign3A_41 : vector<256x8xi1> to vector<256x8xi32>
    %sign3A_43 = arith.subi %sign3A_38, %sign3A_42 : vector<256x8xi32>
    %sign3A_44 = arith.constant 0 : i32
    %sign3A_45 = arith.cmpi sgt, %jit3A, %sign3A_44 : i32
    %sign3A_46 = arith.extui %sign3A_45 : i1 to i32
    %sign3A_47 = arith.constant 0 : i32
    %sign3A_48 = arith.cmpi slt, %jit3A, %sign3A_47 : i32
    %sign3A_49 = arith.extui %sign3A_48 : i1 to i32
    %sign3A_50 = arith.subi %sign3A_46, %sign3A_49 : i32
    %ne3A = vector.broadcast %sign3A_50 : i32 to vector<256x8xi32>
    %ne3A_51 = arith.cmpi ne, %sign3A_43, %ne3A : vector<256x8xi32>
    %rem3A = vector.broadcast %jit3A : i32 to vector<256x8xi32>
    %rem3A_52 = arith.remsi %iota3A, %rem3A : vector<256x8xi32>
    %ne3A_53 = arith.constant 0 : i32
    %ne3A_54 = vector.broadcast %ne3A_53 : i32 to vector<256x8xi32>
    %ne3A_55 = arith.cmpi ne, %rem3A_52, %ne3A_54 : vector<256x8xi32>
    %and3A = arith.andi %ne3A_51, %ne3A_55 : vector<256x8xi1>
    %sub3A_56 = arith.constant 1 : i32
    %sub3A_57 = vector.broadcast %sub3A_56 : i32 to vector<256x8xi32>
    %sub3A_58 = arith.subi %div3A_35, %sub3A_57 : vector<256x8xi32>
    %select_n3A = arith.select %and3A, %sub3A_58, %div3A_35 : vector<256x8xi1>, vector<256x8xi32>
    %iota3A_59 = tpu.iota {dimensions = array<i32: 1>} : vector<256x8xi32>
    %eq3A = arith.cmpi eq, %select_n3A, %iota3A_59 : vector<256x8xi32>
    %jit3A_60 = arith.constant 1.000000e+00 : f32
    %jit3A_61 = arith.constant 0.000000e+00 : f32
    %broadcast_in_dim3A_62 = vector.broadcast %jit3A_60 : f32 to vector<256x8xf32>
    %broadcast_in_dim3A_63 = vector.broadcast %jit3A_61 : f32 to vector<256x8xf32>
    %select_n3A_64 = arith.select %eq3A, %broadcast_in_dim3A_62, %broadcast_in_dim3A_63 : vector<256x8xi1>, vector<256x8xf32>
    %dot_general3A_65 = arith.constant dense<0.000000e+00> : vector<2048x8xf32>
    %dot_general3A_66 = tpu.matmul %mul3A, %select_n3A_64, %dot_general3A_65 {dimension_numbers = #tpu.dot_dimension_numbers<[1], [0], [0], [1], [0, 0, 1, 1], [], []>, transpose_lhs_hint = false} : vector<2048x256xf32>, vector<256x8xf32>, vector<2048x8xf32> -> vector<2048x8xf32>
    %mul3A_67 = arith.constant 0.176776692 : f32
    %mul3A_68 = vector.broadcast %mul3A_67 : f32 to vector<2048x8xf32>
    %mul3A_69 = arith.mulf %dot_general3A_66, %mul3A_68 : vector<2048x8xf32>
    %add3A_70 = arith.addf %mul3A_69, %add3A_30 : vector<2048x8xf32>
    %reshape3A_71 = vector.shape_cast %add3A_70 : vector<2048x8xf32> to vector<128x16x8xf32>
    %reduce_max3A = arith.constant dense<0xFF800000> : vector<128x8xf32>
    %reduce_max3A_72 = vector.multi_reduction <maximumf>, %reshape3A_71, %reduce_max3A [1] : vector<128x16x8xf32> to vector<128x8xf32>
    %broadcast_in_dim3A_73 = vector.shape_cast %reduce_max3A_72 : vector<128x8xf32> to vector<128x1x8xf32>
    %sub3A_74 = vector.broadcast %broadcast_in_dim3A_73 : vector<128x1x8xf32> to vector<128x16x8xf32>
    %sub3A_75 = arith.subf %reshape3A_71, %sub3A_74 : vector<128x16x8xf32>
    %exp3A = math.exp %sub3A_75 : vector<128x16x8xf32>
    %reduce_sum3A = arith.constant dense<0.000000e+00> : vector<128x8xf32>
    %reduce_sum3A_76 = vector.multi_reduction <add>, %exp3A, %reduce_sum3A [1] : vector<128x16x8xf32> to vector<128x8xf32>
    %broadcast_in_dim3A_77 = vector.shape_cast %reduce_sum3A_76 : vector<128x8xf32> to vector<128x1x8xf32>
    %div3A_78 = vector.broadcast %broadcast_in_dim3A_77 : vector<128x1x8xf32> to vector<128x16x8xf32>
    %div3A_79 = arith.divf %exp3A, %div3A_78 : vector<128x16x8xf32>
    %reshape3A_80 = vector.shape_cast %div3A_79 : vector<128x16x8xf32> to vector<2048x8xf32>
    %transpose3A = tpu.transpose %select_n3A_64, [1, 0] : vector<256x8xf32> -> vector<8x256xf32>
    %dot_general3A_81 = arith.constant dense<0.000000e+00> : vector<2048x256xf32>
    %dot_general3A_82 = tpu.matmul %reshape3A_80, %transpose3A, %dot_general3A_81 {dimension_numbers = #tpu.dot_dimension_numbers<[1], [0], [0], [1], [0, 0, 1, 1], [], []>, transpose_lhs_hint = false} : vector<2048x8xf32>, vector<8x256xf32>, vector<2048x256xf32> -> vector<2048x256xf32>
    %mul3A_83 = arith.mulf %dot_general3A_82, %get3A_7 : vector<2048x256xf32>
    %reshape3A_84 = vector.shape_cast %mul3A_83 : vector<2048x256xf32> to vector<128x16x256xf32>
    %reduce_sum3A_85 = arith.constant dense<0.000000e+00> : vector<128x256xf32>
    %reduce_sum3A_86 = vector.multi_reduction <add>, %reshape3A_84, %reduce_sum3A_85 [1] : vector<128x16x256xf32> to vector<128x256xf32>
    %get3A_87 = arith.constant 0 : index
    %get3A_88 = arith.constant 0 : index
    %get3A_89 = vector.load %arg9[%get3A_87, %get3A_88] : memref<256x256xf32, #tpu.memory_space<vmem>>, vector<256x256xf32>
    %dot_general3A_90 = arith.constant dense<0.000000e+00> : vector<128x256xf32>
    %dot_general3A_91 = tpu.matmul %reduce_sum3A_86, %get3A_89, %dot_general3A_90 {dimension_numbers = #tpu.dot_dimension_numbers<[1], [0], [0], [1], [0, 0, 1, 1], [], []>, transpose_lhs_hint = false} : vector<128x256xf32>, vector<256x256xf32>, vector<128x256xf32> -> vector<128x256xf32>
    %get3A_92 = arith.constant 0 : index
    %get3A_93 = arith.constant 0 : index
    %get3A_94 = vector.load %arg10[%get3A_92, %get3A_93] : memref<1x256xf32, #tpu.memory_space<vmem>>, vector<1x256xf32>
    %add3A_95 = vector.broadcast %get3A_94 : vector<1x256xf32> to vector<128x256xf32>
    %add3A_96 = arith.addf %dot_general3A_91, %add3A_95 : vector<128x256xf32>
    %swap3A = arith.constant 0 : index
    %swap3A_97 = arith.constant 0 : index
    %swap3A_98 = vector.load %arg11[%swap3A, %swap3A_97] : memref<128x256xf32, #tpu.memory_space<vmem>>, vector<128x256xf32>
    tpu.vector_store %arg11[%swap3A, %swap3A_97], %add3A_96 {strides = array<i32>} : memref<128x256xf32, #tpu.memory_space<vmem>>, vector<128x256xf32>,
    return
  }
  func.func @transform_0(%arg0: i32) -> (i32, i32) {
    %add3A = arith.constant 32 : i32
    %add3A_0 = arith.addi %add3A, %arg0 : i32
    %c0_i32 = arith.constant 0 : i32
    %c0_i32_1 = arith.constant 0 : i32
    return %add3A_0, %c0_i32 : i32, i32
  }
  func.func @transform_1(%arg0: i32) -> (i32, i32) {
    %c0_i32 = arith.constant 0 : i32
    %c0_i32_0 = arith.constant 0 : i32
    return %arg0, %c0_i32 : i32, i32
  }
  func.func @transform_2(%arg0: i32) -> (i32, i32) {
    %c0_i32 = arith.constant 0 : i32
    %c0_i32_0 = arith.constant 0 : i32
    return %arg0, %c0_i32 : i32, i32
  }
  func.func @transform_3(%arg0: i32) -> (i32, i32) {
    %c0_i32 = arith.constant 0 : i32
    %c0_i32_0 = arith.constant 0 : i32
    return %arg0, %c0_i32 : i32, i32
  }
  func.func @transform_4(%arg0: i32) -> (i32, i32) {
    %add3A = arith.constant 32 : i32
    %add3A_0 = arith.addi %add3A, %arg0 : i32
    %c0_i32 = arith.constant 0 : i32
    %c0_i32_1 = arith.constant 0 : i32
    return %add3A_0, %c0_i32 : i32, i32
  }
  func.func @transform_5(%arg0: i32) -> (i32, i32) {
    %c0_i32 = arith.constant 0 : i32
    %c0_i32_0 = arith.constant 0 : i32
    %c0_i32_1 = arith.constant 0 : i32
    return %c0_i32, %c0_i32_0 : i32, i32
  }
  func.func @transform_6(%arg0: i32) -> (i32, i32) {
    %c0_i32 = arith.constant 0 : i32
    %c0_i32_0 = arith.constant 0 : i32
    %c0_i32_1 = arith.constant 0 : i32
    return %c0_i32, %c0_i32_0 : i32, i32
  }
  func.func @transform_7(%arg0: i32) -> (i32, i32) {
    %c0_i32 = arith.constant 0 : i32
    %c0_i32_0 = arith.constant 0 : i32
    %c0_i32_1 = arith.constant 0 : i32
    return %c0_i32, %c0_i32_0 : i32, i32
  }
  func.func @transform_8(%arg0: i32) -> (i32, i32) {
    %c0_i32 = arith.constant 0 : i32
    %c0_i32_0 = arith.constant 0 : i32
    %c0_i32_1 = arith.constant 0 : i32
    return %c0_i32, %c0_i32_0 : i32, i32
  }
  func.func @transform_9(%arg0: i32) -> (i32, i32) {
    %c0_i32 = arith.constant 0 : i32
    %c0_i32_0 = arith.constant 0 : i32
    %c0_i32_1 = arith.constant 0 : i32
    return %c0_i32, %c0_i32_0 : i32, i32
  }
  func.func @transform_10(%arg0: i32) -> (i32, i32) {
    %c0_i32 = arith.constant 0 : i32
    %c0_i32_0 = arith.constant 0 : i32
    return %arg0, %c0_i32 : i32, i32
  }
}

module attributes {stable_mosaic.version = 14 : i64} {
  func.func @_attn_body(%arg0: i32, %arg1: memref<128x256xf32, #tpu.memory_space<vmem>>, %arg2: memref<2048x256xf32, #tpu.memory_space<vmem>>, %arg3: memref<2048x256xf32, #tpu.memory_space<vmem>>, %arg4: memref<2048x128xf32, #tpu.memory_space<vmem>>, %arg5: memref<128x128xf32, #tpu.memory_space<vmem>>, %arg6: memref<1x32xf32, #tpu.memory_space<vmem>>, %arg7: memref<32x8xf32, #tpu.memory_space<vmem>>, %arg8: memref<1x8xf32, #tpu.memory_space<vmem>>, %arg9: memref<256x256xf32, #tpu.memory_space<vmem>>, %arg10: memref<1x256xf32, #tpu.memory_space<vmem>>, %arg11: memref<128x256xf32, #tpu.memory_space<vmem>>) attributes {dimension_semantics = [#tpu.dimension_semantics<parallel>], iteration_bounds = array<i64: 32>, scalar_prefetch = 0 : i64, scratch_operands = 0 : i64, tpu.core_type = #tpu.core_type<tc>, window_params = [{transform_indices = @transform_0, window_bounds = array<i64: 128, 256>}, {transform_indices = @transform_1, window_bounds = array<i64: 2048, 256>}, {transform_indices = @transform_2, window_bounds = array<i64: 2048, 256>}, {transform_indices = @transform_3, window_bounds = array<i64: 2048, 128>}, {transform_indices = @transform_4, window_bounds = array<i64: 128, 128>}, {pipeline_mode = #tpu.pipeline_mode<synchronous>, transform_indices = @transform_5, window_bounds = array<i64: 1, 32>}, {pipeline_mode = #tpu.pipeline_mode<synchronous>, transform_indices = @transform_6, window_bounds = array<i64: 32, 8>}, {pipeline_mode = #tpu.pipeline_mode<synchronous>, transform_indices = @transform_7, window_bounds = array<i64: 1, 8>}, {pipeline_mode = #tpu.pipeline_mode<synchronous>, transform_indices = @transform_8, window_bounds = array<i64: 256, 256>}, {pipeline_mode = #tpu.pipeline_mode<synchronous>, transform_indices = @transform_9, window_bounds = array<i64: 1, 256>}, {transform_indices = @transform_10, window_bounds = array<i64: 128, 256>}]} {
    %get3A = arith.constant 0 : index
    %get3A_0 = arith.constant 0 : index
    %get3A_1 = vector.load %arg1[%get3A, %get3A_0] : memref<128x256xf32, #tpu.memory_space<vmem>>, vector<128x256xf32>
    %get3A_2 = arith.constant 0 : index
    %get3A_3 = arith.constant 0 : index
    %get3A_4 = vector.load %arg2[%get3A_2, %get3A_3] : memref<2048x256xf32, #tpu.memory_space<vmem>>, vector<2048x256xf32>
    %get3A_5 = arith.constant 0 : index
    %get3A_6 = arith.constant 0 : index
    %get3A_7 = vector.load %arg3[%get3A_5, %get3A_6] : memref<2048x256xf32, #tpu.memory_space<vmem>>, vector<2048x256xf32>
    %get3A_8 = arith.constant 0 : index
    %get3A_9 = arith.constant 0 : index
    %get3A_10 = vector.load %arg4[%get3A_8, %get3A_9] : memref<2048x128xf32, #tpu.memory_space<vmem>>, vector<2048x32xf32>
    %get3A_11 = arith.constant 0 : index
    %get3A_12 = arith.constant 0 : index
    %get3A_13 = vector.load %arg5[%get3A_11, %get3A_12] : memref<128x128xf32, #tpu.memory_space<vmem>>, vector<128x32xf32>
    %get3A_14 = arith.constant 0 : index
    %get3A_15 = arith.constant 0 : index
    %get3A_16 = vector.load %arg6[%get3A_14, %get3A_15] : memref<1x32xf32, #tpu.memory_space<vmem>>, vector<1x32xf32>
    %add3A = vector.broadcast %get3A_16 : vector<1x32xf32> to vector<128x32xf32>
    %add3A_17 = arith.addf %get3A_13, %add3A : vector<128x32xf32>
    %broadcast_in_dim3A = vector.shape_cast %add3A_17 : vector<128x32xf32> to vector<128x1x32xf32>
    %broadcast_in_dim3A_18 = vector.shape_cast %broadcast_in_dim3A : vector<128x1x32xf32> to vector<128x1x32xf32>
    %broadcast_in_dim3A_19 = vector.broadcast %broadcast_in_dim3A_18 : vector<128x1x32xf32> to vector<128x16x32xf32>
    %reshape3A = vector.shape_cast %broadcast_in_dim3A_19 : vector<128x16x32xf32> to vector<2048x32xf32>
    %sub3A = arith.subf %reshape3A, %get3A_10 : vector<2048x32xf32>
    %max3A = arith.constant 0.000000e+00 : f32
    %max3A_20 = vector.broadcast %max3A : f32 to vector<2048x32xf32>
    %max3A_21 = arith.maximumf %sub3A, %max3A_20 : vector<2048x32xf32>
    %get3A_22 = arith.constant 0 : index
    %get3A_23 = arith.constant 0 : index
    %get3A_24 = vector.load %arg7[%get3A_22, %get3A_23] : memref<32x8xf32, #tpu.memory_space<vmem>>, vector<32x8xf32>
    %dot_general3A = arith.constant dense<0.000000e+00> : vector<2048x8xf32>
    %dot_general3A_25 = tpu.matmul %max3A_21, %get3A_24, %dot_general3A {dimension_numbers = #tpu.dot_dimension_numbers<[1], [0], [0], [1], [0, 0, 1, 1], [], []>, transpose_lhs_hint = false} : vector<2048x32xf32>, vector<32x8xf32>, vector<2048x8xf32> -> vector<2048x8xf32>
    %get3A_26 = arith.constant 0 : index
    %get3A_27 = arith.constant 0 : index
    %get3A_28 = vector.load %arg8[%get3A_26, %get3A_27] : memref<1x8xf32, #tpu.memory_space<vmem>>, vector<1x8xf32>
    %add3A_29 = vector.broadcast %get3A_28 : vector<1x8xf32> to vector<2048x8xf32>
    %add3A_30 = arith.addf %dot_general3A_25, %add3A_29 : vector<2048x8xf32>
    %broadcast_in_dim3A_31 = vector.shape_cast %get3A_1 : vector<128x256xf32> to vector<128x1x256xf32>
    %broadcast_in_dim3A_32 = vector.shape_cast %broadcast_in_dim3A_31 : vector<128x1x256xf32> to vector<128x1x256xf32>
    %broadcast_in_dim3A_33 = vector.broadcast %broadcast_in_dim3A_32 : vector<128x1x256xf32> to vector<128x16x256xf32>
    %reshape3A_34 = vector.shape_cast %broadcast_in_dim3A_33 : vector<128x16x256xf32> to vector<2048x256xf32>
    %mul3A = arith.mulf %reshape3A_34, %get3A_4 : vector<2048x256xf32>
    %iota3A = tpu.iota {dimensions = array<i32: 0>} : vector<256x8xi32>
    %jit3A = arith.constant 32 : i32
    %div3A = vector.broadcast %jit3A : i32 to vector<256x8xi32>
    %div3A_35 = arith.divsi %iota3A, %div3A : vector<256x8xi32>
    %sign3A = arith.constant 0 : i32
    %sign3A_36 = vector.broadcast %sign3A : i32 to vector<256x8xi32>
    %sign3A_37 = arith.cmpi sgt, %iota3A, %sign3A_36 : vector<256x8xi32>
    %sign3A_38 = arith.extui %sign3A_37 : vector<256x8xi1> to vector<256x8xi32>
    %sign3A_39 = arith.constant 0 : i32
    %sign3A_40 = vector.broadcast %sign3A_39 : i32 to vector<256x8xi32>
    %sign3A_41 = arith.cmpi slt, %iota3A, %sign3A_40 : vector<256x8xi32>
    %sign3A_42 = arith.extui %sign3A_41 : vector<256x8xi1> to vector<256x8xi32>
    %sign3A_43 = arith.subi %sign3A_38, %sign3A_42 : vector<256x8xi32>
    %sign3A_44 = arith.constant 0 : i32
    %sign3A_45 = arith.cmpi sgt, %jit3A, %sign3A_44 : i32
    %sign3A_46 = arith.extui %sign3A_45 : i1 to i32
    %sign3A_47 = arith.constant 0 : i32
    %sign3A_48 = arith.cmpi slt, %jit3A, %sign3A_47 : i32
    %sign3A_49 = arith.extui %sign3A_48 : i1 to i32
    %sign3A_50 = arith.subi %sign3A_46, %sign3A_49 : i32
    %ne3A = vector.broadcast %sign3A_50 : i32 to vector<256x8xi32>
    %ne3A_51 = arith.cmpi ne, %sign3A_43, %ne3A : vector<256x8xi32>
    %rem3A = vector.broadcast %jit3A : i32 to vector<256x8xi32>
    %rem3A_52 = arith.remsi %iota3A, %rem3A : vector<256x8xi32>
    %ne3A_53 = arith.constant 0 : i32
    %ne3A_54 = vector.broadcast %ne3A_53 : i32 to vector<256x8xi32>
    %ne3A_55 = arith.cmpi ne, %rem3A_52, %ne3A_54 : vector<256x8xi32>
    %and3A = arith.andi %ne3A_51, %ne3A_55 : vector<256x8xi1>
    %sub3A_56 = arith.constant 1 : i32
    %sub3A_57 = vector.broadcast %sub3A_56 : i32 to vector<256x8xi32>
    %sub3A_58 = arith.subi %div3A_35, %sub3A_57 : vector<256x8xi32>
    %select_n3A = arith.select %and3A, %sub3A_58, %div3A_35 : vector<256x8xi1>, vector<256x8xi32>
    %iota3A_59 = tpu.iota {dimensions = array<i32: 1>} : vector<256x8xi32>
    %eq3A = arith.cmpi eq, %select_n3A, %iota3A_59 : vector<256x8xi32>
    %jit3A_60 = arith.constant 1.000000e+00 : f32
    %jit3A_61 = arith.constant 0.000000e+00 : f32
    %broadcast_in_dim3A_62 = vector.broadcast %jit3A_60 : f32 to vector<256x8xf32>
    %broadcast_in_dim3A_63 = vector.broadcast %jit3A_61 : f32 to vector<256x8xf32>
    %select_n3A_64 = arith.select %eq3A, %broadcast_in_dim3A_62, %broadcast_in_dim3A_63 : vector<256x8xi1>, vector<256x8xf32>
    %dot_general3A_65 = arith.constant dense<0.000000e+00> : vector<2048x8xf32>
    %dot_general3A_66 = tpu.matmul %mul3A, %select_n3A_64, %dot_general3A_65 {dimension_numbers = #tpu.dot_dimension_numbers<[1], [0], [0], [1], [0, 0, 1, 1], [], []>, transpose_lhs_hint = false} : vector<2048x256xf32>, vector<256x8xf32>, vector<2048x8xf32> -> vector<2048x8xf32>
    %mul3A_67 = arith.constant 0.176776692 : f32
    %mul3A_68 = vector.broadcast %mul3A_67 : f32 to vector<2048x8xf32>
    %mul3A_69 = arith.mulf %dot_general3A_66, %mul3A_68 : vector<2048x8xf32>
    %add3A_70 = arith.addf %mul3A_69, %add3A_30 : vector<2048x8xf32>
    %reshape3A_71 = vector.shape_cast %add3A_70 : vector<2048x8xf32> to vector<128x16x8xf32>
    %reduce_max3A = arith.constant dense<0xFF800000> : vector<128x8xf32>
    %reduce_max3A_72 = vector.multi_reduction <maximumf>, %reshape3A_71, %reduce_max3A [1] : vector<128x16x8xf32> to vector<128x8xf32>
    %broadcast_in_dim3A_73 = vector.shape_cast %reduce_max3A_72 : vector<128x8xf32> to vector<128x1x8xf32>
    %sub3A_74 = vector.broadcast %broadcast_in_dim3A_73 : vector<128x1x8xf32> to vector<128x16x8xf32>
    %sub3A_75 = arith.subf %reshape3A_71, %sub3A_74 : vector<128x16x8xf32>
    %exp3A = math.exp %sub3A_75 : vector<128x16x8xf32>
    %reduce_sum3A = arith.constant dense<0.000000e+00> : vector<128x8xf32>
    %reduce_sum3A_76 = vector.multi_reduction <add>, %exp3A, %reduce_sum3A [1] : vector<128x16x8xf32> to vector<128x8xf32>
    %broadcast_in_dim3A_77 = vector.shape_cast %reduce_sum3A_76 : vector<128x8xf32> to vector<128x1x8xf32>
    %div3A_78 = vector.broadcast %broadcast_in_dim3A_77 : vector<128x1x8xf32> to vector<128x16x8xf32>
    %div3A_79 = arith.divf %exp3A, %div3A_78 : vector<128x16x8xf32>
    %reshape3A_80 = vector.shape_cast %div3A_79 : vector<128x16x8xf32> to vector<2048x8xf32>
    %transpose3A = tpu.transpose %select_n3A_64, [1, 0] : vector<256x8xf32> -> vector<8x256xf32>
    %dot_general3A_81 = arith.constant dense<0.000000e+00> : vector<2048x256xf32>
    %dot_general3A_82 = tpu.matmul %reshape3A_80, %transpose3A, %dot_general3A_81 {dimension_numbers = #tpu.dot_dimension_numbers<[1], [0], [0], [1], [0, 0, 1, 1], [], []>, transpose_lhs_hint = false} : vector<2048x8xf32>, vector<8x256xf32>, vector<2048x256xf32> -> vector<2048x256xf32>
    %mul3A_83 = arith.mulf %dot_general3A_82, %get3A_7 : vector<2048x256xf32>
    %reshape3A_84 = vector.shape_cast %mul3A_83 : vector<2048x256xf32> to vector<128x16x256xf32>
    %reduce_sum3A_85 = arith.constant dense<0.000000e+00> : vector<128x256xf32>
    %reduce_sum3A_86 = vector.multi_reduction <add>, %reshape3A_84, %reduce_sum3A_85 [1] : vector<128x16x256xf32> to vector<128x256xf32>
    %get3A_87 = arith.constant 0 : index
    %get3A_88 = arith.constant 0 : index
    %get3A_89 = vector.load %arg9[%get3A_87, %get3A_88] : memref<256x256xf32, #tpu.memory_space<vmem>>, vector<256x256xf32>
    %dot_general3A_90 = arith.constant dense<0.000000e+00> : vector<128x256xf32>
    %dot_general3A_91 = tpu.matmul %reduce_sum3A_86, %get3A_89, %dot_general3A_90 {dimension_numbers = #tpu.dot_dimension_numbers<[1], [0], [0], [1], [0, 0, 1, 1], [], []>, transpose_lhs_hint = false} : vector<128x256xf32>, vector<256x256xf32>, vector<128x256xf32> -> vector<128x256xf32>
    %get3A_92 = arith.constant 0 : index
    %get3A_93 = arith.constant 0 : index
    %get3A_94 = vector.load %arg10[%get3A_92, %get3A_93] : memref<1x256xf32, #tpu.memory_space<vmem>>, vector<1x256xf32>
    %add3A_95 = vector.broadcast %get3A_94 : vector<1x256xf32> to vector<128x256xf32>
    %add3A_96 = arith.addf %dot_general3A_91, %add3A_95 : vector<128x256xf32>
    %swap3A = arith.constant 0 : index
    %swap3A_97 = arith.constant 0 : index
    %swap3A_98 = vector.load %arg11[%swap3A, %swap3A_97] : memref<128x256xf32, #tpu.memory_space<vmem>>, vector<128x256xf32>
    tpu.vector_store %arg11[%swap3A, %swap3A_97], %add3A_96 {strides = array<i32>} : memref<128x256xf32, #tpu.memory_space<vmem>>, vector<128x256xf32>,
    return
  }
  func.func @transform_0(%arg0: i32) -> (i32, i32) {
    %add3A = arith.constant 0 : i32
    %add3A_0 = arith.addi %add3A, %arg0 : i32
    %c0_i32 = arith.constant 0 : i32
    %c0_i32_1 = arith.constant 0 : i32
    return %add3A_0, %c0_i32 : i32, i32
  }
  func.func @transform_1(%arg0: i32) -> (i32, i32) {
    %c0_i32 = arith.constant 0 : i32
    %c0_i32_0 = arith.constant 0 : i32
    return %arg0, %c0_i32 : i32, i32
  }
  func.func @transform_2(%arg0: i32) -> (i32, i32) {
    %c0_i32 = arith.constant 0 : i32
    %c0_i32_0 = arith.constant 0 : i32
    return %arg0, %c0_i32 : i32, i32
  }
  func.func @transform_3(%arg0: i32) -> (i32, i32) {
    %c0_i32 = arith.constant 0 : i32
    %c0_i32_0 = arith.constant 0 : i32
    return %arg0, %c0_i32 : i32, i32
  }
  func.func @transform_4(%arg0: i32) -> (i32, i32) {
    %add3A = arith.constant 0 : i32
    %add3A_0 = arith.addi %add3A, %arg0 : i32
    %c0_i32 = arith.constant 0 : i32
    %c0_i32_1 = arith.constant 0 : i32
    return %add3A_0, %c0_i32 : i32, i32
  }
  func.func @transform_5(%arg0: i32) -> (i32, i32) {
    %c0_i32 = arith.constant 0 : i32
    %c0_i32_0 = arith.constant 0 : i32
    %c0_i32_1 = arith.constant 0 : i32
    return %c0_i32, %c0_i32_0 : i32, i32
  }
  func.func @transform_6(%arg0: i32) -> (i32, i32) {
    %c0_i32 = arith.constant 0 : i32
    %c0_i32_0 = arith.constant 0 : i32
    %c0_i32_1 = arith.constant 0 : i32
    return %c0_i32, %c0_i32_0 : i32, i32
  }
  func.func @transform_7(%arg0: i32) -> (i32, i32) {
    %c0_i32 = arith.constant 0 : i32
    %c0_i32_0 = arith.constant 0 : i32
    %c0_i32_1 = arith.constant 0 : i32
    return %c0_i32, %c0_i32_0 : i32, i32
  }
  func.func @transform_8(%arg0: i32) -> (i32, i32) {
    %c0_i32 = arith.constant 0 : i32
    %c0_i32_0 = arith.constant 0 : i32
    %c0_i32_1 = arith.constant 0 : i32
    return %c0_i32, %c0_i32_0 : i32, i32
  }
  func.func @transform_9(%arg0: i32) -> (i32, i32) {
    %c0_i32 = arith.constant 0 : i32
    %c0_i32_0 = arith.constant 0 : i32
    %c0_i32_1 = arith.constant 0 : i32
    return %c0_i32, %c0_i32_0 : i32, i32
  }
  func.func @transform_10(%arg0: i32) -> (i32, i32) {
    %c0_i32 = arith.constant 0 : i32
    %c0_i32_0 = arith.constant 0 : i32
    return %arg0, %c0_i32 : i32, i32
  }
}

</mosaic_0001>

<sc_bundles>
// kernel: kernel.12.cloned.1.call-start
scs
__scs_entry_jumppad:
0x0: {  	(pc) =	sbr.rel $0x88, $3  }
0x1: {  	(tag) =	ssettag $0x0;
	lr =	simm.s32 $0x1  }
0x2: {  	[smem:$0x3F93] =	sst lr;
	_ =	strace $0xD0000000  }
0x3: {  	_ = 	snop  }
0x4: {  	_ = 	snop  }
0x5: {  	_ = 	snop  }
0x6: {  	_ = 	snop  }
0x7: {  	_ = 	snop  }
__scs_overlays_trampoline_lowered:
0x8: {  	[smem:$0x3FA2] =	sst s0  }
0x9: {  	[smem:$0x3FA3] =	sst s1  }
0xa: {  	[smem:$0x3FA4] =	sst s2  }
0xb: {  	[smem:$0x3FA5] =	sst s3  }
0xc: {  	[smem:$0x3FA6] =	sst s4  }
0xd: {  	[smem:$0x3FA7] =	sst s5  }
0xe: {  	[smem:$0x3FA8] =	sst s6  }
0xf: {  	[smem:$0x3FA9] =	sst s7  }
0x10: {  	[smem:$0x3FAA] =	sst s8  }
0x11: {  	[smem:$0x3FAB] =	sst s9;
	s0 =	simm.s32 @!p0 $0x0  }
0x12: {  	s1 =	sld [smem:$0x3F91];
	s0 =	simm.s32 @p0 $0x1  }
0x13: {  	[smem:$0x3FAC] =	sst s0;
	s0 =	simm.s32 @!p1 $0x0  }
0x14: {  	s2 =	sld [smem:$0x3F90];
	s0 =	simm.s32 @p1 $0x1  }
0x15: {  	[smem:$0x3FAD] =	sst s0;
	s0 =	simm.s32 @!p2 $0x0  }
0x16: {  	s3 =	sld [smem:$0x3FDB];
	s0 =	simm.s32 @p2 $0x1  }
0x17: {  	s4 =	simm.s32 $0x1BF5;
	[smem:$0x3FAF] =	sst s0  }
0x18: {  	s0 =	sld [smem:$0x3F92];
	_ =	swait.ge [sflag:s4], $0x0  }
0x19: {  	s7 =	sld [smem:$0x3F93]  }
0x1a: {  	s8 =	sadd.s32 $0xFFFFE003, lr  }
0x1b: {  	s9 =	sadd.s32 $0xFFFFFEF7, lr;
	s5 =	simm.s32 $0xFFFFFFFF;
	p2 =	slt.u32 s8, $0xFFFFF086  }
0x1c: {  	p1 =	slt.u32 s9, $0xF7A;
	s5 =	simm.s32 @!p2 $0x0  }
0x1d: {  	s5 =	simm.s32 @p1 $0x1;
	p0 =	seq.s32 s7, s2  }
0x1e: {  	s7 =	smul.u32 @!p0 $0xF7A, s2;
	p2 =	seq.s32 @!p0 s5, $0x0  }
0x1f: {  	s9 =	smul.u32 $0xF7A, s1;
	s8 =	simm.s32 @!p0 $0x1BF5;
	p2 =	por !p2, p0  }
0x20: {  	[sflag:s8] =	ssyncset.s32 @!p0 $0xFFFFF086;
	s6 =	sadd.s32 @!p0 s3, s7;
	s7 =	simm.s32 @!p0 $0x108  }
0x21: {  	s3 =	sadd.s32 s3, s9;
	s6 =	sadd.s32 @!p0 $0x88, s6;
	s7 =	simm.s32 @p2 $0x1082  }
0x22: {  	[simem:s7], [sflag:s8] =	dma.local @!p0 [hbm:s6], $0xF7A  }
0x23: {  	s9 =	sor.u32 $0xD0000000, s2;
	s6 =	simm.s32 $0x108;
	_ =	swait.ge @!p0 [sflag:s8], $0x0  }
0x24: {  	s3 =	sadd.s32 $0x88, s3;
	s6 =	simm.s32 @!p1 $0x1082;
	[sflag:s4] =	ssyncset.s32 $0xFFFFF086  }
0x25: {  	[simem:s6], [sflag:s4] =	dma.local [hbm:s3], $0xF7A  }
0x26: {  	[smem:$0x3F93] =	sst s1;
	(tag) =	ssettag s2;
	_ =	strace s9  }
0x27: {  	s1 =	sld [smem:$0x3FA3]  }
0x28: {  	s2 =	sld [smem:$0x3FA4]  }
0x29: {  	s4 =	sld [smem:$0x3FA6]  }
0x2a: {  	p0 =	seq.s32 s5, $0x0;
	s5 =	sld [smem:$0x3FA7]  }
0x2b: {  	s6 =	sld [smem:$0x3FA8]  }
0x2c: {  	s7 =	sld [smem:$0x3FA9]  }
0x2d: {  	s3 =	simm.s32 $0x108;
	s8 =	sld [smem:$0x3FAA]  }
0x2e: {  	s3 =	simm.s32 @!p0 $0x1082;
	s9 =	sld [smem:$0x3FAB]  }
0x2f: {  	lr =	sadd.s32 s0, s3;
	s0 =	sld [smem:$0x3FA2]  }
0x30: {  	s3 =	sld [smem:$0x3FA5]  }
0x31: {  	[smem:$0x3FAE] =	sst s10  }
0x32: {  	s10 =	sld [smem:$0x3FAC];
	_ =	sdelay $0x3  }
0x33: {  	p0 =	seq.s32 s10, $0x1;
	s10 =	sld [smem:$0x3FAE];
	_ =	sdelay $0x3  }
0x34: {  	[smem:$0x3FAE] =	sst s10  }
0x35: {  	s10 =	sld [smem:$0x3FAD];
	_ =	sdelay $0x3  }
0x36: {  	p1 =	seq.s32 s10, $0x1;
	s10 =	sld [smem:$0x3FAE];
	_ =	sdelay $0x3  }
0x37: {  	[smem:$0x3FAE] =	sst s10  }
0x38: {  	s10 =	sld [smem:$0x3FAF]  }
0x39: {  	_ = 	snop;
	(pc) =	sbr.ind lr, $3  }
0x3a: {  	_ = 	snop  }
0x3b: {  	_ = 	snop  }
0x3c: {  	p2 =	seq.s32 s10, $0x1;
	s10 =	sld [smem:$0x3FAE]  }
0x3d: {  	_ =	shalt  }
0x3e: {  	_ =	shalt  }
0x3f: {  	_ =	shalt  }
0x40: {  	_ =	shalt  }
0x41: {  	_ =	shalt  }
0x42: {  	_ =	shalt  }
0x43: {  	_ =	shalt  }
0x44: {  	_ =	shalt  }
0x45: {  	_ =	shalt  }
0x46: {  	_ =	shalt  }
0x47: {  	_ =	shalt  }
0x48: {  	_ =	shalt  }
0x49: {  	_ =	shalt  }
0x4a: {  	_ =	shalt  }
0x4b: {  	_ =	shalt  }
0x4c: {  	_ =	shalt  }
0x4d: {  	_ =	shalt  }
0x4e: {  	_ =	shalt  }
0x4f: {  	_ =	shalt  }
0x50: {  	_ =	shalt  }
0x51: {  	_ =	shalt  }
0x52: {  	_ =	shalt  }
0x53: {  	_ =	shalt  }
0x54: {  	_ =	shalt  }
0x55: {  	_ =	shalt  }
0x56: {  	_ =	shalt  }
0x57: {  	_ =	shalt  }
0x58: {  	_ =	shalt  }
0x59: {  	_ =	shalt  }
0x5a: {  	_ =	shalt  }
0x5b: {  	_ =	shalt  }
0x5c: {  	_ =	shalt  }
0x5d: {  	_ =	shalt  }
0x5e: {  	_ =	shalt  }
0x5f: {  	_ =	shalt  }
0x60: {  	_ =	shalt  }
0x61: {  	_ =	shalt  }
0x62: {  	_ =	shalt  }
0x63: {  	_ =	shalt  }
0x64: {  	_ =	shalt  }
0x65: {  	_ =	shalt  }
0x66: {  	_ =	shalt  }
0x67: {  	_ =	shalt  }
0x68: {  	_ =	shalt  }
0x69: {  	_ =	shalt  }
0x6a: {  	_ =	shalt  }
0x6b: {  	_ =	shalt  }
0x6c: {  	_ =	shalt  }
0x6d: {  	_ =	shalt  }
0x6e: {  	_ =	shalt  }
0x6f: {  	_ =	shalt  }
0x70: {  	_ =	shalt  }
0x71: {  	_ =	shalt  }
0x72: {  	_ =	shalt  }
0x73: {  	_ =	shalt  }
0x74: {  	_ =	shalt  }
0x75: {  	_ =	shalt  }
0x76: {  	_ =	shalt  }
0x77: {  	_ =	shalt  }
0x78: {  	_ =	shalt  }
0x79: {  	_ =	shalt  }
0x7a: {  	_ =	shalt  }
0x7b: {  	_ =	shalt  }
0x7c: {  	_ =	shalt  }
0x7d: {  	_ =	shalt  }
0x7e: {  	_ =	shalt  }
0x7f: {  	_ =	shalt  }
0x80: {  	_ =	shalt  }
0x81: {  	_ =	shalt  }
0x82: {  	_ =	shalt  }
0x83: {  	_ =	shalt  }
0x84: {  	_ =	shalt  }
0x85: {  	_ =	shalt  }
0x86: {  	_ =	shalt  }
0x87: {  	_ =	shalt  }
.Lfunc_end0:
.L_simem_size_0:
called_computation.1_lowered:
.L_overlay_start_0:
0x88: {  	s2 =	sld [smem:$0x3FD9]  }
0x89: {  	s3 =	sld [smem:$0x3FFE];
	_ =	sdelay $0x1  }
0x8a: {  	s1 =	srdreg.scid  }
0x8b: {  	s0 =	sand.u32 $0x1, s1  }
0x8c: {  	s17 =	sshll.u32 s0, $0xA;
	s2 =	sadd.s32 s3, s2  }
0x8d: {  	s2 =	sadd.s32 s2, s17  }
0x8e: {  	[smem:$0x3FBA] =	sst s2  }
0x8f: {  	_ = 	snop  }
0x90: {  	s2 =	sld [smem:$0x3FD0];
	(tm) =	ssettm $0x1  }
0x91: {  	s18 =	sld [smem:$0x3FFB];
	_ =	sdelay $0x3  }
0x92: {  	_ =	strace s18  }
0x93: {  	s3 =	sld [smem:$0x3FFC];
	_ =	sdelay $0x3  }
0x94: {  	_ =	strace s3  }
0x95: {  	s3 =	sld [smem:$0x3FFD];
	_ =	sdelay $0x3  }
0x96: {  	_ =	strace s3  }
0x97: {  	_ =	strace $0x8FFFFFFF  }
0x98: {  	s19 =	sld [smem:$0x3FDB];
	_ =	sdelay $0x1  }
0x99: {  	s4 =	simm.s32 $_scs_section_size  }
0x9a: {  	s5 =	simm.s32 $_size__tile_overlayer_lowered;
	s6 =	simm.s32 $_tile_overlayer_lowered  }
0x9b: {  	s22 =	simm.s32 $0x1BFF;
	s21 =	sshll.u32 s6, $0x1;
	s3 =	sadd.s32 s4, s19  }
0x9c: {  	s7 =	simm.s32 $0x0;
	s20 =	sshll.u32 s5, $0x1;
	s5 =	sadd.s32 s21, s3  }
0x9d: {  	[timem:s7], [sflag:s22] =	dma.local [hbm:s5], s20  }
0x9e: {  	_ =	swait.ge [sflag:s22], s20  }
0x9f: {  	s4 =	ssub.s32 $0x0, s20;
	[sflag:s22] =	ssyncset.done $0x0  }
0xa0: {  	[sflag:s22] =	ssyncadd.s32 s4;
	_ =	sdelay $0x1  }
0xa1: {  	s23 =	simm.s32 $0x1B8B  }
0xa2: {  	_ =	swait.ge [sflag:s23], $0x1  }
0xa3: {  	[sflag:s23] =	ssyncset.done $0x0  }
0xa4: {  	s25 =	simm.s32 $0x1B8E;
	s24 =	sld [smem:$0x3FFE];
	[sflag:s23] =	ssyncadd.s32 $0xFFFFFFFF  }
0xa5: {  	s26 =	simm.s32 $execute0_lowered;
	[smem:$0x3FD2] =	sst s25  }
0xa6: {  	s5 =	sshll.u32 s26, $0x1;
	_ =	strace $0x80000046;
	[dreg:$0x1] =	wrdreg $0xFFFFFFFF  }
0xa7: {  	s28 =	simm.s32 $_size_execute0_lowered;
	s3 =	sadd.s32 s3, s5;
	[dreg:$0x0] =	wrdreg $0x0  }
0xa8: {  	s5 =	sshll.u32 s28, $0x1;
	[dreg:$0x2] =	wrdreg s3  }
0xa9: {  	[dreg:$0x3] =	wrdreg s5  }
0xaa: {  	[dreg:$0x4] =	wrdreg $0xC0  }
0xab: {  	_ =	task [dreg:s7], $0x5FFFF  }
0xac: {  	[dreg:$0x1] =	wrdreg $0xFFFFFFFF  }
0xad: {  	[dreg:$0x0] =	wrdreg $0x60  }
0xae: {  	[dreg:$0x2] =	wrdreg s2  }
0xaf: {  	[dreg:$0x3] =	wrdreg s24  }
0xb0: {  	[dreg:$0x4] =	wrdreg $0xA  }
0xb1: {  	_ =	task.clear_ibuf [dreg:s7], $0x5FFFF;
	_ =	strace $0x90000046  }
0xb2: {  	s29 =	simm.s32 $0xA;
	_ =	strace $0x8000005D  }
0xb3: {  	_ =	swait.ge [sflag:s29], $0x1  }
0xb4: {  	[sflag:s29] =	ssyncadd.s32 $0xFFFFFFFF  }
0xb5: {  	_ =	strace $0x9000005D  }
0xb6: {  	_ =	sfence  }
0xb7: {  	s30 =	sld [smem:$0x0];
	_ =	sdelay $0x2  }
0xb8: {  	s31 =	sshll.u32 s1, $0xD;
	s1 =	sshrl.u32 s1, $0x2  }
0xb9: {  	s3 =	sand.u32 $0x4000, s31;
	s1 =	sadd.s32 s1, s30  }
0xba: {  	s0 =	sor.u32 s3, s0;
	s1 =	sshll.u32 s1, $0x11  }
0xbb: {  	s0 =	sor.u32 s1, s0  }
0xbc: {  	s0 =	sadd.s32 $0x8F2B, s0  }
0xbd: {  	[sflag:s0] =	ssyncadd.remote.s32 $0x1  }
0xbe: {  	_ =	sfence.sel $0xFFFF  }
0xbf: {  	[dreg:$0x0] =	wrdreg $0xFFFFFFFF;
	(pc) =	sbr.abs _section_cstart, $3  }
0xc0: {  	[dreg:$0x1] =	wrdreg $0xFFFFFFFF  }
0xc1: {  	_ =	task.clear_ibuf [dreg:s7], $0x2FFFF;
	_ =	strace $0x9FFFFFFF  }
0xc2: {  	(tm) =	ssettm $0x7FFFFFFF  }
0xc3: {  	_ =	shalt  }
tec
execute0_lowered:
.L_overlay_start_1:
0x0: {  	(tag) =	ssettag $0x1  }
0x1: {  	s1 =	rddreg [dreg:$0x0]  }
0x2: {  	s7 =	rddreg [dreg:$0x1];
	s2 =	simm.s32 $0x0  }
0x3: {  	s8 =	srdreg.scid;
	s0 =	stileid.u32;
	s13 =	simm.s32 $0x5  }
0x4: {  	s14 =	simm.s32 $0x4;
	s15 =	simm.s32 $0x80;
	s16 =	simm.s32 $0x100  }
0x5: {  	s17 =	simm.s32 $0x0;
	[smem:$0x7FF] =	sst s2;
	s3 =	sadd.s32 $0x4E00, s7  }
0x6: {  	s4 =	sadd.s32 $0x44E00, s7;
	s5 =	sadd.s32 $0x64E00, s7;
	s6 =	sadd.s32 $0x2E00, s7  }
0x7: {  	s8 =	sand.u32 $0x1, s8;
	s9 =	sadd.s32 $0x264E00, s7;
	s7 =	sadd.s32 $0x464E00, s7  }
0x8: {  	_ =	strace $0x80000047;
	s10 =	sshll.u32 s8, $0x4;
	s8 =	ssub.s32 $0x2, s8  }
0x9: {  	[dreg:$0x3] =	wrdreg s5;
	s12 =	sor.u32 s0, s10;
	s31 =	sshrl.u32 s8, $0x1  }
0xa: {  	v2 =	vlaneseq.u32;
	[dreg:$0x4] =	wrdreg s9;
	s10 =	sshll.u32 s12, $0x8;
	s11 =	ssub.s32 s8, s31  }
0xb: {  	vm0 =	vmmov $0xffff;
	v1 =	vshrl.u32 v2, $0x3;
	s8 =	sshll.u32 s12, $0x4;
	s12 =	sshll.u32 s12, $0xF;
	s9 =	sadd.s32 s6, s10  }
0xc: {  	v0 =	vand.u32 $0x7, v2;
	v2 =	vor.u32 $0x8, v2;
	v1 =	vmul.u32 $0x8, v1;
	s10 =	smax.u32 s11, $0x1;
	s12 =	sadd.s32 s7, s12;
	s11 =	sadd.s32 $0x10, s9  }
.LBB2_1:
0xd: {  	_ =	strace $0x80000048;
	s18 =	simm.s32 $0x10  }
0xe: {  	s19 =	simm.s32 $0x0;
	s20 =	simm.s32 $0x0;
	s21 =	simm.s32 $0x0  }
0xf: {  	[tilespmem:s2], [sflag:$0x1] =	stream.linear.gather [hbm4b:s9+s2], $0x80, $0x200038;
	[tilespmem:$0x10100] =	vst v63  }
0x10: {  	s22 =	simm.s32 $0x0;
	s23 =	simm.s32 $0x1;
	_ =	strace $0x90000048  }
.LBB2_2:
0x11: {  	s24 =	smov.u32 s19;
	s19 =	sadd.s32 $0x1, s19  }
0x12: {  	p0 =	seq.s32 s19, $0x10  }
0x13: {  	s19 =	simm.s32 @p0 $0x0  }
0x14: {  	p6 =	sne.s32 s18, $0x1;
	p1 =	sne.s32 s24, s19  }
0x15: {  	p0 =	por !p6, !p1  }
0x16: {  	p0 =	por !p0, !p0  }
0x17: {  	s25 =	sadd.s32 @p0 s8, s19  }
0x18: {  	s26 =	sand.u32 @p0 $0x1, s23;
	s25 =	sshll.u32 @p0 s25, $0x4  }
0x19: {  	_ =	strace @p0 $0x80000049;
	s29 =	simm.s32 @p0 $0x0;
	s25 =	sand.u32 @p0 $0x1FFFFFF0, s25  }
0x1a: {  	s28 =	sshll.u32 @p0 s26, $0x7;
	s26 =	sadd.s32 @p0 $0x1, s26;
	s25 =	sadd.s32 @p0 s6, s25  }
0x1b: {  	[tilespmem:s28], [sflag:s26] =	stream.linear.gather @p0 [hbm4b:s25+s29], $0x80, $0x200038;
	[tilespmem:$0x10100] =	vst v63  }
0x1c: {  	s29 =	sand.u32 $0x1, s22;
	_ =	strace @p0 $0x90000049  }
0x1d: {  	s25 =	sadd.s32 $0x1, s29;
	_ =	strace $0x8000004A  }
0x1e: {  	_ =	swait.ge [sflag:s25], $0x80  }
0x1f: {  	[sflag:s25] =	ssyncset.done $0x0  }
0x20: {  	[sflag:s25] =	ssyncadd.s32 $0xFFFFFF80  }
0x21: {  	s30 =	sshll.u32 s22, $0x7;
	_ =	strace $0x9000004A  }
0x22: {  	s29 =	sand.u32 $0x80, s30;
	_ =	strace $0x8000004B  }
0x23: {  	v3 =	vld [tilespmem:s29+$0x0];
	_ =	sdelay $0x4  }
0x24: {  	v4 =	vshll.u32 v3, $0x1  }
0x25: {  	v3 =	vand.u32 $0x7, v3;
	v4 =	vand.u32 $0xFFFFFFF0, v4  }
0x26: {  	v3 =	vor.u32 v3, v4  }
0x27: {  	v4 =	vperm.xlane v3, v0;
	_ =	sdelay $0x1  }
0x28: {  	v3 =	vperm.xlane v3, v2;
	v4 =	vadd.s32 v1, v4;
	_ =	sdelay $0x1  }
0x29: {  	s25 =	sand.u32 $0x1, s21;
	v3 =	vadd.s32 v1, v3  }
0x2a: {  	s28 =	sshll.u32 s25, $0xF  }
0x2b: {  	s26 =	sor.u32 $0x100, s28  }
0x2c: {  	[tilespmem:s26], [sflag:$0x5] =	stream.indirect_vreg.gather [hbm4b:s1+s2], $0x80, v4, vm0, $0x2000b8;
	[tilespmem:$0x10100] =	vst v63  }
0x2d: {  	s30 =	sor.u32 $0x900, s28  }
0x2e: {  	[tilespmem:s30], [sflag:$0x5] =	stream.indirect_vreg.gather [hbm4b:s1+s2], $0x80, v3, vm0, $0x2000b8;
	[tilespmem:$0x10100] =	vst v63  }
0x2f: {  	v3 =	vld [tilespmem:s29+$0x10];
	_ =	sdelay $0x4  }
0x30: {  	v57 =	vshll.u32 v3, $0x1  }
0x31: {  	v3 =	vand.u32 $0x7, v3;
	v4 =	vand.u32 $0xFFFFFFF0, v57  }
0x32: {  	v3 =	vor.u32 v3, v4  }
0x33: {  	v4 =	vperm.xlane v3, v0;
	_ =	sdelay $0x1  }
0x34: {  	v3 =	vperm.xlane v3, v2;
	v4 =	vadd.s32 v1, v4;
	_ =	sdelay $0x1  }
0x35: {  	v3 =	vadd.s32 v1, v3;
	_ =	sdelay $0x1  }
0x36: {  	s31 =	sor.u32 $0x1100, s28  }
0x37: {  	[tilespmem:s31], [sflag:$0x5] =	stream.indirect_vreg.gather [hbm4b:s1+s2], $0x80, v4, vm0, $0x2000b8;
	[tilespmem:$0x10100] =	vst v63  }
0x38: {  	s0 =	sor.u32 $0x1900, s28  }
0x39: {  	[tilespmem:s0], [sflag:$0x5] =	stream.indirect_vreg.gather [hbm4b:s1+s2], $0x80, v3, vm0, $0x2000b8;
	[tilespmem:$0x10100] =	vst v63  }
0x3a: {  	v3 =	vld [tilespmem:s29+$0x20];
	_ =	sdelay $0x4  }
0x3b: {  	v58 =	vshll.u32 v3, $0x1  }
0x3c: {  	v3 =	vand.u32 $0x7, v3;
	v4 =	vand.u32 $0xFFFFFFF0, v58  }
0x3d: {  	v3 =	vor.u32 v3, v4  }
0x3e: {  	v4 =	vperm.xlane v3, v0;
	_ =	sdelay $0x1  }
0x3f: {  	v3 =	vperm.xlane v3, v2;
	v4 =	vadd.s32 v1, v4;
	_ =	sdelay $0x1  }
0x40: {  	v3 =	vadd.s32 v1, v3;
	_ =	sdelay $0x1  }
0x41: {  	s5 =	sor.u32 $0x2100, s28  }
0x42: {  	[tilespmem:s5], [sflag:$0x5] =	stream.indirect_vreg.gather [hbm4b:s1+s2], $0x80, v4, vm0, $0x2000b8;
	[tilespmem:$0x10100] =	vst v63  }
0x43: {  	s31 =	sor.u32 $0x2900, s28  }
0x44: {  	[tilespmem:s31], [sflag:$0x5] =	stream.indirect_vreg.gather [hbm4b:s1+s2], $0x80, v3, vm0, $0x2000b8;
	[tilespmem:$0x10100] =	vst v63  }
0x45: {  	v3 =	vld [tilespmem:s29+$0x30];
	_ =	sdelay $0x4  }
0x46: {  	v59 =	vshll.u32 v3, $0x1  }
0x47: {  	v3 =	vand.u32 $0x7, v3;
	v4 =	vand.u32 $0xFFFFFFF0, v59  }
0x48: {  	v3 =	vor.u32 v3, v4  }
0x49: {  	v4 =	vperm.xlane v3, v0;
	_ =	sdelay $0x1  }
0x4a: {  	v3 =	vperm.xlane v3, v2;
	v4 =	vadd.s32 v1, v4;
	_ =	sdelay $0x1  }
0x4b: {  	v3 =	vadd.s32 v1, v3;
	_ =	sdelay $0x1  }
0x4c: {  	s0 =	sor.u32 $0x3100, s28  }
0x4d: {  	[tilespmem:s0], [sflag:$0x5] =	stream.indirect_vreg.gather [hbm4b:s1+s2], $0x80, v4, vm0, $0x2000b8;
	[tilespmem:$0x10100] =	vst v63  }
0x4e: {  	s5 =	sor.u32 $0x3900, s28  }
0x4f: {  	[tilespmem:s5], [sflag:$0x5] =	stream.indirect_vreg.gather [hbm4b:s1+s2], $0x80, v3, vm0, $0x2000b8;
	[tilespmem:$0x10100] =	vst v63  }
0x50: {  	v3 =	vld [tilespmem:s29+$0x40];
	_ =	sdelay $0x4  }
0x51: {  	v60 =	vshll.u32 v3, $0x1  }
0x52: {  	v3 =	vand.u32 $0x7, v3;
	v4 =	vand.u32 $0xFFFFFFF0, v60  }
0x53: {  	v3 =	vor.u32 v3, v4  }
0x54: {  	v4 =	vperm.xlane v3, v0;
	_ =	sdelay $0x1  }
0x55: {  	v3 =	vperm.xlane v3, v2;
	v4 =	vadd.s32 v1, v4;
	_ =	sdelay $0x1  }
0x56: {  	v3 =	vadd.s32 v1, v3;
	_ =	sdelay $0x1  }
0x57: {  	s31 =	sor.u32 $0x4100, s28  }
0x58: {  	[tilespmem:s31], [sflag:$0x5] =	stream.indirect_vreg.gather [hbm4b:s1+s2], $0x80, v4, vm0, $0x2000b8;
	[tilespmem:$0x10100] =	vst v63  }
0x59: {  	s0 =	sor.u32 $0x4900, s28  }
0x5a: {  	[tilespmem:s0], [sflag:$0x5] =	stream.indirect_vreg.gather [hbm4b:s1+s2], $0x80, v3, vm0, $0x2000b8;
	[tilespmem:$0x10100] =	vst v63  }
0x5b: {  	v3 =	vld [tilespmem:s29+$0x50];
	_ =	sdelay $0x4  }
0x5c: {  	v61 =	vshll.u32 v3, $0x1  }
0x5d: {  	v3 =	vand.u32 $0x7, v3;
	v4 =	vand.u32 $0xFFFFFFF0, v61  }
0x5e: {  	v3 =	vor.u32 v3, v4  }
0x5f: {  	v4 =	vperm.xlane v3, v0;
	_ =	sdelay $0x1  }
0x60: {  	v3 =	vperm.xlane v3, v2;
	v4 =	vadd.s32 v1, v4;
	_ =	sdelay $0x1  }
0x61: {  	v3 =	vadd.s32 v1, v3;
	_ =	sdelay $0x1  }
0x62: {  	s5 =	sor.u32 $0x5100, s28  }
0x63: {  	[tilespmem:s5], [sflag:$0x5] =	stream.indirect_vreg.gather [hbm4b:s1+s2], $0x80, v4, vm0, $0x2000b8;
	[tilespmem:$0x10100] =	vst v63  }
0x64: {  	s31 =	sor.u32 $0x5900, s28  }
0x65: {  	[tilespmem:s31], [sflag:$0x5] =	stream.indirect_vreg.gather [hbm4b:s1+s2], $0x80, v3, vm0, $0x2000b8;
	[tilespmem:$0x10100] =	vst v63  }
0x66: {  	v3 =	vld [tilespmem:s29+$0x60];
	_ =	sdelay $0x4  }
0x67: {  	v62 =	vshll.u32 v3, $0x1  }
0x68: {  	v3 =	vand.u32 $0x7, v3;
	v4 =	vand.u32 $0xFFFFFFF0, v62  }
0x69: {  	v3 =	vor.u32 v3, v4  }
0x6a: {  	v4 =	vperm.xlane v3, v0;
	_ =	sdelay $0x1  }
0x6b: {  	v3 =	vperm.xlane v3, v2;
	v4 =	vadd.s32 v1, v4;
	_ =	sdelay $0x1  }
0x6c: {  	v3 =	vadd.s32 v1, v3;
	_ =	sdelay $0x1  }
0x6d: {  	s0 =	sor.u32 $0x6100, s28  }
0x6e: {  	[tilespmem:s0], [sflag:$0x5] =	stream.indirect_vreg.gather [hbm4b:s1+s2], $0x80, v4, vm0, $0x2000b8;
	[tilespmem:$0x10100] =	vst v63  }
0x6f: {  	s5 =	sor.u32 $0x6900, s28  }
0x70: {  	[tilespmem:s5], [sflag:$0x5] =	stream.indirect_vreg.gather [hbm4b:s1+s2], $0x80, v3, vm0, $0x2000b8;
	[tilespmem:$0x10100] =	vst v63  }
0x71: {  	v3 =	vld [tilespmem:s29+$0x70];
	_ =	sdelay $0x4  }
0x72: {  	v63 =	vshll.u32 v3, $0x1  }
0x73: {  	v3 =	vand.u32 $0x7, v3;
	v4 =	vand.u32 $0xFFFFFFF0, v63  }
0x74: {  	v3 =	vor.u32 v3, v4  }
0x75: {  	v4 =	vperm.xlane v3, v0;
	_ =	sdelay $0x1  }
0x76: {  	v3 =	vperm.xlane v3, v2;
	v4 =	vadd.s32 v1, v4;
	_ =	sdelay $0x1  }
0x77: {  	v3 =	vadd.s32 v1, v3;
	_ =	sdelay $0x1  }
0x78: {  	s31 =	sor.u32 $0x7100, s28  }
0x79: {  	[tilespmem:s31], [sflag:$0x5] =	stream.indirect_vreg.gather [hbm4b:s1+s2], $0x80, v4, vm0, $0x2000b8;
	[tilespmem:$0x10100] =	vst v63  }
0x7a: {  	s28 =	sor.u32 $0x7900, s28  }
0x7b: {  	[tilespmem:s28], [sflag:$0x5] =	stream.indirect_vreg.gather [hbm4b:s1+s2], $0x80, v3, vm0, $0x2000b8;
	[tilespmem:$0x10100] =	vst v63  }
0x7c: {  	_ =	swait.ge [sflag:s13], $0x8000  }
0x7d: {  	p2 =	seq.s32 s18, $0x1;
	[sflag:s13] =	ssyncset.done $0x0  }
0x7e: {  	s24 =	sadd.s32 s8, s24;
	p1 =	por p2, p1;
	[sflag:s13] =	ssyncadd.s32 $0xFFFF8000  }
0x7f: {  	s24 =	sshll.u32 @p1 s24, $0xC;
	_ =	strace $0x9000004B  }
0x80: {  	s24 =	sand.u32 @p1 $0x1FFFF000, s24;
	s29 =	simm.s32 $0x1;
	_ =	strace @p1 $0x8000004C  }
0x81: {  	s25 =	sadd.s32 @p1 $0x3, s25;
	s29 =	simm.s32 @!p0 $0x0;
	s28 =	rddreg [dreg:$0x3]  }
0x82: {  	p0 =	seq.s32 s18, $0x10;
	s24 =	sadd.s32 @p1 s28, s24;
	s28 =	simm.s32 @p1 $0x0  }
0x83: {  	[hbm4b:s24+s28] =	stream.linear.scatter @p1 [tilespmem:s26], [sflag:s25], $0x8000, $0x200038;
	[tilespmem:$0x10100] =	vst v63  }
0x84: {  	s24 =	simm.s32 $0x1;
	s26 =	simm.s32 $0x1;
	_ =	strace @p1 $0x9000004C  }
0x85: {  	s24 =	simm.s32 @!p1 $0x0;
	p1 =	sne.s32 s18, $0x10;
	s18 =	sadd.s32 $0xFFFFFFFF, s18  }
0x86: {  	s25 =	sand.u32 @!p0 $0x1, s20;
	s26 =	simm.s32 @!p1 $0x0;
	p1 =	sne.s32 s18, $0x0  }
.Ltmp0:
0x87: {  	s25 =	sadd.s32 @!p0 $0x3, s25;
	_ =	strace @!p0 $0x8000004D;
	(pc) =	sbr.rel @p1 .LBB2_2-.Ltmp0, $4  }
0x88: {  	_ =	swait.ge @!p0 [sflag:s25], $0x8000  }
0x89: {  	[sflag:s25] =	ssyncset.done @!p0 $0x0  }
0x8a: {  	s23 =	sadd.s32 s29, s23;
	s21 =	sadd.s32 s24, s21;
	[sflag:s25] =	ssyncadd.s32 @!p0 $0xFFFF8000  }
0x8b: {  	s22 =	sadd.s32 s24, s22;
	s20 =	sadd.s32 s26, s20;
	_ =	strace @!p0 $0x9000004D  }
0x8c: {  	_ =	strace $0x8000004E  }
0x8d: {  	_ =	swait.ge [sflag:s14], $0x8000  }
0x8e: {  	[sflag:s14] =	ssyncset.done $0x0  }
0x8f: {  	[sflag:s14] =	ssyncadd.s32 $0xFFFF8000  }
0x90: {  	s18 =	simm.s32 $0x0;
	s19 =	simm.s32 $0x1;
	_ =	strace $0x9000004E  }
0x91: {  	s20 =	simm.s32 $0x10;
	s21 =	simm.s32 $0x0;
	_ =	strace $0x8000004F  }
0x92: {  	[tilespmem:s18], [sflag:$0x1] =	stream.linear.gather [hbm4b:s9+s18], $0x80, $0x200038;
	[tilespmem:$0x10100] =	vst v63  }
0x93: {  	s22 =	simm.s32 $0x0;
	s23 =	simm.s32 $0x0;
	_ =	strace $0x9000004F  }
.LBB2_4:
0x94: {  	s24 =	smov.u32 s18;
	s18 =	sadd.s32 $0x1, s18  }
0x95: {  	p0 =	seq.s32 s18, $0x10  }
0x96: {  	s18 =	simm.s32 @p0 $0x0  }
0x97: {  	p6 =	sne.s32 s20, $0x1;
	p1 =	sne.s32 s24, s18  }
0x98: {  	p0 =	por !p6, !p1  }
0x99: {  	p0 =	por !p0, !p0  }
0x9a: {  	s25 =	sadd.s32 @p0 s8, s18  }
0x9b: {  	s26 =	sand.u32 @p0 $0x1, s19;
	s25 =	sshll.u32 @p0 s25, $0x4  }
0x9c: {  	_ =	strace @p0 $0x80000050;
	s29 =	simm.s32 @p0 $0x0;
	s25 =	sand.u32 @p0 $0x1FFFFFF0, s25  }
0x9d: {  	s28 =	sshll.u32 @p0 s26, $0x7;
	s26 =	sadd.s32 @p0 $0x1, s26;
	s25 =	sadd.s32 @p0 s6, s25  }
0x9e: {  	[tilespmem:s28], [sflag:s26] =	stream.linear.gather @p0 [hbm4b:s25+s29], $0x80, $0x200038;
	[tilespmem:$0x10100] =	vst v63  }
0x9f: {  	s29 =	sand.u32 $0x1, s23;
	_ =	strace @p0 $0x90000050  }
0xa0: {  	s25 =	sadd.s32 $0x1, s29;
	_ =	strace $0x80000051  }
0xa1: {  	_ =	swait.ge [sflag:s25], $0x80  }
0xa2: {  	[sflag:s25] =	ssyncset.done $0x0  }
0xa3: {  	[sflag:s25] =	ssyncadd.s32 $0xFFFFFF80  }
0xa4: {  	s30 =	sshll.u32 s23, $0x7;
	_ =	strace $0x90000051  }
0xa5: {  	s29 =	sand.u32 $0x80, s30;
	_ =	strace $0x80000052  }
0xa6: {  	v3 =	vld [tilespmem:s29+$0x0];
	_ =	sdelay $0x4  }
0xa7: {  	v4 =	vshll.u32 v3, $0x1  }
0xa8: {  	v3 =	vand.u32 $0x7, v3;
	v4 =	vand.u32 $0xFFFFFFF0, v4  }
0xa9: {  	v3 =	vor.u32 v3, v4  }
0xaa: {  	v4 =	vperm.xlane v3, v0;
	_ =	sdelay $0x1  }
0xab: {  	v3 =	vperm.xlane v3, v2;
	v4 =	vadd.s32 v1, v4;
	_ =	sdelay $0x1  }
0xac: {  	s25 =	sand.u32 $0x1, s22;
	v3 =	vadd.s32 v1, v3  }
0xad: {  	s28 =	sshll.u32 s25, $0xF  }
0xae: {  	s26 =	sor.u32 $0x100, s28  }
0xaf: {  	[tilespmem:s26], [sflag:$0x5] =	stream.indirect_vreg.gather [hbm4b:s3+s2], $0x80, v4, vm0, $0x2000b8;
	[tilespmem:$0x10100] =	vst v63  }
0xb0: {  	s30 =	sor.u32 $0x900, s28  }
0xb1: {  	[tilespmem:s30], [sflag:$0x5] =	stream.indirect_vreg.gather [hbm4b:s3+s2], $0x80, v3, vm0, $0x2000b8;
	[tilespmem:$0x10100] =	vst v63  }
0xb2: {  	v3 =	vld [tilespmem:s29+$0x10];
	_ =	sdelay $0x4  }
0xb3: {  	v57 =	vshll.u32 v3, $0x1  }
0xb4: {  	v3 =	vand.u32 $0x7, v3;
	v4 =	vand.u32 $0xFFFFFFF0, v57  }
0xb5: {  	v3 =	vor.u32 v3, v4  }
0xb6: {  	v4 =	vperm.xlane v3, v0;
	_ =	sdelay $0x1  }
0xb7: {  	v3 =	vperm.xlane v3, v2;
	v4 =	vadd.s32 v1, v4;
	_ =	sdelay $0x1  }
0xb8: {  	v3 =	vadd.s32 v1, v3;
	_ =	sdelay $0x1  }
0xb9: {  	s31 =	sor.u32 $0x1100, s28  }
0xba: {  	[tilespmem:s31], [sflag:$0x5] =	stream.indirect_vreg.gather [hbm4b:s3+s2], $0x80, v4, vm0, $0x2000b8;
	[tilespmem:$0x10100] =	vst v63  }
0xbb: {  	s0 =	sor.u32 $0x1900, s28  }
0xbc: {  	[tilespmem:s0], [sflag:$0x5] =	stream.indirect_vreg.gather [hbm4b:s3+s2], $0x80, v3, vm0, $0x2000b8;
	[tilespmem:$0x10100] =	vst v63  }
0xbd: {  	v3 =	vld [tilespmem:s29+$0x20];
	_ =	sdelay $0x4  }
0xbe: {  	v58 =	vshll.u32 v3, $0x1  }
0xbf: {  	v3 =	vand.u32 $0x7, v3;
	v4 =	vand.u32 $0xFFFFFFF0, v58  }
0xc0: {  	v3 =	vor.u32 v3, v4  }
0xc1: {  	v4 =	vperm.xlane v3, v0;
	_ =	sdelay $0x1  }
0xc2: {  	v3 =	vperm.xlane v3, v2;
	v4 =	vadd.s32 v1, v4;
	_ =	sdelay $0x1  }
0xc3: {  	v3 =	vadd.s32 v1, v3;
	_ =	sdelay $0x1  }
0xc4: {  	s5 =	sor.u32 $0x2100, s28  }
0xc5: {  	[tilespmem:s5], [sflag:$0x5] =	stream.indirect_vreg.gather [hbm4b:s3+s2], $0x80, v4, vm0, $0x2000b8;
	[tilespmem:$0x10100] =	vst v63  }
0xc6: {  	s31 =	sor.u32 $0x2900, s28  }
0xc7: {  	[tilespmem:s31], [sflag:$0x5] =	stream.indirect_vreg.gather [hbm4b:s3+s2], $0x80, v3, vm0, $0x2000b8;
	[tilespmem:$0x10100] =	vst v63  }
0xc8: {  	v3 =	vld [tilespmem:s29+$0x30];
	_ =	sdelay $0x4  }
0xc9: {  	v59 =	vshll.u32 v3, $0x1  }
0xca: {  	v3 =	vand.u32 $0x7, v3;
	v4 =	vand.u32 $0xFFFFFFF0, v59  }
0xcb: {  	v3 =	vor.u32 v3, v4  }
0xcc: {  	v4 =	vperm.xlane v3, v0;
	_ =	sdelay $0x1  }
0xcd: {  	v3 =	vperm.xlane v3, v2;
	v4 =	vadd.s32 v1, v4;
	_ =	sdelay $0x1  }
0xce: {  	v3 =	vadd.s32 v1, v3;
	_ =	sdelay $0x1  }
0xcf: {  	s0 =	sor.u32 $0x3100, s28  }
0xd0: {  	[tilespmem:s0], [sflag:$0x5] =	stream.indirect_vreg.gather [hbm4b:s3+s2], $0x80, v4, vm0, $0x2000b8;
	[tilespmem:$0x10100] =	vst v63  }
0xd1: {  	s5 =	sor.u32 $0x3900, s28  }
0xd2: {  	[tilespmem:s5], [sflag:$0x5] =	stream.indirect_vreg.gather [hbm4b:s3+s2], $0x80, v3, vm0, $0x2000b8;
	[tilespmem:$0x10100] =	vst v63  }
0xd3: {  	v3 =	vld [tilespmem:s29+$0x40];
	_ =	sdelay $0x4  }
0xd4: {  	v60 =	vshll.u32 v3, $0x1  }
0xd5: {  	v3 =	vand.u32 $0x7, v3;
	v4 =	vand.u32 $0xFFFFFFF0, v60  }
0xd6: {  	v3 =	vor.u32 v3, v4  }
0xd7: {  	v4 =	vperm.xlane v3, v0;
	_ =	sdelay $0x1  }
0xd8: {  	v3 =	vperm.xlane v3, v2;
	v4 =	vadd.s32 v1, v4;
	_ =	sdelay $0x1  }
0xd9: {  	v3 =	vadd.s32 v1, v3;
	_ =	sdelay $0x1  }
0xda: {  	s31 =	sor.u32 $0x4100, s28  }
0xdb: {  	[tilespmem:s31], [sflag:$0x5] =	stream.indirect_vreg.gather [hbm4b:s3+s2], $0x80, v4, vm0, $0x2000b8;
	[tilespmem:$0x10100] =	vst v63  }
0xdc: {  	s0 =	sor.u32 $0x4900, s28  }
0xdd: {  	[tilespmem:s0], [sflag:$0x5] =	stream.indirect_vreg.gather [hbm4b:s3+s2], $0x80, v3, vm0, $0x2000b8;
	[tilespmem:$0x10100] =	vst v63  }
0xde: {  	v3 =	vld [tilespmem:s29+$0x50];
	_ =	sdelay $0x4  }
0xdf: {  	v61 =	vshll.u32 v3, $0x1  }
0xe0: {  	v3 =	vand.u32 $0x7, v3;
	v4 =	vand.u32 $0xFFFFFFF0, v61  }
0xe1: {  	v3 =	vor.u32 v3, v4  }
0xe2: {  	v4 =	vperm.xlane v3, v0;
	_ =	sdelay $0x1  }
0xe3: {  	v3 =	vperm.xlane v3, v2;
	v4 =	vadd.s32 v1, v4;
	_ =	sdelay $0x1  }
0xe4: {  	v3 =	vadd.s32 v1, v3;
	_ =	sdelay $0x1  }
0xe5: {  	s5 =	sor.u32 $0x5100, s28  }
0xe6: {  	[tilespmem:s5], [sflag:$0x5] =	stream.indirect_vreg.gather [hbm4b:s3+s2], $0x80, v4, vm0, $0x2000b8;
	[tilespmem:$0x10100] =	vst v63  }
0xe7: {  	s31 =	sor.u32 $0x5900, s28  }
0xe8: {  	[tilespmem:s31], [sflag:$0x5] =	stream.indirect_vreg.gather [hbm4b:s3+s2], $0x80, v3, vm0, $0x2000b8;
	[tilespmem:$0x10100] =	vst v63  }
0xe9: {  	v3 =	vld [tilespmem:s29+$0x60];
	_ =	sdelay $0x4  }
0xea: {  	v62 =	vshll.u32 v3, $0x1  }
0xeb: {  	v3 =	vand.u32 $0x7, v3;
	v4 =	vand.u32 $0xFFFFFFF0, v62  }
0xec: {  	v3 =	vor.u32 v3, v4  }
0xed: {  	v4 =	vperm.xlane v3, v0;
	_ =	sdelay $0x1  }
0xee: {  	v3 =	vperm.xlane v3, v2;
	v4 =	vadd.s32 v1, v4;
	_ =	sdelay $0x1  }
0xef: {  	v3 =	vadd.s32 v1, v3;
	_ =	sdelay $0x1  }
0xf0: {  	s0 =	sor.u32 $0x6100, s28  }
0xf1: {  	[tilespmem:s0], [sflag:$0x5] =	stream.indirect_vreg.gather [hbm4b:s3+s2], $0x80, v4, vm0, $0x2000b8;
	[tilespmem:$0x10100] =	vst v63  }
0xf2: {  	s5 =	sor.u32 $0x6900, s28  }
0xf3: {  	[tilespmem:s5], [sflag:$0x5] =	stream.indirect_vreg.gather [hbm4b:s3+s2], $0x80, v3, vm0, $0x2000b8;
	[tilespmem:$0x10100] =	vst v63  }
0xf4: {  	v3 =	vld [tilespmem:s29+$0x70];
	_ =	sdelay $0x4  }
0xf5: {  	v63 =	vshll.u32 v3, $0x1  }
0xf6: {  	v3 =	vand.u32 $0x7, v3;
	v4 =	vand.u32 $0xFFFFFFF0, v63  }
0xf7: {  	v3 =	vor.u32 v3, v4  }
0xf8: {  	v4 =	vperm.xlane v3, v0;
	_ =	sdelay $0x1  }
0xf9: {  	v3 =	vperm.xlane v3, v2;
	v4 =	vadd.s32 v1, v4;
	_ =	sdelay $0x1  }
0xfa: {  	v3 =	vadd.s32 v1, v3;
	_ =	sdelay $0x1  }
0xfb: {  	s31 =	sor.u32 $0x7100, s28  }
0xfc: {  	[tilespmem:s31], [sflag:$0x5] =	stream.indirect_vreg.gather [hbm4b:s3+s2], $0x80, v4, vm0, $0x2000b8;
	[tilespmem:$0x10100] =	vst v63  }
0xfd: {  	s28 =	sor.u32 $0x7900, s28  }
0xfe: {  	[tilespmem:s28], [sflag:$0x5] =	stream.indirect_vreg.gather [hbm4b:s3+s2], $0x80, v3, vm0, $0x2000b8;
	[tilespmem:$0x10100] =	vst v63  }
0xff: {  	_ =	swait.ge [sflag:s13], $0x8000  }
0x100: {  	p2 =	seq.s32 s20, $0x1;
	[sflag:s13] =	ssyncset.done $0x0  }
0x101: {  	s24 =	sadd.s32 s8, s24;
	p1 =	por p2, p1;
	[sflag:s13] =	ssyncadd.s32 $0xFFFF8000  }
0x102: {  	s24 =	sshll.u32 @p1 s24, $0xC;
	_ =	strace $0x90000052  }
0x103: {  	s24 =	sand.u32 @p1 $0x1FFFF000, s24;
	s29 =	simm.s32 $0x1;
	_ =	strace @p1 $0x80000053  }
0x104: {  	s25 =	sadd.s32 @p1 $0x3, s25;
	s29 =	simm.s32 @!p0 $0x0;
	s28 =	rddreg [dreg:$0x4]  }
0x105: {  	p0 =	seq.s32 s20, $0x10;
	s24 =	sadd.s32 @p1 s28, s24;
	s28 =	simm.s32 @p1 $0x0  }
0x106: {  	[hbm4b:s24+s28] =	stream.linear.scatter @p1 [tilespmem:s26], [sflag:s25], $0x8000, $0x200038;
	[tilespmem:$0x10100] =	vst v63  }
0x107: {  	s24 =	simm.s32 $0x1;
	s26 =	simm.s32 $0x1;
	_ =	strace @p1 $0x90000053  }
0x108: {  	s24 =	simm.s32 @!p1 $0x0;
	p1 =	sne.s32 s20, $0x10;
	s20 =	sadd.s32 $0xFFFFFFFF, s20  }
0x109: {  	s25 =	sand.u32 @!p0 $0x1, s21;
	s26 =	simm.s32 @!p1 $0x0;
	p1 =	sne.s32 s20, $0x0  }
.Ltmp1:
0x10a: {  	s25 =	sadd.s32 @!p0 $0x3, s25;
	_ =	strace @!p0 $0x80000054;
	(pc) =	sbr.rel @p1 .LBB2_4-.Ltmp1, $4  }
0x10b: {  	_ =	swait.ge @!p0 [sflag:s25], $0x8000  }
0x10c: {  	[sflag:s25] =	ssyncset.done @!p0 $0x0  }
0x10d: {  	s19 =	sadd.s32 s29, s19;
	s22 =	sadd.s32 s24, s22;
	[sflag:s25] =	ssyncadd.s32 @!p0 $0xFFFF8000  }
0x10e: {  	s23 =	sadd.s32 s24, s23;
	s21 =	sadd.s32 s26, s21;
	_ =	strace @!p0 $0x90000054  }
0x10f: {  	_ =	strace $0x80000055  }
0x110: {  	_ =	swait.ge [sflag:s14], $0x8000  }
0x111: {  	[sflag:s14] =	ssyncset.done $0x0  }
0x112: {  	[sflag:s14] =	ssyncadd.s32 $0xFFFF8000  }
0x113: {  	_ =	strace $0x90000055  }
0x114: {  	s22 =	simm.s32 $0x0;
	_ =	strace $0x80000056  }
0x115: {  	[tilespmem:s22], [sflag:$0x1] =	stream.linear.gather [hbm4b:s9+s22], $0x80, $0x200038;
	[tilespmem:$0x10100] =	vst v63  }
0x116: {  	_ =	strace $0x90000056  }
0x117: {  	_ =	strace $0x80000057  }
0x118: {  	[tilespmem:s15], [sflag:$0x2] =	stream.linear.gather [hbm4b:s11+s22], $0x80, $0x200038;
	[tilespmem:$0x10100] =	vst v63  }
0x119: {  	_ =	strace $0x90000057  }
0x11a: {  	s19 =	simm.s32 $0x1;
	_ =	strace $0x80000058  }
0x11b: {  	_ =	swait.ge [sflag:s19], $0x80  }
0x11c: {  	[sflag:s19] =	ssyncset.done $0x0  }
0x11d: {  	s18 =	simm.s32 $0x2;
	[sflag:s19] =	ssyncadd.s32 $0xFFFFFF80  }
0x11e: {  	p0 =	por $0x0, $0x0;
	p1 =	por $0x1, $0x1;
	_ =	strace $0x90000058  }
0x11f: {  	s20 =	simm.s32 $0x2;
	s18 =	simm.s32 @p0 $0x0;
	_ =	strace $0x80000059  }
0x120: {  	[tilespmem:s16], [sflag:$0x5] =	stream.indirect.gather [hbm4b:s4+s15], $0x80, s22, s15, $0x2000b8;
	[tilespmem:$0x10100] =	vst v63  }
0x121: {  	s28 =	sadd.s32 $0x1, s8;
	p0 =	sne.s32 s18, $0x1;
	_ =	swait.ge [sflag:s13], $0x4000  }
0x122: {  	s31 =	simm.s32 $0x80;
	p1 =	por !p1, !p0;
	[sflag:s13] =	ssyncset.done $0x0  }
0x123: {  	p5 =	por $0x0, $0x0;
	p2 =	por !p1, !p1;
	[sflag:s13] =	ssyncadd.s32 $0xFFFFC000  }
0x124: {  	s21 =	sadd.s32 @p2 s8, s18;
	s23 =	sand.u32 @p2 $0x1, s20;
	_ =	strace $0x90000059  }
0x125: {  	s24 =	simm.s32 @p2 $0x0;
	s21 =	sshll.u32 @p2 s21, $0x4;
	_ =	strace $0x8000005A  }
0x126: {  	[hbm4b:s12+s22] =	stream.linear.scatter [tilespmem:s16], [sflag:$0x3], $0x4000, $0x200038;
	[tilespmem:$0x10100] =	vst v63  }
0x127: {  	s25 =	sshll.u32 @p2 s23, $0x7;
	s21 =	sand.u32 @p2 $0x1FFFFFF0, s21;
	_ =	strace $0x9000005A  }
0x128: {  	s23 =	sadd.s32 @p2 $0x1, s23;
	s21 =	sadd.s32 @p2 s6, s21;
	_ =	strace @p2 $0x80000057  }
0x129: {  	[tilespmem:s25], [sflag:s23] =	stream.linear.gather @p2 [hbm4b:s21+s24], $0x80, $0x200038;
	[tilespmem:$0x10100] =	vst v63  }
0x12a: {  	p0 =	por p5, p0;
	s24 =	sand.u32 $0x1, s19;
	_ =	strace @p2 $0x90000057  }
0x12b: {  	s28 =	sshll.u32 @p0 s28, $0xB;
	s26 =	sadd.s32 $0x1, s24;
	_ =	strace $0x80000058  }
0x12c: {  	p3 =	por $0x1, $0x1;
	s28 =	sand.u32 @p0 $0x1FFFF800, s28;
	_ =	swait.ge [sflag:s26], $0x80  }
0x12d: {  	s29 =	simm.s32 @p0 $0x0;
	s28 =	sadd.s32 @p0 s7, s28;
	[sflag:s26] =	ssyncset.done $0x0  }
0x12e: {  	s22 =	sand.u32 $0x1, s22;
	s19 =	simm.s32 $0x1;
	[sflag:s26] =	ssyncadd.s32 $0xFFFFFF80  }
0x12f: {  	s21 =	simm.s32 $0x2;
	s30 =	sshll.u32 s24, $0xE;
	_ =	strace $0x90000058  }
0x130: {  	s23 =	sand.u32 $0x80, s31;
	s25 =	sor.u32 $0x100, s30;
	_ =	strace $0x80000059  }
0x131: {  	[tilespmem:s25], [sflag:$0x5] =	stream.indirect.gather [hbm4b:s4+s15], $0x80, s23, s15, $0x2000b8;
	[tilespmem:$0x10100] =	vst v63  }
0x132: {  	s24 =	sadd.s32 @p0 $0x3, s24;
	s23 =	sadd.s32 $0x1, s18;
	_ =	swait.ge [sflag:s13], $0x4000  }
0x133: {  	s26 =	sadd.s32 $0x3, s22;
	p1 =	seq.s32 s23, $0x10;
	[sflag:s13] =	ssyncset.done $0x0  }
0x134: {  	s22 =	simm.s32 $0x1;
	s23 =	simm.s32 @p1 $0x0;
	[sflag:s13] =	ssyncadd.s32 $0xFFFFC000  }
0x135: {  	s22 =	simm.s32 @!p0 $0x0;
	p1 =	sne.s32 s18, s23;
	_ =	strace $0x90000059  }
0x136: {  	s22 =	sadd.s32 $0x1, s22;
	p6 =	por !p3, !p1;
	_ =	strace @p0 $0x8000005A  }
0x137: {  	[hbm4b:s28+s29] =	stream.linear.scatter @p0 [tilespmem:s25], [sflag:s24], $0x4000, $0x200038;
	[tilespmem:$0x10100] =	vst v63  }
0x138: {  	s24 =	sand.u32 $0x1, s22;
	s29 =	simm.s32 $0x1;
	_ =	strace @p0 $0x9000005A  }
0x139: {  	s25 =	smov.u32 s22;
	s28 =	sshll.u32 s24, $0xE;
	_ =	strace $0x8000005B  }
0x13a: {  	p0 =	por !p6, !p6;
	s29 =	simm.s32 @!p2 $0x0;
	_ =	swait.ge [sflag:s26], $0x4000  }
.LBB2_6:
0x13b: {  	s30 =	sadd.s32 @p0 s8, s23;
	s20 =	sadd.s32 s29, s20  }
0x13c: {  	[sflag:s26] =	ssyncset.done $0x0;
	s29 =	smov.u32 s19;
	s19 =	smov.u32 s21  }
0x13d: {  	s31 =	simm.s32 @p0 $0x0;
	s30 =	sshll.u32 @p0 s30, $0x4;
	[sflag:s26] =	ssyncadd.s32 $0xFFFFC000  }
0x13e: {  	s26 =	sand.u32 @p0 $0x1, s20;
	s30 =	sand.u32 @p0 $0x1FFFFFF0, s30;
	_ =	strace $0x9000005B  }
0x13f: {  	s0 =	sshll.u32 @p0 s26, $0x7;
	s26 =	sadd.s32 @p0 $0x1, s26;
	s30 =	sadd.s32 @p0 s6, s30  }
0x140: {  	s21 =	sadd.s32 $0x1, s21;
	s5 =	sand.u32 $0x1, s22;
	_ =	strace @p0 $0x80000057  }
0x141: {  	[tilespmem:s0], [sflag:s26] =	stream.linear.gather @p0 [hbm4b:s30+s31], $0x80, $0x200038;
	[tilespmem:$0x10100] =	vst v63  }
0x142: {  	p2 =	sne.s32 s21, $0xF;
	s0 =	sadd.s32 $0x1, s5;
	_ =	strace @p0 $0x90000057  }
0x143: {  	s28 =	sor.u32 $0x100, s28;
	_ =	strace $0x80000058  }
0x144: {  	p4 =	seq.s32 s29, $0xE;
	p3 =	sne.s32 s19, $0xE;
	_ =	swait.ge [sflag:s0], $0x80  }
0x145: {  	s5 =	sadd.s32 s8, s18;
	s18 =	smov.u32 s23;
	[sflag:s0] =	ssyncset.done $0x0  }
0x146: {  	s26 =	sand.u32 $0x1, s29;
	[sflag:s0] =	ssyncadd.s32 $0xFFFFFF80;
	s0 =	sshll.u32 s22, $0x7  }
0x147: {  	p4 =	por p4, p1;
	_ =	strace $0x90000058;
	s0 =	sand.u32 $0x80, s0  }
0x148: {  	s24 =	sadd.s32 @p4 $0x3, s24;
	s26 =	sadd.s32 $0x3, s26;
	_ =	strace $0x80000059  }
0x149: {  	[tilespmem:s28], [sflag:$0x5] =	stream.indirect.gather [hbm4b:s4+s15], $0x80, s0, s15, $0x2000b8;
	[tilespmem:$0x10100] =	vst v63  }
0x14a: {  	s23 =	sadd.s32 $0x1, s23;
	s0 =	simm.s32 $0x1;
	_ =	swait.ge [sflag:s13], $0x4000  }
0x14b: {  	s29 =	simm.s32 @p4 $0x0;
	s0 =	simm.s32 @!p4 $0x0;
	[sflag:s13] =	ssyncset.done $0x0  }
0x14c: {  	s5 =	sshll.u32 @p4 s5, $0xB;
	s25 =	sadd.s32 s0, s25;
	[sflag:s13] =	ssyncadd.s32 $0xFFFFC000  }
0x14d: {  	p1 =	seq.s32 s23, $0x10;
	s5 =	sand.u32 @p4 $0x1FFFF800, s5;
	_ =	strace $0x90000059  }
0x14e: {  	s23 =	simm.s32 @p1 $0x0;
	s5 =	sadd.s32 @p4 s7, s5;
	_ =	strace @p4 $0x8000005A  }
.Ltmp2:
0x14f: {  	p1 =	sne.s32 s18, s23;
	s22 =	sadd.s32 s0, s22;
	(pc) =	sbr.rel @p2 .LBB2_6-.Ltmp2, $4  }
0x150: {  	[hbm4b:s5+s29] =	stream.linear.scatter @p4 [tilespmem:s28], [sflag:s24], $0x4000, $0x200038;
	[tilespmem:$0x10100] =	vst v63  }
0x151: {  	p3 =	por !p3, !p1;
	s24 =	sand.u32 $0x1, s25;
	_ =	strace @p4 $0x9000005A  }
0x152: {  	s29 =	simm.s32 $0x1;
	s28 =	sshll.u32 s24, $0xE;
	_ =	strace $0x8000005B  }
0x153: {  	s29 =	simm.s32 @!p0 $0x0;
	p0 =	por !p3, !p3;
	_ =	swait.ge [sflag:s26], $0x4000  }
0x154: {  	s0 =	sadd.s32 @p0 s8, s23  }
0x155: {  	s5 =	sadd.s32 s29, s20;
	[sflag:s26] =	ssyncset.done $0x0;
	s20 =	simm.s32 @p0 $0x0  }
0x156: {  	s0 =	sshll.u32 @p0 s0, $0x4;
	[sflag:s26] =	ssyncadd.s32 $0xFFFFC000;
	s5 =	sand.u32 @p0 $0x1, s5  }
0x157: {  	s0 =	sand.u32 @p0 $0x1FFFFFF0, s0;
	_ =	strace $0x9000005B;
	s21 =	sshll.u32 @p0 s5, $0x7  }
0x158: {  	s5 =	sadd.s32 @p0 $0x1, s5;
	s0 =	sadd.s32 @p0 s6, s0;
	_ =	strace @p0 $0x80000057  }
0x159: {  	[tilespmem:s21], [sflag:s5] =	stream.linear.gather @p0 [hbm4b:s0+s20], $0x80, $0x200038;
	[tilespmem:$0x10100] =	vst v63  }
0x15a: {  	s29 =	sand.u32 $0x1, s22;
	_ =	strace @p0 $0x90000057  }
0x15b: {  	s0 =	sadd.s32 $0x1, s29;
	_ =	strace $0x80000058  }
0x15c: {  	_ =	swait.ge [sflag:s0], $0x80  }
0x15d: {  	[sflag:s0] =	ssyncset.done $0x0  }
0x15e: {  	[sflag:s0] =	ssyncadd.s32 $0xFFFFFF80  }
0x15f: {  	s30 =	sshll.u32 s22, $0x7;
	_ =	strace $0x90000058  }
0x160: {  	s5 =	sor.u32 $0x100, s28;
	s0 =	sand.u32 $0x80, s30;
	_ =	strace $0x80000059  }
0x161: {  	[tilespmem:s5], [sflag:$0x5] =	stream.indirect.gather [hbm4b:s4+s15], $0x80, s0, s15, $0x2000b8;
	[tilespmem:$0x10100] =	vst v63  }
0x162: {  	p6 =	seq.s32 s19, $0xE;
	_ =	swait.ge [sflag:s13], $0x4000  }
0x163: {  	p0 =	por p6, p1;
	s0 =	sadd.s32 s8, s18;
	[sflag:s13] =	ssyncset.done $0x0  }
0x164: {  	s0 =	sshll.u32 @p0 s0, $0xB;
	[sflag:s13] =	ssyncadd.s32 $0xFFFFC000  }
0x165: {  	s20 =	simm.s32 @p0 $0x0;
	s0 =	sand.u32 @p0 $0x1FFFF800, s0;
	_ =	strace $0x90000059  }
0x166: {  	s18 =	sadd.s32 @p0 $0x3, s24;
	s0 =	sadd.s32 @p0 s7, s0;
	_ =	strace @p0 $0x8000005A  }
0x167: {  	[hbm4b:s0+s20] =	stream.linear.scatter @p0 [tilespmem:s5], [sflag:s18], $0x4000, $0x200038;
	[tilespmem:$0x10100] =	vst v63  }
0x168: {  	s31 =	sand.u32 $0x1, s19;
	_ =	strace @p0 $0x9000005A  }
0x169: {  	s0 =	sadd.s32 $0x3, s31;
	_ =	strace $0x8000005B  }
0x16a: {  	_ =	swait.ge [sflag:s0], $0x4000  }
0x16b: {  	[sflag:s0] =	ssyncset.done $0x0  }
0x16c: {  	s17 =	sadd.s32 $0x1, s17;
	[sflag:s0] =	ssyncadd.s32 $0xFFFFC000  }
0x16d: {  	p0 =	sne.s32 s17, s10;
	_ =	strace $0x9000005B  }
.Ltmp3:
0x16e: {  	_ =	strace $0x8000005C;
	(pc) =	sbr.rel @p0 .LBB2_1-.Ltmp3, $4  }
0x16f: {  	_ =	swait.ge [sflag:s14], $0x4000  }
0x170: {  	[sflag:s14] =	ssyncset.done $0x0  }
0x171: {  	[sflag:s14] =	ssyncadd.s32 $0xFFFFC000  }
0x172: {  	_ =	strace $0x9000005C  }
0x173: {  	_ =	sfence.sel $0x180000  }
0x174: {  	[bflag:$0x0] =	sbarrier.arrive $0xFFFF  }
0x175: {  	_ =	strace $0x90000047  }
0x176: {  	s0 =	stileid.u32;
	[bflag:$0x2] =	sbarrier.arrive $0xFFFF  }
0x177: {  	p0 =	sne.s32 s0, $0x0;
	s0 =	rddreg [dreg:$0x2]  }
0x178: {  	s0 =	sadd.s32 @!p0 $0x100000, s0  }
0x179: {  	[sflag:s0] =	ssyncadd.tile.s32 @!p0 $0x1;
	_ =	shalt  }
.Lfunc_end2:
_tile_overlayer_lowered:
.L_overlay_start_2:
0x17a: {  	(tag) =	ssettag $0x2  }
0x17b: {  	s0 =	rddreg [dreg:$0x0];
	s2 =	stileid.u32  }
0x17c: {  	s1 =	rddreg [dreg:$0x1];
	p0 =	sne.s32 s2, $0x0  }
0x17d: {  	s3 =	rddreg [dreg:$0x2];
	[bflag:$0x3] =	sbarrier.arrive $0xFFFF;
	s2 =	simm.s32 @!p0 $0x1C01  }
0x17e: {  	[timem:s3], [sflag:s2] =	dma.local @!p0 [hbm:s0], s1  }
0x17f: {  	s0 =	simm.s32 @!p0 $0x1  }
0x180: {  	_ =	swait.ge @!p0 [sflag:s0], s1  }
0x181: {  	s1 =	ssub.s32 @!p0 $0x0, s1;
	[sflag:s0] =	ssyncset.done @!p0 $0x0  }
0x182: {  	[sflag:s0] =	ssyncadd.s32 @!p0 s1  }
0x183: {  	[bflag:$0x3] =	sbarrier.arrive $0xFFFF  }
0x184: {  	_ =	shalt  }

// kernel: kernel.9.cloned.1.call-start
scs
__scs_entry_jumppad:
0x0: {  	(pc) =	sbr.rel $0x88, $3  }
0x1: {  	(tag) =	ssettag $0x0;
	lr =	simm.s32 $0x1  }
0x2: {  	[smem:$0x3F93] =	sst lr;
	_ =	strace $0xD0000000  }
0x3: {  	_ = 	snop  }
0x4: {  	_ = 	snop  }
0x5: {  	_ = 	snop  }
0x6: {  	_ = 	snop  }
0x7: {  	_ = 	snop  }
__scs_overlays_trampoline_lowered:
0x8: {  	[smem:$0x3FA2] =	sst s0  }
0x9: {  	[smem:$0x3FA3] =	sst s1  }
0xa: {  	[smem:$0x3FA4] =	sst s2  }
0xb: {  	[smem:$0x3FA5] =	sst s3  }
0xc: {  	[smem:$0x3FA6] =	sst s4  }
0xd: {  	[smem:$0x3FA7] =	sst s5  }
0xe: {  	[smem:$0x3FA8] =	sst s6  }
0xf: {  	[smem:$0x3FA9] =	sst s7  }
0x10: {  	[smem:$0x3FAA] =	sst s8  }
0x11: {  	[smem:$0x3FAB] =	sst s9;
	s0 =	simm.s32 @!p0 $0x0  }
0x12: {  	s1 =	sld [smem:$0x3F91];
	s0 =	simm.s32 @p0 $0x1  }
0x13: {  	[smem:$0x3FAC] =	sst s0;
	s0 =	simm.s32 @!p1 $0x0  }
0x14: {  	s2 =	sld [smem:$0x3F90];
	s0 =	simm.s32 @p1 $0x1  }
0x15: {  	[smem:$0x3FAD] =	sst s0;
	s0 =	simm.s32 @!p2 $0x0  }
0x16: {  	s3 =	sld [smem:$0x3FDB];
	s0 =	simm.s32 @p2 $0x1  }
0x17: {  	s4 =	simm.s32 $0x1BF5;
	[smem:$0x3FAF] =	sst s0  }
0x18: {  	s0 =	sld [smem:$0x3F92];
	_ =	swait.ge [sflag:s4], $0x0  }
0x19: {  	s7 =	sld [smem:$0x3F93]  }
0x1a: {  	s8 =	sadd.s32 $0xFFFFE003, lr  }
0x1b: {  	s9 =	sadd.s32 $0xFFFFFEF7, lr;
	s5 =	simm.s32 $0xFFFFFFFF;
	p2 =	slt.u32 s8, $0xFFFFF086  }
0x1c: {  	p1 =	slt.u32 s9, $0xF7A;
	s5 =	simm.s32 @!p2 $0x0  }
0x1d: {  	s5 =	simm.s32 @p1 $0x1;
	p0 =	seq.s32 s7, s2  }
0x1e: {  	s7 =	smul.u32 @!p0 $0xF7A, s2;
	p2 =	seq.s32 @!p0 s5, $0x0  }
0x1f: {  	s9 =	smul.u32 $0xF7A, s1;
	s8 =	simm.s32 @!p0 $0x1BF5;
	p2 =	por !p2, p0  }
0x20: {  	[sflag:s8] =	ssyncset.s32 @!p0 $0xFFFFF086;
	s6 =	sadd.s32 @!p0 s3, s7;
	s7 =	simm.s32 @!p0 $0x108  }
0x21: {  	s3 =	sadd.s32 s3, s9;
	s6 =	sadd.s32 @!p0 $0x88, s6;
	s7 =	simm.s32 @p2 $0x1082  }
0x22: {  	[simem:s7], [sflag:s8] =	dma.local @!p0 [hbm:s6], $0xF7A  }
0x23: {  	s9 =	sor.u32 $0xD0000000, s2;
	s6 =	simm.s32 $0x108;
	_ =	swait.ge @!p0 [sflag:s8], $0x0  }
0x24: {  	s3 =	sadd.s32 $0x88, s3;
	s6 =	simm.s32 @!p1 $0x1082;
	[sflag:s4] =	ssyncset.s32 $0xFFFFF086  }
0x25: {  	[simem:s6], [sflag:s4] =	dma.local [hbm:s3], $0xF7A  }
0x26: {  	[smem:$0x3F93] =	sst s1;
	(tag) =	ssettag s2;
	_ =	strace s9  }
0x27: {  	s1 =	sld [smem:$0x3FA3]  }
0x28: {  	s2 =	sld [smem:$0x3FA4]  }
0x29: {  	s4 =	sld [smem:$0x3FA6]  }
0x2a: {  	p0 =	seq.s32 s5, $0x0;
	s5 =	sld [smem:$0x3FA7]  }
0x2b: {  	s6 =	sld [smem:$0x3FA8]  }
0x2c: {  	s7 =	sld [smem:$0x3FA9]  }
0x2d: {  	s3 =	simm.s32 $0x108;
	s8 =	sld [smem:$0x3FAA]  }
0x2e: {  	s3 =	simm.s32 @!p0 $0x1082;
	s9 =	sld [smem:$0x3FAB]  }
0x2f: {  	lr =	sadd.s32 s0, s3;
	s0 =	sld [smem:$0x3FA2]  }
0x30: {  	s3 =	sld [smem:$0x3FA5]  }
0x31: {  	[smem:$0x3FAE] =	sst s10  }
0x32: {  	s10 =	sld [smem:$0x3FAC];
	_ =	sdelay $0x3  }
0x33: {  	p0 =	seq.s32 s10, $0x1;
	s10 =	sld [smem:$0x3FAE];
	_ =	sdelay $0x3  }
0x34: {  	[smem:$0x3FAE] =	sst s10  }
0x35: {  	s10 =	sld [smem:$0x3FAD];
	_ =	sdelay $0x3  }
0x36: {  	p1 =	seq.s32 s10, $0x1;
	s10 =	sld [smem:$0x3FAE];
	_ =	sdelay $0x3  }
0x37: {  	[smem:$0x3FAE] =	sst s10  }
0x38: {  	s10 =	sld [smem:$0x3FAF]  }
0x39: {  	_ = 	snop;
	(pc) =	sbr.ind lr, $3  }
0x3a: {  	_ = 	snop  }
0x3b: {  	_ = 	snop  }
0x3c: {  	p2 =	seq.s32 s10, $0x1;
	s10 =	sld [smem:$0x3FAE]  }
0x3d: {  	_ =	shalt  }
0x3e: {  	_ =	shalt  }
0x3f: {  	_ =	shalt  }
0x40: {  	_ =	shalt  }
0x41: {  	_ =	shalt  }
0x42: {  	_ =	shalt  }
0x43: {  	_ =	shalt  }
0x44: {  	_ =	shalt  }
0x45: {  	_ =	shalt  }
0x46: {  	_ =	shalt  }
0x47: {  	_ =	shalt  }
0x48: {  	_ =	shalt  }
0x49: {  	_ =	shalt  }
0x4a: {  	_ =	shalt  }
0x4b: {  	_ =	shalt  }
0x4c: {  	_ =	shalt  }
0x4d: {  	_ =	shalt  }
0x4e: {  	_ =	shalt  }
0x4f: {  	_ =	shalt  }
0x50: {  	_ =	shalt  }
0x51: {  	_ =	shalt  }
0x52: {  	_ =	shalt  }
0x53: {  	_ =	shalt  }
0x54: {  	_ =	shalt  }
0x55: {  	_ =	shalt  }
0x56: {  	_ =	shalt  }
0x57: {  	_ =	shalt  }
0x58: {  	_ =	shalt  }
0x59: {  	_ =	shalt  }
0x5a: {  	_ =	shalt  }
0x5b: {  	_ =	shalt  }
0x5c: {  	_ =	shalt  }
0x5d: {  	_ =	shalt  }
0x5e: {  	_ =	shalt  }
0x5f: {  	_ =	shalt  }
0x60: {  	_ =	shalt  }
0x61: {  	_ =	shalt  }
0x62: {  	_ =	shalt  }
0x63: {  	_ =	shalt  }
0x64: {  	_ =	shalt  }
0x65: {  	_ =	shalt  }
0x66: {  	_ =	shalt  }
0x67: {  	_ =	shalt  }
0x68: {  	_ =	shalt  }
0x69: {  	_ =	shalt  }
0x6a: {  	_ =	shalt  }
0x6b: {  	_ =	shalt  }
0x6c: {  	_ =	shalt  }
0x6d: {  	_ =	shalt  }
0x6e: {  	_ =	shalt  }
0x6f: {  	_ =	shalt  }
0x70: {  	_ =	shalt  }
0x71: {  	_ =	shalt  }
0x72: {  	_ =	shalt  }
0x73: {  	_ =	shalt  }
0x74: {  	_ =	shalt  }
0x75: {  	_ =	shalt  }
0x76: {  	_ =	shalt  }
0x77: {  	_ =	shalt  }
0x78: {  	_ =	shalt  }
0x79: {  	_ =	shalt  }
0x7a: {  	_ =	shalt  }
0x7b: {  	_ =	shalt  }
0x7c: {  	_ =	shalt  }
0x7d: {  	_ =	shalt  }
0x7e: {  	_ =	shalt  }
0x7f: {  	_ =	shalt  }
0x80: {  	_ =	shalt  }
0x81: {  	_ =	shalt  }
0x82: {  	_ =	shalt  }
0x83: {  	_ =	shalt  }
0x84: {  	_ =	shalt  }
0x85: {  	_ =	shalt  }
0x86: {  	_ =	shalt  }
0x87: {  	_ =	shalt  }
.Lfunc_end0:
.L_simem_size_0:
called_computation_lowered:
.L_overlay_start_0:
0x88: {  	s2 =	sld [smem:$0x3FD9]  }
0x89: {  	s3 =	sld [smem:$0x3FFE];
	_ =	sdelay $0x1  }
0x8a: {  	s1 =	srdreg.scid  }
0x8b: {  	s0 =	sand.u32 $0x1, s1  }
0x8c: {  	s17 =	sshll.u32 s0, $0xA;
	s2 =	sadd.s32 s3, s2  }
0x8d: {  	s2 =	sadd.s32 s2, s17  }
0x8e: {  	[smem:$0x3FBA] =	sst s2  }
0x8f: {  	_ = 	snop  }
0x90: {  	s18 =	sld [smem:$0x3FD0];
	(tm) =	ssettm $0x1  }
0x91: {  	s19 =	sld [smem:$0x3FFB];
	_ =	sdelay $0x3  }
0x92: {  	_ =	strace s19  }
0x93: {  	s2 =	sld [smem:$0x3FFC];
	_ =	sdelay $0x3  }
0x94: {  	_ =	strace s2  }
0x95: {  	s2 =	sld [smem:$0x3FFD];
	_ =	sdelay $0x3  }
0x96: {  	_ =	strace s2  }
0x97: {  	_ =	strace $0x8FFFFFFF  }
0x98: {  	s20 =	sld [smem:$0x3FDB];
	_ =	sdelay $0x1  }
0x99: {  	s4 =	simm.s32 $_scs_section_size  }
0x9a: {  	s5 =	simm.s32 $_size__tile_overlayer_lowered;
	s6 =	simm.s32 $_tile_overlayer_lowered  }
0x9b: {  	s7 =	simm.s32 $0x1BFF;
	s21 =	sshll.u32 s6, $0x1;
	s4 =	sadd.s32 s4, s20  }
0x9c: {  	s22 =	simm.s32 $0x0;
	s5 =	sshll.u32 s5, $0x1;
	s6 =	sadd.s32 s21, s4  }
0x9d: {  	[timem:s22], [sflag:s7] =	dma.local [hbm:s6], s5  }
0x9e: {  	_ =	swait.ge [sflag:s7], s5  }
0x9f: {  	s5 =	ssub.s32 $0x0, s5;
	[sflag:s7] =	ssyncset.done $0x0  }
0xa0: {  	[sflag:s7] =	ssyncadd.s32 s5;
	_ =	sdelay $0x1  }
0xa1: {  	s23 =	simm.s32 $0x1B8B  }
0xa2: {  	_ =	swait.ge [sflag:s23], $0x1  }
0xa3: {  	[sflag:s23] =	ssyncset.done $0x0  }
0xa4: {  	[sflag:s23] =	ssyncadd.s32 $0xFFFFFFFF  }
0xa5: {  	s5 =	sld [smem:$0x0]  }
0xa6: {  	s6 =	sand.u32 $0xFFFFFFFE, s1  }
0xa7: {  	p0 =	sne.s32 s1, s6  }
0xa8: {  	s6 =	sshll.u32 @p0 s6, $0xE  }
0xa9: {  	s6 =	sadd.s32 @p0 $0x11B8D, s6;
	s7 =	sshll.u32 @p0 s5, $0x11  }
0xaa: {  	s6 =	sor.u32 @p0 s7, s6  }
0xab: {  	[sflag:s6] =	ssyncadd.remote.s32 @p0 $0x1;
	_ =	sdelay $0x1  }
0xac: {  	s6 =	simm.s32 @p0 $0x1B8D  }
0xad: {  	_ =	swait.eq @p0 [sflag:s6], $0x1  }
0xae: {  	[sflag:s6] =	ssyncadd.s32 @p0 $0xFFFFFFFF  }
0xaf: {  	s7 =	sshll.u32 @!p0 s1, $0xE  }
0xb0: {  	s7 =	sor.u32 @!p0 $0x4000, s7;
	s6 =	simm.s32 @!p0 $0x1B8D  }
0xb1: {  	s5 =	sshll.u32 @!p0 s5, $0x11;
	s7 =	sadd.s32 @!p0 $0x11B8D, s7;
	_ =	swait.eq @!p0 [sflag:s6], $0x1  }
0xb2: {  	s5 =	sor.u32 @!p0 s5, s7;
	[sflag:s6] =	ssyncadd.s32 @!p0 $0xFFFFFFFF  }
0xb3: {  	s25 =	simm.s32 $0x1B8E;
	s24 =	sld [smem:$0x3FFE];
	[sflag:s5] =	ssyncadd.remote.s32 @!p0 $0x1  }
0xb4: {  	s26 =	simm.s32 $execute0_lowered;
	[smem:$0x3FD2] =	sst s25  }
0xb5: {  	s6 =	sshll.u32 s26, $0x1;
	_ =	strace $0x8000005E;
	[dreg:$0x1] =	wrdreg $0xFFFFFFFF  }
0xb6: {  	s28 =	simm.s32 $_size_execute0_lowered;
	s4 =	sadd.s32 s4, s6;
	[dreg:$0x0] =	wrdreg $0x0  }
0xb7: {  	s6 =	sshll.u32 s28, $0x1;
	[dreg:$0x2] =	wrdreg s4  }
0xb8: {  	[dreg:$0x3] =	wrdreg s6  }
0xb9: {  	[dreg:$0x4] =	wrdreg $0xC0  }
0xba: {  	_ =	task [dreg:s22], $0x5FFFF  }
0xbb: {  	[dreg:$0x1] =	wrdreg $0xFFFFFFFF  }
0xbc: {  	[dreg:$0x0] =	wrdreg $0x60  }
0xbd: {  	[dreg:$0x2] =	wrdreg s18  }
0xbe: {  	[dreg:$0x3] =	wrdreg s24  }
0xbf: {  	[dreg:$0x4] =	wrdreg $0x9  }
0xc0: {  	_ =	task.clear_ibuf [dreg:s22], $0x5FFFF;
	_ =	strace $0x9000005E  }
0xc1: {  	s29 =	simm.s32 $0x9;
	_ =	strace $0x80000075  }
0xc2: {  	_ =	swait.ge [sflag:s29], $0x1  }
0xc3: {  	[sflag:s29] =	ssyncadd.s32 $0xFFFFFFFF  }
0xc4: {  	_ =	strace $0x90000075  }
0xc5: {  	_ =	sfence  }
0xc6: {  	s30 =	sld [smem:$0x0];
	_ =	sdelay $0x2  }
0xc7: {  	s31 =	sshll.u32 s1, $0xD;
	s1 =	sshrl.u32 s1, $0x2  }
0xc8: {  	s4 =	sand.u32 $0x4000, s31;
	s1 =	sadd.s32 s1, s30  }
0xc9: {  	s0 =	sor.u32 s4, s0;
	s1 =	sshll.u32 s1, $0x11  }
0xca: {  	s0 =	sor.u32 s1, s0  }
0xcb: {  	s0 =	sadd.s32 $0x8F2B, s0  }
0xcc: {  	[sflag:s0] =	ssyncadd.remote.s32 $0x1  }
0xcd: {  	_ =	sfence.sel $0xFFFF  }
0xce: {  	[dreg:$0x0] =	wrdreg $0xFFFFFFFF;
	(pc) =	sbr.abs _section_cstart, $3  }
0xcf: {  	[dreg:$0x1] =	wrdreg $0xFFFFFFFF  }
0xd0: {  	_ =	task.clear_ibuf [dreg:s22], $0x2FFFF;
	_ =	strace $0x9FFFFFFF  }
0xd1: {  	(tm) =	ssettm $0x7FFFFFFF  }
tec
execute0_lowered:
.L_overlay_start_1:
0x0: {  	(tag) =	ssettag $0x1  }
0x1: {  	s1 =	rddreg [dreg:$0x0]  }
0x2: {  	s7 =	rddreg [dreg:$0x1];
	s2 =	simm.s32 $0x0  }
0x3: {  	s8 =	srdreg.scid;
	s0 =	stileid.u32;
	s13 =	simm.s32 $0x5  }
0x4: {  	s14 =	simm.s32 $0x4;
	s15 =	simm.s32 $0x80;
	s16 =	simm.s32 $0x100  }
0x5: {  	s17 =	simm.s32 $0x0;
	[smem:$0x7FF] =	sst s2;
	s4 =	sadd.s32 $0x44E00, s7  }
0x6: {  	s3 =	sadd.s32 $0x4E00, s7;
	s5 =	sadd.s32 $0x566E00, s7;
	s6 =	sadd.s32 $0x564E00, s7  }
0x7: {  	s8 =	sand.u32 $0x1, s8;
	s9 =	sadd.s32 $0x766E00, s7;
	s7 =	sadd.s32 $0x966E00, s7  }
0x8: {  	_ =	strace $0x8000005F;
	s10 =	sshll.u32 s8, $0x4;
	s8 =	ssub.s32 $0x2, s8  }
0x9: {  	[dreg:$0x3] =	wrdreg s5;
	s12 =	sor.u32 s0, s10;
	s31 =	sshrl.u32 s8, $0x1  }
0xa: {  	v2 =	vlaneseq.u32;
	[dreg:$0x4] =	wrdreg s9;
	s10 =	sshll.u32 s12, $0x8;
	s11 =	ssub.s32 s8, s31  }
0xb: {  	vm0 =	vmmov $0xffff;
	v1 =	vshrl.u32 v2, $0x3;
	s8 =	sshll.u32 s12, $0x4;
	s12 =	sshll.u32 s12, $0xF;
	s9 =	sadd.s32 s6, s10  }
0xc: {  	v0 =	vand.u32 $0x7, v2;
	v2 =	vor.u32 $0x8, v2;
	v1 =	vmul.u32 $0x8, v1;
	s10 =	smax.u32 s11, $0x1;
	s12 =	sadd.s32 s7, s12;
	s11 =	sadd.s32 $0x10, s9  }
.LBB2_1:
0xd: {  	_ =	strace $0x80000060;
	s18 =	simm.s32 $0x10  }
0xe: {  	s19 =	simm.s32 $0x0;
	s20 =	simm.s32 $0x0;
	s21 =	simm.s32 $0x0  }
0xf: {  	[tilespmem:s2], [sflag:$0x1] =	stream.linear.gather [hbm4b:s9+s2], $0x80, $0x200038;
	[tilespmem:$0x10100] =	vst v63  }
0x10: {  	s22 =	simm.s32 $0x0;
	s23 =	simm.s32 $0x1;
	_ =	strace $0x90000060  }
.LBB2_2:
0x11: {  	s24 =	smov.u32 s19;
	s19 =	sadd.s32 $0x1, s19  }
0x12: {  	p0 =	seq.s32 s19, $0x10  }
0x13: {  	s19 =	simm.s32 @p0 $0x0  }
0x14: {  	p6 =	sne.s32 s18, $0x1;
	p1 =	sne.s32 s24, s19  }
0x15: {  	p0 =	por !p6, !p1  }
0x16: {  	p0 =	por !p0, !p0  }
0x17: {  	s25 =	sadd.s32 @p0 s8, s19  }
0x18: {  	s26 =	sand.u32 @p0 $0x1, s23;
	s25 =	sshll.u32 @p0 s25, $0x4  }
0x19: {  	_ =	strace @p0 $0x80000061;
	s29 =	simm.s32 @p0 $0x0;
	s25 =	sand.u32 @p0 $0x1FFFFFF0, s25  }
0x1a: {  	s28 =	sshll.u32 @p0 s26, $0x7;
	s26 =	sadd.s32 @p0 $0x1, s26;
	s25 =	sadd.s32 @p0 s6, s25  }
0x1b: {  	[tilespmem:s28], [sflag:s26] =	stream.linear.gather @p0 [hbm4b:s25+s29], $0x80, $0x200038;
	[tilespmem:$0x10100] =	vst v63  }
0x1c: {  	s29 =	sand.u32 $0x1, s22;
	_ =	strace @p0 $0x90000061  }
0x1d: {  	s25 =	sadd.s32 $0x1, s29;
	_ =	strace $0x80000062  }
0x1e: {  	_ =	swait.ge [sflag:s25], $0x80  }
0x1f: {  	[sflag:s25] =	ssyncset.done $0x0  }
0x20: {  	[sflag:s25] =	ssyncadd.s32 $0xFFFFFF80  }
0x21: {  	s30 =	sshll.u32 s22, $0x7;
	_ =	strace $0x90000062  }
0x22: {  	s29 =	sand.u32 $0x80, s30;
	_ =	strace $0x80000063  }
0x23: {  	v3 =	vld [tilespmem:s29+$0x0];
	_ =	sdelay $0x4  }
0x24: {  	v4 =	vshll.u32 v3, $0x1  }
0x25: {  	v3 =	vand.u32 $0x7, v3;
	v4 =	vand.u32 $0xFFFFFFF0, v4  }
0x26: {  	v3 =	vor.u32 v3, v4  }
0x27: {  	v4 =	vperm.xlane v3, v0;
	_ =	sdelay $0x1  }
0x28: {  	v3 =	vperm.xlane v3, v2;
	v4 =	vadd.s32 v1, v4;
	_ =	sdelay $0x1  }
0x29: {  	s25 =	sand.u32 $0x1, s21;
	v3 =	vadd.s32 v1, v3  }
0x2a: {  	s28 =	sshll.u32 s25, $0xF  }
0x2b: {  	s26 =	sor.u32 $0x100, s28  }
0x2c: {  	[tilespmem:s26], [sflag:$0x5] =	stream.indirect_vreg.gather [hbm4b:s1+s2], $0x80, v4, vm0, $0x2000b8;
	[tilespmem:$0x10100] =	vst v63  }
0x2d: {  	s30 =	sor.u32 $0x900, s28  }
0x2e: {  	[tilespmem:s30], [sflag:$0x5] =	stream.indirect_vreg.gather [hbm4b:s1+s2], $0x80, v3, vm0, $0x2000b8;
	[tilespmem:$0x10100] =	vst v63  }
0x2f: {  	v3 =	vld [tilespmem:s29+$0x10];
	_ =	sdelay $0x4  }
0x30: {  	v57 =	vshll.u32 v3, $0x1  }
0x31: {  	v3 =	vand.u32 $0x7, v3;
	v4 =	vand.u32 $0xFFFFFFF0, v57  }
0x32: {  	v3 =	vor.u32 v3, v4  }
0x33: {  	v4 =	vperm.xlane v3, v0;
	_ =	sdelay $0x1  }
0x34: {  	v3 =	vperm.xlane v3, v2;
	v4 =	vadd.s32 v1, v4;
	_ =	sdelay $0x1  }
0x35: {  	v3 =	vadd.s32 v1, v3;
	_ =	sdelay $0x1  }
0x36: {  	s31 =	sor.u32 $0x1100, s28  }
0x37: {  	[tilespmem:s31], [sflag:$0x5] =	stream.indirect_vreg.gather [hbm4b:s1+s2], $0x80, v4, vm0, $0x2000b8;
	[tilespmem:$0x10100] =	vst v63  }
0x38: {  	s0 =	sor.u32 $0x1900, s28  }
0x39: {  	[tilespmem:s0], [sflag:$0x5] =	stream.indirect_vreg.gather [hbm4b:s1+s2], $0x80, v3, vm0, $0x2000b8;
	[tilespmem:$0x10100] =	vst v63  }
0x3a: {  	v3 =	vld [tilespmem:s29+$0x20];
	_ =	sdelay $0x4  }
0x3b: {  	v58 =	vshll.u32 v3, $0x1  }
0x3c: {  	v3 =	vand.u32 $0x7, v3;
	v4 =	vand.u32 $0xFFFFFFF0, v58  }
0x3d: {  	v3 =	vor.u32 v3, v4  }
0x3e: {  	v4 =	vperm.xlane v3, v0;
	_ =	sdelay $0x1  }
0x3f: {  	v3 =	vperm.xlane v3, v2;
	v4 =	vadd.s32 v1, v4;
	_ =	sdelay $0x1  }
0x40: {  	v3 =	vadd.s32 v1, v3;
	_ =	sdelay $0x1  }
0x41: {  	s5 =	sor.u32 $0x2100, s28  }
0x42: {  	[tilespmem:s5], [sflag:$0x5] =	stream.indirect_vreg.gather [hbm4b:s1+s2], $0x80, v4, vm0, $0x2000b8;
	[tilespmem:$0x10100] =	vst v63  }
0x43: {  	s31 =	sor.u32 $0x2900, s28  }
0x44: {  	[tilespmem:s31], [sflag:$0x5] =	stream.indirect_vreg.gather [hbm4b:s1+s2], $0x80, v3, vm0, $0x2000b8;
	[tilespmem:$0x10100] =	vst v63  }
0x45: {  	v3 =	vld [tilespmem:s29+$0x30];
	_ =	sdelay $0x4  }
0x46: {  	v59 =	vshll.u32 v3, $0x1  }
0x47: {  	v3 =	vand.u32 $0x7, v3;
	v4 =	vand.u32 $0xFFFFFFF0, v59  }
0x48: {  	v3 =	vor.u32 v3, v4  }
0x49: {  	v4 =	vperm.xlane v3, v0;
	_ =	sdelay $0x1  }
0x4a: {  	v3 =	vperm.xlane v3, v2;
	v4 =	vadd.s32 v1, v4;
	_ =	sdelay $0x1  }
0x4b: {  	v3 =	vadd.s32 v1, v3;
	_ =	sdelay $0x1  }
0x4c: {  	s0 =	sor.u32 $0x3100, s28  }
0x4d: {  	[tilespmem:s0], [sflag:$0x5] =	stream.indirect_vreg.gather [hbm4b:s1+s2], $0x80, v4, vm0, $0x2000b8;
	[tilespmem:$0x10100] =	vst v63  }
0x4e: {  	s5 =	sor.u32 $0x3900, s28  }
0x4f: {  	[tilespmem:s5], [sflag:$0x5] =	stream.indirect_vreg.gather [hbm4b:s1+s2], $0x80, v3, vm0, $0x2000b8;
	[tilespmem:$0x10100] =	vst v63  }
0x50: {  	v3 =	vld [tilespmem:s29+$0x40];
	_ =	sdelay $0x4  }
0x51: {  	v60 =	vshll.u32 v3, $0x1  }
0x52: {  	v3 =	vand.u32 $0x7, v3;
	v4 =	vand.u32 $0xFFFFFFF0, v60  }
0x53: {  	v3 =	vor.u32 v3, v4  }
0x54: {  	v4 =	vperm.xlane v3, v0;
	_ =	sdelay $0x1  }
0x55: {  	v3 =	vperm.xlane v3, v2;
	v4 =	vadd.s32 v1, v4;
	_ =	sdelay $0x1  }
0x56: {  	v3 =	vadd.s32 v1, v3;
	_ =	sdelay $0x1  }
0x57: {  	s31 =	sor.u32 $0x4100, s28  }
0x58: {  	[tilespmem:s31], [sflag:$0x5] =	stream.indirect_vreg.gather [hbm4b:s1+s2], $0x80, v4, vm0, $0x2000b8;
	[tilespmem:$0x10100] =	vst v63  }
0x59: {  	s0 =	sor.u32 $0x4900, s28  }
0x5a: {  	[tilespmem:s0], [sflag:$0x5] =	stream.indirect_vreg.gather [hbm4b:s1+s2], $0x80, v3, vm0, $0x2000b8;
	[tilespmem:$0x10100] =	vst v63  }
0x5b: {  	v3 =	vld [tilespmem:s29+$0x50];
	_ =	sdelay $0x4  }
0x5c: {  	v61 =	vshll.u32 v3, $0x1  }
0x5d: {  	v3 =	vand.u32 $0x7, v3;
	v4 =	vand.u32 $0xFFFFFFF0, v61  }
0x5e: {  	v3 =	vor.u32 v3, v4  }
0x5f: {  	v4 =	vperm.xlane v3, v0;
	_ =	sdelay $0x1  }
0x60: {  	v3 =	vperm.xlane v3, v2;
	v4 =	vadd.s32 v1, v4;
	_ =	sdelay $0x1  }
0x61: {  	v3 =	vadd.s32 v1, v3;
	_ =	sdelay $0x1  }
0x62: {  	s5 =	sor.u32 $0x5100, s28  }
0x63: {  	[tilespmem:s5], [sflag:$0x5] =	stream.indirect_vreg.gather [hbm4b:s1+s2], $0x80, v4, vm0, $0x2000b8;
	[tilespmem:$0x10100] =	vst v63  }
0x64: {  	s31 =	sor.u32 $0x5900, s28  }
0x65: {  	[tilespmem:s31], [sflag:$0x5] =	stream.indirect_vreg.gather [hbm4b:s1+s2], $0x80, v3, vm0, $0x2000b8;
	[tilespmem:$0x10100] =	vst v63  }
0x66: {  	v3 =	vld [tilespmem:s29+$0x60];
	_ =	sdelay $0x4  }
0x67: {  	v62 =	vshll.u32 v3, $0x1  }
0x68: {  	v3 =	vand.u32 $0x7, v3;
	v4 =	vand.u32 $0xFFFFFFF0, v62  }
0x69: {  	v3 =	vor.u32 v3, v4  }
0x6a: {  	v4 =	vperm.xlane v3, v0;
	_ =	sdelay $0x1  }
0x6b: {  	v3 =	vperm.xlane v3, v2;
	v4 =	vadd.s32 v1, v4;
	_ =	sdelay $0x1  }
0x6c: {  	v3 =	vadd.s32 v1, v3;
	_ =	sdelay $0x1  }
0x6d: {  	s0 =	sor.u32 $0x6100, s28  }
0x6e: {  	[tilespmem:s0], [sflag:$0x5] =	stream.indirect_vreg.gather [hbm4b:s1+s2], $0x80, v4, vm0, $0x2000b8;
	[tilespmem:$0x10100] =	vst v63  }
0x6f: {  	s5 =	sor.u32 $0x6900, s28  }
0x70: {  	[tilespmem:s5], [sflag:$0x5] =	stream.indirect_vreg.gather [hbm4b:s1+s2], $0x80, v3, vm0, $0x2000b8;
	[tilespmem:$0x10100] =	vst v63  }
0x71: {  	v3 =	vld [tilespmem:s29+$0x70];
	_ =	sdelay $0x4  }
0x72: {  	v63 =	vshll.u32 v3, $0x1  }
0x73: {  	v3 =	vand.u32 $0x7, v3;
	v4 =	vand.u32 $0xFFFFFFF0, v63  }
0x74: {  	v3 =	vor.u32 v3, v4  }
0x75: {  	v4 =	vperm.xlane v3, v0;
	_ =	sdelay $0x1  }
0x76: {  	v3 =	vperm.xlane v3, v2;
	v4 =	vadd.s32 v1, v4;
	_ =	sdelay $0x1  }
0x77: {  	v3 =	vadd.s32 v1, v3;
	_ =	sdelay $0x1  }
0x78: {  	s31 =	sor.u32 $0x7100, s28  }
0x79: {  	[tilespmem:s31], [sflag:$0x5] =	stream.indirect_vreg.gather [hbm4b:s1+s2], $0x80, v4, vm0, $0x2000b8;
	[tilespmem:$0x10100] =	vst v63  }
0x7a: {  	s28 =	sor.u32 $0x7900, s28  }
0x7b: {  	[tilespmem:s28], [sflag:$0x5] =	stream.indirect_vreg.gather [hbm4b:s1+s2], $0x80, v3, vm0, $0x2000b8;
	[tilespmem:$0x10100] =	vst v63  }
0x7c: {  	_ =	swait.ge [sflag:s13], $0x8000  }
0x7d: {  	p2 =	seq.s32 s18, $0x1;
	[sflag:s13] =	ssyncset.done $0x0  }
0x7e: {  	s24 =	sadd.s32 s8, s24;
	p1 =	por p2, p1;
	[sflag:s13] =	ssyncadd.s32 $0xFFFF8000  }
0x7f: {  	s24 =	sshll.u32 @p1 s24, $0xC;
	_ =	strace $0x90000063  }
0x80: {  	s24 =	sand.u32 @p1 $0x1FFFF000, s24;
	s29 =	simm.s32 $0x1;
	_ =	strace @p1 $0x80000064  }
0x81: {  	s25 =	sadd.s32 @p1 $0x3, s25;
	s29 =	simm.s32 @!p0 $0x0;
	s28 =	rddreg [dreg:$0x3]  }
0x82: {  	p0 =	seq.s32 s18, $0x10;
	s24 =	sadd.s32 @p1 s28, s24;
	s28 =	simm.s32 @p1 $0x0  }
0x83: {  	[hbm4b:s24+s28] =	stream.linear.scatter @p1 [tilespmem:s26], [sflag:s25], $0x8000, $0x200038;
	[tilespmem:$0x10100] =	vst v63  }
0x84: {  	s24 =	simm.s32 $0x1;
	s26 =	simm.s32 $0x1;
	_ =	strace @p1 $0x90000064  }
0x85: {  	s24 =	simm.s32 @!p1 $0x0;
	p1 =	sne.s32 s18, $0x10;
	s18 =	sadd.s32 $0xFFFFFFFF, s18  }
0x86: {  	s25 =	sand.u32 @!p0 $0x1, s20;
	s26 =	simm.s32 @!p1 $0x0;
	p1 =	sne.s32 s18, $0x0  }
.Ltmp0:
0x87: {  	s25 =	sadd.s32 @!p0 $0x3, s25;
	_ =	strace @!p0 $0x80000065;
	(pc) =	sbr.rel @p1 .LBB2_2-.Ltmp0, $4  }
0x88: {  	_ =	swait.ge @!p0 [sflag:s25], $0x8000  }
0x89: {  	[sflag:s25] =	ssyncset.done @!p0 $0x0  }
0x8a: {  	s23 =	sadd.s32 s29, s23;
	s21 =	sadd.s32 s24, s21;
	[sflag:s25] =	ssyncadd.s32 @!p0 $0xFFFF8000  }
0x8b: {  	s22 =	sadd.s32 s24, s22;
	s20 =	sadd.s32 s26, s20;
	_ =	strace @!p0 $0x90000065  }
0x8c: {  	_ =	strace $0x80000066  }
0x8d: {  	_ =	swait.ge [sflag:s14], $0x8000  }
0x8e: {  	[sflag:s14] =	ssyncset.done $0x0  }
0x8f: {  	[sflag:s14] =	ssyncadd.s32 $0xFFFF8000  }
0x90: {  	s18 =	simm.s32 $0x0;
	s19 =	simm.s32 $0x1;
	_ =	strace $0x90000066  }
0x91: {  	s20 =	simm.s32 $0x10;
	s21 =	simm.s32 $0x0;
	_ =	strace $0x80000067  }
0x92: {  	[tilespmem:s18], [sflag:$0x1] =	stream.linear.gather [hbm4b:s9+s18], $0x80, $0x200038;
	[tilespmem:$0x10100] =	vst v63  }
0x93: {  	s22 =	simm.s32 $0x0;
	s23 =	simm.s32 $0x0;
	_ =	strace $0x90000067  }
.LBB2_4:
0x94: {  	s24 =	smov.u32 s18;
	s18 =	sadd.s32 $0x1, s18  }
0x95: {  	p0 =	seq.s32 s18, $0x10  }
0x96: {  	s18 =	simm.s32 @p0 $0x0  }
0x97: {  	p6 =	sne.s32 s20, $0x1;
	p1 =	sne.s32 s24, s18  }
0x98: {  	p0 =	por !p6, !p1  }
0x99: {  	p0 =	por !p0, !p0  }
0x9a: {  	s25 =	sadd.s32 @p0 s8, s18  }
0x9b: {  	s26 =	sand.u32 @p0 $0x1, s19;
	s25 =	sshll.u32 @p0 s25, $0x4  }
0x9c: {  	_ =	strace @p0 $0x80000068;
	s29 =	simm.s32 @p0 $0x0;
	s25 =	sand.u32 @p0 $0x1FFFFFF0, s25  }
0x9d: {  	s28 =	sshll.u32 @p0 s26, $0x7;
	s26 =	sadd.s32 @p0 $0x1, s26;
	s25 =	sadd.s32 @p0 s6, s25  }
0x9e: {  	[tilespmem:s28], [sflag:s26] =	stream.linear.gather @p0 [hbm4b:s25+s29], $0x80, $0x200038;
	[tilespmem:$0x10100] =	vst v63  }
0x9f: {  	s29 =	sand.u32 $0x1, s23;
	_ =	strace @p0 $0x90000068  }
0xa0: {  	s25 =	sadd.s32 $0x1, s29;
	_ =	strace $0x80000069  }
0xa1: {  	_ =	swait.ge [sflag:s25], $0x80  }
0xa2: {  	[sflag:s25] =	ssyncset.done $0x0  }
0xa3: {  	[sflag:s25] =	ssyncadd.s32 $0xFFFFFF80  }
0xa4: {  	s30 =	sshll.u32 s23, $0x7;
	_ =	strace $0x90000069  }
0xa5: {  	s29 =	sand.u32 $0x80, s30;
	_ =	strace $0x8000006A  }
0xa6: {  	v3 =	vld [tilespmem:s29+$0x0];
	_ =	sdelay $0x4  }
0xa7: {  	v4 =	vshll.u32 v3, $0x1  }
0xa8: {  	v3 =	vand.u32 $0x7, v3;
	v4 =	vand.u32 $0xFFFFFFF0, v4  }
0xa9: {  	v3 =	vor.u32 v3, v4  }
0xaa: {  	v4 =	vperm.xlane v3, v0;
	_ =	sdelay $0x1  }
0xab: {  	v3 =	vperm.xlane v3, v2;
	v4 =	vadd.s32 v1, v4;
	_ =	sdelay $0x1  }
0xac: {  	s25 =	sand.u32 $0x1, s22;
	v3 =	vadd.s32 v1, v3  }
0xad: {  	s28 =	sshll.u32 s25, $0xF  }
0xae: {  	s26 =	sor.u32 $0x100, s28  }
0xaf: {  	[tilespmem:s26], [sflag:$0x5] =	stream.indirect_vreg.gather [hbm4b:s3+s2], $0x80, v4, vm0, $0x2000b8;
	[tilespmem:$0x10100] =	vst v63  }
0xb0: {  	s30 =	sor.u32 $0x900, s28  }
0xb1: {  	[tilespmem:s30], [sflag:$0x5] =	stream.indirect_vreg.gather [hbm4b:s3+s2], $0x80, v3, vm0, $0x2000b8;
	[tilespmem:$0x10100] =	vst v63  }
0xb2: {  	v3 =	vld [tilespmem:s29+$0x10];
	_ =	sdelay $0x4  }
0xb3: {  	v57 =	vshll.u32 v3, $0x1  }
0xb4: {  	v3 =	vand.u32 $0x7, v3;
	v4 =	vand.u32 $0xFFFFFFF0, v57  }
0xb5: {  	v3 =	vor.u32 v3, v4  }
0xb6: {  	v4 =	vperm.xlane v3, v0;
	_ =	sdelay $0x1  }
0xb7: {  	v3 =	vperm.xlane v3, v2;
	v4 =	vadd.s32 v1, v4;
	_ =	sdelay $0x1  }
0xb8: {  	v3 =	vadd.s32 v1, v3;
	_ =	sdelay $0x1  }
0xb9: {  	s31 =	sor.u32 $0x1100, s28  }
0xba: {  	[tilespmem:s31], [sflag:$0x5] =	stream.indirect_vreg.gather [hbm4b:s3+s2], $0x80, v4, vm0, $0x2000b8;
	[tilespmem:$0x10100] =	vst v63  }
0xbb: {  	s0 =	sor.u32 $0x1900, s28  }
0xbc: {  	[tilespmem:s0], [sflag:$0x5] =	stream.indirect_vreg.gather [hbm4b:s3+s2], $0x80, v3, vm0, $0x2000b8;
	[tilespmem:$0x10100] =	vst v63  }
0xbd: {  	v3 =	vld [tilespmem:s29+$0x20];
	_ =	sdelay $0x4  }
0xbe: {  	v58 =	vshll.u32 v3, $0x1  }
0xbf: {  	v3 =	vand.u32 $0x7, v3;
	v4 =	vand.u32 $0xFFFFFFF0, v58  }
0xc0: {  	v3 =	vor.u32 v3, v4  }
0xc1: {  	v4 =	vperm.xlane v3, v0;
	_ =	sdelay $0x1  }
0xc2: {  	v3 =	vperm.xlane v3, v2;
	v4 =	vadd.s32 v1, v4;
	_ =	sdelay $0x1  }
0xc3: {  	v3 =	vadd.s32 v1, v3;
	_ =	sdelay $0x1  }
0xc4: {  	s5 =	sor.u32 $0x2100, s28  }
0xc5: {  	[tilespmem:s5], [sflag:$0x5] =	stream.indirect_vreg.gather [hbm4b:s3+s2], $0x80, v4, vm0, $0x2000b8;
	[tilespmem:$0x10100] =	vst v63  }
0xc6: {  	s31 =	sor.u32 $0x2900, s28  }
0xc7: {  	[tilespmem:s31], [sflag:$0x5] =	stream.indirect_vreg.gather [hbm4b:s3+s2], $0x80, v3, vm0, $0x2000b8;
	[tilespmem:$0x10100] =	vst v63  }
0xc8: {  	v3 =	vld [tilespmem:s29+$0x30];
	_ =	sdelay $0x4  }
0xc9: {  	v59 =	vshll.u32 v3, $0x1  }
0xca: {  	v3 =	vand.u32 $0x7, v3;
	v4 =	vand.u32 $0xFFFFFFF0, v59  }
0xcb: {  	v3 =	vor.u32 v3, v4  }
0xcc: {  	v4 =	vperm.xlane v3, v0;
	_ =	sdelay $0x1  }
0xcd: {  	v3 =	vperm.xlane v3, v2;
	v4 =	vadd.s32 v1, v4;
	_ =	sdelay $0x1  }
0xce: {  	v3 =	vadd.s32 v1, v3;
	_ =	sdelay $0x1  }
0xcf: {  	s0 =	sor.u32 $0x3100, s28  }
0xd0: {  	[tilespmem:s0], [sflag:$0x5] =	stream.indirect_vreg.gather [hbm4b:s3+s2], $0x80, v4, vm0, $0x2000b8;
	[tilespmem:$0x10100] =	vst v63  }
0xd1: {  	s5 =	sor.u32 $0x3900, s28  }
0xd2: {  	[tilespmem:s5], [sflag:$0x5] =	stream.indirect_vreg.gather [hbm4b:s3+s2], $0x80, v3, vm0, $0x2000b8;
	[tilespmem:$0x10100] =	vst v63  }
0xd3: {  	v3 =	vld [tilespmem:s29+$0x40];
	_ =	sdelay $0x4  }
0xd4: {  	v60 =	vshll.u32 v3, $0x1  }
0xd5: {  	v3 =	vand.u32 $0x7, v3;
	v4 =	vand.u32 $0xFFFFFFF0, v60  }
0xd6: {  	v3 =	vor.u32 v3, v4  }
0xd7: {  	v4 =	vperm.xlane v3, v0;
	_ =	sdelay $0x1  }
0xd8: {  	v3 =	vperm.xlane v3, v2;
	v4 =	vadd.s32 v1, v4;
	_ =	sdelay $0x1  }
0xd9: {  	v3 =	vadd.s32 v1, v3;
	_ =	sdelay $0x1  }
0xda: {  	s31 =	sor.u32 $0x4100, s28  }
0xdb: {  	[tilespmem:s31], [sflag:$0x5] =	stream.indirect_vreg.gather [hbm4b:s3+s2], $0x80, v4, vm0, $0x2000b8;
	[tilespmem:$0x10100] =	vst v63  }
0xdc: {  	s0 =	sor.u32 $0x4900, s28  }
0xdd: {  	[tilespmem:s0], [sflag:$0x5] =	stream.indirect_vreg.gather [hbm4b:s3+s2], $0x80, v3, vm0, $0x2000b8;
	[tilespmem:$0x10100] =	vst v63  }
0xde: {  	v3 =	vld [tilespmem:s29+$0x50];
	_ =	sdelay $0x4  }
0xdf: {  	v61 =	vshll.u32 v3, $0x1  }
0xe0: {  	v3 =	vand.u32 $0x7, v3;
	v4 =	vand.u32 $0xFFFFFFF0, v61  }
0xe1: {  	v3 =	vor.u32 v3, v4  }
0xe2: {  	v4 =	vperm.xlane v3, v0;
	_ =	sdelay $0x1  }
0xe3: {  	v3 =	vperm.xlane v3, v2;
	v4 =	vadd.s32 v1, v4;
	_ =	sdelay $0x1  }
0xe4: {  	v3 =	vadd.s32 v1, v3;
	_ =	sdelay $0x1  }
0xe5: {  	s5 =	sor.u32 $0x5100, s28  }
0xe6: {  	[tilespmem:s5], [sflag:$0x5] =	stream.indirect_vreg.gather [hbm4b:s3+s2], $0x80, v4, vm0, $0x2000b8;
	[tilespmem:$0x10100] =	vst v63  }
0xe7: {  	s31 =	sor.u32 $0x5900, s28  }
0xe8: {  	[tilespmem:s31], [sflag:$0x5] =	stream.indirect_vreg.gather [hbm4b:s3+s2], $0x80, v3, vm0, $0x2000b8;
	[tilespmem:$0x10100] =	vst v63  }
0xe9: {  	v3 =	vld [tilespmem:s29+$0x60];
	_ =	sdelay $0x4  }
0xea: {  	v62 =	vshll.u32 v3, $0x1  }
0xeb: {  	v3 =	vand.u32 $0x7, v3;
	v4 =	vand.u32 $0xFFFFFFF0, v62  }
0xec: {  	v3 =	vor.u32 v3, v4  }
0xed: {  	v4 =	vperm.xlane v3, v0;
	_ =	sdelay $0x1  }
0xee: {  	v3 =	vperm.xlane v3, v2;
	v4 =	vadd.s32 v1, v4;
	_ =	sdelay $0x1  }
0xef: {  	v3 =	vadd.s32 v1, v3;
	_ =	sdelay $0x1  }
0xf0: {  	s0 =	sor.u32 $0x6100, s28  }
0xf1: {  	[tilespmem:s0], [sflag:$0x5] =	stream.indirect_vreg.gather [hbm4b:s3+s2], $0x80, v4, vm0, $0x2000b8;
	[tilespmem:$0x10100] =	vst v63  }
0xf2: {  	s5 =	sor.u32 $0x6900, s28  }
0xf3: {  	[tilespmem:s5], [sflag:$0x5] =	stream.indirect_vreg.gather [hbm4b:s3+s2], $0x80, v3, vm0, $0x2000b8;
	[tilespmem:$0x10100] =	vst v63  }
0xf4: {  	v3 =	vld [tilespmem:s29+$0x70];
	_ =	sdelay $0x4  }
0xf5: {  	v63 =	vshll.u32 v3, $0x1  }
0xf6: {  	v3 =	vand.u32 $0x7, v3;
	v4 =	vand.u32 $0xFFFFFFF0, v63  }
0xf7: {  	v3 =	vor.u32 v3, v4  }
0xf8: {  	v4 =	vperm.xlane v3, v0;
	_ =	sdelay $0x1  }
0xf9: {  	v3 =	vperm.xlane v3, v2;
	v4 =	vadd.s32 v1, v4;
	_ =	sdelay $0x1  }
0xfa: {  	v3 =	vadd.s32 v1, v3;
	_ =	sdelay $0x1  }
0xfb: {  	s31 =	sor.u32 $0x7100, s28  }
0xfc: {  	[tilespmem:s31], [sflag:$0x5] =	stream.indirect_vreg.gather [hbm4b:s3+s2], $0x80, v4, vm0, $0x2000b8;
	[tilespmem:$0x10100] =	vst v63  }
0xfd: {  	s28 =	sor.u32 $0x7900, s28  }
0xfe: {  	[tilespmem:s28], [sflag:$0x5] =	stream.indirect_vreg.gather [hbm4b:s3+s2], $0x80, v3, vm0, $0x2000b8;
	[tilespmem:$0x10100] =	vst v63  }
0xff: {  	_ =	swait.ge [sflag:s13], $0x8000  }
0x100: {  	p2 =	seq.s32 s20, $0x1;
	[sflag:s13] =	ssyncset.done $0x0  }
0x101: {  	s24 =	sadd.s32 s8, s24;
	p1 =	por p2, p1;
	[sflag:s13] =	ssyncadd.s32 $0xFFFF8000  }
0x102: {  	s24 =	sshll.u32 @p1 s24, $0xC;
	_ =	strace $0x9000006A  }
0x103: {  	s24 =	sand.u32 @p1 $0x1FFFF000, s24;
	s29 =	simm.s32 $0x1;
	_ =	strace @p1 $0x8000006B  }
0x104: {  	s25 =	sadd.s32 @p1 $0x3, s25;
	s29 =	simm.s32 @!p0 $0x0;
	s28 =	rddreg [dreg:$0x4]  }
0x105: {  	p0 =	seq.s32 s20, $0x10;
	s24 =	sadd.s32 @p1 s28, s24;
	s28 =	simm.s32 @p1 $0x0  }
0x106: {  	[hbm4b:s24+s28] =	stream.linear.scatter @p1 [tilespmem:s26], [sflag:s25], $0x8000, $0x200038;
	[tilespmem:$0x10100] =	vst v63  }
0x107: {  	s24 =	simm.s32 $0x1;
	s26 =	simm.s32 $0x1;
	_ =	strace @p1 $0x9000006B  }
0x108: {  	s24 =	simm.s32 @!p1 $0x0;
	p1 =	sne.s32 s20, $0x10;
	s20 =	sadd.s32 $0xFFFFFFFF, s20  }
0x109: {  	s25 =	sand.u32 @!p0 $0x1, s21;
	s26 =	simm.s32 @!p1 $0x0;
	p1 =	sne.s32 s20, $0x0  }
.Ltmp1:
0x10a: {  	s25 =	sadd.s32 @!p0 $0x3, s25;
	_ =	strace @!p0 $0x8000006C;
	(pc) =	sbr.rel @p1 .LBB2_4-.Ltmp1, $4  }
0x10b: {  	_ =	swait.ge @!p0 [sflag:s25], $0x8000  }
0x10c: {  	[sflag:s25] =	ssyncset.done @!p0 $0x0  }
0x10d: {  	s19 =	sadd.s32 s29, s19;
	s22 =	sadd.s32 s24, s22;
	[sflag:s25] =	ssyncadd.s32 @!p0 $0xFFFF8000  }
0x10e: {  	s23 =	sadd.s32 s24, s23;
	s21 =	sadd.s32 s26, s21;
	_ =	strace @!p0 $0x9000006C  }
0x10f: {  	_ =	strace $0x8000006D  }
0x110: {  	_ =	swait.ge [sflag:s14], $0x8000  }
0x111: {  	[sflag:s14] =	ssyncset.done $0x0  }
0x112: {  	[sflag:s14] =	ssyncadd.s32 $0xFFFF8000  }
0x113: {  	_ =	strace $0x9000006D  }
0x114: {  	s22 =	simm.s32 $0x0;
	_ =	strace $0x8000006E  }
0x115: {  	[tilespmem:s22], [sflag:$0x1] =	stream.linear.gather [hbm4b:s9+s22], $0x80, $0x200038;
	[tilespmem:$0x10100] =	vst v63  }
0x116: {  	_ =	strace $0x9000006E  }
0x117: {  	_ =	strace $0x8000006F  }
0x118: {  	[tilespmem:s15], [sflag:$0x2] =	stream.linear.gather [hbm4b:s11+s22], $0x80, $0x200038;
	[tilespmem:$0x10100] =	vst v63  }
0x119: {  	_ =	strace $0x9000006F  }
0x11a: {  	s19 =	simm.s32 $0x1;
	_ =	strace $0x80000070  }
0x11b: {  	_ =	swait.ge [sflag:s19], $0x80  }
0x11c: {  	[sflag:s19] =	ssyncset.done $0x0  }
0x11d: {  	s18 =	simm.s32 $0x2;
	[sflag:s19] =	ssyncadd.s32 $0xFFFFFF80  }
0x11e: {  	p0 =	por $0x0, $0x0;
	p1 =	por $0x1, $0x1;
	_ =	strace $0x90000070  }
0x11f: {  	s20 =	simm.s32 $0x2;
	s18 =	simm.s32 @p0 $0x0;
	_ =	strace $0x80000071  }
0x120: {  	[tilespmem:s16], [sflag:$0x5] =	stream.indirect.gather [hbm4b:s4+s15], $0x80, s22, s15, $0x2000b8;
	[tilespmem:$0x10100] =	vst v63  }
0x121: {  	s28 =	sadd.s32 $0x1, s8;
	p0 =	sne.s32 s18, $0x1;
	_ =	swait.ge [sflag:s13], $0x4000  }
0x122: {  	s31 =	simm.s32 $0x80;
	p1 =	por !p1, !p0;
	[sflag:s13] =	ssyncset.done $0x0  }
0x123: {  	p5 =	por $0x0, $0x0;
	p2 =	por !p1, !p1;
	[sflag:s13] =	ssyncadd.s32 $0xFFFFC000  }
0x124: {  	s21 =	sadd.s32 @p2 s8, s18;
	s23 =	sand.u32 @p2 $0x1, s20;
	_ =	strace $0x90000071  }
0x125: {  	s24 =	simm.s32 @p2 $0x0;
	s21 =	sshll.u32 @p2 s21, $0x4;
	_ =	strace $0x80000072  }
0x126: {  	[hbm4b:s12+s22] =	stream.linear.scatter [tilespmem:s16], [sflag:$0x3], $0x4000, $0x200038;
	[tilespmem:$0x10100] =	vst v63  }
0x127: {  	s25 =	sshll.u32 @p2 s23, $0x7;
	s21 =	sand.u32 @p2 $0x1FFFFFF0, s21;
	_ =	strace $0x90000072  }
0x128: {  	s23 =	sadd.s32 @p2 $0x1, s23;
	s21 =	sadd.s32 @p2 s6, s21;
	_ =	strace @p2 $0x8000006F  }
0x129: {  	[tilespmem:s25], [sflag:s23] =	stream.linear.gather @p2 [hbm4b:s21+s24], $0x80, $0x200038;
	[tilespmem:$0x10100] =	vst v63  }
0x12a: {  	p0 =	por p5, p0;
	s24 =	sand.u32 $0x1, s19;
	_ =	strace @p2 $0x9000006F  }
0x12b: {  	s28 =	sshll.u32 @p0 s28, $0xB;
	s26 =	sadd.s32 $0x1, s24;
	_ =	strace $0x80000070  }
0x12c: {  	p3 =	por $0x1, $0x1;
	s28 =	sand.u32 @p0 $0x1FFFF800, s28;
	_ =	swait.ge [sflag:s26], $0x80  }
0x12d: {  	s29 =	simm.s32 @p0 $0x0;
	s28 =	sadd.s32 @p0 s7, s28;
	[sflag:s26] =	ssyncset.done $0x0  }
0x12e: {  	s22 =	sand.u32 $0x1, s22;
	s19 =	simm.s32 $0x1;
	[sflag:s26] =	ssyncadd.s32 $0xFFFFFF80  }
0x12f: {  	s21 =	simm.s32 $0x2;
	s30 =	sshll.u32 s24, $0xE;
	_ =	strace $0x90000070  }
0x130: {  	s23 =	sand.u32 $0x80, s31;
	s25 =	sor.u32 $0x100, s30;
	_ =	strace $0x80000071  }
0x131: {  	[tilespmem:s25], [sflag:$0x5] =	stream.indirect.gather [hbm4b:s4+s15], $0x80, s23, s15, $0x2000b8;
	[tilespmem:$0x10100] =	vst v63  }
0x132: {  	s24 =	sadd.s32 @p0 $0x3, s24;
	s23 =	sadd.s32 $0x1, s18;
	_ =	swait.ge [sflag:s13], $0x4000  }
0x133: {  	s26 =	sadd.s32 $0x3, s22;
	p1 =	seq.s32 s23, $0x10;
	[sflag:s13] =	ssyncset.done $0x0  }
0x134: {  	s22 =	simm.s32 $0x1;
	s23 =	simm.s32 @p1 $0x0;
	[sflag:s13] =	ssyncadd.s32 $0xFFFFC000  }
0x135: {  	s22 =	simm.s32 @!p0 $0x0;
	p1 =	sne.s32 s18, s23;
	_ =	strace $0x90000071  }
0x136: {  	s22 =	sadd.s32 $0x1, s22;
	p6 =	por !p3, !p1;
	_ =	strace @p0 $0x80000072  }
0x137: {  	[hbm4b:s28+s29] =	stream.linear.scatter @p0 [tilespmem:s25], [sflag:s24], $0x4000, $0x200038;
	[tilespmem:$0x10100] =	vst v63  }
0x138: {  	s24 =	sand.u32 $0x1, s22;
	s29 =	simm.s32 $0x1;
	_ =	strace @p0 $0x90000072  }
0x139: {  	s25 =	smov.u32 s22;
	s28 =	sshll.u32 s24, $0xE;
	_ =	strace $0x80000073  }
0x13a: {  	p0 =	por !p6, !p6;
	s29 =	simm.s32 @!p2 $0x0;
	_ =	swait.ge [sflag:s26], $0x4000  }
.LBB2_6:
0x13b: {  	s30 =	sadd.s32 @p0 s8, s23;
	s20 =	sadd.s32 s29, s20  }
0x13c: {  	[sflag:s26] =	ssyncset.done $0x0;
	s29 =	smov.u32 s19;
	s19 =	smov.u32 s21  }
0x13d: {  	s31 =	simm.s32 @p0 $0x0;
	s30 =	sshll.u32 @p0 s30, $0x4;
	[sflag:s26] =	ssyncadd.s32 $0xFFFFC000  }
0x13e: {  	s26 =	sand.u32 @p0 $0x1, s20;
	s30 =	sand.u32 @p0 $0x1FFFFFF0, s30;
	_ =	strace $0x90000073  }
0x13f: {  	s0 =	sshll.u32 @p0 s26, $0x7;
	s26 =	sadd.s32 @p0 $0x1, s26;
	s30 =	sadd.s32 @p0 s6, s30  }
0x140: {  	s21 =	sadd.s32 $0x1, s21;
	s5 =	sand.u32 $0x1, s22;
	_ =	strace @p0 $0x8000006F  }
0x141: {  	[tilespmem:s0], [sflag:s26] =	stream.linear.gather @p0 [hbm4b:s30+s31], $0x80, $0x200038;
	[tilespmem:$0x10100] =	vst v63  }
0x142: {  	p2 =	sne.s32 s21, $0xF;
	s0 =	sadd.s32 $0x1, s5;
	_ =	strace @p0 $0x9000006F  }
0x143: {  	s28 =	sor.u32 $0x100, s28;
	_ =	strace $0x80000070  }
0x144: {  	p4 =	seq.s32 s29, $0xE;
	p3 =	sne.s32 s19, $0xE;
	_ =	swait.ge [sflag:s0], $0x80  }
0x145: {  	s5 =	sadd.s32 s8, s18;
	s18 =	smov.u32 s23;
	[sflag:s0] =	ssyncset.done $0x0  }
0x146: {  	s26 =	sand.u32 $0x1, s29;
	[sflag:s0] =	ssyncadd.s32 $0xFFFFFF80;
	s0 =	sshll.u32 s22, $0x7  }
0x147: {  	p4 =	por p4, p1;
	_ =	strace $0x90000070;
	s0 =	sand.u32 $0x80, s0  }
0x148: {  	s24 =	sadd.s32 @p4 $0x3, s24;
	s26 =	sadd.s32 $0x3, s26;
	_ =	strace $0x80000071  }
0x149: {  	[tilespmem:s28], [sflag:$0x5] =	stream.indirect.gather [hbm4b:s4+s15], $0x80, s0, s15, $0x2000b8;
	[tilespmem:$0x10100] =	vst v63  }
0x14a: {  	s23 =	sadd.s32 $0x1, s23;
	s0 =	simm.s32 $0x1;
	_ =	swait.ge [sflag:s13], $0x4000  }
0x14b: {  	s29 =	simm.s32 @p4 $0x0;
	s0 =	simm.s32 @!p4 $0x0;
	[sflag:s13] =	ssyncset.done $0x0  }
0x14c: {  	s5 =	sshll.u32 @p4 s5, $0xB;
	s25 =	sadd.s32 s0, s25;
	[sflag:s13] =	ssyncadd.s32 $0xFFFFC000  }
0x14d: {  	p1 =	seq.s32 s23, $0x10;
	s5 =	sand.u32 @p4 $0x1FFFF800, s5;
	_ =	strace $0x90000071  }
0x14e: {  	s23 =	simm.s32 @p1 $0x0;
	s5 =	sadd.s32 @p4 s7, s5;
	_ =	strace @p4 $0x80000072  }
.Ltmp2:
0x14f: {  	p1 =	sne.s32 s18, s23;
	s22 =	sadd.s32 s0, s22;
	(pc) =	sbr.rel @p2 .LBB2_6-.Ltmp2, $4  }
0x150: {  	[hbm4b:s5+s29] =	stream.linear.scatter @p4 [tilespmem:s28], [sflag:s24], $0x4000, $0x200038;
	[tilespmem:$0x10100] =	vst v63  }
0x151: {  	p3 =	por !p3, !p1;
	s24 =	sand.u32 $0x1, s25;
	_ =	strace @p4 $0x90000072  }
0x152: {  	s29 =	simm.s32 $0x1;
	s28 =	sshll.u32 s24, $0xE;
	_ =	strace $0x80000073  }
0x153: {  	s29 =	simm.s32 @!p0 $0x0;
	p0 =	por !p3, !p3;
	_ =	swait.ge [sflag:s26], $0x4000  }
0x154: {  	s0 =	sadd.s32 @p0 s8, s23  }
0x155: {  	s5 =	sadd.s32 s29, s20;
	[sflag:s26] =	ssyncset.done $0x0;
	s20 =	simm.s32 @p0 $0x0  }
0x156: {  	s0 =	sshll.u32 @p0 s0, $0x4;
	[sflag:s26] =	ssyncadd.s32 $0xFFFFC000;
	s5 =	sand.u32 @p0 $0x1, s5  }
0x157: {  	s0 =	sand.u32 @p0 $0x1FFFFFF0, s0;
	_ =	strace $0x90000073;
	s21 =	sshll.u32 @p0 s5, $0x7  }
0x158: {  	s5 =	sadd.s32 @p0 $0x1, s5;
	s0 =	sadd.s32 @p0 s6, s0;
	_ =	strace @p0 $0x8000006F  }
0x159: {  	[tilespmem:s21], [sflag:s5] =	stream.linear.gather @p0 [hbm4b:s0+s20], $0x80, $0x200038;
	[tilespmem:$0x10100] =	vst v63  }
0x15a: {  	s29 =	sand.u32 $0x1, s22;
	_ =	strace @p0 $0x9000006F  }
0x15b: {  	s0 =	sadd.s32 $0x1, s29;
	_ =	strace $0x80000070  }
0x15c: {  	_ =	swait.ge [sflag:s0], $0x80  }
0x15d: {  	[sflag:s0] =	ssyncset.done $0x0  }
0x15e: {  	[sflag:s0] =	ssyncadd.s32 $0xFFFFFF80  }
0x15f: {  	s30 =	sshll.u32 s22, $0x7;
	_ =	strace $0x90000070  }
0x160: {  	s5 =	sor.u32 $0x100, s28;
	s0 =	sand.u32 $0x80, s30;
	_ =	strace $0x80000071  }
0x161: {  	[tilespmem:s5], [sflag:$0x5] =	stream.indirect.gather [hbm4b:s4+s15], $0x80, s0, s15, $0x2000b8;
	[tilespmem:$0x10100] =	vst v63  }
0x162: {  	p6 =	seq.s32 s19, $0xE;
	_ =	swait.ge [sflag:s13], $0x4000  }
0x163: {  	p0 =	por p6, p1;
	s0 =	sadd.s32 s8, s18;
	[sflag:s13] =	ssyncset.done $0x0  }
0x164: {  	s0 =	sshll.u32 @p0 s0, $0xB;
	[sflag:s13] =	ssyncadd.s32 $0xFFFFC000  }
0x165: {  	s20 =	simm.s32 @p0 $0x0;
	s0 =	sand.u32 @p0 $0x1FFFF800, s0;
	_ =	strace $0x90000071  }
0x166: {  	s18 =	sadd.s32 @p0 $0x3, s24;
	s0 =	sadd.s32 @p0 s7, s0;
	_ =	strace @p0 $0x80000072  }
0x167: {  	[hbm4b:s0+s20] =	stream.linear.scatter @p0 [tilespmem:s5], [sflag:s18], $0x4000, $0x200038;
	[tilespmem:$0x10100] =	vst v63  }
0x168: {  	s31 =	sand.u32 $0x1, s19;
	_ =	strace @p0 $0x90000072  }
0x169: {  	s0 =	sadd.s32 $0x3, s31;
	_ =	strace $0x80000073  }
0x16a: {  	_ =	swait.ge [sflag:s0], $0x4000  }
0x16b: {  	[sflag:s0] =	ssyncset.done $0x0  }
0x16c: {  	s17 =	sadd.s32 $0x1, s17;
	[sflag:s0] =	ssyncadd.s32 $0xFFFFC000  }
0x16d: {  	p0 =	sne.s32 s17, s10;
	_ =	strace $0x90000073  }
.Ltmp3:
0x16e: {  	_ =	strace $0x80000074;
	(pc) =	sbr.rel @p0 .LBB2_1-.Ltmp3, $4  }
0x16f: {  	_ =	swait.ge [sflag:s14], $0x4000  }
0x170: {  	[sflag:s14] =	ssyncset.done $0x0  }
0x171: {  	[sflag:s14] =	ssyncadd.s32 $0xFFFFC000  }
0x172: {  	_ =	strace $0x90000074  }
0x173: {  	_ =	sfence.sel $0x180000  }
0x174: {  	[bflag:$0x0] =	sbarrier.arrive $0xFFFF  }
0x175: {  	_ =	strace $0x9000005F  }
0x176: {  	s0 =	stileid.u32;
	[bflag:$0x2] =	sbarrier.arrive $0xFFFF  }
0x177: {  	p0 =	sne.s32 s0, $0x0;
	s0 =	rddreg [dreg:$0x2]  }
0x178: {  	s0 =	sadd.s32 @!p0 $0x100000, s0  }
0x179: {  	[sflag:s0] =	ssyncadd.tile.s32 @!p0 $0x1;
	_ =	shalt  }
.Lfunc_end2:
_tile_overlayer_lowered:
.L_overlay_start_2:
0x17a: {  	(tag) =	ssettag $0x2  }
0x17b: {  	s0 =	rddreg [dreg:$0x0];
	s2 =	stileid.u32  }
0x17c: {  	s1 =	rddreg [dreg:$0x1];
	p0 =	sne.s32 s2, $0x0  }
0x17d: {  	s3 =	rddreg [dreg:$0x2];
	[bflag:$0x3] =	sbarrier.arrive $0xFFFF;
	s2 =	simm.s32 @!p0 $0x1C01  }
0x17e: {  	[timem:s3], [sflag:s2] =	dma.local @!p0 [hbm:s0], s1  }
0x17f: {  	s0 =	simm.s32 @!p0 $0x1  }
0x180: {  	_ =	swait.ge @!p0 [sflag:s0], s1  }
0x181: {  	s1 =	ssub.s32 @!p0 $0x0, s1;
	[sflag:s0] =	ssyncset.done @!p0 $0x0  }
0x182: {  	[sflag:s0] =	ssyncadd.s32 @!p0 s1  }
0x183: {  	[bflag:$0x3] =	sbarrier.arrive $0xFFFF  }
0x184: {  	_ =	shalt  }

</sc_bundles>
